<compile_context>
chip_gen: v7x
topology: tpu7x:2x2x1
jax: 0.10.2.dev20260603
libtpu: 0.0.44.dev20260713+nightly
codegen_flags: <defaults>
</compile_context>

<pallas_src>
import functools

import jax
import jax.numpy as jnp
from jax import lax
from jax.experimental import pallas as pl
from jax.experimental.pallas import tpu as pltpu
from jax.experimental.pallas import tpu_sc as plsc

_N = 10000
_E = 320000
_D = 128
_G = 64

_NC = 2
_NS = 16
_NW = _NC * _NS
_CHUNK = 128

_CPW_DEG = 80
_EPAD_DEG = _NW * _CPW_DEG * _CHUNK

_CPW = 80
_CPH = _CPW // 2
_EPAD = _NC * _NS * _CPW * _CHUNK

_ACC_ROWS = 10240
_ZROWS = _ACC_ROWS // _NS

_R = 1000

_f32 = jnp.float32
_mesh = functools.partial(
    plsc.VectorSubcoreMesh, core_axis_name="c", subcore_axis_name="s")



def _sc_degree_body(dst_hbm, out_hbm, dst_v, ones_v, zb_v, acc):
    c = lax.axis_index("c")
    s = lax.axis_index("s")
    w = c * _NS + s
    pltpu.sync_copy(dst_hbm.at[w], dst_v)

    @pl.loop(0, _CHUNK)
    def _fill(r):
        ones_v[r, :] = jnp.full((16,), 1.0, _f32)
        zb_v[r, :] = jnp.zeros((16,), _f32)

    @pl.loop(0, _ZROWS // _CHUNK)
    def _zero(k):
        pltpu.sync_copy(zb_v, acc.at[pl.ds(s * _ZROWS + k * _CHUNK, _CHUNK)])

    plsc.subcore_barrier()

    @pl.loop(0, _CPW_DEG)
    def _scatter(j):
        pltpu.sync_copy(ones_v, acc.at[dst_v.at[j]], add=True)

    plsc.subcore_barrier()
    pltpu.sync_copy(acc.at[pl.ds(s * _ZROWS, _ZROWS)],
                    out_hbm.at[c, pl.ds(s * _ZROWS, _ZROWS)])


def _sc_degree(dst3):
    return pl.kernel(
        _sc_degree_body,
        out_type=jax.ShapeDtypeStruct((_NC, _ACC_ROWS, 16), _f32),
        mesh=_mesh(),
        scratch_types=[
            pltpu.VMEM((_CPW_DEG, _CHUNK), jnp.int32),
            pltpu.VMEM((_CHUNK, 16), _f32),
            pltpu.VMEM((_CHUNK, 16), _f32),
            pltpu.VMEM_SHARED((_ACC_ROWS, 16), _f32),
        ],
    )(dst3)


def _sc_scatter_body(h_hbm, src_hbm, dst_hbm, out_hbm,
                     src_v, dst_v, rows0, rows1, sem0, sem1, acc):
    c = lax.axis_index("c")
    s = lax.axis_index("s")

    @pl.loop(0, _CHUNK)
    def _fill(r):
        for cc in range(_D // 16):
            rows0[r, pl.ds(cc * 16, 16)] = jnp.zeros((16,), _f32)

    @pl.loop(0, _ZROWS // _CHUNK)
    def _zero(k):
        pltpu.sync_copy(rows0, acc.at[pl.ds(s * _ZROWS + k * _CHUNK, _CHUNK)])

    plsc.subcore_barrier()

    pltpu.sync_copy(dst_hbm.at[c, s], dst_v)

    for h in range(2):
        pltpu.sync_copy(src_hbm.at[c, s, h], src_v)

        @pl.loop(0, _CPH // 2)
        def _edges(i):
            for b, rows, sem in ((0, rows0, sem0), (1, rows1, sem1)):
                jl = i * 2 + b
                if h == 0:
                    @pl.when(i > 0)
                    def _drain():
                        pltpu.make_async_copy(
                            h_hbm.at[src_v.at[0]], rows, sem).wait()
                else:
                    pltpu.make_async_copy(
                        h_hbm.at[src_v.at[0]], rows, sem).wait()
                pltpu.sync_copy(h_hbm.at[src_v.at[jl]], rows)
                pltpu.async_copy(
                    rows, acc.at[dst_v.at[h * _CPH + jl]], sem, add=True)

    pltpu.make_async_copy(h_hbm.at[src_v.at[0]], rows0, sem0).wait()
    pltpu.make_async_copy(h_hbm.at[src_v.at[0]], rows1, sem1).wait()
    plsc.subcore_barrier()
    pltpu.sync_copy(acc.at[pl.ds(s * _ZROWS, _ZROWS)],
                    out_hbm.at[c, pl.ds(s * _ZROWS, _ZROWS)])


def _sc_scatter(h, src4, dst4):
    return pl.kernel(
        _sc_scatter_body,
        out_type=jax.ShapeDtypeStruct((_NC, _ACC_ROWS, _D), _f32),
        mesh=_mesh(),
        scratch_types=[
            pltpu.VMEM((_CPH, _CHUNK), jnp.int32),
            pltpu.VMEM((_CPW, _CHUNK), jnp.int32),
            pltpu.VMEM((_CHUNK, _D), _f32),
            pltpu.VMEM((_CHUNK, _D), _f32),
            pltpu.SemaphoreType.DMA,
            pltpu.SemaphoreType.DMA,
            pltpu.VMEM_SHARED((_ACC_ROWS, _D), _f32),
        ],
    )(h, src4, dst4)



def _dot(a, b):
    return lax.dot_general(a, b, (((1,), (0,)), ((), ())),
                           preferred_element_type=_f32,
                           precision=lax.Precision.HIGHEST)


def _tc_prep_body(dacc_ref, x_ref, w_ref, dinv_ref, h_ref):
    deg = dacc_ref[0, :, 0:1] + dacc_ref[1, :, 0:1] + 1.0
    dinv = jnp.broadcast_to(lax.rsqrt(deg), (_R, _D))
    dinv_ref[...] = dinv
    h_ref[...] = _dot(x_ref[...], w_ref[...]) * dinv


def _tc_prep(dacc, x, w1):
    return pl.pallas_call(
        _tc_prep_body,
        grid=(_N // _R,),
        in_specs=[
            pl.BlockSpec((_NC, _R, 16), lambda i: (0, i, 0)),
            pl.BlockSpec((_R, _D), lambda i: (i, 0)),
            pl.BlockSpec((_D, _D), lambda i: (0, 0)),
        ],
        out_specs=[
            pl.BlockSpec((_R, _D), lambda i: (i, 0)),
            pl.BlockSpec((_R, _D), lambda i: (i, 0)),
        ],
        out_shape=[
            jax.ShapeDtypeStruct((_N, _D), _f32),
            jax.ShapeDtypeStruct((_N, _D), _f32),
        ],
    )(dacc, x, w1)


def _tc_mid_body(acc_ref, hprev_ref, dinv_ref, b_ref, w_ref, h_ref):
    d = dinv_ref[...]
    xr = jnp.maximum(
        d * (acc_ref[0] + acc_ref[1] + hprev_ref[...]) + b_ref[...], 0.0)
    h_ref[...] = _dot(xr, w_ref[...]) * d


def _tc_mid(acc, hprev, dinv, b, w):
    return pl.pallas_call(
        _tc_mid_body,
        grid=(_N // _R,),
        in_specs=[
            pl.BlockSpec((_NC, _R, _D), lambda i: (0, i, 0)),
            pl.BlockSpec((_R, _D), lambda i: (i, 0)),
            pl.BlockSpec((_R, _D), lambda i: (i, 0)),
            pl.BlockSpec((1, _D), lambda i: (0, 0)),
            pl.BlockSpec((_D, _D), lambda i: (0, 0)),
        ],
        out_specs=pl.BlockSpec((_R, _D), lambda i: (i, 0)),
        out_shape=jax.ShapeDtypeStruct((_N, _D), _f32),
    )(acc, hprev, dinv, b.reshape(1, _D), w)


def _tc_final_body(acc_ref, h4_ref, dinv_ref, b_ref,
                   batch_ref, out_ref, sum_acc, cnt_acc):
    i = pl.program_id(0)
    d = dinv_ref[...]
    hf = d * (acc_ref[0] + acc_ref[1] + h4_ref[...]) + b_ref[...]
    bt = batch_ref[0, 0, :]
    gids = lax.broadcasted_iota(jnp.int32, (_G, _R), 0)
    onehot = (gids == bt[None, :]).astype(_f32)
    ps = _dot(onehot, hf)
    cnt = jnp.broadcast_to(jnp.sum(onehot, axis=1, keepdims=True), (_G, _D))

    @pl.when(i == 0)
    def _init():
        sum_acc[...] = ps
        cnt_acc[...] = cnt

    @pl.when(i > 0)
    def _accum():
        sum_acc[...] += ps
        cnt_acc[...] += cnt

    @pl.when(i == _N // _R - 1)
    def _finalize():
        pool = sum_acc[...] / jnp.maximum(cnt_acc[...], 1.0)
        nsq = jnp.sum(pool * pool, axis=1, keepdims=True)
        inv = 1.0 / jnp.maximum(jnp.sqrt(nsq), 1e-12)
        out_ref[...] = pool * inv


def _tc_final(acc, h4, dinv, b2, batch3):
    return pl.pallas_call(
        _tc_final_body,
        grid=(_N // _R,),
        in_specs=[
            pl.BlockSpec((_NC, _R, _D), lambda i: (0, i, 0)),
            pl.BlockSpec((_R, _D), lambda i: (i, 0)),
            pl.BlockSpec((_R, _D), lambda i: (i, 0)),
            pl.BlockSpec((1, _D), lambda i: (0, 0)),
            pl.BlockSpec((1, 1, _R), lambda i: (i, 0, 0)),
        ],
        out_specs=pl.BlockSpec((_G, _D), lambda i: (0, 0)),
        out_shape=jax.ShapeDtypeStruct((_G, _D), _f32),
        scratch_shapes=[
            pltpu.VMEM((_G, _D), _f32),
            pltpu.VMEM((_G, _D), _f32),
        ],
    )(acc, h4, dinv, b2.reshape(1, _D), batch3)



def kernel(x, edge_index, batch, W1, b1, Wm1, bm1, Wm2, bm2, W2, b2):
    pad_d = _EPAD_DEG - _E
    dst3 = jnp.concatenate(
        [edge_index[1], _N + (jnp.arange(pad_d, dtype=jnp.int32) % (_ACC_ROWS - _N))]
    ).reshape(_NW, _CPW_DEG, _CHUNK)

    pad_e = _EPAD - _E
    pad_idx = jnp.arange(pad_e, dtype=jnp.int32)
    src4 = jnp.concatenate(
        [edge_index[0], pad_idx % _N]).reshape(_NC, _NS, 2, _CPH, _CHUNK)
    dst4 = jnp.concatenate(
        [edge_index[1], _N + pad_idx % (_ACC_ROWS - _N)]).reshape(_NC, _NS, _CPW, _CHUNK)
    batch3 = batch.reshape(_N // _R, 1, _R)

    dacc = _sc_degree(dst3)
    dinv, h1 = _tc_prep(dacc, x, W1)
    acc1 = _sc_scatter(h1, src4, dst4)
    h2 = _tc_mid(acc1, h1, dinv, b1, Wm1)
    acc2 = _sc_scatter(h2, src4, dst4)
    h3 = _tc_mid(acc2, h2, dinv, bm1, Wm2)
    acc3 = _sc_scatter(h3, src4, dst4)
    h4 = _tc_mid(acc3, h3, dinv, bm2, W2)
    acc4 = _sc_scatter(h4, src4, dst4)
    return _tc_final(acc4, h4, dinv, b2, batch3)

# --- scband reference (transcript-rebuilt; emitter-appended) ---
"""Pipeline reference for scband-gcn-16381005267402 (READ-ONLY COPY).

The authoritative reference and input builder live on the scoring server;
editing this copy changes nothing except your own understanding.
"""

import jax, jax.numpy as jnp
import numpy as np

N = 10000
E = 320000
D_IN = 128
D_HID = 128
D_OUT = 128
G = 64


def setup_inputs(seed: int = 0) -> dict:
    key = jax.random.key(seed)
    ks = jax.random.split(key, 12)
    x = jax.random.normal(ks[0], (N, D_IN), dtype=jnp.float32)
    edge_index = jax.random.randint(ks[1], (2, E), 0, N, dtype=jnp.int32)
    batch = jnp.sort(jax.random.randint(ks[2], (N,), 0, G, dtype=jnp.int32))
    s_in = 1.0 / np.sqrt(D_IN)
    s_hid = 1.0 / np.sqrt(D_HID)
    W1 = jax.random.normal(ks[3], (D_IN, D_HID), dtype=jnp.float32) * s_in
    b1 = jnp.zeros((D_HID,), dtype=jnp.float32)
    Wm1 = jax.random.normal(ks[4], (D_HID, D_HID), dtype=jnp.float32) * s_hid
    bm1 = jnp.zeros((D_HID,), dtype=jnp.float32)
    Wm2 = jax.random.normal(ks[5], (D_HID, D_HID), dtype=jnp.float32) * s_hid
    bm2 = jnp.zeros((D_HID,), dtype=jnp.float32)
    W2 = jax.random.normal(ks[6], (D_HID, D_OUT), dtype=jnp.float32) * s_hid
    b2 = jnp.zeros((D_OUT,), dtype=jnp.float32)
    return {"x": x, "edge_index": edge_index, "batch": batch,
            "W1": W1, "b1": b1, "Wm1": Wm1, "bm1": bm1,
            "Wm2": Wm2, "bm2": bm2, "W2": W2, "b2": b2}


def _gcn_conv(x, src, dst, W, b):
    # PyG GCNConv with add_self_loops=True (loops already appended to src/dst):
    # h = x @ W; deg from dst; norm = deg^-1/2[src] * deg^-1/2[dst]; scatter-add; + bias
    h = x @ W
    deg = jnp.zeros((N,), h.dtype).at[dst].add(1.0)
    dinv = jnp.where(deg > 0, jax.lax.rsqrt(jnp.maximum(deg, 1e-12)), 0.0)
    norm = dinv[src] * dinv[dst]
    msg = jnp.take(h, src, axis=0) * norm[:, None]
    out = jnp.zeros((N, h.shape[1]), h.dtype).at[dst].add(msg)
    return out + b


def reference(x, edge_index, batch, W1, b1, Wm1, bm1, Wm2, bm2, W2, b2):
    loop = jnp.arange(N, dtype=edge_index.dtype)
    src = jnp.concatenate([edge_index[0], loop])
    dst = jnp.concatenate([edge_index[1], loop])
    # dropout is identity in eval mode
    h = jax.nn.relu(_gcn_conv(x, src, dst, W1, b1))
    h = jax.nn.relu(_gcn_conv(h, src, dst, Wm1, bm1))
    h = jax.nn.relu(_gcn_conv(h, src, dst, Wm2, bm2))
    h = _gcn_conv(h, src, dst, W2, b2)
    seg_sum = jax.ops.segment_sum(h, batch, num_segments=G)
    counts = jax.ops.segment_sum(jnp.ones((N, 1), h.dtype), batch, num_segments=G)
    pool = seg_sum / jnp.maximum(counts, 1.0)
    nrm = jnp.linalg.norm(pool, axis=1, keepdims=True)
    return pool / jnp.maximum(nrm, 1e-12)

if __name__ == "__main__":
    import jax
    _d = setup_inputs()
    print(jax.jit(kernel)(*tuple(_d.values())))

</pallas_src>

<mosaic_0001>
#map = affine_map<(d0, d1) -> (0, 0, 0)>
module attributes {stable_mosaic.version = 14 : i64} {
  func.func @_sc_degree_body(%arg0: i32, %arg1: i32, %arg2: memref<32x80x128xi32, #tpu.memory_space<hbm>>, %arg3: memref<2x10240x16xf32, #tpu.memory_space<hbm>>, %arg4: memref<80x128xi32, #tpu.memory_space<vmem>>, %arg5: memref<128x16xf32, #tpu.memory_space<vmem>>, %arg6: memref<128x16xf32, #tpu.memory_space<vmem>>, %arg7: memref<10240x16xf32, #tpu.memory_space<vmem_shared>>) attributes {dimension_semantics = [#tpu.dimension_semantics<core_parallel>, #tpu.dimension_semantics<subcore_parallel>], iteration_bounds = array<i64: 2, 16>, scalar_prefetch = 0 : i64, scratch_operands = 4 : i64, tpu.core_type = #tpu.core_type<sc_vector_subcore>, window_params = [{transform_indices = #map}, {transform_indices = #map}]} {
    %mul3A = arith.constant 16 : i32
    %mul3A_0 = arith.muli %arg0, %mul3A : i32
    %add3A = arith.addi %mul3A_0, %arg1 : i32
    "tpu.region"() ({
      %run_scoped3A = tpu.sem_alloc : memref<!tpu.dma_semaphore, #tpu.memory_space<semaphore_mem>>
      %dma_start3A = arith.constant 0 : i32
      %dma_start3A_20 = arith.constant 0 : i32
      %dma_start3A_21 = tpu.memref_slice %arg2[%add3A, %dma_start3A, %dma_start3A_20] : memref<32x80x128xi32, #tpu.memory_space<hbm>> -> memref<1x80x128xi32, #tpu.memory_space<hbm>>
      %dma_start3A_22 = tpu.memref_squeeze %dma_start3A_21 : memref<1x80x128xi32, #tpu.memory_space<hbm>> -> memref<80x128xi32, #tpu.memory_space<hbm>>
      %dma_start3A_23 = arith.constant 0 : i32
      %dma_start3A_24 = arith.constant 0 : i32
      %dma_start3A_25 = tpu.memref_slice %arg2[%add3A, %dma_start3A_23, %dma_start3A_24] : memref<32x80x128xi32, #tpu.memory_space<hbm>> -> memref<1x80x128xi32, #tpu.memory_space<hbm>>
      %dma_start3A_26 = tpu.memref_squeeze %dma_start3A_25 : memref<1x80x128xi32, #tpu.memory_space<hbm>> -> memref<80x128xi32, #tpu.memory_space<hbm>>
      tpu.enqueue_dma source(%dma_start3A_26 : memref<80x128xi32, #tpu.memory_space<hbm>>) target(%arg4 : memref<80x128xi32, #tpu.memory_space<vmem>>) target_semaphore(%run_scoped3A : memref<!tpu.dma_semaphore, #tpu.memory_space<semaphore_mem>>)
      %dma_wait3A = arith.constant 0 : i32
      %dma_wait3A_27 = arith.constant 0 : i32
      %dma_wait3A_28 = tpu.memref_slice %arg2[%add3A, %dma_wait3A, %dma_wait3A_27] : memref<32x80x128xi32, #tpu.memory_space<hbm>> -> memref<1x80x128xi32, #tpu.memory_space<hbm>>
      %dma_wait3A_29 = tpu.memref_squeeze %dma_wait3A_28 : memref<1x80x128xi32, #tpu.memory_space<hbm>> -> memref<80x128xi32, #tpu.memory_space<hbm>>
      %dma_wait3A_30 = arith.constant 0 : i32
      %dma_wait3A_31 = arith.constant 0 : i32
      %dma_wait3A_32 = tpu.memref_slice %arg2[%add3A, %dma_wait3A_30, %dma_wait3A_31] : memref<32x80x128xi32, #tpu.memory_space<hbm>> -> memref<1x80x128xi32, #tpu.memory_space<hbm>>
      %dma_wait3A_33 = tpu.memref_squeeze %dma_wait3A_32 : memref<1x80x128xi32, #tpu.memory_space<hbm>> -> memref<80x128xi32, #tpu.memory_space<hbm>>
      tpu.wait_dma2 semaphore(%run_scoped3A : memref<!tpu.dma_semaphore, #tpu.memory_space<semaphore_mem>>) src(%dma_wait3A_33 : memref<80x128xi32, #tpu.memory_space<hbm>>) dst(%arg4 : memref<80x128xi32, #tpu.memory_space<vmem>>)
      tpu.yield
    }) : () -> ()
    %scan3A = arith.constant 0 : i32
    %scan3A_1 = arith.constant 128 : i32
    %scan3A_2 = arith.addi %scan3A, %scan3A_1 : i32
    %scan3A_3 = arith.constant 1 : i32
    scf.for %scan3A_20 = %scan3A to %scan3A_2 step %scan3A_3  : i32 {
      %mul3A_21 = arith.constant 1 : i32
      %mul3A_22 = arith.muli %scan3A_20, %mul3A_21 : i32
      %add3A_23 = arith.constant 0 : i32
      %add3A_24 = arith.addi %add3A_23, %mul3A_22 : i32
      %broadcast_in_dim3A = arith.constant 1.000000e+00 : f32
      %broadcast_in_dim3A_25 = vector.broadcast %broadcast_in_dim3A : f32 to vector<16xf32>
      %swap3A = arith.index_cast %add3A_24 : i32 to index
      %swap3A_26 = arith.constant 0 : index
      %swap3A_27 = tpu.vector_load %arg5[%swap3A, %swap3A_26] {strides = array<i32>} : memref<128x16xf32, #tpu.memory_space<vmem>>, vector<1x16xf32>,
      %swap3A_28 = vector.shape_cast %swap3A_27 : vector<1x16xf32> to vector<16xf32>
      %swap3A_29 = vector.shape_cast %broadcast_in_dim3A_25 : vector<16xf32> to vector<1x16xf32>
      tpu.vector_store %arg5[%swap3A, %swap3A_26], %swap3A_29 {strides = array<i32>} : memref<128x16xf32, #tpu.memory_space<vmem>>, vector<1x16xf32>,
      %broadcast_in_dim3A_30 = arith.constant 0.000000e+00 : f32
      %broadcast_in_dim3A_31 = vector.broadcast %broadcast_in_dim3A_30 : f32 to vector<16xf32>
      %swap3A_32 = arith.index_cast %add3A_24 : i32 to index
      %swap3A_33 = arith.constant 0 : index
      %swap3A_34 = tpu.vector_load %arg6[%swap3A_32, %swap3A_33] {strides = array<i32>} : memref<128x16xf32, #tpu.memory_space<vmem>>, vector<1x16xf32>,
      %swap3A_35 = vector.shape_cast %swap3A_34 : vector<1x16xf32> to vector<16xf32>
      %swap3A_36 = vector.shape_cast %broadcast_in_dim3A_31 : vector<16xf32> to vector<1x16xf32>
      tpu.vector_store %arg6[%swap3A_32, %swap3A_33], %swap3A_36 {strides = array<i32>} : memref<128x16xf32, #tpu.memory_space<vmem>>, vector<1x16xf32>,
    }
    %scan3A_4 = arith.constant 128 : i32
    %scan3A_5 = arith.constant 0 : i32
    %scan3A_6 = arith.constant 5 : i32
    %scan3A_7 = arith.addi %scan3A_5, %scan3A_6 : i32
    %scan3A_8 = arith.constant 1 : i32
    scf.for %scan3A_20 = %scan3A_5 to %scan3A_7 step %scan3A_8  : i32 {
      %mul3A_21 = arith.constant 1 : i32
      %mul3A_22 = arith.muli %scan3A_20, %mul3A_21 : i32
      %add3A_23 = arith.constant 0 : i32
      %add3A_24 = arith.addi %add3A_23, %mul3A_22 : i32
      %mul3A_25 = arith.constant 640 : i32
      %mul3A_26 = arith.muli %arg1, %mul3A_25 : i32
      %mul3A_27 = arith.constant 128 : i32
      %mul3A_28 = arith.muli %add3A_24, %mul3A_27 : i32
      %add3A_29 = arith.addi %mul3A_26, %mul3A_28 : i32
      "tpu.region"() ({
        %run_scoped3A = tpu.sem_alloc : memref<!tpu.dma_semaphore, #tpu.memory_space<semaphore_mem>>
        %dma_start3A = arith.constant 0 : i32
        %dma_start3A_30 = tpu.memref_slice %arg7[%add3A_29, %dma_start3A] : memref<10240x16xf32, #tpu.memory_space<vmem_shared>> -> memref<128x16xf32, #tpu.memory_space<vmem_shared>>
        %dma_start3A_31 = arith.constant 0 : i32
        %dma_start3A_32 = tpu.memref_slice %arg7[%add3A_29, %dma_start3A_31] : memref<10240x16xf32, #tpu.memory_space<vmem_shared>> -> memref<128x16xf32, #tpu.memory_space<vmem_shared>>
        tpu.enqueue_dma source(%arg6 : memref<128x16xf32, #tpu.memory_space<vmem>>) target(%dma_start3A_32 : memref<128x16xf32, #tpu.memory_space<vmem_shared>>) target_semaphore(%run_scoped3A : memref<!tpu.dma_semaphore, #tpu.memory_space<semaphore_mem>>)
        %dma_wait3A = arith.constant 0 : i32
        %dma_wait3A_33 = tpu.memref_slice %arg7[%add3A_29, %dma_wait3A] : memref<10240x16xf32, #tpu.memory_space<vmem_shared>> -> memref<128x16xf32, #tpu.memory_space<vmem_shared>>
        %dma_wait3A_34 = arith.constant 0 : i32
        %dma_wait3A_35 = tpu.memref_slice %arg7[%add3A_29, %dma_wait3A_34] : memref<10240x16xf32, #tpu.memory_space<vmem_shared>> -> memref<128x16xf32, #tpu.memory_space<vmem_shared>>
        tpu.wait_dma2 semaphore(%run_scoped3A : memref<!tpu.dma_semaphore, #tpu.memory_space<semaphore_mem>>) src(%arg6 : memref<128x16xf32, #tpu.memory_space<vmem>>) dst(%dma_wait3A_35 : memref<128x16xf32, #tpu.memory_space<vmem_shared>>)
        tpu.yield
      }) : () -> ()
    }
    %scan3A_9 = arith.constant 5 : i32
    %barrier3A = arith.constant 0 : index
    tpu.barrier barrier_id(%barrier3A)
    %scan3A_10 = arith.constant 0 : i32
    %scan3A_11 = arith.constant 80 : i32
    %scan3A_12 = arith.addi %scan3A_10, %scan3A_11 : i32
    %scan3A_13 = arith.constant 1 : i32
    scf.for %scan3A_20 = %scan3A_10 to %scan3A_12 step %scan3A_13  : i32 {
      %mul3A_21 = arith.constant 1 : i32
      %mul3A_22 = arith.muli %scan3A_20, %mul3A_21 : i32
      %add3A_23 = arith.constant 0 : i32
      %add3A_24 = arith.addi %add3A_23, %mul3A_22 : i32
      "tpu.region"() ({
        %run_scoped3A = tpu.sem_alloc : memref<!tpu.dma_semaphore, #tpu.memory_space<semaphore_mem>>
        %dma_start3A = arith.constant 0 : i32
        %dma_start3A_25 = tpu.memref_slice %arg4[%add3A_24, %dma_start3A] : memref<80x128xi32, #tpu.memory_space<vmem>> -> memref<1x128xi32, #tpu.memory_space<vmem>>
        %dma_start3A_26 = tpu.memref_squeeze %dma_start3A_25 : memref<1x128xi32, #tpu.memory_space<vmem>> -> memref<128xi32, #tpu.memory_space<vmem>>
        %dma_start3A_27 = arith.constant 0 : i32
        %dma_start3A_28 = arith.constant 0 : i32
        %dma_start3A_29 = tpu.memref_slice %arg7[%dma_start3A_27, %dma_start3A_28] : memref<10240x16xf32, #tpu.memory_space<vmem_shared>> -> memref<10240x16xf32, #tpu.memory_space<vmem_shared>>
        tpu.enqueue_indirect_dma source(%arg5 : memref<128x16xf32, #tpu.memory_space<vmem>>) target(%dma_start3A_29 : memref<10240x16xf32, #tpu.memory_space<vmem_shared>>) offsets(%dma_start3A_26 : memref<128xi32, #tpu.memory_space<vmem>>) semaphore(%run_scoped3A : memref<!tpu.dma_semaphore, #tpu.memory_space<semaphore_mem>>) {add = true}
        %dma_wait3A = arith.constant 0 : i32
        %dma_wait3A_30 = tpu.memref_slice %arg4[%add3A_24, %dma_wait3A] : memref<80x128xi32, #tpu.memory_space<vmem>> -> memref<1x128xi32, #tpu.memory_space<vmem>>
        %dma_wait3A_31 = tpu.memref_squeeze %dma_wait3A_30 : memref<1x128xi32, #tpu.memory_space<vmem>> -> memref<128xi32, #tpu.memory_space<vmem>>
        %dma_wait3A_32 = arith.constant 0 : i32
        %dma_wait3A_33 = arith.constant 0 : i32
        %dma_wait3A_34 = tpu.memref_slice %arg7[%dma_wait3A_32, %dma_wait3A_33] : memref<10240x16xf32, #tpu.memory_space<vmem_shared>> -> memref<10240x16xf32, #tpu.memory_space<vmem_shared>>
        tpu.wait_indirect_dma semaphore(%run_scoped3A : memref<!tpu.dma_semaphore, #tpu.memory_space<semaphore_mem>>) src(%arg5 : memref<128x16xf32, #tpu.memory_space<vmem>>) dst(%dma_wait3A_34 : memref<10240x16xf32, #tpu.memory_space<vmem_shared>>)
        tpu.yield
      }) : () -> ()
    }
    %scan3A_14 = arith.constant 80 : i32
    %barrier3A_15 = arith.constant 0 : index
    tpu.barrier barrier_id(%barrier3A_15)
    %mul3A_16 = arith.constant 640 : i32
    %mul3A_17 = arith.muli %arg1, %mul3A_16 : i32
    %mul3A_18 = arith.constant 640 : i32
    %mul3A_19 = arith.muli %arg1, %mul3A_18 : i32
    "tpu.region"() ({
      %run_scoped3A = tpu.sem_alloc : memref<!tpu.dma_semaphore, #tpu.memory_space<semaphore_mem>>
      %dma_start3A = arith.constant 0 : i32
      %dma_start3A_20 = tpu.memref_slice %arg3[%arg0, %mul3A_19, %dma_start3A] : memref<2x10240x16xf32, #tpu.memory_space<hbm>> -> memref<1x640x16xf32, #tpu.memory_space<hbm>>
      %dma_start3A_21 = tpu.memref_squeeze %dma_start3A_20 : memref<1x640x16xf32, #tpu.memory_space<hbm>> -> memref<640x16xf32, #tpu.memory_space<hbm>>
      %dma_start3A_22 = arith.constant 0 : i32
      %dma_start3A_23 = tpu.memref_slice %arg7[%mul3A_17, %dma_start3A_22] : memref<10240x16xf32, #tpu.memory_space<vmem_shared>> -> memref<640x16xf32, #tpu.memory_space<vmem_shared>>
      tpu.enqueue_dma source(%dma_start3A_23 : memref<640x16xf32, #tpu.memory_space<vmem_shared>>) target(%dma_start3A_21 : memref<640x16xf32, #tpu.memory_space<hbm>>) target_semaphore(%run_scoped3A : memref<!tpu.dma_semaphore, #tpu.memory_space<semaphore_mem>>)
      %dma_wait3A = arith.constant 0 : i32
      %dma_wait3A_24 = tpu.memref_slice %arg3[%arg0, %mul3A_19, %dma_wait3A] : memref<2x10240x16xf32, #tpu.memory_space<hbm>> -> memref<1x640x16xf32, #tpu.memory_space<hbm>>
      %dma_wait3A_25 = tpu.memref_squeeze %dma_wait3A_24 : memref<1x640x16xf32, #tpu.memory_space<hbm>> -> memref<640x16xf32, #tpu.memory_space<hbm>>
      %dma_wait3A_26 = arith.constant 0 : i32
      %dma_wait3A_27 = tpu.memref_slice %arg7[%mul3A_17, %dma_wait3A_26] : memref<10240x16xf32, #tpu.memory_space<vmem_shared>> -> memref<640x16xf32, #tpu.memory_space<vmem_shared>>
      tpu.wait_dma2 semaphore(%run_scoped3A : memref<!tpu.dma_semaphore, #tpu.memory_space<semaphore_mem>>) src(%dma_wait3A_27 : memref<640x16xf32, #tpu.memory_space<vmem_shared>>) dst(%dma_wait3A_25 : memref<640x16xf32, #tpu.memory_space<hbm>>)
      tpu.yield
    }) : () -> ()
    return
  }
}

#map = affine_map<(d0, d1) -> (0, 0)>
#map1 = affine_map<(d0, d1) -> (0, 0, 0, 0, 0)>
#map2 = affine_map<(d0, d1) -> (0, 0, 0, 0)>
#map3 = affine_map<(d0, d1) -> (0, 0, 0)>
module attributes {stable_mosaic.version = 14 : i64} {
  func.func @_sc_scatter_body(%arg0: i32, %arg1: i32, %arg2: memref<10000x128xf32, #tpu.memory_space<hbm>>, %arg3: memref<2x16x2x40x128xi32, #tpu.memory_space<hbm>>, %arg4: memref<2x16x80x128xi32, #tpu.memory_space<hbm>>, %arg5: memref<2x10240x128xf32, #tpu.memory_space<hbm>>, %arg6: memref<40x128xi32, #tpu.memory_space<vmem>>, %arg7: memref<80x128xi32, #tpu.memory_space<vmem>>, %arg8: memref<128x128xf32, #tpu.memory_space<vmem>>, %arg9: memref<128x128xf32, #tpu.memory_space<vmem>>, %arg10: memref<!tpu.dma_semaphore, #tpu.memory_space<semaphore_mem>>, %arg11: memref<!tpu.dma_semaphore, #tpu.memory_space<semaphore_mem>>, %arg12: memref<10240x128xf32, #tpu.memory_space<vmem_shared>>) attributes {dimension_semantics = [#tpu.dimension_semantics<core_parallel>, #tpu.dimension_semantics<subcore_parallel>], iteration_bounds = array<i64: 2, 16>, scalar_prefetch = 0 : i64, scratch_operands = 7 : i64, tpu.core_type = #tpu.core_type<sc_vector_subcore>, window_params = [{transform_indices = #map}, {transform_indices = #map1}, {transform_indices = #map2}, {transform_indices = #map3}]} {
    %scan3A = arith.constant 0 : i32
    %scan3A_0 = arith.constant 128 : i32
    %scan3A_1 = arith.addi %scan3A, %scan3A_0 : i32
    %scan3A_2 = arith.constant 1 : i32
    scf.for %scan3A_37 = %scan3A to %scan3A_1 step %scan3A_2  : i32 {
      %mul3A_38 = arith.constant 1 : i32
      %mul3A_39 = arith.muli %scan3A_37, %mul3A_38 : i32
      %add3A = arith.constant 0 : i32
      %add3A_40 = arith.addi %add3A, %mul3A_39 : i32
      %broadcast_in_dim3A = arith.constant 0.000000e+00 : f32
      %broadcast_in_dim3A_41 = vector.broadcast %broadcast_in_dim3A : f32 to vector<16xf32>
      %swap3A = arith.index_cast %add3A_40 : i32 to index
      %swap3A_42 = arith.constant 0 : index
      %swap3A_43 = tpu.vector_load %arg8[%swap3A, %swap3A_42] {strides = array<i32>} : memref<128x128xf32, #tpu.memory_space<vmem>>, vector<1x16xf32>,
      %swap3A_44 = vector.shape_cast %swap3A_43 : vector<1x16xf32> to vector<16xf32>
      %swap3A_45 = vector.shape_cast %broadcast_in_dim3A_41 : vector<16xf32> to vector<1x16xf32>
      tpu.vector_store %arg8[%swap3A, %swap3A_42], %swap3A_45 {strides = array<i32>} : memref<128x128xf32, #tpu.memory_space<vmem>>, vector<1x16xf32>,
      %broadcast_in_dim3A_46 = arith.constant 0.000000e+00 : f32
      %broadcast_in_dim3A_47 = vector.broadcast %broadcast_in_dim3A_46 : f32 to vector<16xf32>
      %swap3A_48 = arith.index_cast %add3A_40 : i32 to index
      %swap3A_49 = arith.constant 16 : index
      %swap3A_50 = tpu.vector_load %arg8[%swap3A_48, %swap3A_49] {strides = array<i32>} : memref<128x128xf32, #tpu.memory_space<vmem>>, vector<1x16xf32>,
      %swap3A_51 = vector.shape_cast %swap3A_50 : vector<1x16xf32> to vector<16xf32>
      %swap3A_52 = vector.shape_cast %broadcast_in_dim3A_47 : vector<16xf32> to vector<1x16xf32>
      tpu.vector_store %arg8[%swap3A_48, %swap3A_49], %swap3A_52 {strides = array<i32>} : memref<128x128xf32, #tpu.memory_space<vmem>>, vector<1x16xf32>,
      %broadcast_in_dim3A_53 = arith.constant 0.000000e+00 : f32
      %broadcast_in_dim3A_54 = vector.broadcast %broadcast_in_dim3A_53 : f32 to vector<16xf32>
      %swap3A_55 = arith.index_cast %add3A_40 : i32 to index
      %swap3A_56 = arith.constant 32 : index
      %swap3A_57 = tpu.vector_load %arg8[%swap3A_55, %swap3A_56] {strides = array<i32>} : memref<128x128xf32, #tpu.memory_space<vmem>>, vector<1x16xf32>,
      %swap3A_58 = vector.shape_cast %swap3A_57 : vector<1x16xf32> to vector<16xf32>
      %swap3A_59 = vector.shape_cast %broadcast_in_dim3A_54 : vector<16xf32> to vector<1x16xf32>
      tpu.vector_store %arg8[%swap3A_55, %swap3A_56], %swap3A_59 {strides = array<i32>} : memref<128x128xf32, #tpu.memory_space<vmem>>, vector<1x16xf32>,
      %broadcast_in_dim3A_60 = arith.constant 0.000000e+00 : f32
      %broadcast_in_dim3A_61 = vector.broadcast %broadcast_in_dim3A_60 : f32 to vector<16xf32>
      %swap3A_62 = arith.index_cast %add3A_40 : i32 to index
      %swap3A_63 = arith.constant 48 : index
      %swap3A_64 = tpu.vector_load %arg8[%swap3A_62, %swap3A_63] {strides = array<i32>} : memref<128x128xf32, #tpu.memory_space<vmem>>, vector<1x16xf32>,
      %swap3A_65 = vector.shape_cast %swap3A_64 : vector<1x16xf32> to vector<16xf32>
      %swap3A_66 = vector.shape_cast %broadcast_in_dim3A_61 : vector<16xf32> to vector<1x16xf32>
      tpu.vector_store %arg8[%swap3A_62, %swap3A_63], %swap3A_66 {strides = array<i32>} : memref<128x128xf32, #tpu.memory_space<vmem>>, vector<1x16xf32>,
      %broadcast_in_dim3A_67 = arith.constant 0.000000e+00 : f32
      %broadcast_in_dim3A_68 = vector.broadcast %broadcast_in_dim3A_67 : f32 to vector<16xf32>
      %swap3A_69 = arith.index_cast %add3A_40 : i32 to index
      %swap3A_70 = arith.constant 64 : index
      %swap3A_71 = tpu.vector_load %arg8[%swap3A_69, %swap3A_70] {strides = array<i32>} : memref<128x128xf32, #tpu.memory_space<vmem>>, vector<1x16xf32>,
      %swap3A_72 = vector.shape_cast %swap3A_71 : vector<1x16xf32> to vector<16xf32>
      %swap3A_73 = vector.shape_cast %broadcast_in_dim3A_68 : vector<16xf32> to vector<1x16xf32>
      tpu.vector_store %arg8[%swap3A_69, %swap3A_70], %swap3A_73 {strides = array<i32>} : memref<128x128xf32, #tpu.memory_space<vmem>>, vector<1x16xf32>,
      %broadcast_in_dim3A_74 = arith.constant 0.000000e+00 : f32
      %broadcast_in_dim3A_75 = vector.broadcast %broadcast_in_dim3A_74 : f32 to vector<16xf32>
      %swap3A_76 = arith.index_cast %add3A_40 : i32 to index
      %swap3A_77 = arith.constant 80 : index
      %swap3A_78 = tpu.vector_load %arg8[%swap3A_76, %swap3A_77] {strides = array<i32>} : memref<128x128xf32, #tpu.memory_space<vmem>>, vector<1x16xf32>,
      %swap3A_79 = vector.shape_cast %swap3A_78 : vector<1x16xf32> to vector<16xf32>
      %swap3A_80 = vector.shape_cast %broadcast_in_dim3A_75 : vector<16xf32> to vector<1x16xf32>
      tpu.vector_store %arg8[%swap3A_76, %swap3A_77], %swap3A_80 {strides = array<i32>} : memref<128x128xf32, #tpu.memory_space<vmem>>, vector<1x16xf32>,
      %broadcast_in_dim3A_81 = arith.constant 0.000000e+00 : f32
      %broadcast_in_dim3A_82 = vector.broadcast %broadcast_in_dim3A_81 : f32 to vector<16xf32>
      %swap3A_83 = arith.index_cast %add3A_40 : i32 to index
      %swap3A_84 = arith.constant 96 : index
      %swap3A_85 = tpu.vector_load %arg8[%swap3A_83, %swap3A_84] {strides = array<i32>} : memref<128x128xf32, #tpu.memory_space<vmem>>, vector<1x16xf32>,
      %swap3A_86 = vector.shape_cast %swap3A_85 : vector<1x16xf32> to vector<16xf32>
      %swap3A_87 = vector.shape_cast %broadcast_in_dim3A_82 : vector<16xf32> to vector<1x16xf32>
      tpu.vector_store %arg8[%swap3A_83, %swap3A_84], %swap3A_87 {strides = array<i32>} : memref<128x128xf32, #tpu.memory_space<vmem>>, vector<1x16xf32>,
      %broadcast_in_dim3A_88 = arith.constant 0.000000e+00 : f32
      %broadcast_in_dim3A_89 = vector.broadcast %broadcast_in_dim3A_88 : f32 to vector<16xf32>
      %swap3A_90 = arith.index_cast %add3A_40 : i32 to index
      %swap3A_91 = arith.constant 112 : index
      %swap3A_92 = tpu.vector_load %arg8[%swap3A_90, %swap3A_91] {strides = array<i32>} : memref<128x128xf32, #tpu.memory_space<vmem>>, vector<1x16xf32>,
      %swap3A_93 = vector.shape_cast %swap3A_92 : vector<1x16xf32> to vector<16xf32>
      %swap3A_94 = vector.shape_cast %broadcast_in_dim3A_89 : vector<16xf32> to vector<1x16xf32>
      tpu.vector_store %arg8[%swap3A_90, %swap3A_91], %swap3A_94 {strides = array<i32>} : memref<128x128xf32, #tpu.memory_space<vmem>>, vector<1x16xf32>,
    }
    %scan3A_3 = arith.constant 128 : i32
    %scan3A_4 = arith.constant 0 : i32
    %scan3A_5 = arith.constant 5 : i32
    %scan3A_6 = arith.addi %scan3A_4, %scan3A_5 : i32
    %scan3A_7 = arith.constant 1 : i32
    scf.for %scan3A_37 = %scan3A_4 to %scan3A_6 step %scan3A_7  : i32 {
      %mul3A_38 = arith.constant 1 : i32
      %mul3A_39 = arith.muli %scan3A_37, %mul3A_38 : i32
      %add3A = arith.constant 0 : i32
      %add3A_40 = arith.addi %add3A, %mul3A_39 : i32
      %mul3A_41 = arith.constant 640 : i32
      %mul3A_42 = arith.muli %arg1, %mul3A_41 : i32
      %mul3A_43 = arith.constant 128 : i32
      %mul3A_44 = arith.muli %add3A_40, %mul3A_43 : i32
      %add3A_45 = arith.addi %mul3A_42, %mul3A_44 : i32
      "tpu.region"() ({
        %run_scoped3A_46 = tpu.sem_alloc : memref<!tpu.dma_semaphore, #tpu.memory_space<semaphore_mem>>
        %dma_start3A = arith.constant 0 : i32
        %dma_start3A_47 = tpu.memref_slice %arg12[%add3A_45, %dma_start3A] : memref<10240x128xf32, #tpu.memory_space<vmem_shared>> -> memref<128x128xf32, #tpu.memory_space<vmem_shared>>
        %dma_start3A_48 = arith.constant 0 : i32
        %dma_start3A_49 = tpu.memref_slice %arg12[%add3A_45, %dma_start3A_48] : memref<10240x128xf32, #tpu.memory_space<vmem_shared>> -> memref<128x128xf32, #tpu.memory_space<vmem_shared>>
        tpu.enqueue_dma source(%arg8 : memref<128x128xf32, #tpu.memory_space<vmem>>) target(%dma_start3A_49 : memref<128x128xf32, #tpu.memory_space<vmem_shared>>) target_semaphore(%run_scoped3A_46 : memref<!tpu.dma_semaphore, #tpu.memory_space<semaphore_mem>>)
        %dma_wait3A_50 = arith.constant 0 : i32
        %dma_wait3A_51 = tpu.memref_slice %arg12[%add3A_45, %dma_wait3A_50] : memref<10240x128xf32, #tpu.memory_space<vmem_shared>> -> memref<128x128xf32, #tpu.memory_space<vmem_shared>>
        %dma_wait3A_52 = arith.constant 0 : i32
        %dma_wait3A_53 = tpu.memref_slice %arg12[%add3A_45, %dma_wait3A_52] : memref<10240x128xf32, #tpu.memory_space<vmem_shared>> -> memref<128x128xf32, #tpu.memory_space<vmem_shared>>
        tpu.wait_dma2 semaphore(%run_scoped3A_46 : memref<!tpu.dma_semaphore, #tpu.memory_space<semaphore_mem>>) src(%arg8 : memref<128x128xf32, #tpu.memory_space<vmem>>) dst(%dma_wait3A_53 : memref<128x128xf32, #tpu.memory_space<vmem_shared>>)
        tpu.yield
      }) : () -> ()
    }
    %scan3A_8 = arith.constant 5 : i32
    %barrier3A = arith.constant 0 : index
    tpu.barrier barrier_id(%barrier3A)
    "tpu.region"() ({
      %run_scoped3A_37 = tpu.sem_alloc : memref<!tpu.dma_semaphore, #tpu.memory_space<semaphore_mem>>
      %dma_start3A = arith.constant 0 : i32
      %dma_start3A_38 = arith.constant 0 : i32
      %dma_start3A_39 = tpu.memref_slice %arg4[%arg0, %arg1, %dma_start3A, %dma_start3A_38] : memref<2x16x80x128xi32, #tpu.memory_space<hbm>> -> memref<1x1x80x128xi32, #tpu.memory_space<hbm>>
      %dma_start3A_40 = tpu.memref_squeeze %dma_start3A_39 : memref<1x1x80x128xi32, #tpu.memory_space<hbm>> -> memref<80x128xi32, #tpu.memory_space<hbm>>
      %dma_start3A_41 = arith.constant 0 : i32
      %dma_start3A_42 = arith.constant 0 : i32
      %dma_start3A_43 = tpu.memref_slice %arg4[%arg0, %arg1, %dma_start3A_41, %dma_start3A_42] : memref<2x16x80x128xi32, #tpu.memory_space<hbm>> -> memref<1x1x80x128xi32, #tpu.memory_space<hbm>>
      %dma_start3A_44 = tpu.memref_squeeze %dma_start3A_43 : memref<1x1x80x128xi32, #tpu.memory_space<hbm>> -> memref<80x128xi32, #tpu.memory_space<hbm>>
      tpu.enqueue_dma source(%dma_start3A_44 : memref<80x128xi32, #tpu.memory_space<hbm>>) target(%arg7 : memref<80x128xi32, #tpu.memory_space<vmem>>) target_semaphore(%run_scoped3A_37 : memref<!tpu.dma_semaphore, #tpu.memory_space<semaphore_mem>>)
      %dma_wait3A_45 = arith.constant 0 : i32
      %dma_wait3A_46 = arith.constant 0 : i32
      %dma_wait3A_47 = tpu.memref_slice %arg4[%arg0, %arg1, %dma_wait3A_45, %dma_wait3A_46] : memref<2x16x80x128xi32, #tpu.memory_space<hbm>> -> memref<1x1x80x128xi32, #tpu.memory_space<hbm>>
      %dma_wait3A_48 = tpu.memref_squeeze %dma_wait3A_47 : memref<1x1x80x128xi32, #tpu.memory_space<hbm>> -> memref<80x128xi32, #tpu.memory_space<hbm>>
      %dma_wait3A_49 = arith.constant 0 : i32
      %dma_wait3A_50 = arith.constant 0 : i32
      %dma_wait3A_51 = tpu.memref_slice %arg4[%arg0, %arg1, %dma_wait3A_49, %dma_wait3A_50] : memref<2x16x80x128xi32, #tpu.memory_space<hbm>> -> memref<1x1x80x128xi32, #tpu.memory_space<hbm>>
      %dma_wait3A_52 = tpu.memref_squeeze %dma_wait3A_51 : memref<1x1x80x128xi32, #tpu.memory_space<hbm>> -> memref<80x128xi32, #tpu.memory_space<hbm>>
      tpu.wait_dma2 semaphore(%run_scoped3A_37 : memref<!tpu.dma_semaphore, #tpu.memory_space<semaphore_mem>>) src(%dma_wait3A_52 : memref<80x128xi32, #tpu.memory_space<hbm>>) dst(%arg7 : memref<80x128xi32, #tpu.memory_space<vmem>>)
      tpu.yield
    }) : () -> ()
    %run_scoped3A = arith.constant 0 : i32
    "tpu.region"() ({
      %run_scoped3A_37 = tpu.sem_alloc : memref<!tpu.dma_semaphore, #tpu.memory_space<semaphore_mem>>
      %dma_start3A = arith.constant 0 : i32
      %dma_start3A_38 = arith.constant 0 : i32
      %dma_start3A_39 = tpu.memref_slice %arg3[%arg0, %arg1, %run_scoped3A, %dma_start3A, %dma_start3A_38] : memref<2x16x2x40x128xi32, #tpu.memory_space<hbm>> -> memref<1x1x1x40x128xi32, #tpu.memory_space<hbm>>
      %dma_start3A_40 = tpu.memref_squeeze %dma_start3A_39 : memref<1x1x1x40x128xi32, #tpu.memory_space<hbm>> -> memref<40x128xi32, #tpu.memory_space<hbm>>
      %dma_start3A_41 = arith.constant 0 : i32
      %dma_start3A_42 = arith.constant 0 : i32
      %dma_start3A_43 = tpu.memref_slice %arg3[%arg0, %arg1, %run_scoped3A, %dma_start3A_41, %dma_start3A_42] : memref<2x16x2x40x128xi32, #tpu.memory_space<hbm>> -> memref<1x1x1x40x128xi32, #tpu.memory_space<hbm>>
      %dma_start3A_44 = tpu.memref_squeeze %dma_start3A_43 : memref<1x1x1x40x128xi32, #tpu.memory_space<hbm>> -> memref<40x128xi32, #tpu.memory_space<hbm>>
      tpu.enqueue_dma source(%dma_start3A_44 : memref<40x128xi32, #tpu.memory_space<hbm>>) target(%arg6 : memref<40x128xi32, #tpu.memory_space<vmem>>) target_semaphore(%run_scoped3A_37 : memref<!tpu.dma_semaphore, #tpu.memory_space<semaphore_mem>>)
      %dma_wait3A_45 = arith.constant 0 : i32
      %dma_wait3A_46 = arith.constant 0 : i32
      %dma_wait3A_47 = tpu.memref_slice %arg3[%arg0, %arg1, %run_scoped3A, %dma_wait3A_45, %dma_wait3A_46] : memref<2x16x2x40x128xi32, #tpu.memory_space<hbm>> -> memref<1x1x1x40x128xi32, #tpu.memory_space<hbm>>
      %dma_wait3A_48 = tpu.memref_squeeze %dma_wait3A_47 : memref<1x1x1x40x128xi32, #tpu.memory_space<hbm>> -> memref<40x128xi32, #tpu.memory_space<hbm>>
      %dma_wait3A_49 = arith.constant 0 : i32
      %dma_wait3A_50 = arith.constant 0 : i32
      %dma_wait3A_51 = tpu.memref_slice %arg3[%arg0, %arg1, %run_scoped3A, %dma_wait3A_49, %dma_wait3A_50] : memref<2x16x2x40x128xi32, #tpu.memory_space<hbm>> -> memref<1x1x1x40x128xi32, #tpu.memory_space<hbm>>
      %dma_wait3A_52 = tpu.memref_squeeze %dma_wait3A_51 : memref<1x1x1x40x128xi32, #tpu.memory_space<hbm>> -> memref<40x128xi32, #tpu.memory_space<hbm>>
      tpu.wait_dma2 semaphore(%run_scoped3A_37 : memref<!tpu.dma_semaphore, #tpu.memory_space<semaphore_mem>>) src(%dma_wait3A_52 : memref<40x128xi32, #tpu.memory_space<hbm>>) dst(%arg6 : memref<40x128xi32, #tpu.memory_space<vmem>>)
      tpu.yield
    }) : () -> ()
    %scan3A_9 = arith.constant 0 : i32
    %scan3A_10 = arith.constant 20 : i32
    %scan3A_11 = arith.addi %scan3A_9, %scan3A_10 : i32
    %scan3A_12 = arith.constant 1 : i32
    scf.for %scan3A_37 = %scan3A_9 to %scan3A_11 step %scan3A_12  : i32 {
      %mul3A_38 = arith.constant 1 : i32
      %mul3A_39 = arith.muli %scan3A_37, %mul3A_38 : i32
      %add3A = arith.constant 0 : i32
      %add3A_40 = arith.addi %add3A, %mul3A_39 : i32
      %mul3A_41 = arith.constant 2 : i32
      %mul3A_42 = arith.muli %add3A_40, %mul3A_41 : i32
      %add3A_43 = arith.constant 0 : i32
      %add3A_44 = arith.addi %mul3A_42, %add3A_43 : i32
      %gt3A = arith.constant 0 : i32
      %gt3A_45 = arith.cmpi sgt, %add3A_40, %gt3A : i32
      %convert_element_type3A = arith.extui %gt3A_45 : i1 to i32
      %cond3A = arith.constant 0 : i32
      %cond3A_46 = arith.cmpi ne, %convert_element_type3A, %cond3A : i32
      scf.if %cond3A_46 {
        %dma_wait3A_71 = arith.constant 0 : i32
        %dma_wait3A_72 = arith.constant 0 : i32
        %dma_wait3A_73 = tpu.memref_slice %arg6[%dma_wait3A_71, %dma_wait3A_72] : memref<40x128xi32, #tpu.memory_space<vmem>> -> memref<1x128xi32, #tpu.memory_space<vmem>>
        %dma_wait3A_74 = tpu.memref_squeeze %dma_wait3A_73 : memref<1x128xi32, #tpu.memory_space<vmem>> -> memref<128xi32, #tpu.memory_space<vmem>>
        %dma_wait3A_75 = arith.constant 0 : i32
        %dma_wait3A_76 = arith.constant 0 : i32
        %dma_wait3A_77 = tpu.memref_slice %arg2[%dma_wait3A_75, %dma_wait3A_76] : memref<10000x128xf32, #tpu.memory_space<hbm>> -> memref<10000x128xf32, #tpu.memory_space<hbm>>
        tpu.wait_indirect_dma semaphore(%arg10 : memref<!tpu.dma_semaphore, #tpu.memory_space<semaphore_mem>>) src(%dma_wait3A_77 : memref<10000x128xf32, #tpu.memory_space<hbm>>) dst(%arg8 : memref<128x128xf32, #tpu.memory_space<vmem>>)
      } else {
      }
      "tpu.region"() ({
        %run_scoped3A_71 = tpu.sem_alloc : memref<!tpu.dma_semaphore, #tpu.memory_space<semaphore_mem>>
        %dma_start3A_72 = arith.constant 0 : i32
        %dma_start3A_73 = tpu.memref_slice %arg6[%add3A_44, %dma_start3A_72] : memref<40x128xi32, #tpu.memory_space<vmem>> -> memref<1x128xi32, #tpu.memory_space<vmem>>
        %dma_start3A_74 = tpu.memref_squeeze %dma_start3A_73 : memref<1x128xi32, #tpu.memory_space<vmem>> -> memref<128xi32, #tpu.memory_space<vmem>>
        %dma_start3A_75 = arith.constant 0 : i32
        %dma_start3A_76 = arith.constant 0 : i32
        %dma_start3A_77 = tpu.memref_slice %arg2[%dma_start3A_75, %dma_start3A_76] : memref<10000x128xf32, #tpu.memory_space<hbm>> -> memref<10000x128xf32, #tpu.memory_space<hbm>>
        tpu.enqueue_indirect_dma source(%dma_start3A_77 : memref<10000x128xf32, #tpu.memory_space<hbm>>) target(%arg8 : memref<128x128xf32, #tpu.memory_space<vmem>>) offsets(%dma_start3A_74 : memref<128xi32, #tpu.memory_space<vmem>>) semaphore(%run_scoped3A_71 : memref<!tpu.dma_semaphore, #tpu.memory_space<semaphore_mem>>)
        %dma_wait3A_78 = arith.constant 0 : i32
        %dma_wait3A_79 = tpu.memref_slice %arg6[%add3A_44, %dma_wait3A_78] : memref<40x128xi32, #tpu.memory_space<vmem>> -> memref<1x128xi32, #tpu.memory_space<vmem>>
        %dma_wait3A_80 = tpu.memref_squeeze %dma_wait3A_79 : memref<1x128xi32, #tpu.memory_space<vmem>> -> memref<128xi32, #tpu.memory_space<vmem>>
        %dma_wait3A_81 = arith.constant 0 : i32
        %dma_wait3A_82 = arith.constant 0 : i32
        %dma_wait3A_83 = tpu.memref_slice %arg2[%dma_wait3A_81, %dma_wait3A_82] : memref<10000x128xf32, #tpu.memory_space<hbm>> -> memref<10000x128xf32, #tpu.memory_space<hbm>>
        tpu.wait_indirect_dma semaphore(%run_scoped3A_71 : memref<!tpu.dma_semaphore, #tpu.memory_space<semaphore_mem>>) src(%dma_wait3A_83 : memref<10000x128xf32, #tpu.memory_space<hbm>>) dst(%arg8 : memref<128x128xf32, #tpu.memory_space<vmem>>)
        tpu.yield
      }) : () -> ()
      %add3A_47 = arith.constant 0 : i32
      %add3A_48 = arith.addi %add3A_47, %add3A_44 : i32
      %dma_start3A = arith.constant 0 : i32
      %dma_start3A_49 = tpu.memref_slice %arg7[%add3A_48, %dma_start3A] : memref<80x128xi32, #tpu.memory_space<vmem>> -> memref<1x128xi32, #tpu.memory_space<vmem>>
      %dma_start3A_50 = tpu.memref_squeeze %dma_start3A_49 : memref<1x128xi32, #tpu.memory_space<vmem>> -> memref<128xi32, #tpu.memory_space<vmem>>
      %dma_start3A_51 = arith.constant 0 : i32
      %dma_start3A_52 = arith.constant 0 : i32
      %dma_start3A_53 = tpu.memref_slice %arg12[%dma_start3A_51, %dma_start3A_52] : memref<10240x128xf32, #tpu.memory_space<vmem_shared>> -> memref<10240x128xf32, #tpu.memory_space<vmem_shared>>
      tpu.enqueue_indirect_dma source(%arg8 : memref<128x128xf32, #tpu.memory_space<vmem>>) target(%dma_start3A_53 : memref<10240x128xf32, #tpu.memory_space<vmem_shared>>) offsets(%dma_start3A_50 : memref<128xi32, #tpu.memory_space<vmem>>) semaphore(%arg10 : memref<!tpu.dma_semaphore, #tpu.memory_space<semaphore_mem>>) {add = true}
      %mul3A_54 = arith.constant 2 : i32
      %mul3A_55 = arith.muli %add3A_40, %mul3A_54 : i32
      %add3A_56 = arith.constant 1 : i32
      %add3A_57 = arith.addi %mul3A_55, %add3A_56 : i32
      %gt3A_58 = arith.constant 0 : i32
      %gt3A_59 = arith.cmpi sgt, %add3A_40, %gt3A_58 : i32
      %convert_element_type3A_60 = arith.extui %gt3A_59 : i1 to i32
      %cond3A_61 = arith.constant 0 : i32
      %cond3A_62 = arith.cmpi ne, %convert_element_type3A_60, %cond3A_61 : i32
      scf.if %cond3A_62 {
        %dma_wait3A_71 = arith.constant 0 : i32
        %dma_wait3A_72 = arith.constant 0 : i32
        %dma_wait3A_73 = tpu.memref_slice %arg6[%dma_wait3A_71, %dma_wait3A_72] : memref<40x128xi32, #tpu.memory_space<vmem>> -> memref<1x128xi32, #tpu.memory_space<vmem>>
        %dma_wait3A_74 = tpu.memref_squeeze %dma_wait3A_73 : memref<1x128xi32, #tpu.memory_space<vmem>> -> memref<128xi32, #tpu.memory_space<vmem>>
        %dma_wait3A_75 = arith.constant 0 : i32
        %dma_wait3A_76 = arith.constant 0 : i32
        %dma_wait3A_77 = tpu.memref_slice %arg2[%dma_wait3A_75, %dma_wait3A_76] : memref<10000x128xf32, #tpu.memory_space<hbm>> -> memref<10000x128xf32, #tpu.memory_space<hbm>>
        tpu.wait_indirect_dma semaphore(%arg11 : memref<!tpu.dma_semaphore, #tpu.memory_space<semaphore_mem>>) src(%dma_wait3A_77 : memref<10000x128xf32, #tpu.memory_space<hbm>>) dst(%arg9 : memref<128x128xf32, #tpu.memory_space<vmem>>)
      } else {
      }
      "tpu.region"() ({
        %run_scoped3A_71 = tpu.sem_alloc : memref<!tpu.dma_semaphore, #tpu.memory_space<semaphore_mem>>
        %dma_start3A_72 = arith.constant 0 : i32
        %dma_start3A_73 = tpu.memref_slice %arg6[%add3A_57, %dma_start3A_72] : memref<40x128xi32, #tpu.memory_space<vmem>> -> memref<1x128xi32, #tpu.memory_space<vmem>>
        %dma_start3A_74 = tpu.memref_squeeze %dma_start3A_73 : memref<1x128xi32, #tpu.memory_space<vmem>> -> memref<128xi32, #tpu.memory_space<vmem>>
        %dma_start3A_75 = arith.constant 0 : i32
        %dma_start3A_76 = arith.constant 0 : i32
        %dma_start3A_77 = tpu.memref_slice %arg2[%dma_start3A_75, %dma_start3A_76] : memref<10000x128xf32, #tpu.memory_space<hbm>> -> memref<10000x128xf32, #tpu.memory_space<hbm>>
        tpu.enqueue_indirect_dma source(%dma_start3A_77 : memref<10000x128xf32, #tpu.memory_space<hbm>>) target(%arg9 : memref<128x128xf32, #tpu.memory_space<vmem>>) offsets(%dma_start3A_74 : memref<128xi32, #tpu.memory_space<vmem>>) semaphore(%run_scoped3A_71 : memref<!tpu.dma_semaphore, #tpu.memory_space<semaphore_mem>>)
        %dma_wait3A_78 = arith.constant 0 : i32
        %dma_wait3A_79 = tpu.memref_slice %arg6[%add3A_57, %dma_wait3A_78] : memref<40x128xi32, #tpu.memory_space<vmem>> -> memref<1x128xi32, #tpu.memory_space<vmem>>
        %dma_wait3A_80 = tpu.memref_squeeze %dma_wait3A_79 : memref<1x128xi32, #tpu.memory_space<vmem>> -> memref<128xi32, #tpu.memory_space<vmem>>
        %dma_wait3A_81 = arith.constant 0 : i32
        %dma_wait3A_82 = arith.constant 0 : i32
        %dma_wait3A_83 = tpu.memref_slice %arg2[%dma_wait3A_81, %dma_wait3A_82] : memref<10000x128xf32, #tpu.memory_space<hbm>> -> memref<10000x128xf32, #tpu.memory_space<hbm>>
        tpu.wait_indirect_dma semaphore(%run_scoped3A_71 : memref<!tpu.dma_semaphore, #tpu.memory_space<semaphore_mem>>) src(%dma_wait3A_83 : memref<10000x128xf32, #tpu.memory_space<hbm>>) dst(%arg9 : memref<128x128xf32, #tpu.memory_space<vmem>>)
        tpu.yield
      }) : () -> ()
      %add3A_63 = arith.constant 0 : i32
      %add3A_64 = arith.addi %add3A_63, %add3A_57 : i32
      %dma_start3A_65 = arith.constant 0 : i32
      %dma_start3A_66 = tpu.memref_slice %arg7[%add3A_64, %dma_start3A_65] : memref<80x128xi32, #tpu.memory_space<vmem>> -> memref<1x128xi32, #tpu.memory_space<vmem>>
      %dma_start3A_67 = tpu.memref_squeeze %dma_start3A_66 : memref<1x128xi32, #tpu.memory_space<vmem>> -> memref<128xi32, #tpu.memory_space<vmem>>
      %dma_start3A_68 = arith.constant 0 : i32
      %dma_start3A_69 = arith.constant 0 : i32
      %dma_start3A_70 = tpu.memref_slice %arg12[%dma_start3A_68, %dma_start3A_69] : memref<10240x128xf32, #tpu.memory_space<vmem_shared>> -> memref<10240x128xf32, #tpu.memory_space<vmem_shared>>
      tpu.enqueue_indirect_dma source(%arg9 : memref<128x128xf32, #tpu.memory_space<vmem>>) target(%dma_start3A_70 : memref<10240x128xf32, #tpu.memory_space<vmem_shared>>) offsets(%dma_start3A_67 : memref<128xi32, #tpu.memory_space<vmem>>) semaphore(%arg11 : memref<!tpu.dma_semaphore, #tpu.memory_space<semaphore_mem>>) {add = true}
    }
    %scan3A_13 = arith.constant 20 : i32
    %run_scoped3A_14 = arith.constant 1 : i32
    "tpu.region"() ({
      %run_scoped3A_37 = tpu.sem_alloc : memref<!tpu.dma_semaphore, #tpu.memory_space<semaphore_mem>>
      %dma_start3A = arith.constant 0 : i32
      %dma_start3A_38 = arith.constant 0 : i32
      %dma_start3A_39 = tpu.memref_slice %arg3[%arg0, %arg1, %run_scoped3A_14, %dma_start3A, %dma_start3A_38] : memref<2x16x2x40x128xi32, #tpu.memory_space<hbm>> -> memref<1x1x1x40x128xi32, #tpu.memory_space<hbm>>
      %dma_start3A_40 = tpu.memref_squeeze %dma_start3A_39 : memref<1x1x1x40x128xi32, #tpu.memory_space<hbm>> -> memref<40x128xi32, #tpu.memory_space<hbm>>
      %dma_start3A_41 = arith.constant 0 : i32
      %dma_start3A_42 = arith.constant 0 : i32
      %dma_start3A_43 = tpu.memref_slice %arg3[%arg0, %arg1, %run_scoped3A_14, %dma_start3A_41, %dma_start3A_42] : memref<2x16x2x40x128xi32, #tpu.memory_space<hbm>> -> memref<1x1x1x40x128xi32, #tpu.memory_space<hbm>>
      %dma_start3A_44 = tpu.memref_squeeze %dma_start3A_43 : memref<1x1x1x40x128xi32, #tpu.memory_space<hbm>> -> memref<40x128xi32, #tpu.memory_space<hbm>>
      tpu.enqueue_dma source(%dma_start3A_44 : memref<40x128xi32, #tpu.memory_space<hbm>>) target(%arg6 : memref<40x128xi32, #tpu.memory_space<vmem>>) target_semaphore(%run_scoped3A_37 : memref<!tpu.dma_semaphore, #tpu.memory_space<semaphore_mem>>)
      %dma_wait3A_45 = arith.constant 0 : i32
      %dma_wait3A_46 = arith.constant 0 : i32
      %dma_wait3A_47 = tpu.memref_slice %arg3[%arg0, %arg1, %run_scoped3A_14, %dma_wait3A_45, %dma_wait3A_46] : memref<2x16x2x40x128xi32, #tpu.memory_space<hbm>> -> memref<1x1x1x40x128xi32, #tpu.memory_space<hbm>>
      %dma_wait3A_48 = tpu.memref_squeeze %dma_wait3A_47 : memref<1x1x1x40x128xi32, #tpu.memory_space<hbm>> -> memref<40x128xi32, #tpu.memory_space<hbm>>
      %dma_wait3A_49 = arith.constant 0 : i32
      %dma_wait3A_50 = arith.constant 0 : i32
      %dma_wait3A_51 = tpu.memref_slice %arg3[%arg0, %arg1, %run_scoped3A_14, %dma_wait3A_49, %dma_wait3A_50] : memref<2x16x2x40x128xi32, #tpu.memory_space<hbm>> -> memref<1x1x1x40x128xi32, #tpu.memory_space<hbm>>
      %dma_wait3A_52 = tpu.memref_squeeze %dma_wait3A_51 : memref<1x1x1x40x128xi32, #tpu.memory_space<hbm>> -> memref<40x128xi32, #tpu.memory_space<hbm>>
      tpu.wait_dma2 semaphore(%run_scoped3A_37 : memref<!tpu.dma_semaphore, #tpu.memory_space<semaphore_mem>>) src(%dma_wait3A_52 : memref<40x128xi32, #tpu.memory_space<hbm>>) dst(%arg6 : memref<40x128xi32, #tpu.memory_space<vmem>>)
      tpu.yield
    }) : () -> ()
    %scan3A_15 = arith.constant 0 : i32
    %scan3A_16 = arith.constant 20 : i32
    %scan3A_17 = arith.addi %scan3A_15, %scan3A_16 : i32
    %scan3A_18 = arith.constant 1 : i32
    scf.for %scan3A_37 = %scan3A_15 to %scan3A_17 step %scan3A_18  : i32 {
      %mul3A_38 = arith.constant 1 : i32
      %mul3A_39 = arith.muli %scan3A_37, %mul3A_38 : i32
      %add3A = arith.constant 0 : i32
      %add3A_40 = arith.addi %add3A, %mul3A_39 : i32
      %mul3A_41 = arith.constant 2 : i32
      %mul3A_42 = arith.muli %add3A_40, %mul3A_41 : i32
      %add3A_43 = arith.constant 0 : i32
      %add3A_44 = arith.addi %mul3A_42, %add3A_43 : i32
      %dma_wait3A_45 = arith.constant 0 : i32
      %dma_wait3A_46 = arith.constant 0 : i32
      %dma_wait3A_47 = tpu.memref_slice %arg6[%dma_wait3A_45, %dma_wait3A_46] : memref<40x128xi32, #tpu.memory_space<vmem>> -> memref<1x128xi32, #tpu.memory_space<vmem>>
      %dma_wait3A_48 = tpu.memref_squeeze %dma_wait3A_47 : memref<1x128xi32, #tpu.memory_space<vmem>> -> memref<128xi32, #tpu.memory_space<vmem>>
      %dma_wait3A_49 = arith.constant 0 : i32
      %dma_wait3A_50 = arith.constant 0 : i32
      %dma_wait3A_51 = tpu.memref_slice %arg2[%dma_wait3A_49, %dma_wait3A_50] : memref<10000x128xf32, #tpu.memory_space<hbm>> -> memref<10000x128xf32, #tpu.memory_space<hbm>>
      tpu.wait_indirect_dma semaphore(%arg10 : memref<!tpu.dma_semaphore, #tpu.memory_space<semaphore_mem>>) src(%dma_wait3A_51 : memref<10000x128xf32, #tpu.memory_space<hbm>>) dst(%arg8 : memref<128x128xf32, #tpu.memory_space<vmem>>)
      "tpu.region"() ({
        %run_scoped3A_78 = tpu.sem_alloc : memref<!tpu.dma_semaphore, #tpu.memory_space<semaphore_mem>>
        %dma_start3A_79 = arith.constant 0 : i32
        %dma_start3A_80 = tpu.memref_slice %arg6[%add3A_44, %dma_start3A_79] : memref<40x128xi32, #tpu.memory_space<vmem>> -> memref<1x128xi32, #tpu.memory_space<vmem>>
        %dma_start3A_81 = tpu.memref_squeeze %dma_start3A_80 : memref<1x128xi32, #tpu.memory_space<vmem>> -> memref<128xi32, #tpu.memory_space<vmem>>
        %dma_start3A_82 = arith.constant 0 : i32
        %dma_start3A_83 = arith.constant 0 : i32
        %dma_start3A_84 = tpu.memref_slice %arg2[%dma_start3A_82, %dma_start3A_83] : memref<10000x128xf32, #tpu.memory_space<hbm>> -> memref<10000x128xf32, #tpu.memory_space<hbm>>
        tpu.enqueue_indirect_dma source(%dma_start3A_84 : memref<10000x128xf32, #tpu.memory_space<hbm>>) target(%arg8 : memref<128x128xf32, #tpu.memory_space<vmem>>) offsets(%dma_start3A_81 : memref<128xi32, #tpu.memory_space<vmem>>) semaphore(%run_scoped3A_78 : memref<!tpu.dma_semaphore, #tpu.memory_space<semaphore_mem>>)
        %dma_wait3A_85 = arith.constant 0 : i32
        %dma_wait3A_86 = tpu.memref_slice %arg6[%add3A_44, %dma_wait3A_85] : memref<40x128xi32, #tpu.memory_space<vmem>> -> memref<1x128xi32, #tpu.memory_space<vmem>>
        %dma_wait3A_87 = tpu.memref_squeeze %dma_wait3A_86 : memref<1x128xi32, #tpu.memory_space<vmem>> -> memref<128xi32, #tpu.memory_space<vmem>>
        %dma_wait3A_88 = arith.constant 0 : i32
        %dma_wait3A_89 = arith.constant 0 : i32
        %dma_wait3A_90 = tpu.memref_slice %arg2[%dma_wait3A_88, %dma_wait3A_89] : memref<10000x128xf32, #tpu.memory_space<hbm>> -> memref<10000x128xf32, #tpu.memory_space<hbm>>
        tpu.wait_indirect_dma semaphore(%run_scoped3A_78 : memref<!tpu.dma_semaphore, #tpu.memory_space<semaphore_mem>>) src(%dma_wait3A_90 : memref<10000x128xf32, #tpu.memory_space<hbm>>) dst(%arg8 : memref<128x128xf32, #tpu.memory_space<vmem>>)
        tpu.yield
      }) : () -> ()
      %add3A_52 = arith.constant 40 : i32
      %add3A_53 = arith.addi %add3A_52, %add3A_44 : i32
      %dma_start3A = arith.constant 0 : i32
      %dma_start3A_54 = tpu.memref_slice %arg7[%add3A_53, %dma_start3A] : memref<80x128xi32, #tpu.memory_space<vmem>> -> memref<1x128xi32, #tpu.memory_space<vmem>>
      %dma_start3A_55 = tpu.memref_squeeze %dma_start3A_54 : memref<1x128xi32, #tpu.memory_space<vmem>> -> memref<128xi32, #tpu.memory_space<vmem>>
      %dma_start3A_56 = arith.constant 0 : i32
      %dma_start3A_57 = arith.constant 0 : i32
      %dma_start3A_58 = tpu.memref_slice %arg12[%dma_start3A_56, %dma_start3A_57] : memref<10240x128xf32, #tpu.memory_space<vmem_shared>> -> memref<10240x128xf32, #tpu.memory_space<vmem_shared>>
      tpu.enqueue_indirect_dma source(%arg8 : memref<128x128xf32, #tpu.memory_space<vmem>>) target(%dma_start3A_58 : memref<10240x128xf32, #tpu.memory_space<vmem_shared>>) offsets(%dma_start3A_55 : memref<128xi32, #tpu.memory_space<vmem>>) semaphore(%arg10 : memref<!tpu.dma_semaphore, #tpu.memory_space<semaphore_mem>>) {add = true}
      %mul3A_59 = arith.constant 2 : i32
      %mul3A_60 = arith.muli %add3A_40, %mul3A_59 : i32
      %add3A_61 = arith.constant 1 : i32
      %add3A_62 = arith.addi %mul3A_60, %add3A_61 : i32
      %dma_wait3A_63 = arith.constant 0 : i32
      %dma_wait3A_64 = arith.constant 0 : i32
      %dma_wait3A_65 = tpu.memref_slice %arg6[%dma_wait3A_63, %dma_wait3A_64] : memref<40x128xi32, #tpu.memory_space<vmem>> -> memref<1x128xi32, #tpu.memory_space<vmem>>
      %dma_wait3A_66 = tpu.memref_squeeze %dma_wait3A_65 : memref<1x128xi32, #tpu.memory_space<vmem>> -> memref<128xi32, #tpu.memory_space<vmem>>
      %dma_wait3A_67 = arith.constant 0 : i32
      %dma_wait3A_68 = arith.constant 0 : i32
      %dma_wait3A_69 = tpu.memref_slice %arg2[%dma_wait3A_67, %dma_wait3A_68] : memref<10000x128xf32, #tpu.memory_space<hbm>> -> memref<10000x128xf32, #tpu.memory_space<hbm>>
      tpu.wait_indirect_dma semaphore(%arg11 : memref<!tpu.dma_semaphore, #tpu.memory_space<semaphore_mem>>) src(%dma_wait3A_69 : memref<10000x128xf32, #tpu.memory_space<hbm>>) dst(%arg9 : memref<128x128xf32, #tpu.memory_space<vmem>>)
      "tpu.region"() ({
        %run_scoped3A_78 = tpu.sem_alloc : memref<!tpu.dma_semaphore, #tpu.memory_space<semaphore_mem>>
        %dma_start3A_79 = arith.constant 0 : i32
        %dma_start3A_80 = tpu.memref_slice %arg6[%add3A_62, %dma_start3A_79] : memref<40x128xi32, #tpu.memory_space<vmem>> -> memref<1x128xi32, #tpu.memory_space<vmem>>
        %dma_start3A_81 = tpu.memref_squeeze %dma_start3A_80 : memref<1x128xi32, #tpu.memory_space<vmem>> -> memref<128xi32, #tpu.memory_space<vmem>>
        %dma_start3A_82 = arith.constant 0 : i32
        %dma_start3A_83 = arith.constant 0 : i32
        %dma_start3A_84 = tpu.memref_slice %arg2[%dma_start3A_82, %dma_start3A_83] : memref<10000x128xf32, #tpu.memory_space<hbm>> -> memref<10000x128xf32, #tpu.memory_space<hbm>>
        tpu.enqueue_indirect_dma source(%dma_start3A_84 : memref<10000x128xf32, #tpu.memory_space<hbm>>) target(%arg9 : memref<128x128xf32, #tpu.memory_space<vmem>>) offsets(%dma_start3A_81 : memref<128xi32, #tpu.memory_space<vmem>>) semaphore(%run_scoped3A_78 : memref<!tpu.dma_semaphore, #tpu.memory_space<semaphore_mem>>)
        %dma_wait3A_85 = arith.constant 0 : i32
        %dma_wait3A_86 = tpu.memref_slice %arg6[%add3A_62, %dma_wait3A_85] : memref<40x128xi32, #tpu.memory_space<vmem>> -> memref<1x128xi32, #tpu.memory_space<vmem>>
        %dma_wait3A_87 = tpu.memref_squeeze %dma_wait3A_86 : memref<1x128xi32, #tpu.memory_space<vmem>> -> memref<128xi32, #tpu.memory_space<vmem>>
        %dma_wait3A_88 = arith.constant 0 : i32
        %dma_wait3A_89 = arith.constant 0 : i32
        %dma_wait3A_90 = tpu.memref_slice %arg2[%dma_wait3A_88, %dma_wait3A_89] : memref<10000x128xf32, #tpu.memory_space<hbm>> -> memref<10000x128xf32, #tpu.memory_space<hbm>>
        tpu.wait_indirect_dma semaphore(%run_scoped3A_78 : memref<!tpu.dma_semaphore, #tpu.memory_space<semaphore_mem>>) src(%dma_wait3A_90 : memref<10000x128xf32, #tpu.memory_space<hbm>>) dst(%arg9 : memref<128x128xf32, #tpu.memory_space<vmem>>)
        tpu.yield
      }) : () -> ()
      %add3A_70 = arith.constant 40 : i32
      %add3A_71 = arith.addi %add3A_70, %add3A_62 : i32
      %dma_start3A_72 = arith.constant 0 : i32
      %dma_start3A_73 = tpu.memref_slice %arg7[%add3A_71, %dma_start3A_72] : memref<80x128xi32, #tpu.memory_space<vmem>> -> memref<1x128xi32, #tpu.memory_space<vmem>>
      %dma_start3A_74 = tpu.memref_squeeze %dma_start3A_73 : memref<1x128xi32, #tpu.memory_space<vmem>> -> memref<128xi32, #tpu.memory_space<vmem>>
      %dma_start3A_75 = arith.constant 0 : i32
      %dma_start3A_76 = arith.constant 0 : i32
      %dma_start3A_77 = tpu.memref_slice %arg12[%dma_start3A_75, %dma_start3A_76] : memref<10240x128xf32, #tpu.memory_space<vmem_shared>> -> memref<10240x128xf32, #tpu.memory_space<vmem_shared>>
      tpu.enqueue_indirect_dma source(%arg9 : memref<128x128xf32, #tpu.memory_space<vmem>>) target(%dma_start3A_77 : memref<10240x128xf32, #tpu.memory_space<vmem_shared>>) offsets(%dma_start3A_74 : memref<128xi32, #tpu.memory_space<vmem>>) semaphore(%arg11 : memref<!tpu.dma_semaphore, #tpu.memory_space<semaphore_mem>>) {add = true}
    }
    %scan3A_19 = arith.constant 20 : i32
    %dma_wait3A = arith.constant 0 : i32
    %dma_wait3A_20 = arith.constant 0 : i32
    %dma_wait3A_21 = tpu.memref_slice %arg6[%dma_wait3A, %dma_wait3A_20] : memref<40x128xi32, #tpu.memory_space<vmem>> -> memref<1x128xi32, #tpu.memory_space<vmem>>
    %dma_wait3A_22 = tpu.memref_squeeze %dma_wait3A_21 : memref<1x128xi32, #tpu.memory_space<vmem>> -> memref<128xi32, #tpu.memory_space<vmem>>
    %dma_wait3A_23 = arith.constant 0 : i32
    %dma_wait3A_24 = arith.constant 0 : i32
    %dma_wait3A_25 = tpu.memref_slice %arg2[%dma_wait3A_23, %dma_wait3A_24] : memref<10000x128xf32, #tpu.memory_space<hbm>> -> memref<10000x128xf32, #tpu.memory_space<hbm>>
    tpu.wait_indirect_dma semaphore(%arg10 : memref<!tpu.dma_semaphore, #tpu.memory_space<semaphore_mem>>) src(%dma_wait3A_25 : memref<10000x128xf32, #tpu.memory_space<hbm>>) dst(%arg8 : memref<128x128xf32, #tpu.memory_space<vmem>>)
    %dma_wait3A_26 = arith.constant 0 : i32
    %dma_wait3A_27 = arith.constant 0 : i32
    %dma_wait3A_28 = tpu.memref_slice %arg6[%dma_wait3A_26, %dma_wait3A_27] : memref<40x128xi32, #tpu.memory_space<vmem>> -> memref<1x128xi32, #tpu.memory_space<vmem>>
    %dma_wait3A_29 = tpu.memref_squeeze %dma_wait3A_28 : memref<1x128xi32, #tpu.memory_space<vmem>> -> memref<128xi32, #tpu.memory_space<vmem>>
    %dma_wait3A_30 = arith.constant 0 : i32
    %dma_wait3A_31 = arith.constant 0 : i32
    %dma_wait3A_32 = tpu.memref_slice %arg2[%dma_wait3A_30, %dma_wait3A_31] : memref<10000x128xf32, #tpu.memory_space<hbm>> -> memref<10000x128xf32, #tpu.memory_space<hbm>>
    tpu.wait_indirect_dma semaphore(%arg11 : memref<!tpu.dma_semaphore, #tpu.memory_space<semaphore_mem>>) src(%dma_wait3A_32 : memref<10000x128xf32, #tpu.memory_space<hbm>>) dst(%arg9 : memref<128x128xf32, #tpu.memory_space<vmem>>)
    %barrier3A_33 = arith.constant 0 : index
    tpu.barrier barrier_id(%barrier3A_33)
    %mul3A = arith.constant 640 : i32
    %mul3A_34 = arith.muli %arg1, %mul3A : i32
    %mul3A_35 = arith.constant 640 : i32
    %mul3A_36 = arith.muli %arg1, %mul3A_35 : i32
    "tpu.region"() ({
      %run_scoped3A_37 = tpu.sem_alloc : memref<!tpu.dma_semaphore, #tpu.memory_space<semaphore_mem>>
      %dma_start3A = arith.constant 0 : i32
      %dma_start3A_38 = tpu.memref_slice %arg5[%arg0, %mul3A_36, %dma_start3A] : memref<2x10240x128xf32, #tpu.memory_space<hbm>> -> memref<1x640x128xf32, #tpu.memory_space<hbm>>
      %dma_start3A_39 = tpu.memref_squeeze %dma_start3A_38 : memref<1x640x128xf32, #tpu.memory_space<hbm>> -> memref<640x128xf32, #tpu.memory_space<hbm>>
      %dma_start3A_40 = arith.constant 0 : i32
      %dma_start3A_41 = tpu.memref_slice %arg12[%mul3A_34, %dma_start3A_40] : memref<10240x128xf32, #tpu.memory_space<vmem_shared>> -> memref<640x128xf32, #tpu.memory_space<vmem_shared>>
      tpu.enqueue_dma source(%dma_start3A_41 : memref<640x128xf32, #tpu.memory_space<vmem_shared>>) target(%dma_start3A_39 : memref<640x128xf32, #tpu.memory_space<hbm>>) target_semaphore(%run_scoped3A_37 : memref<!tpu.dma_semaphore, #tpu.memory_space<semaphore_mem>>)
      %dma_wait3A_42 = arith.constant 0 : i32
      %dma_wait3A_43 = tpu.memref_slice %arg5[%arg0, %mul3A_36, %dma_wait3A_42] : memref<2x10240x128xf32, #tpu.memory_space<hbm>> -> memref<1x640x128xf32, #tpu.memory_space<hbm>>
      %dma_wait3A_44 = tpu.memref_squeeze %dma_wait3A_43 : memref<1x640x128xf32, #tpu.memory_space<hbm>> -> memref<640x128xf32, #tpu.memory_space<hbm>>
      %dma_wait3A_45 = arith.constant 0 : i32
      %dma_wait3A_46 = tpu.memref_slice %arg12[%mul3A_34, %dma_wait3A_45] : memref<10240x128xf32, #tpu.memory_space<vmem_shared>> -> memref<640x128xf32, #tpu.memory_space<vmem_shared>>
      tpu.wait_dma2 semaphore(%run_scoped3A_37 : memref<!tpu.dma_semaphore, #tpu.memory_space<semaphore_mem>>) src(%dma_wait3A_46 : memref<640x128xf32, #tpu.memory_space<vmem_shared>>) dst(%dma_wait3A_44 : memref<640x128xf32, #tpu.memory_space<hbm>>)
      tpu.yield
    }) : () -> ()
    return
  }
}

#map = affine_map<(d0, d1) -> (0, 0)>
#map1 = affine_map<(d0, d1) -> (0, 0, 0, 0, 0)>
#map2 = affine_map<(d0, d1) -> (0, 0, 0, 0)>
#map3 = affine_map<(d0, d1) -> (0, 0, 0)>
module attributes {stable_mosaic.version = 14 : i64} {
  func.func @_sc_scatter_body(%arg0: i32, %arg1: i32, %arg2: memref<10000x128xf32, #tpu.memory_space<hbm>>, %arg3: memref<2x16x2x40x128xi32, #tpu.memory_space<hbm>>, %arg4: memref<2x16x80x128xi32, #tpu.memory_space<hbm>>, %arg5: memref<2x10240x128xf32, #tpu.memory_space<hbm>>, %arg6: memref<40x128xi32, #tpu.memory_space<vmem>>, %arg7: memref<80x128xi32, #tpu.memory_space<vmem>>, %arg8: memref<128x128xf32, #tpu.memory_space<vmem>>, %arg9: memref<128x128xf32, #tpu.memory_space<vmem>>, %arg10: memref<!tpu.dma_semaphore, #tpu.memory_space<semaphore_mem>>, %arg11: memref<!tpu.dma_semaphore, #tpu.memory_space<semaphore_mem>>, %arg12: memref<10240x128xf32, #tpu.memory_space<vmem_shared>>) attributes {dimension_semantics = [#tpu.dimension_semantics<core_parallel>, #tpu.dimension_semantics<subcore_parallel>], iteration_bounds = array<i64: 2, 16>, scalar_prefetch = 0 : i64, scratch_operands = 7 : i64, tpu.core_type = #tpu.core_type<sc_vector_subcore>, window_params = [{transform_indices = #map}, {transform_indices = #map1}, {transform_indices = #map2}, {transform_indices = #map3}]} {
    %scan3A = arith.constant 0 : i32
    %scan3A_0 = arith.constant 128 : i32
    %scan3A_1 = arith.addi %scan3A, %scan3A_0 : i32
    %scan3A_2 = arith.constant 1 : i32
    scf.for %scan3A_37 = %scan3A to %scan3A_1 step %scan3A_2  : i32 {
      %mul3A_38 = arith.constant 1 : i32
      %mul3A_39 = arith.muli %scan3A_37, %mul3A_38 : i32
      %add3A = arith.constant 0 : i32
      %add3A_40 = arith.addi %add3A, %mul3A_39 : i32
      %broadcast_in_dim3A = arith.constant 0.000000e+00 : f32
      %broadcast_in_dim3A_41 = vector.broadcast %broadcast_in_dim3A : f32 to vector<16xf32>
      %swap3A = arith.index_cast %add3A_40 : i32 to index
      %swap3A_42 = arith.constant 0 : index
      %swap3A_43 = tpu.vector_load %arg8[%swap3A, %swap3A_42] {strides = array<i32>} : memref<128x128xf32, #tpu.memory_space<vmem>>, vector<1x16xf32>,
      %swap3A_44 = vector.shape_cast %swap3A_43 : vector<1x16xf32> to vector<16xf32>
      %swap3A_45 = vector.shape_cast %broadcast_in_dim3A_41 : vector<16xf32> to vector<1x16xf32>
      tpu.vector_store %arg8[%swap3A, %swap3A_42], %swap3A_45 {strides = array<i32>} : memref<128x128xf32, #tpu.memory_space<vmem>>, vector<1x16xf32>,
      %broadcast_in_dim3A_46 = arith.constant 0.000000e+00 : f32
      %broadcast_in_dim3A_47 = vector.broadcast %broadcast_in_dim3A_46 : f32 to vector<16xf32>
      %swap3A_48 = arith.index_cast %add3A_40 : i32 to index
      %swap3A_49 = arith.constant 16 : index
      %swap3A_50 = tpu.vector_load %arg8[%swap3A_48, %swap3A_49] {strides = array<i32>} : memref<128x128xf32, #tpu.memory_space<vmem>>, vector<1x16xf32>,
      %swap3A_51 = vector.shape_cast %swap3A_50 : vector<1x16xf32> to vector<16xf32>
      %swap3A_52 = vector.shape_cast %broadcast_in_dim3A_47 : vector<16xf32> to vector<1x16xf32>
      tpu.vector_store %arg8[%swap3A_48, %swap3A_49], %swap3A_52 {strides = array<i32>} : memref<128x128xf32, #tpu.memory_space<vmem>>, vector<1x16xf32>,
      %broadcast_in_dim3A_53 = arith.constant 0.000000e+00 : f32
      %broadcast_in_dim3A_54 = vector.broadcast %broadcast_in_dim3A_53 : f32 to vector<16xf32>
      %swap3A_55 = arith.index_cast %add3A_40 : i32 to index
      %swap3A_56 = arith.constant 32 : index
      %swap3A_57 = tpu.vector_load %arg8[%swap3A_55, %swap3A_56] {strides = array<i32>} : memref<128x128xf32, #tpu.memory_space<vmem>>, vector<1x16xf32>,
      %swap3A_58 = vector.shape_cast %swap3A_57 : vector<1x16xf32> to vector<16xf32>
      %swap3A_59 = vector.shape_cast %broadcast_in_dim3A_54 : vector<16xf32> to vector<1x16xf32>
      tpu.vector_store %arg8[%swap3A_55, %swap3A_56], %swap3A_59 {strides = array<i32>} : memref<128x128xf32, #tpu.memory_space<vmem>>, vector<1x16xf32>,
      %broadcast_in_dim3A_60 = arith.constant 0.000000e+00 : f32
      %broadcast_in_dim3A_61 = vector.broadcast %broadcast_in_dim3A_60 : f32 to vector<16xf32>
      %swap3A_62 = arith.index_cast %add3A_40 : i32 to index
      %swap3A_63 = arith.constant 48 : index
      %swap3A_64 = tpu.vector_load %arg8[%swap3A_62, %swap3A_63] {strides = array<i32>} : memref<128x128xf32, #tpu.memory_space<vmem>>, vector<1x16xf32>,
      %swap3A_65 = vector.shape_cast %swap3A_64 : vector<1x16xf32> to vector<16xf32>
      %swap3A_66 = vector.shape_cast %broadcast_in_dim3A_61 : vector<16xf32> to vector<1x16xf32>
      tpu.vector_store %arg8[%swap3A_62, %swap3A_63], %swap3A_66 {strides = array<i32>} : memref<128x128xf32, #tpu.memory_space<vmem>>, vector<1x16xf32>,
      %broadcast_in_dim3A_67 = arith.constant 0.000000e+00 : f32
      %broadcast_in_dim3A_68 = vector.broadcast %broadcast_in_dim3A_67 : f32 to vector<16xf32>
      %swap3A_69 = arith.index_cast %add3A_40 : i32 to index
      %swap3A_70 = arith.constant 64 : index
      %swap3A_71 = tpu.vector_load %arg8[%swap3A_69, %swap3A_70] {strides = array<i32>} : memref<128x128xf32, #tpu.memory_space<vmem>>, vector<1x16xf32>,
      %swap3A_72 = vector.shape_cast %swap3A_71 : vector<1x16xf32> to vector<16xf32>
      %swap3A_73 = vector.shape_cast %broadcast_in_dim3A_68 : vector<16xf32> to vector<1x16xf32>
      tpu.vector_store %arg8[%swap3A_69, %swap3A_70], %swap3A_73 {strides = array<i32>} : memref<128x128xf32, #tpu.memory_space<vmem>>, vector<1x16xf32>,
      %broadcast_in_dim3A_74 = arith.constant 0.000000e+00 : f32
      %broadcast_in_dim3A_75 = vector.broadcast %broadcast_in_dim3A_74 : f32 to vector<16xf32>
      %swap3A_76 = arith.index_cast %add3A_40 : i32 to index
      %swap3A_77 = arith.constant 80 : index
      %swap3A_78 = tpu.vector_load %arg8[%swap3A_76, %swap3A_77] {strides = array<i32>} : memref<128x128xf32, #tpu.memory_space<vmem>>, vector<1x16xf32>,
      %swap3A_79 = vector.shape_cast %swap3A_78 : vector<1x16xf32> to vector<16xf32>
      %swap3A_80 = vector.shape_cast %broadcast_in_dim3A_75 : vector<16xf32> to vector<1x16xf32>
      tpu.vector_store %arg8[%swap3A_76, %swap3A_77], %swap3A_80 {strides = array<i32>} : memref<128x128xf32, #tpu.memory_space<vmem>>, vector<1x16xf32>,
      %broadcast_in_dim3A_81 = arith.constant 0.000000e+00 : f32
      %broadcast_in_dim3A_82 = vector.broadcast %broadcast_in_dim3A_81 : f32 to vector<16xf32>
      %swap3A_83 = arith.index_cast %add3A_40 : i32 to index
      %swap3A_84 = arith.constant 96 : index
      %swap3A_85 = tpu.vector_load %arg8[%swap3A_83, %swap3A_84] {strides = array<i32>} : memref<128x128xf32, #tpu.memory_space<vmem>>, vector<1x16xf32>,
      %swap3A_86 = vector.shape_cast %swap3A_85 : vector<1x16xf32> to vector<16xf32>
      %swap3A_87 = vector.shape_cast %broadcast_in_dim3A_82 : vector<16xf32> to vector<1x16xf32>
      tpu.vector_store %arg8[%swap3A_83, %swap3A_84], %swap3A_87 {strides = array<i32>} : memref<128x128xf32, #tpu.memory_space<vmem>>, vector<1x16xf32>,
      %broadcast_in_dim3A_88 = arith.constant 0.000000e+00 : f32
      %broadcast_in_dim3A_89 = vector.broadcast %broadcast_in_dim3A_88 : f32 to vector<16xf32>
      %swap3A_90 = arith.index_cast %add3A_40 : i32 to index
      %swap3A_91 = arith.constant 112 : index
      %swap3A_92 = tpu.vector_load %arg8[%swap3A_90, %swap3A_91] {strides = array<i32>} : memref<128x128xf32, #tpu.memory_space<vmem>>, vector<1x16xf32>,
      %swap3A_93 = vector.shape_cast %swap3A_92 : vector<1x16xf32> to vector<16xf32>
      %swap3A_94 = vector.shape_cast %broadcast_in_dim3A_89 : vector<16xf32> to vector<1x16xf32>
      tpu.vector_store %arg8[%swap3A_90, %swap3A_91], %swap3A_94 {strides = array<i32>} : memref<128x128xf32, #tpu.memory_space<vmem>>, vector<1x16xf32>,
    }
    %scan3A_3 = arith.constant 128 : i32
    %scan3A_4 = arith.constant 0 : i32
    %scan3A_5 = arith.constant 5 : i32
    %scan3A_6 = arith.addi %scan3A_4, %scan3A_5 : i32
    %scan3A_7 = arith.constant 1 : i32
    scf.for %scan3A_37 = %scan3A_4 to %scan3A_6 step %scan3A_7  : i32 {
      %mul3A_38 = arith.constant 1 : i32
      %mul3A_39 = arith.muli %scan3A_37, %mul3A_38 : i32
      %add3A = arith.constant 0 : i32
      %add3A_40 = arith.addi %add3A, %mul3A_39 : i32
      %mul3A_41 = arith.constant 640 : i32
      %mul3A_42 = arith.muli %arg1, %mul3A_41 : i32
      %mul3A_43 = arith.constant 128 : i32
      %mul3A_44 = arith.muli %add3A_40, %mul3A_43 : i32
      %add3A_45 = arith.addi %mul3A_42, %mul3A_44 : i32
      "tpu.region"() ({
        %run_scoped3A_46 = tpu.sem_alloc : memref<!tpu.dma_semaphore, #tpu.memory_space<semaphore_mem>>
        %dma_start3A = arith.constant 0 : i32
        %dma_start3A_47 = tpu.memref_slice %arg12[%add3A_45, %dma_start3A] : memref<10240x128xf32, #tpu.memory_space<vmem_shared>> -> memref<128x128xf32, #tpu.memory_space<vmem_shared>>
        %dma_start3A_48 = arith.constant 0 : i32
        %dma_start3A_49 = tpu.memref_slice %arg12[%add3A_45, %dma_start3A_48] : memref<10240x128xf32, #tpu.memory_space<vmem_shared>> -> memref<128x128xf32, #tpu.memory_space<vmem_shared>>
        tpu.enqueue_dma source(%arg8 : memref<128x128xf32, #tpu.memory_space<vmem>>) target(%dma_start3A_49 : memref<128x128xf32, #tpu.memory_space<vmem_shared>>) target_semaphore(%run_scoped3A_46 : memref<!tpu.dma_semaphore, #tpu.memory_space<semaphore_mem>>)
        %dma_wait3A_50 = arith.constant 0 : i32
        %dma_wait3A_51 = tpu.memref_slice %arg12[%add3A_45, %dma_wait3A_50] : memref<10240x128xf32, #tpu.memory_space<vmem_shared>> -> memref<128x128xf32, #tpu.memory_space<vmem_shared>>
        %dma_wait3A_52 = arith.constant 0 : i32
        %dma_wait3A_53 = tpu.memref_slice %arg12[%add3A_45, %dma_wait3A_52] : memref<10240x128xf32, #tpu.memory_space<vmem_shared>> -> memref<128x128xf32, #tpu.memory_space<vmem_shared>>
        tpu.wait_dma2 semaphore(%run_scoped3A_46 : memref<!tpu.dma_semaphore, #tpu.memory_space<semaphore_mem>>) src(%arg8 : memref<128x128xf32, #tpu.memory_space<vmem>>) dst(%dma_wait3A_53 : memref<128x128xf32, #tpu.memory_space<vmem_shared>>)
        tpu.yield
      }) : () -> ()
    }
    %scan3A_8 = arith.constant 5 : i32
    %barrier3A = arith.constant 0 : index
    tpu.barrier barrier_id(%barrier3A)
    "tpu.region"() ({
      %run_scoped3A_37 = tpu.sem_alloc : memref<!tpu.dma_semaphore, #tpu.memory_space<semaphore_mem>>
      %dma_start3A = arith.constant 0 : i32
      %dma_start3A_38 = arith.constant 0 : i32
      %dma_start3A_39 = tpu.memref_slice %arg4[%arg0, %arg1, %dma_start3A, %dma_start3A_38] : memref<2x16x80x128xi32, #tpu.memory_space<hbm>> -> memref<1x1x80x128xi32, #tpu.memory_space<hbm>>
      %dma_start3A_40 = tpu.memref_squeeze %dma_start3A_39 : memref<1x1x80x128xi32, #tpu.memory_space<hbm>> -> memref<80x128xi32, #tpu.memory_space<hbm>>
      %dma_start3A_41 = arith.constant 0 : i32
      %dma_start3A_42 = arith.constant 0 : i32
      %dma_start3A_43 = tpu.memref_slice %arg4[%arg0, %arg1, %dma_start3A_41, %dma_start3A_42] : memref<2x16x80x128xi32, #tpu.memory_space<hbm>> -> memref<1x1x80x128xi32, #tpu.memory_space<hbm>>
      %dma_start3A_44 = tpu.memref_squeeze %dma_start3A_43 : memref<1x1x80x128xi32, #tpu.memory_space<hbm>> -> memref<80x128xi32, #tpu.memory_space<hbm>>
      tpu.enqueue_dma source(%dma_start3A_44 : memref<80x128xi32, #tpu.memory_space<hbm>>) target(%arg7 : memref<80x128xi32, #tpu.memory_space<vmem>>) target_semaphore(%run_scoped3A_37 : memref<!tpu.dma_semaphore, #tpu.memory_space<semaphore_mem>>)
      %dma_wait3A_45 = arith.constant 0 : i32
      %dma_wait3A_46 = arith.constant 0 : i32
      %dma_wait3A_47 = tpu.memref_slice %arg4[%arg0, %arg1, %dma_wait3A_45, %dma_wait3A_46] : memref<2x16x80x128xi32, #tpu.memory_space<hbm>> -> memref<1x1x80x128xi32, #tpu.memory_space<hbm>>
      %dma_wait3A_48 = tpu.memref_squeeze %dma_wait3A_47 : memref<1x1x80x128xi32, #tpu.memory_space<hbm>> -> memref<80x128xi32, #tpu.memory_space<hbm>>
      %dma_wait3A_49 = arith.constant 0 : i32
      %dma_wait3A_50 = arith.constant 0 : i32
      %dma_wait3A_51 = tpu.memref_slice %arg4[%arg0, %arg1, %dma_wait3A_49, %dma_wait3A_50] : memref<2x16x80x128xi32, #tpu.memory_space<hbm>> -> memref<1x1x80x128xi32, #tpu.memory_space<hbm>>
      %dma_wait3A_52 = tpu.memref_squeeze %dma_wait3A_51 : memref<1x1x80x128xi32, #tpu.memory_space<hbm>> -> memref<80x128xi32, #tpu.memory_space<hbm>>
      tpu.wait_dma2 semaphore(%run_scoped3A_37 : memref<!tpu.dma_semaphore, #tpu.memory_space<semaphore_mem>>) src(%dma_wait3A_52 : memref<80x128xi32, #tpu.memory_space<hbm>>) dst(%arg7 : memref<80x128xi32, #tpu.memory_space<vmem>>)
      tpu.yield
    }) : () -> ()
    %run_scoped3A = arith.constant 0 : i32
    "tpu.region"() ({
      %run_scoped3A_37 = tpu.sem_alloc : memref<!tpu.dma_semaphore, #tpu.memory_space<semaphore_mem>>
      %dma_start3A = arith.constant 0 : i32
      %dma_start3A_38 = arith.constant 0 : i32
      %dma_start3A_39 = tpu.memref_slice %arg3[%arg0, %arg1, %run_scoped3A, %dma_start3A, %dma_start3A_38] : memref<2x16x2x40x128xi32, #tpu.memory_space<hbm>> -> memref<1x1x1x40x128xi32, #tpu.memory_space<hbm>>
      %dma_start3A_40 = tpu.memref_squeeze %dma_start3A_39 : memref<1x1x1x40x128xi32, #tpu.memory_space<hbm>> -> memref<40x128xi32, #tpu.memory_space<hbm>>
      %dma_start3A_41 = arith.constant 0 : i32
      %dma_start3A_42 = arith.constant 0 : i32
      %dma_start3A_43 = tpu.memref_slice %arg3[%arg0, %arg1, %run_scoped3A, %dma_start3A_41, %dma_start3A_42] : memref<2x16x2x40x128xi32, #tpu.memory_space<hbm>> -> memref<1x1x1x40x128xi32, #tpu.memory_space<hbm>>
      %dma_start3A_44 = tpu.memref_squeeze %dma_start3A_43 : memref<1x1x1x40x128xi32, #tpu.memory_space<hbm>> -> memref<40x128xi32, #tpu.memory_space<hbm>>
      tpu.enqueue_dma source(%dma_start3A_44 : memref<40x128xi32, #tpu.memory_space<hbm>>) target(%arg6 : memref<40x128xi32, #tpu.memory_space<vmem>>) target_semaphore(%run_scoped3A_37 : memref<!tpu.dma_semaphore, #tpu.memory_space<semaphore_mem>>)
      %dma_wait3A_45 = arith.constant 0 : i32
      %dma_wait3A_46 = arith.constant 0 : i32
      %dma_wait3A_47 = tpu.memref_slice %arg3[%arg0, %arg1, %run_scoped3A, %dma_wait3A_45, %dma_wait3A_46] : memref<2x16x2x40x128xi32, #tpu.memory_space<hbm>> -> memref<1x1x1x40x128xi32, #tpu.memory_space<hbm>>
      %dma_wait3A_48 = tpu.memref_squeeze %dma_wait3A_47 : memref<1x1x1x40x128xi32, #tpu.memory_space<hbm>> -> memref<40x128xi32, #tpu.memory_space<hbm>>
      %dma_wait3A_49 = arith.constant 0 : i32
      %dma_wait3A_50 = arith.constant 0 : i32
      %dma_wait3A_51 = tpu.memref_slice %arg3[%arg0, %arg1, %run_scoped3A, %dma_wait3A_49, %dma_wait3A_50] : memref<2x16x2x40x128xi32, #tpu.memory_space<hbm>> -> memref<1x1x1x40x128xi32, #tpu.memory_space<hbm>>
      %dma_wait3A_52 = tpu.memref_squeeze %dma_wait3A_51 : memref<1x1x1x40x128xi32, #tpu.memory_space<hbm>> -> memref<40x128xi32, #tpu.memory_space<hbm>>
      tpu.wait_dma2 semaphore(%run_scoped3A_37 : memref<!tpu.dma_semaphore, #tpu.memory_space<semaphore_mem>>) src(%dma_wait3A_52 : memref<40x128xi32, #tpu.memory_space<hbm>>) dst(%arg6 : memref<40x128xi32, #tpu.memory_space<vmem>>)
      tpu.yield
    }) : () -> ()
    %scan3A_9 = arith.constant 0 : i32
    %scan3A_10 = arith.constant 20 : i32
    %scan3A_11 = arith.addi %scan3A_9, %scan3A_10 : i32
    %scan3A_12 = arith.constant 1 : i32
    scf.for %scan3A_37 = %scan3A_9 to %scan3A_11 step %scan3A_12  : i32 {
      %mul3A_38 = arith.constant 1 : i32
      %mul3A_39 = arith.muli %scan3A_37, %mul3A_38 : i32
      %add3A = arith.constant 0 : i32
      %add3A_40 = arith.addi %add3A, %mul3A_39 : i32
      %mul3A_41 = arith.constant 2 : i32
      %mul3A_42 = arith.muli %add3A_40, %mul3A_41 : i32
      %add3A_43 = arith.constant 0 : i32
      %add3A_44 = arith.addi %mul3A_42, %add3A_43 : i32
      %gt3A = arith.constant 0 : i32
      %gt3A_45 = arith.cmpi sgt, %add3A_40, %gt3A : i32
      %convert_element_type3A = arith.extui %gt3A_45 : i1 to i32
      %cond3A = arith.constant 0 : i32
      %cond3A_46 = arith.cmpi ne, %convert_element_type3A, %cond3A : i32
      scf.if %cond3A_46 {
        %dma_wait3A_71 = arith.constant 0 : i32
        %dma_wait3A_72 = arith.constant 0 : i32
        %dma_wait3A_73 = tpu.memref_slice %arg6[%dma_wait3A_71, %dma_wait3A_72] : memref<40x128xi32, #tpu.memory_space<vmem>> -> memref<1x128xi32, #tpu.memory_space<vmem>>
        %dma_wait3A_74 = tpu.memref_squeeze %dma_wait3A_73 : memref<1x128xi32, #tpu.memory_space<vmem>> -> memref<128xi32, #tpu.memory_space<vmem>>
        %dma_wait3A_75 = arith.constant 0 : i32
        %dma_wait3A_76 = arith.constant 0 : i32
        %dma_wait3A_77 = tpu.memref_slice %arg2[%dma_wait3A_75, %dma_wait3A_76] : memref<10000x128xf32, #tpu.memory_space<hbm>> -> memref<10000x128xf32, #tpu.memory_space<hbm>>
        tpu.wait_indirect_dma semaphore(%arg10 : memref<!tpu.dma_semaphore, #tpu.memory_space<semaphore_mem>>) src(%dma_wait3A_77 : memref<10000x128xf32, #tpu.memory_space<hbm>>) dst(%arg8 : memref<128x128xf32, #tpu.memory_space<vmem>>)
      } else {
      }
      "tpu.region"() ({
        %run_scoped3A_71 = tpu.sem_alloc : memref<!tpu.dma_semaphore, #tpu.memory_space<semaphore_mem>>
        %dma_start3A_72 = arith.constant 0 : i32
        %dma_start3A_73 = tpu.memref_slice %arg6[%add3A_44, %dma_start3A_72] : memref<40x128xi32, #tpu.memory_space<vmem>> -> memref<1x128xi32, #tpu.memory_space<vmem>>
        %dma_start3A_74 = tpu.memref_squeeze %dma_start3A_73 : memref<1x128xi32, #tpu.memory_space<vmem>> -> memref<128xi32, #tpu.memory_space<vmem>>
        %dma_start3A_75 = arith.constant 0 : i32
        %dma_start3A_76 = arith.constant 0 : i32
        %dma_start3A_77 = tpu.memref_slice %arg2[%dma_start3A_75, %dma_start3A_76] : memref<10000x128xf32, #tpu.memory_space<hbm>> -> memref<10000x128xf32, #tpu.memory_space<hbm>>
        tpu.enqueue_indirect_dma source(%dma_start3A_77 : memref<10000x128xf32, #tpu.memory_space<hbm>>) target(%arg8 : memref<128x128xf32, #tpu.memory_space<vmem>>) offsets(%dma_start3A_74 : memref<128xi32, #tpu.memory_space<vmem>>) semaphore(%run_scoped3A_71 : memref<!tpu.dma_semaphore, #tpu.memory_space<semaphore_mem>>)
        %dma_wait3A_78 = arith.constant 0 : i32
        %dma_wait3A_79 = tpu.memref_slice %arg6[%add3A_44, %dma_wait3A_78] : memref<40x128xi32, #tpu.memory_space<vmem>> -> memref<1x128xi32, #tpu.memory_space<vmem>>
        %dma_wait3A_80 = tpu.memref_squeeze %dma_wait3A_79 : memref<1x128xi32, #tpu.memory_space<vmem>> -> memref<128xi32, #tpu.memory_space<vmem>>
        %dma_wait3A_81 = arith.constant 0 : i32
        %dma_wait3A_82 = arith.constant 0 : i32
        %dma_wait3A_83 = tpu.memref_slice %arg2[%dma_wait3A_81, %dma_wait3A_82] : memref<10000x128xf32, #tpu.memory_space<hbm>> -> memref<10000x128xf32, #tpu.memory_space<hbm>>
        tpu.wait_indirect_dma semaphore(%run_scoped3A_71 : memref<!tpu.dma_semaphore, #tpu.memory_space<semaphore_mem>>) src(%dma_wait3A_83 : memref<10000x128xf32, #tpu.memory_space<hbm>>) dst(%arg8 : memref<128x128xf32, #tpu.memory_space<vmem>>)
        tpu.yield
      }) : () -> ()
      %add3A_47 = arith.constant 0 : i32
      %add3A_48 = arith.addi %add3A_47, %add3A_44 : i32
      %dma_start3A = arith.constant 0 : i32
      %dma_start3A_49 = tpu.memref_slice %arg7[%add3A_48, %dma_start3A] : memref<80x128xi32, #tpu.memory_space<vmem>> -> memref<1x128xi32, #tpu.memory_space<vmem>>
      %dma_start3A_50 = tpu.memref_squeeze %dma_start3A_49 : memref<1x128xi32, #tpu.memory_space<vmem>> -> memref<128xi32, #tpu.memory_space<vmem>>
      %dma_start3A_51 = arith.constant 0 : i32
      %dma_start3A_52 = arith.constant 0 : i32
      %dma_start3A_53 = tpu.memref_slice %arg12[%dma_start3A_51, %dma_start3A_52] : memref<10240x128xf32, #tpu.memory_space<vmem_shared>> -> memref<10240x128xf32, #tpu.memory_space<vmem_shared>>
      tpu.enqueue_indirect_dma source(%arg8 : memref<128x128xf32, #tpu.memory_space<vmem>>) target(%dma_start3A_53 : memref<10240x128xf32, #tpu.memory_space<vmem_shared>>) offsets(%dma_start3A_50 : memref<128xi32, #tpu.memory_space<vmem>>) semaphore(%arg10 : memref<!tpu.dma_semaphore, #tpu.memory_space<semaphore_mem>>) {add = true}
      %mul3A_54 = arith.constant 2 : i32
      %mul3A_55 = arith.muli %add3A_40, %mul3A_54 : i32
      %add3A_56 = arith.constant 1 : i32
      %add3A_57 = arith.addi %mul3A_55, %add3A_56 : i32
      %gt3A_58 = arith.constant 0 : i32
      %gt3A_59 = arith.cmpi sgt, %add3A_40, %gt3A_58 : i32
      %convert_element_type3A_60 = arith.extui %gt3A_59 : i1 to i32
      %cond3A_61 = arith.constant 0 : i32
      %cond3A_62 = arith.cmpi ne, %convert_element_type3A_60, %cond3A_61 : i32
      scf.if %cond3A_62 {
        %dma_wait3A_71 = arith.constant 0 : i32
        %dma_wait3A_72 = arith.constant 0 : i32
        %dma_wait3A_73 = tpu.memref_slice %arg6[%dma_wait3A_71, %dma_wait3A_72] : memref<40x128xi32, #tpu.memory_space<vmem>> -> memref<1x128xi32, #tpu.memory_space<vmem>>
        %dma_wait3A_74 = tpu.memref_squeeze %dma_wait3A_73 : memref<1x128xi32, #tpu.memory_space<vmem>> -> memref<128xi32, #tpu.memory_space<vmem>>
        %dma_wait3A_75 = arith.constant 0 : i32
        %dma_wait3A_76 = arith.constant 0 : i32
        %dma_wait3A_77 = tpu.memref_slice %arg2[%dma_wait3A_75, %dma_wait3A_76] : memref<10000x128xf32, #tpu.memory_space<hbm>> -> memref<10000x128xf32, #tpu.memory_space<hbm>>
        tpu.wait_indirect_dma semaphore(%arg11 : memref<!tpu.dma_semaphore, #tpu.memory_space<semaphore_mem>>) src(%dma_wait3A_77 : memref<10000x128xf32, #tpu.memory_space<hbm>>) dst(%arg9 : memref<128x128xf32, #tpu.memory_space<vmem>>)
      } else {
      }
      "tpu.region"() ({
        %run_scoped3A_71 = tpu.sem_alloc : memref<!tpu.dma_semaphore, #tpu.memory_space<semaphore_mem>>
        %dma_start3A_72 = arith.constant 0 : i32
        %dma_start3A_73 = tpu.memref_slice %arg6[%add3A_57, %dma_start3A_72] : memref<40x128xi32, #tpu.memory_space<vmem>> -> memref<1x128xi32, #tpu.memory_space<vmem>>
        %dma_start3A_74 = tpu.memref_squeeze %dma_start3A_73 : memref<1x128xi32, #tpu.memory_space<vmem>> -> memref<128xi32, #tpu.memory_space<vmem>>
        %dma_start3A_75 = arith.constant 0 : i32
        %dma_start3A_76 = arith.constant 0 : i32
        %dma_start3A_77 = tpu.memref_slice %arg2[%dma_start3A_75, %dma_start3A_76] : memref<10000x128xf32, #tpu.memory_space<hbm>> -> memref<10000x128xf32, #tpu.memory_space<hbm>>
        tpu.enqueue_indirect_dma source(%dma_start3A_77 : memref<10000x128xf32, #tpu.memory_space<hbm>>) target(%arg9 : memref<128x128xf32, #tpu.memory_space<vmem>>) offsets(%dma_start3A_74 : memref<128xi32, #tpu.memory_space<vmem>>) semaphore(%run_scoped3A_71 : memref<!tpu.dma_semaphore, #tpu.memory_space<semaphore_mem>>)
        %dma_wait3A_78 = arith.constant 0 : i32
        %dma_wait3A_79 = tpu.memref_slice %arg6[%add3A_57, %dma_wait3A_78] : memref<40x128xi32, #tpu.memory_space<vmem>> -> memref<1x128xi32, #tpu.memory_space<vmem>>
        %dma_wait3A_80 = tpu.memref_squeeze %dma_wait3A_79 : memref<1x128xi32, #tpu.memory_space<vmem>> -> memref<128xi32, #tpu.memory_space<vmem>>
        %dma_wait3A_81 = arith.constant 0 : i32
        %dma_wait3A_82 = arith.constant 0 : i32
        %dma_wait3A_83 = tpu.memref_slice %arg2[%dma_wait3A_81, %dma_wait3A_82] : memref<10000x128xf32, #tpu.memory_space<hbm>> -> memref<10000x128xf32, #tpu.memory_space<hbm>>
        tpu.wait_indirect_dma semaphore(%run_scoped3A_71 : memref<!tpu.dma_semaphore, #tpu.memory_space<semaphore_mem>>) src(%dma_wait3A_83 : memref<10000x128xf32, #tpu.memory_space<hbm>>) dst(%arg9 : memref<128x128xf32, #tpu.memory_space<vmem>>)
        tpu.yield
      }) : () -> ()
      %add3A_63 = arith.constant 0 : i32
      %add3A_64 = arith.addi %add3A_63, %add3A_57 : i32
      %dma_start3A_65 = arith.constant 0 : i32
      %dma_start3A_66 = tpu.memref_slice %arg7[%add3A_64, %dma_start3A_65] : memref<80x128xi32, #tpu.memory_space<vmem>> -> memref<1x128xi32, #tpu.memory_space<vmem>>
      %dma_start3A_67 = tpu.memref_squeeze %dma_start3A_66 : memref<1x128xi32, #tpu.memory_space<vmem>> -> memref<128xi32, #tpu.memory_space<vmem>>
      %dma_start3A_68 = arith.constant 0 : i32
      %dma_start3A_69 = arith.constant 0 : i32
      %dma_start3A_70 = tpu.memref_slice %arg12[%dma_start3A_68, %dma_start3A_69] : memref<10240x128xf32, #tpu.memory_space<vmem_shared>> -> memref<10240x128xf32, #tpu.memory_space<vmem_shared>>
      tpu.enqueue_indirect_dma source(%arg9 : memref<128x128xf32, #tpu.memory_space<vmem>>) target(%dma_start3A_70 : memref<10240x128xf32, #tpu.memory_space<vmem_shared>>) offsets(%dma_start3A_67 : memref<128xi32, #tpu.memory_space<vmem>>) semaphore(%arg11 : memref<!tpu.dma_semaphore, #tpu.memory_space<semaphore_mem>>) {add = true}
    }
    %scan3A_13 = arith.constant 20 : i32
    %run_scoped3A_14 = arith.constant 1 : i32
    "tpu.region"() ({
      %run_scoped3A_37 = tpu.sem_alloc : memref<!tpu.dma_semaphore, #tpu.memory_space<semaphore_mem>>
      %dma_start3A = arith.constant 0 : i32
      %dma_start3A_38 = arith.constant 0 : i32
      %dma_start3A_39 = tpu.memref_slice %arg3[%arg0, %arg1, %run_scoped3A_14, %dma_start3A, %dma_start3A_38] : memref<2x16x2x40x128xi32, #tpu.memory_space<hbm>> -> memref<1x1x1x40x128xi32, #tpu.memory_space<hbm>>
      %dma_start3A_40 = tpu.memref_squeeze %dma_start3A_39 : memref<1x1x1x40x128xi32, #tpu.memory_space<hbm>> -> memref<40x128xi32, #tpu.memory_space<hbm>>
      %dma_start3A_41 = arith.constant 0 : i32
      %dma_start3A_42 = arith.constant 0 : i32
      %dma_start3A_43 = tpu.memref_slice %arg3[%arg0, %arg1, %run_scoped3A_14, %dma_start3A_41, %dma_start3A_42] : memref<2x16x2x40x128xi32, #tpu.memory_space<hbm>> -> memref<1x1x1x40x128xi32, #tpu.memory_space<hbm>>
      %dma_start3A_44 = tpu.memref_squeeze %dma_start3A_43 : memref<1x1x1x40x128xi32, #tpu.memory_space<hbm>> -> memref<40x128xi32, #tpu.memory_space<hbm>>
      tpu.enqueue_dma source(%dma_start3A_44 : memref<40x128xi32, #tpu.memory_space<hbm>>) target(%arg6 : memref<40x128xi32, #tpu.memory_space<vmem>>) target_semaphore(%run_scoped3A_37 : memref<!tpu.dma_semaphore, #tpu.memory_space<semaphore_mem>>)
      %dma_wait3A_45 = arith.constant 0 : i32
      %dma_wait3A_46 = arith.constant 0 : i32
      %dma_wait3A_47 = tpu.memref_slice %arg3[%arg0, %arg1, %run_scoped3A_14, %dma_wait3A_45, %dma_wait3A_46] : memref<2x16x2x40x128xi32, #tpu.memory_space<hbm>> -> memref<1x1x1x40x128xi32, #tpu.memory_space<hbm>>
      %dma_wait3A_48 = tpu.memref_squeeze %dma_wait3A_47 : memref<1x1x1x40x128xi32, #tpu.memory_space<hbm>> -> memref<40x128xi32, #tpu.memory_space<hbm>>
      %dma_wait3A_49 = arith.constant 0 : i32
      %dma_wait3A_50 = arith.constant 0 : i32
      %dma_wait3A_51 = tpu.memref_slice %arg3[%arg0, %arg1, %run_scoped3A_14, %dma_wait3A_49, %dma_wait3A_50] : memref<2x16x2x40x128xi32, #tpu.memory_space<hbm>> -> memref<1x1x1x40x128xi32, #tpu.memory_space<hbm>>
      %dma_wait3A_52 = tpu.memref_squeeze %dma_wait3A_51 : memref<1x1x1x40x128xi32, #tpu.memory_space<hbm>> -> memref<40x128xi32, #tpu.memory_space<hbm>>
      tpu.wait_dma2 semaphore(%run_scoped3A_37 : memref<!tpu.dma_semaphore, #tpu.memory_space<semaphore_mem>>) src(%dma_wait3A_52 : memref<40x128xi32, #tpu.memory_space<hbm>>) dst(%arg6 : memref<40x128xi32, #tpu.memory_space<vmem>>)
      tpu.yield
    }) : () -> ()
    %scan3A_15 = arith.constant 0 : i32
    %scan3A_16 = arith.constant 20 : i32
    %scan3A_17 = arith.addi %scan3A_15, %scan3A_16 : i32
    %scan3A_18 = arith.constant 1 : i32
    scf.for %scan3A_37 = %scan3A_15 to %scan3A_17 step %scan3A_18  : i32 {
      %mul3A_38 = arith.constant 1 : i32
      %mul3A_39 = arith.muli %scan3A_37, %mul3A_38 : i32
      %add3A = arith.constant 0 : i32
      %add3A_40 = arith.addi %add3A, %mul3A_39 : i32
      %mul3A_41 = arith.constant 2 : i32
      %mul3A_42 = arith.muli %add3A_40, %mul3A_41 : i32
      %add3A_43 = arith.constant 0 : i32
      %add3A_44 = arith.addi %mul3A_42, %add3A_43 : i32
      %dma_wait3A_45 = arith.constant 0 : i32
      %dma_wait3A_46 = arith.constant 0 : i32
      %dma_wait3A_47 = tpu.memref_slice %arg6[%dma_wait3A_45, %dma_wait3A_46] : memref<40x128xi32, #tpu.memory_space<vmem>> -> memref<1x128xi32, #tpu.memory_space<vmem>>
      %dma_wait3A_48 = tpu.memref_squeeze %dma_wait3A_47 : memref<1x128xi32, #tpu.memory_space<vmem>> -> memref<128xi32, #tpu.memory_space<vmem>>
      %dma_wait3A_49 = arith.constant 0 : i32
      %dma_wait3A_50 = arith.constant 0 : i32
      %dma_wait3A_51 = tpu.memref_slice %arg2[%dma_wait3A_49, %dma_wait3A_50] : memref<10000x128xf32, #tpu.memory_space<hbm>> -> memref<10000x128xf32, #tpu.memory_space<hbm>>
      tpu.wait_indirect_dma semaphore(%arg10 : memref<!tpu.dma_semaphore, #tpu.memory_space<semaphore_mem>>) src(%dma_wait3A_51 : memref<10000x128xf32, #tpu.memory_space<hbm>>) dst(%arg8 : memref<128x128xf32, #tpu.memory_space<vmem>>)
      "tpu.region"() ({
        %run_scoped3A_78 = tpu.sem_alloc : memref<!tpu.dma_semaphore, #tpu.memory_space<semaphore_mem>>
        %dma_start3A_79 = arith.constant 0 : i32
        %dma_start3A_80 = tpu.memref_slice %arg6[%add3A_44, %dma_start3A_79] : memref<40x128xi32, #tpu.memory_space<vmem>> -> memref<1x128xi32, #tpu.memory_space<vmem>>
        %dma_start3A_81 = tpu.memref_squeeze %dma_start3A_80 : memref<1x128xi32, #tpu.memory_space<vmem>> -> memref<128xi32, #tpu.memory_space<vmem>>
        %dma_start3A_82 = arith.constant 0 : i32
        %dma_start3A_83 = arith.constant 0 : i32
        %dma_start3A_84 = tpu.memref_slice %arg2[%dma_start3A_82, %dma_start3A_83] : memref<10000x128xf32, #tpu.memory_space<hbm>> -> memref<10000x128xf32, #tpu.memory_space<hbm>>
        tpu.enqueue_indirect_dma source(%dma_start3A_84 : memref<10000x128xf32, #tpu.memory_space<hbm>>) target(%arg8 : memref<128x128xf32, #tpu.memory_space<vmem>>) offsets(%dma_start3A_81 : memref<128xi32, #tpu.memory_space<vmem>>) semaphore(%run_scoped3A_78 : memref<!tpu.dma_semaphore, #tpu.memory_space<semaphore_mem>>)
        %dma_wait3A_85 = arith.constant 0 : i32
        %dma_wait3A_86 = tpu.memref_slice %arg6[%add3A_44, %dma_wait3A_85] : memref<40x128xi32, #tpu.memory_space<vmem>> -> memref<1x128xi32, #tpu.memory_space<vmem>>
        %dma_wait3A_87 = tpu.memref_squeeze %dma_wait3A_86 : memref<1x128xi32, #tpu.memory_space<vmem>> -> memref<128xi32, #tpu.memory_space<vmem>>
        %dma_wait3A_88 = arith.constant 0 : i32
        %dma_wait3A_89 = arith.constant 0 : i32
        %dma_wait3A_90 = tpu.memref_slice %arg2[%dma_wait3A_88, %dma_wait3A_89] : memref<10000x128xf32, #tpu.memory_space<hbm>> -> memref<10000x128xf32, #tpu.memory_space<hbm>>
        tpu.wait_indirect_dma semaphore(%run_scoped3A_78 : memref<!tpu.dma_semaphore, #tpu.memory_space<semaphore_mem>>) src(%dma_wait3A_90 : memref<10000x128xf32, #tpu.memory_space<hbm>>) dst(%arg8 : memref<128x128xf32, #tpu.memory_space<vmem>>)
        tpu.yield
      }) : () -> ()
      %add3A_52 = arith.constant 40 : i32
      %add3A_53 = arith.addi %add3A_52, %add3A_44 : i32
      %dma_start3A = arith.constant 0 : i32
      %dma_start3A_54 = tpu.memref_slice %arg7[%add3A_53, %dma_start3A] : memref<80x128xi32, #tpu.memory_space<vmem>> -> memref<1x128xi32, #tpu.memory_space<vmem>>
      %dma_start3A_55 = tpu.memref_squeeze %dma_start3A_54 : memref<1x128xi32, #tpu.memory_space<vmem>> -> memref<128xi32, #tpu.memory_space<vmem>>
      %dma_start3A_56 = arith.constant 0 : i32
      %dma_start3A_57 = arith.constant 0 : i32
      %dma_start3A_58 = tpu.memref_slice %arg12[%dma_start3A_56, %dma_start3A_57] : memref<10240x128xf32, #tpu.memory_space<vmem_shared>> -> memref<10240x128xf32, #tpu.memory_space<vmem_shared>>
      tpu.enqueue_indirect_dma source(%arg8 : memref<128x128xf32, #tpu.memory_space<vmem>>) target(%dma_start3A_58 : memref<10240x128xf32, #tpu.memory_space<vmem_shared>>) offsets(%dma_start3A_55 : memref<128xi32, #tpu.memory_space<vmem>>) semaphore(%arg10 : memref<!tpu.dma_semaphore, #tpu.memory_space<semaphore_mem>>) {add = true}
      %mul3A_59 = arith.constant 2 : i32
      %mul3A_60 = arith.muli %add3A_40, %mul3A_59 : i32
      %add3A_61 = arith.constant 1 : i32
      %add3A_62 = arith.addi %mul3A_60, %add3A_61 : i32
      %dma_wait3A_63 = arith.constant 0 : i32
      %dma_wait3A_64 = arith.constant 0 : i32
      %dma_wait3A_65 = tpu.memref_slice %arg6[%dma_wait3A_63, %dma_wait3A_64] : memref<40x128xi32, #tpu.memory_space<vmem>> -> memref<1x128xi32, #tpu.memory_space<vmem>>
      %dma_wait3A_66 = tpu.memref_squeeze %dma_wait3A_65 : memref<1x128xi32, #tpu.memory_space<vmem>> -> memref<128xi32, #tpu.memory_space<vmem>>
      %dma_wait3A_67 = arith.constant 0 : i32
      %dma_wait3A_68 = arith.constant 0 : i32
      %dma_wait3A_69 = tpu.memref_slice %arg2[%dma_wait3A_67, %dma_wait3A_68] : memref<10000x128xf32, #tpu.memory_space<hbm>> -> memref<10000x128xf32, #tpu.memory_space<hbm>>
      tpu.wait_indirect_dma semaphore(%arg11 : memref<!tpu.dma_semaphore, #tpu.memory_space<semaphore_mem>>) src(%dma_wait3A_69 : memref<10000x128xf32, #tpu.memory_space<hbm>>) dst(%arg9 : memref<128x128xf32, #tpu.memory_space<vmem>>)
      "tpu.region"() ({
        %run_scoped3A_78 = tpu.sem_alloc : memref<!tpu.dma_semaphore, #tpu.memory_space<semaphore_mem>>
        %dma_start3A_79 = arith.constant 0 : i32
        %dma_start3A_80 = tpu.memref_slice %arg6[%add3A_62, %dma_start3A_79] : memref<40x128xi32, #tpu.memory_space<vmem>> -> memref<1x128xi32, #tpu.memory_space<vmem>>
        %dma_start3A_81 = tpu.memref_squeeze %dma_start3A_80 : memref<1x128xi32, #tpu.memory_space<vmem>> -> memref<128xi32, #tpu.memory_space<vmem>>
        %dma_start3A_82 = arith.constant 0 : i32
        %dma_start3A_83 = arith.constant 0 : i32
        %dma_start3A_84 = tpu.memref_slice %arg2[%dma_start3A_82, %dma_start3A_83] : memref<10000x128xf32, #tpu.memory_space<hbm>> -> memref<10000x128xf32, #tpu.memory_space<hbm>>
        tpu.enqueue_indirect_dma source(%dma_start3A_84 : memref<10000x128xf32, #tpu.memory_space<hbm>>) target(%arg9 : memref<128x128xf32, #tpu.memory_space<vmem>>) offsets(%dma_start3A_81 : memref<128xi32, #tpu.memory_space<vmem>>) semaphore(%run_scoped3A_78 : memref<!tpu.dma_semaphore, #tpu.memory_space<semaphore_mem>>)
        %dma_wait3A_85 = arith.constant 0 : i32
        %dma_wait3A_86 = tpu.memref_slice %arg6[%add3A_62, %dma_wait3A_85] : memref<40x128xi32, #tpu.memory_space<vmem>> -> memref<1x128xi32, #tpu.memory_space<vmem>>
        %dma_wait3A_87 = tpu.memref_squeeze %dma_wait3A_86 : memref<1x128xi32, #tpu.memory_space<vmem>> -> memref<128xi32, #tpu.memory_space<vmem>>
        %dma_wait3A_88 = arith.constant 0 : i32
        %dma_wait3A_89 = arith.constant 0 : i32
        %dma_wait3A_90 = tpu.memref_slice %arg2[%dma_wait3A_88, %dma_wait3A_89] : memref<10000x128xf32, #tpu.memory_space<hbm>> -> memref<10000x128xf32, #tpu.memory_space<hbm>>
        tpu.wait_indirect_dma semaphore(%run_scoped3A_78 : memref<!tpu.dma_semaphore, #tpu.memory_space<semaphore_mem>>) src(%dma_wait3A_90 : memref<10000x128xf32, #tpu.memory_space<hbm>>) dst(%arg9 : memref<128x128xf32, #tpu.memory_space<vmem>>)
        tpu.yield
      }) : () -> ()
      %add3A_70 = arith.constant 40 : i32
      %add3A_71 = arith.addi %add3A_70, %add3A_62 : i32
      %dma_start3A_72 = arith.constant 0 : i32
      %dma_start3A_73 = tpu.memref_slice %arg7[%add3A_71, %dma_start3A_72] : memref<80x128xi32, #tpu.memory_space<vmem>> -> memref<1x128xi32, #tpu.memory_space<vmem>>
      %dma_start3A_74 = tpu.memref_squeeze %dma_start3A_73 : memref<1x128xi32, #tpu.memory_space<vmem>> -> memref<128xi32, #tpu.memory_space<vmem>>
      %dma_start3A_75 = arith.constant 0 : i32
      %dma_start3A_76 = arith.constant 0 : i32
      %dma_start3A_77 = tpu.memref_slice %arg12[%dma_start3A_75, %dma_start3A_76] : memref<10240x128xf32, #tpu.memory_space<vmem_shared>> -> memref<10240x128xf32, #tpu.memory_space<vmem_shared>>
      tpu.enqueue_indirect_dma source(%arg9 : memref<128x128xf32, #tpu.memory_space<vmem>>) target(%dma_start3A_77 : memref<10240x128xf32, #tpu.memory_space<vmem_shared>>) offsets(%dma_start3A_74 : memref<128xi32, #tpu.memory_space<vmem>>) semaphore(%arg11 : memref<!tpu.dma_semaphore, #tpu.memory_space<semaphore_mem>>) {add = true}
    }
    %scan3A_19 = arith.constant 20 : i32
    %dma_wait3A = arith.constant 0 : i32
    %dma_wait3A_20 = arith.constant 0 : i32
    %dma_wait3A_21 = tpu.memref_slice %arg6[%dma_wait3A, %dma_wait3A_20] : memref<40x128xi32, #tpu.memory_space<vmem>> -> memref<1x128xi32, #tpu.memory_space<vmem>>
    %dma_wait3A_22 = tpu.memref_squeeze %dma_wait3A_21 : memref<1x128xi32, #tpu.memory_space<vmem>> -> memref<128xi32, #tpu.memory_space<vmem>>
    %dma_wait3A_23 = arith.constant 0 : i32
    %dma_wait3A_24 = arith.constant 0 : i32
    %dma_wait3A_25 = tpu.memref_slice %arg2[%dma_wait3A_23, %dma_wait3A_24] : memref<10000x128xf32, #tpu.memory_space<hbm>> -> memref<10000x128xf32, #tpu.memory_space<hbm>>
    tpu.wait_indirect_dma semaphore(%arg10 : memref<!tpu.dma_semaphore, #tpu.memory_space<semaphore_mem>>) src(%dma_wait3A_25 : memref<10000x128xf32, #tpu.memory_space<hbm>>) dst(%arg8 : memref<128x128xf32, #tpu.memory_space<vmem>>)
    %dma_wait3A_26 = arith.constant 0 : i32
    %dma_wait3A_27 = arith.constant 0 : i32
    %dma_wait3A_28 = tpu.memref_slice %arg6[%dma_wait3A_26, %dma_wait3A_27] : memref<40x128xi32, #tpu.memory_space<vmem>> -> memref<1x128xi32, #tpu.memory_space<vmem>>
    %dma_wait3A_29 = tpu.memref_squeeze %dma_wait3A_28 : memref<1x128xi32, #tpu.memory_space<vmem>> -> memref<128xi32, #tpu.memory_space<vmem>>
    %dma_wait3A_30 = arith.constant 0 : i32
    %dma_wait3A_31 = arith.constant 0 : i32
    %dma_wait3A_32 = tpu.memref_slice %arg2[%dma_wait3A_30, %dma_wait3A_31] : memref<10000x128xf32, #tpu.memory_space<hbm>> -> memref<10000x128xf32, #tpu.memory_space<hbm>>
    tpu.wait_indirect_dma semaphore(%arg11 : memref<!tpu.dma_semaphore, #tpu.memory_space<semaphore_mem>>) src(%dma_wait3A_32 : memref<10000x128xf32, #tpu.memory_space<hbm>>) dst(%arg9 : memref<128x128xf32, #tpu.memory_space<vmem>>)
    %barrier3A_33 = arith.constant 0 : index
    tpu.barrier barrier_id(%barrier3A_33)
    %mul3A = arith.constant 640 : i32
    %mul3A_34 = arith.muli %arg1, %mul3A : i32
    %mul3A_35 = arith.constant 640 : i32
    %mul3A_36 = arith.muli %arg1, %mul3A_35 : i32
    "tpu.region"() ({
      %run_scoped3A_37 = tpu.sem_alloc : memref<!tpu.dma_semaphore, #tpu.memory_space<semaphore_mem>>
      %dma_start3A = arith.constant 0 : i32
      %dma_start3A_38 = tpu.memref_slice %arg5[%arg0, %mul3A_36, %dma_start3A] : memref<2x10240x128xf32, #tpu.memory_space<hbm>> -> memref<1x640x128xf32, #tpu.memory_space<hbm>>
      %dma_start3A_39 = tpu.memref_squeeze %dma_start3A_38 : memref<1x640x128xf32, #tpu.memory_space<hbm>> -> memref<640x128xf32, #tpu.memory_space<hbm>>
      %dma_start3A_40 = arith.constant 0 : i32
      %dma_start3A_41 = tpu.memref_slice %arg12[%mul3A_34, %dma_start3A_40] : memref<10240x128xf32, #tpu.memory_space<vmem_shared>> -> memref<640x128xf32, #tpu.memory_space<vmem_shared>>
      tpu.enqueue_dma source(%dma_start3A_41 : memref<640x128xf32, #tpu.memory_space<vmem_shared>>) target(%dma_start3A_39 : memref<640x128xf32, #tpu.memory_space<hbm>>) target_semaphore(%run_scoped3A_37 : memref<!tpu.dma_semaphore, #tpu.memory_space<semaphore_mem>>)
      %dma_wait3A_42 = arith.constant 0 : i32
      %dma_wait3A_43 = tpu.memref_slice %arg5[%arg0, %mul3A_36, %dma_wait3A_42] : memref<2x10240x128xf32, #tpu.memory_space<hbm>> -> memref<1x640x128xf32, #tpu.memory_space<hbm>>
      %dma_wait3A_44 = tpu.memref_squeeze %dma_wait3A_43 : memref<1x640x128xf32, #tpu.memory_space<hbm>> -> memref<640x128xf32, #tpu.memory_space<hbm>>
      %dma_wait3A_45 = arith.constant 0 : i32
      %dma_wait3A_46 = tpu.memref_slice %arg12[%mul3A_34, %dma_wait3A_45] : memref<10240x128xf32, #tpu.memory_space<vmem_shared>> -> memref<640x128xf32, #tpu.memory_space<vmem_shared>>
      tpu.wait_dma2 semaphore(%run_scoped3A_37 : memref<!tpu.dma_semaphore, #tpu.memory_space<semaphore_mem>>) src(%dma_wait3A_46 : memref<640x128xf32, #tpu.memory_space<vmem_shared>>) dst(%dma_wait3A_44 : memref<640x128xf32, #tpu.memory_space<hbm>>)
      tpu.yield
    }) : () -> ()
    return
  }
}

#map = affine_map<(d0, d1) -> (0, 0)>
#map1 = affine_map<(d0, d1) -> (0, 0, 0, 0, 0)>
#map2 = affine_map<(d0, d1) -> (0, 0, 0, 0)>
#map3 = affine_map<(d0, d1) -> (0, 0, 0)>
module attributes {stable_mosaic.version = 14 : i64} {
  func.func @_sc_scatter_body(%arg0: i32, %arg1: i32, %arg2: memref<10000x128xf32, #tpu.memory_space<hbm>>, %arg3: memref<2x16x2x40x128xi32, #tpu.memory_space<hbm>>, %arg4: memref<2x16x80x128xi32, #tpu.memory_space<hbm>>, %arg5: memref<2x10240x128xf32, #tpu.memory_space<hbm>>, %arg6: memref<40x128xi32, #tpu.memory_space<vmem>>, %arg7: memref<80x128xi32, #tpu.memory_space<vmem>>, %arg8: memref<128x128xf32, #tpu.memory_space<vmem>>, %arg9: memref<128x128xf32, #tpu.memory_space<vmem>>, %arg10: memref<!tpu.dma_semaphore, #tpu.memory_space<semaphore_mem>>, %arg11: memref<!tpu.dma_semaphore, #tpu.memory_space<semaphore_mem>>, %arg12: memref<10240x128xf32, #tpu.memory_space<vmem_shared>>) attributes {dimension_semantics = [#tpu.dimension_semantics<core_parallel>, #tpu.dimension_semantics<subcore_parallel>], iteration_bounds = array<i64: 2, 16>, scalar_prefetch = 0 : i64, scratch_operands = 7 : i64, tpu.core_type = #tpu.core_type<sc_vector_subcore>, window_params = [{transform_indices = #map}, {transform_indices = #map1}, {transform_indices = #map2}, {transform_indices = #map3}]} {
    %scan3A = arith.constant 0 : i32
    %scan3A_0 = arith.constant 128 : i32
    %scan3A_1 = arith.addi %scan3A, %scan3A_0 : i32
    %scan3A_2 = arith.constant 1 : i32
    scf.for %scan3A_37 = %scan3A to %scan3A_1 step %scan3A_2  : i32 {
      %mul3A_38 = arith.constant 1 : i32
      %mul3A_39 = arith.muli %scan3A_37, %mul3A_38 : i32
      %add3A = arith.constant 0 : i32
      %add3A_40 = arith.addi %add3A, %mul3A_39 : i32
      %broadcast_in_dim3A = arith.constant 0.000000e+00 : f32
      %broadcast_in_dim3A_41 = vector.broadcast %broadcast_in_dim3A : f32 to vector<16xf32>
      %swap3A = arith.index_cast %add3A_40 : i32 to index
      %swap3A_42 = arith.constant 0 : index
      %swap3A_43 = tpu.vector_load %arg8[%swap3A, %swap3A_42] {strides = array<i32>} : memref<128x128xf32, #tpu.memory_space<vmem>>, vector<1x16xf32>,
      %swap3A_44 = vector.shape_cast %swap3A_43 : vector<1x16xf32> to vector<16xf32>
      %swap3A_45 = vector.shape_cast %broadcast_in_dim3A_41 : vector<16xf32> to vector<1x16xf32>
      tpu.vector_store %arg8[%swap3A, %swap3A_42], %swap3A_45 {strides = array<i32>} : memref<128x128xf32, #tpu.memory_space<vmem>>, vector<1x16xf32>,
      %broadcast_in_dim3A_46 = arith.constant 0.000000e+00 : f32
      %broadcast_in_dim3A_47 = vector.broadcast %broadcast_in_dim3A_46 : f32 to vector<16xf32>
      %swap3A_48 = arith.index_cast %add3A_40 : i32 to index
      %swap3A_49 = arith.constant 16 : index
      %swap3A_50 = tpu.vector_load %arg8[%swap3A_48, %swap3A_49] {strides = array<i32>} : memref<128x128xf32, #tpu.memory_space<vmem>>, vector<1x16xf32>,
      %swap3A_51 = vector.shape_cast %swap3A_50 : vector<1x16xf32> to vector<16xf32>
      %swap3A_52 = vector.shape_cast %broadcast_in_dim3A_47 : vector<16xf32> to vector<1x16xf32>
      tpu.vector_store %arg8[%swap3A_48, %swap3A_49], %swap3A_52 {strides = array<i32>} : memref<128x128xf32, #tpu.memory_space<vmem>>, vector<1x16xf32>,
      %broadcast_in_dim3A_53 = arith.constant 0.000000e+00 : f32
      %broadcast_in_dim3A_54 = vector.broadcast %broadcast_in_dim3A_53 : f32 to vector<16xf32>
      %swap3A_55 = arith.index_cast %add3A_40 : i32 to index
      %swap3A_56 = arith.constant 32 : index
      %swap3A_57 = tpu.vector_load %arg8[%swap3A_55, %swap3A_56] {strides = array<i32>} : memref<128x128xf32, #tpu.memory_space<vmem>>, vector<1x16xf32>,
      %swap3A_58 = vector.shape_cast %swap3A_57 : vector<1x16xf32> to vector<16xf32>
      %swap3A_59 = vector.shape_cast %broadcast_in_dim3A_54 : vector<16xf32> to vector<1x16xf32>
      tpu.vector_store %arg8[%swap3A_55, %swap3A_56], %swap3A_59 {strides = array<i32>} : memref<128x128xf32, #tpu.memory_space<vmem>>, vector<1x16xf32>,
      %broadcast_in_dim3A_60 = arith.constant 0.000000e+00 : f32
      %broadcast_in_dim3A_61 = vector.broadcast %broadcast_in_dim3A_60 : f32 to vector<16xf32>
      %swap3A_62 = arith.index_cast %add3A_40 : i32 to index
      %swap3A_63 = arith.constant 48 : index
      %swap3A_64 = tpu.vector_load %arg8[%swap3A_62, %swap3A_63] {strides = array<i32>} : memref<128x128xf32, #tpu.memory_space<vmem>>, vector<1x16xf32>,
      %swap3A_65 = vector.shape_cast %swap3A_64 : vector<1x16xf32> to vector<16xf32>
      %swap3A_66 = vector.shape_cast %broadcast_in_dim3A_61 : vector<16xf32> to vector<1x16xf32>
      tpu.vector_store %arg8[%swap3A_62, %swap3A_63], %swap3A_66 {strides = array<i32>} : memref<128x128xf32, #tpu.memory_space<vmem>>, vector<1x16xf32>,
      %broadcast_in_dim3A_67 = arith.constant 0.000000e+00 : f32
      %broadcast_in_dim3A_68 = vector.broadcast %broadcast_in_dim3A_67 : f32 to vector<16xf32>
      %swap3A_69 = arith.index_cast %add3A_40 : i32 to index
      %swap3A_70 = arith.constant 64 : index
      %swap3A_71 = tpu.vector_load %arg8[%swap3A_69, %swap3A_70] {strides = array<i32>} : memref<128x128xf32, #tpu.memory_space<vmem>>, vector<1x16xf32>,
      %swap3A_72 = vector.shape_cast %swap3A_71 : vector<1x16xf32> to vector<16xf32>
      %swap3A_73 = vector.shape_cast %broadcast_in_dim3A_68 : vector<16xf32> to vector<1x16xf32>
      tpu.vector_store %arg8[%swap3A_69, %swap3A_70], %swap3A_73 {strides = array<i32>} : memref<128x128xf32, #tpu.memory_space<vmem>>, vector<1x16xf32>,
      %broadcast_in_dim3A_74 = arith.constant 0.000000e+00 : f32
      %broadcast_in_dim3A_75 = vector.broadcast %broadcast_in_dim3A_74 : f32 to vector<16xf32>
      %swap3A_76 = arith.index_cast %add3A_40 : i32 to index
      %swap3A_77 = arith.constant 80 : index
      %swap3A_78 = tpu.vector_load %arg8[%swap3A_76, %swap3A_77] {strides = array<i32>} : memref<128x128xf32, #tpu.memory_space<vmem>>, vector<1x16xf32>,
      %swap3A_79 = vector.shape_cast %swap3A_78 : vector<1x16xf32> to vector<16xf32>
      %swap3A_80 = vector.shape_cast %broadcast_in_dim3A_75 : vector<16xf32> to vector<1x16xf32>
      tpu.vector_store %arg8[%swap3A_76, %swap3A_77], %swap3A_80 {strides = array<i32>} : memref<128x128xf32, #tpu.memory_space<vmem>>, vector<1x16xf32>,
      %broadcast_in_dim3A_81 = arith.constant 0.000000e+00 : f32
      %broadcast_in_dim3A_82 = vector.broadcast %broadcast_in_dim3A_81 : f32 to vector<16xf32>
      %swap3A_83 = arith.index_cast %add3A_40 : i32 to index
      %swap3A_84 = arith.constant 96 : index
      %swap3A_85 = tpu.vector_load %arg8[%swap3A_83, %swap3A_84] {strides = array<i32>} : memref<128x128xf32, #tpu.memory_space<vmem>>, vector<1x16xf32>,
      %swap3A_86 = vector.shape_cast %swap3A_85 : vector<1x16xf32> to vector<16xf32>
      %swap3A_87 = vector.shape_cast %broadcast_in_dim3A_82 : vector<16xf32> to vector<1x16xf32>
      tpu.vector_store %arg8[%swap3A_83, %swap3A_84], %swap3A_87 {strides = array<i32>} : memref<128x128xf32, #tpu.memory_space<vmem>>, vector<1x16xf32>,
      %broadcast_in_dim3A_88 = arith.constant 0.000000e+00 : f32
      %broadcast_in_dim3A_89 = vector.broadcast %broadcast_in_dim3A_88 : f32 to vector<16xf32>
      %swap3A_90 = arith.index_cast %add3A_40 : i32 to index
      %swap3A_91 = arith.constant 112 : index
      %swap3A_92 = tpu.vector_load %arg8[%swap3A_90, %swap3A_91] {strides = array<i32>} : memref<128x128xf32, #tpu.memory_space<vmem>>, vector<1x16xf32>,
      %swap3A_93 = vector.shape_cast %swap3A_92 : vector<1x16xf32> to vector<16xf32>
      %swap3A_94 = vector.shape_cast %broadcast_in_dim3A_89 : vector<16xf32> to vector<1x16xf32>
      tpu.vector_store %arg8[%swap3A_90, %swap3A_91], %swap3A_94 {strides = array<i32>} : memref<128x128xf32, #tpu.memory_space<vmem>>, vector<1x16xf32>,
    }
    %scan3A_3 = arith.constant 128 : i32
    %scan3A_4 = arith.constant 0 : i32
    %scan3A_5 = arith.constant 5 : i32
    %scan3A_6 = arith.addi %scan3A_4, %scan3A_5 : i32
    %scan3A_7 = arith.constant 1 : i32
    scf.for %scan3A_37 = %scan3A_4 to %scan3A_6 step %scan3A_7  : i32 {
      %mul3A_38 = arith.constant 1 : i32
      %mul3A_39 = arith.muli %scan3A_37, %mul3A_38 : i32
      %add3A = arith.constant 0 : i32
      %add3A_40 = arith.addi %add3A, %mul3A_39 : i32
      %mul3A_41 = arith.constant 640 : i32
      %mul3A_42 = arith.muli %arg1, %mul3A_41 : i32
      %mul3A_43 = arith.constant 128 : i32
      %mul3A_44 = arith.muli %add3A_40, %mul3A_43 : i32
      %add3A_45 = arith.addi %mul3A_42, %mul3A_44 : i32
      "tpu.region"() ({
        %run_scoped3A_46 = tpu.sem_alloc : memref<!tpu.dma_semaphore, #tpu.memory_space<semaphore_mem>>
        %dma_start3A = arith.constant 0 : i32
        %dma_start3A_47 = tpu.memref_slice %arg12[%add3A_45, %dma_start3A] : memref<10240x128xf32, #tpu.memory_space<vmem_shared>> -> memref<128x128xf32, #tpu.memory_space<vmem_shared>>
        %dma_start3A_48 = arith.constant 0 : i32
        %dma_start3A_49 = tpu.memref_slice %arg12[%add3A_45, %dma_start3A_48] : memref<10240x128xf32, #tpu.memory_space<vmem_shared>> -> memref<128x128xf32, #tpu.memory_space<vmem_shared>>
        tpu.enqueue_dma source(%arg8 : memref<128x128xf32, #tpu.memory_space<vmem>>) target(%dma_start3A_49 : memref<128x128xf32, #tpu.memory_space<vmem_shared>>) target_semaphore(%run_scoped3A_46 : memref<!tpu.dma_semaphore, #tpu.memory_space<semaphore_mem>>)
        %dma_wait3A_50 = arith.constant 0 : i32
        %dma_wait3A_51 = tpu.memref_slice %arg12[%add3A_45, %dma_wait3A_50] : memref<10240x128xf32, #tpu.memory_space<vmem_shared>> -> memref<128x128xf32, #tpu.memory_space<vmem_shared>>
        %dma_wait3A_52 = arith.constant 0 : i32
        %dma_wait3A_53 = tpu.memref_slice %arg12[%add3A_45, %dma_wait3A_52] : memref<10240x128xf32, #tpu.memory_space<vmem_shared>> -> memref<128x128xf32, #tpu.memory_space<vmem_shared>>
        tpu.wait_dma2 semaphore(%run_scoped3A_46 : memref<!tpu.dma_semaphore, #tpu.memory_space<semaphore_mem>>) src(%arg8 : memref<128x128xf32, #tpu.memory_space<vmem>>) dst(%dma_wait3A_53 : memref<128x128xf32, #tpu.memory_space<vmem_shared>>)
        tpu.yield
      }) : () -> ()
    }
    %scan3A_8 = arith.constant 5 : i32
    %barrier3A = arith.constant 0 : index
    tpu.barrier barrier_id(%barrier3A)
    "tpu.region"() ({
      %run_scoped3A_37 = tpu.sem_alloc : memref<!tpu.dma_semaphore, #tpu.memory_space<semaphore_mem>>
      %dma_start3A = arith.constant 0 : i32
      %dma_start3A_38 = arith.constant 0 : i32
      %dma_start3A_39 = tpu.memref_slice %arg4[%arg0, %arg1, %dma_start3A, %dma_start3A_38] : memref<2x16x80x128xi32, #tpu.memory_space<hbm>> -> memref<1x1x80x128xi32, #tpu.memory_space<hbm>>
      %dma_start3A_40 = tpu.memref_squeeze %dma_start3A_39 : memref<1x1x80x128xi32, #tpu.memory_space<hbm>> -> memref<80x128xi32, #tpu.memory_space<hbm>>
      %dma_start3A_41 = arith.constant 0 : i32
      %dma_start3A_42 = arith.constant 0 : i32
      %dma_start3A_43 = tpu.memref_slice %arg4[%arg0, %arg1, %dma_start3A_41, %dma_start3A_42] : memref<2x16x80x128xi32, #tpu.memory_space<hbm>> -> memref<1x1x80x128xi32, #tpu.memory_space<hbm>>
      %dma_start3A_44 = tpu.memref_squeeze %dma_start3A_43 : memref<1x1x80x128xi32, #tpu.memory_space<hbm>> -> memref<80x128xi32, #tpu.memory_space<hbm>>
      tpu.enqueue_dma source(%dma_start3A_44 : memref<80x128xi32, #tpu.memory_space<hbm>>) target(%arg7 : memref<80x128xi32, #tpu.memory_space<vmem>>) target_semaphore(%run_scoped3A_37 : memref<!tpu.dma_semaphore, #tpu.memory_space<semaphore_mem>>)
      %dma_wait3A_45 = arith.constant 0 : i32
      %dma_wait3A_46 = arith.constant 0 : i32
      %dma_wait3A_47 = tpu.memref_slice %arg4[%arg0, %arg1, %dma_wait3A_45, %dma_wait3A_46] : memref<2x16x80x128xi32, #tpu.memory_space<hbm>> -> memref<1x1x80x128xi32, #tpu.memory_space<hbm>>
      %dma_wait3A_48 = tpu.memref_squeeze %dma_wait3A_47 : memref<1x1x80x128xi32, #tpu.memory_space<hbm>> -> memref<80x128xi32, #tpu.memory_space<hbm>>
      %dma_wait3A_49 = arith.constant 0 : i32
      %dma_wait3A_50 = arith.constant 0 : i32
      %dma_wait3A_51 = tpu.memref_slice %arg4[%arg0, %arg1, %dma_wait3A_49, %dma_wait3A_50] : memref<2x16x80x128xi32, #tpu.memory_space<hbm>> -> memref<1x1x80x128xi32, #tpu.memory_space<hbm>>
      %dma_wait3A_52 = tpu.memref_squeeze %dma_wait3A_51 : memref<1x1x80x128xi32, #tpu.memory_space<hbm>> -> memref<80x128xi32, #tpu.memory_space<hbm>>
      tpu.wait_dma2 semaphore(%run_scoped3A_37 : memref<!tpu.dma_semaphore, #tpu.memory_space<semaphore_mem>>) src(%dma_wait3A_52 : memref<80x128xi32, #tpu.memory_space<hbm>>) dst(%arg7 : memref<80x128xi32, #tpu.memory_space<vmem>>)
      tpu.yield
    }) : () -> ()
    %run_scoped3A = arith.constant 0 : i32
    "tpu.region"() ({
      %run_scoped3A_37 = tpu.sem_alloc : memref<!tpu.dma_semaphore, #tpu.memory_space<semaphore_mem>>
      %dma_start3A = arith.constant 0 : i32
      %dma_start3A_38 = arith.constant 0 : i32
      %dma_start3A_39 = tpu.memref_slice %arg3[%arg0, %arg1, %run_scoped3A, %dma_start3A, %dma_start3A_38] : memref<2x16x2x40x128xi32, #tpu.memory_space<hbm>> -> memref<1x1x1x40x128xi32, #tpu.memory_space<hbm>>
      %dma_start3A_40 = tpu.memref_squeeze %dma_start3A_39 : memref<1x1x1x40x128xi32, #tpu.memory_space<hbm>> -> memref<40x128xi32, #tpu.memory_space<hbm>>
      %dma_start3A_41 = arith.constant 0 : i32
      %dma_start3A_42 = arith.constant 0 : i32
      %dma_start3A_43 = tpu.memref_slice %arg3[%arg0, %arg1, %run_scoped3A, %dma_start3A_41, %dma_start3A_42] : memref<2x16x2x40x128xi32, #tpu.memory_space<hbm>> -> memref<1x1x1x40x128xi32, #tpu.memory_space<hbm>>
      %dma_start3A_44 = tpu.memref_squeeze %dma_start3A_43 : memref<1x1x1x40x128xi32, #tpu.memory_space<hbm>> -> memref<40x128xi32, #tpu.memory_space<hbm>>
      tpu.enqueue_dma source(%dma_start3A_44 : memref<40x128xi32, #tpu.memory_space<hbm>>) target(%arg6 : memref<40x128xi32, #tpu.memory_space<vmem>>) target_semaphore(%run_scoped3A_37 : memref<!tpu.dma_semaphore, #tpu.memory_space<semaphore_mem>>)
      %dma_wait3A_45 = arith.constant 0 : i32
      %dma_wait3A_46 = arith.constant 0 : i32
      %dma_wait3A_47 = tpu.memref_slice %arg3[%arg0, %arg1, %run_scoped3A, %dma_wait3A_45, %dma_wait3A_46] : memref<2x16x2x40x128xi32, #tpu.memory_space<hbm>> -> memref<1x1x1x40x128xi32, #tpu.memory_space<hbm>>
      %dma_wait3A_48 = tpu.memref_squeeze %dma_wait3A_47 : memref<1x1x1x40x128xi32, #tpu.memory_space<hbm>> -> memref<40x128xi32, #tpu.memory_space<hbm>>
      %dma_wait3A_49 = arith.constant 0 : i32
      %dma_wait3A_50 = arith.constant 0 : i32
      %dma_wait3A_51 = tpu.memref_slice %arg3[%arg0, %arg1, %run_scoped3A, %dma_wait3A_49, %dma_wait3A_50] : memref<2x16x2x40x128xi32, #tpu.memory_space<hbm>> -> memref<1x1x1x40x128xi32, #tpu.memory_space<hbm>>
      %dma_wait3A_52 = tpu.memref_squeeze %dma_wait3A_51 : memref<1x1x1x40x128xi32, #tpu.memory_space<hbm>> -> memref<40x128xi32, #tpu.memory_space<hbm>>
      tpu.wait_dma2 semaphore(%run_scoped3A_37 : memref<!tpu.dma_semaphore, #tpu.memory_space<semaphore_mem>>) src(%dma_wait3A_52 : memref<40x128xi32, #tpu.memory_space<hbm>>) dst(%arg6 : memref<40x128xi32, #tpu.memory_space<vmem>>)
      tpu.yield
    }) : () -> ()
    %scan3A_9 = arith.constant 0 : i32
    %scan3A_10 = arith.constant 20 : i32
    %scan3A_11 = arith.addi %scan3A_9, %scan3A_10 : i32
    %scan3A_12 = arith.constant 1 : i32
    scf.for %scan3A_37 = %scan3A_9 to %scan3A_11 step %scan3A_12  : i32 {
      %mul3A_38 = arith.constant 1 : i32
      %mul3A_39 = arith.muli %scan3A_37, %mul3A_38 : i32
      %add3A = arith.constant 0 : i32
      %add3A_40 = arith.addi %add3A, %mul3A_39 : i32
      %mul3A_41 = arith.constant 2 : i32
      %mul3A_42 = arith.muli %add3A_40, %mul3A_41 : i32
      %add3A_43 = arith.constant 0 : i32
      %add3A_44 = arith.addi %mul3A_42, %add3A_43 : i32
      %gt3A = arith.constant 0 : i32
      %gt3A_45 = arith.cmpi sgt, %add3A_40, %gt3A : i32
      %convert_element_type3A = arith.extui %gt3A_45 : i1 to i32
      %cond3A = arith.constant 0 : i32
      %cond3A_46 = arith.cmpi ne, %convert_element_type3A, %cond3A : i32
      scf.if %cond3A_46 {
        %dma_wait3A_71 = arith.constant 0 : i32
        %dma_wait3A_72 = arith.constant 0 : i32
        %dma_wait3A_73 = tpu.memref_slice %arg6[%dma_wait3A_71, %dma_wait3A_72] : memref<40x128xi32, #tpu.memory_space<vmem>> -> memref<1x128xi32, #tpu.memory_space<vmem>>
        %dma_wait3A_74 = tpu.memref_squeeze %dma_wait3A_73 : memref<1x128xi32, #tpu.memory_space<vmem>> -> memref<128xi32, #tpu.memory_space<vmem>>
        %dma_wait3A_75 = arith.constant 0 : i32
        %dma_wait3A_76 = arith.constant 0 : i32
        %dma_wait3A_77 = tpu.memref_slice %arg2[%dma_wait3A_75, %dma_wait3A_76] : memref<10000x128xf32, #tpu.memory_space<hbm>> -> memref<10000x128xf32, #tpu.memory_space<hbm>>
        tpu.wait_indirect_dma semaphore(%arg10 : memref<!tpu.dma_semaphore, #tpu.memory_space<semaphore_mem>>) src(%dma_wait3A_77 : memref<10000x128xf32, #tpu.memory_space<hbm>>) dst(%arg8 : memref<128x128xf32, #tpu.memory_space<vmem>>)
      } else {
      }
      "tpu.region"() ({
        %run_scoped3A_71 = tpu.sem_alloc : memref<!tpu.dma_semaphore, #tpu.memory_space<semaphore_mem>>
        %dma_start3A_72 = arith.constant 0 : i32
        %dma_start3A_73 = tpu.memref_slice %arg6[%add3A_44, %dma_start3A_72] : memref<40x128xi32, #tpu.memory_space<vmem>> -> memref<1x128xi32, #tpu.memory_space<vmem>>
        %dma_start3A_74 = tpu.memref_squeeze %dma_start3A_73 : memref<1x128xi32, #tpu.memory_space<vmem>> -> memref<128xi32, #tpu.memory_space<vmem>>
        %dma_start3A_75 = arith.constant 0 : i32
        %dma_start3A_76 = arith.constant 0 : i32
        %dma_start3A_77 = tpu.memref_slice %arg2[%dma_start3A_75, %dma_start3A_76] : memref<10000x128xf32, #tpu.memory_space<hbm>> -> memref<10000x128xf32, #tpu.memory_space<hbm>>
        tpu.enqueue_indirect_dma source(%dma_start3A_77 : memref<10000x128xf32, #tpu.memory_space<hbm>>) target(%arg8 : memref<128x128xf32, #tpu.memory_space<vmem>>) offsets(%dma_start3A_74 : memref<128xi32, #tpu.memory_space<vmem>>) semaphore(%run_scoped3A_71 : memref<!tpu.dma_semaphore, #tpu.memory_space<semaphore_mem>>)
        %dma_wait3A_78 = arith.constant 0 : i32
        %dma_wait3A_79 = tpu.memref_slice %arg6[%add3A_44, %dma_wait3A_78] : memref<40x128xi32, #tpu.memory_space<vmem>> -> memref<1x128xi32, #tpu.memory_space<vmem>>
        %dma_wait3A_80 = tpu.memref_squeeze %dma_wait3A_79 : memref<1x128xi32, #tpu.memory_space<vmem>> -> memref<128xi32, #tpu.memory_space<vmem>>
        %dma_wait3A_81 = arith.constant 0 : i32
        %dma_wait3A_82 = arith.constant 0 : i32
        %dma_wait3A_83 = tpu.memref_slice %arg2[%dma_wait3A_81, %dma_wait3A_82] : memref<10000x128xf32, #tpu.memory_space<hbm>> -> memref<10000x128xf32, #tpu.memory_space<hbm>>
        tpu.wait_indirect_dma semaphore(%run_scoped3A_71 : memref<!tpu.dma_semaphore, #tpu.memory_space<semaphore_mem>>) src(%dma_wait3A_83 : memref<10000x128xf32, #tpu.memory_space<hbm>>) dst(%arg8 : memref<128x128xf32, #tpu.memory_space<vmem>>)
        tpu.yield
      }) : () -> ()
      %add3A_47 = arith.constant 0 : i32
      %add3A_48 = arith.addi %add3A_47, %add3A_44 : i32
      %dma_start3A = arith.constant 0 : i32
      %dma_start3A_49 = tpu.memref_slice %arg7[%add3A_48, %dma_start3A] : memref<80x128xi32, #tpu.memory_space<vmem>> -> memref<1x128xi32, #tpu.memory_space<vmem>>
      %dma_start3A_50 = tpu.memref_squeeze %dma_start3A_49 : memref<1x128xi32, #tpu.memory_space<vmem>> -> memref<128xi32, #tpu.memory_space<vmem>>
      %dma_start3A_51 = arith.constant 0 : i32
      %dma_start3A_52 = arith.constant 0 : i32
      %dma_start3A_53 = tpu.memref_slice %arg12[%dma_start3A_51, %dma_start3A_52] : memref<10240x128xf32, #tpu.memory_space<vmem_shared>> -> memref<10240x128xf32, #tpu.memory_space<vmem_shared>>
      tpu.enqueue_indirect_dma source(%arg8 : memref<128x128xf32, #tpu.memory_space<vmem>>) target(%dma_start3A_53 : memref<10240x128xf32, #tpu.memory_space<vmem_shared>>) offsets(%dma_start3A_50 : memref<128xi32, #tpu.memory_space<vmem>>) semaphore(%arg10 : memref<!tpu.dma_semaphore, #tpu.memory_space<semaphore_mem>>) {add = true}
      %mul3A_54 = arith.constant 2 : i32
      %mul3A_55 = arith.muli %add3A_40, %mul3A_54 : i32
      %add3A_56 = arith.constant 1 : i32
      %add3A_57 = arith.addi %mul3A_55, %add3A_56 : i32
      %gt3A_58 = arith.constant 0 : i32
      %gt3A_59 = arith.cmpi sgt, %add3A_40, %gt3A_58 : i32
      %convert_element_type3A_60 = arith.extui %gt3A_59 : i1 to i32
      %cond3A_61 = arith.constant 0 : i32
      %cond3A_62 = arith.cmpi ne, %convert_element_type3A_60, %cond3A_61 : i32
      scf.if %cond3A_62 {
        %dma_wait3A_71 = arith.constant 0 : i32
        %dma_wait3A_72 = arith.constant 0 : i32
        %dma_wait3A_73 = tpu.memref_slice %arg6[%dma_wait3A_71, %dma_wait3A_72] : memref<40x128xi32, #tpu.memory_space<vmem>> -> memref<1x128xi32, #tpu.memory_space<vmem>>
        %dma_wait3A_74 = tpu.memref_squeeze %dma_wait3A_73 : memref<1x128xi32, #tpu.memory_space<vmem>> -> memref<128xi32, #tpu.memory_space<vmem>>
        %dma_wait3A_75 = arith.constant 0 : i32
        %dma_wait3A_76 = arith.constant 0 : i32
        %dma_wait3A_77 = tpu.memref_slice %arg2[%dma_wait3A_75, %dma_wait3A_76] : memref<10000x128xf32, #tpu.memory_space<hbm>> -> memref<10000x128xf32, #tpu.memory_space<hbm>>
        tpu.wait_indirect_dma semaphore(%arg11 : memref<!tpu.dma_semaphore, #tpu.memory_space<semaphore_mem>>) src(%dma_wait3A_77 : memref<10000x128xf32, #tpu.memory_space<hbm>>) dst(%arg9 : memref<128x128xf32, #tpu.memory_space<vmem>>)
      } else {
      }
      "tpu.region"() ({
        %run_scoped3A_71 = tpu.sem_alloc : memref<!tpu.dma_semaphore, #tpu.memory_space<semaphore_mem>>
        %dma_start3A_72 = arith.constant 0 : i32
        %dma_start3A_73 = tpu.memref_slice %arg6[%add3A_57, %dma_start3A_72] : memref<40x128xi32, #tpu.memory_space<vmem>> -> memref<1x128xi32, #tpu.memory_space<vmem>>
        %dma_start3A_74 = tpu.memref_squeeze %dma_start3A_73 : memref<1x128xi32, #tpu.memory_space<vmem>> -> memref<128xi32, #tpu.memory_space<vmem>>
        %dma_start3A_75 = arith.constant 0 : i32
        %dma_start3A_76 = arith.constant 0 : i32
        %dma_start3A_77 = tpu.memref_slice %arg2[%dma_start3A_75, %dma_start3A_76] : memref<10000x128xf32, #tpu.memory_space<hbm>> -> memref<10000x128xf32, #tpu.memory_space<hbm>>
        tpu.enqueue_indirect_dma source(%dma_start3A_77 : memref<10000x128xf32, #tpu.memory_space<hbm>>) target(%arg9 : memref<128x128xf32, #tpu.memory_space<vmem>>) offsets(%dma_start3A_74 : memref<128xi32, #tpu.memory_space<vmem>>) semaphore(%run_scoped3A_71 : memref<!tpu.dma_semaphore, #tpu.memory_space<semaphore_mem>>)
        %dma_wait3A_78 = arith.constant 0 : i32
        %dma_wait3A_79 = tpu.memref_slice %arg6[%add3A_57, %dma_wait3A_78] : memref<40x128xi32, #tpu.memory_space<vmem>> -> memref<1x128xi32, #tpu.memory_space<vmem>>
        %dma_wait3A_80 = tpu.memref_squeeze %dma_wait3A_79 : memref<1x128xi32, #tpu.memory_space<vmem>> -> memref<128xi32, #tpu.memory_space<vmem>>
        %dma_wait3A_81 = arith.constant 0 : i32
        %dma_wait3A_82 = arith.constant 0 : i32
        %dma_wait3A_83 = tpu.memref_slice %arg2[%dma_wait3A_81, %dma_wait3A_82] : memref<10000x128xf32, #tpu.memory_space<hbm>> -> memref<10000x128xf32, #tpu.memory_space<hbm>>
        tpu.wait_indirect_dma semaphore(%run_scoped3A_71 : memref<!tpu.dma_semaphore, #tpu.memory_space<semaphore_mem>>) src(%dma_wait3A_83 : memref<10000x128xf32, #tpu.memory_space<hbm>>) dst(%arg9 : memref<128x128xf32, #tpu.memory_space<vmem>>)
        tpu.yield
      }) : () -> ()
      %add3A_63 = arith.constant 0 : i32
      %add3A_64 = arith.addi %add3A_63, %add3A_57 : i32
      %dma_start3A_65 = arith.constant 0 : i32
      %dma_start3A_66 = tpu.memref_slice %arg7[%add3A_64, %dma_start3A_65] : memref<80x128xi32, #tpu.memory_space<vmem>> -> memref<1x128xi32, #tpu.memory_space<vmem>>
      %dma_start3A_67 = tpu.memref_squeeze %dma_start3A_66 : memref<1x128xi32, #tpu.memory_space<vmem>> -> memref<128xi32, #tpu.memory_space<vmem>>
      %dma_start3A_68 = arith.constant 0 : i32
      %dma_start3A_69 = arith.constant 0 : i32
      %dma_start3A_70 = tpu.memref_slice %arg12[%dma_start3A_68, %dma_start3A_69] : memref<10240x128xf32, #tpu.memory_space<vmem_shared>> -> memref<10240x128xf32, #tpu.memory_space<vmem_shared>>
      tpu.enqueue_indirect_dma source(%arg9 : memref<128x128xf32, #tpu.memory_space<vmem>>) target(%dma_start3A_70 : memref<10240x128xf32, #tpu.memory_space<vmem_shared>>) offsets(%dma_start3A_67 : memref<128xi32, #tpu.memory_space<vmem>>) semaphore(%arg11 : memref<!tpu.dma_semaphore, #tpu.memory_space<semaphore_mem>>) {add = true}
    }
    %scan3A_13 = arith.constant 20 : i32
    %run_scoped3A_14 = arith.constant 1 : i32
    "tpu.region"() ({
      %run_scoped3A_37 = tpu.sem_alloc : memref<!tpu.dma_semaphore, #tpu.memory_space<semaphore_mem>>
      %dma_start3A = arith.constant 0 : i32
      %dma_start3A_38 = arith.constant 0 : i32
      %dma_start3A_39 = tpu.memref_slice %arg3[%arg0, %arg1, %run_scoped3A_14, %dma_start3A, %dma_start3A_38] : memref<2x16x2x40x128xi32, #tpu.memory_space<hbm>> -> memref<1x1x1x40x128xi32, #tpu.memory_space<hbm>>
      %dma_start3A_40 = tpu.memref_squeeze %dma_start3A_39 : memref<1x1x1x40x128xi32, #tpu.memory_space<hbm>> -> memref<40x128xi32, #tpu.memory_space<hbm>>
      %dma_start3A_41 = arith.constant 0 : i32
      %dma_start3A_42 = arith.constant 0 : i32
      %dma_start3A_43 = tpu.memref_slice %arg3[%arg0, %arg1, %run_scoped3A_14, %dma_start3A_41, %dma_start3A_42] : memref<2x16x2x40x128xi32, #tpu.memory_space<hbm>> -> memref<1x1x1x40x128xi32, #tpu.memory_space<hbm>>
      %dma_start3A_44 = tpu.memref_squeeze %dma_start3A_43 : memref<1x1x1x40x128xi32, #tpu.memory_space<hbm>> -> memref<40x128xi32, #tpu.memory_space<hbm>>
      tpu.enqueue_dma source(%dma_start3A_44 : memref<40x128xi32, #tpu.memory_space<hbm>>) target(%arg6 : memref<40x128xi32, #tpu.memory_space<vmem>>) target_semaphore(%run_scoped3A_37 : memref<!tpu.dma_semaphore, #tpu.memory_space<semaphore_mem>>)
      %dma_wait3A_45 = arith.constant 0 : i32
      %dma_wait3A_46 = arith.constant 0 : i32
      %dma_wait3A_47 = tpu.memref_slice %arg3[%arg0, %arg1, %run_scoped3A_14, %dma_wait3A_45, %dma_wait3A_46] : memref<2x16x2x40x128xi32, #tpu.memory_space<hbm>> -> memref<1x1x1x40x128xi32, #tpu.memory_space<hbm>>
      %dma_wait3A_48 = tpu.memref_squeeze %dma_wait3A_47 : memref<1x1x1x40x128xi32, #tpu.memory_space<hbm>> -> memref<40x128xi32, #tpu.memory_space<hbm>>
      %dma_wait3A_49 = arith.constant 0 : i32
      %dma_wait3A_50 = arith.constant 0 : i32
      %dma_wait3A_51 = tpu.memref_slice %arg3[%arg0, %arg1, %run_scoped3A_14, %dma_wait3A_49, %dma_wait3A_50] : memref<2x16x2x40x128xi32, #tpu.memory_space<hbm>> -> memref<1x1x1x40x128xi32, #tpu.memory_space<hbm>>
      %dma_wait3A_52 = tpu.memref_squeeze %dma_wait3A_51 : memref<1x1x1x40x128xi32, #tpu.memory_space<hbm>> -> memref<40x128xi32, #tpu.memory_space<hbm>>
      tpu.wait_dma2 semaphore(%run_scoped3A_37 : memref<!tpu.dma_semaphore, #tpu.memory_space<semaphore_mem>>) src(%dma_wait3A_52 : memref<40x128xi32, #tpu.memory_space<hbm>>) dst(%arg6 : memref<40x128xi32, #tpu.memory_space<vmem>>)
      tpu.yield
    }) : () -> ()
    %scan3A_15 = arith.constant 0 : i32
    %scan3A_16 = arith.constant 20 : i32
    %scan3A_17 = arith.addi %scan3A_15, %scan3A_16 : i32
    %scan3A_18 = arith.constant 1 : i32
    scf.for %scan3A_37 = %scan3A_15 to %scan3A_17 step %scan3A_18  : i32 {
      %mul3A_38 = arith.constant 1 : i32
      %mul3A_39 = arith.muli %scan3A_37, %mul3A_38 : i32
      %add3A = arith.constant 0 : i32
      %add3A_40 = arith.addi %add3A, %mul3A_39 : i32
      %mul3A_41 = arith.constant 2 : i32
      %mul3A_42 = arith.muli %add3A_40, %mul3A_41 : i32
      %add3A_43 = arith.constant 0 : i32
      %add3A_44 = arith.addi %mul3A_42, %add3A_43 : i32
      %dma_wait3A_45 = arith.constant 0 : i32
      %dma_wait3A_46 = arith.constant 0 : i32
      %dma_wait3A_47 = tpu.memref_slice %arg6[%dma_wait3A_45, %dma_wait3A_46] : memref<40x128xi32, #tpu.memory_space<vmem>> -> memref<1x128xi32, #tpu.memory_space<vmem>>
      %dma_wait3A_48 = tpu.memref_squeeze %dma_wait3A_47 : memref<1x128xi32, #tpu.memory_space<vmem>> -> memref<128xi32, #tpu.memory_space<vmem>>
      %dma_wait3A_49 = arith.constant 0 : i32
      %dma_wait3A_50 = arith.constant 0 : i32
      %dma_wait3A_51 = tpu.memref_slice %arg2[%dma_wait3A_49, %dma_wait3A_50] : memref<10000x128xf32, #tpu.memory_space<hbm>> -> memref<10000x128xf32, #tpu.memory_space<hbm>>
      tpu.wait_indirect_dma semaphore(%arg10 : memref<!tpu.dma_semaphore, #tpu.memory_space<semaphore_mem>>) src(%dma_wait3A_51 : memref<10000x128xf32, #tpu.memory_space<hbm>>) dst(%arg8 : memref<128x128xf32, #tpu.memory_space<vmem>>)
      "tpu.region"() ({
        %run_scoped3A_78 = tpu.sem_alloc : memref<!tpu.dma_semaphore, #tpu.memory_space<semaphore_mem>>
        %dma_start3A_79 = arith.constant 0 : i32
        %dma_start3A_80 = tpu.memref_slice %arg6[%add3A_44, %dma_start3A_79] : memref<40x128xi32, #tpu.memory_space<vmem>> -> memref<1x128xi32, #tpu.memory_space<vmem>>
        %dma_start3A_81 = tpu.memref_squeeze %dma_start3A_80 : memref<1x128xi32, #tpu.memory_space<vmem>> -> memref<128xi32, #tpu.memory_space<vmem>>
        %dma_start3A_82 = arith.constant 0 : i32
        %dma_start3A_83 = arith.constant 0 : i32
        %dma_start3A_84 = tpu.memref_slice %arg2[%dma_start3A_82, %dma_start3A_83] : memref<10000x128xf32, #tpu.memory_space<hbm>> -> memref<10000x128xf32, #tpu.memory_space<hbm>>
        tpu.enqueue_indirect_dma source(%dma_start3A_84 : memref<10000x128xf32, #tpu.memory_space<hbm>>) target(%arg8 : memref<128x128xf32, #tpu.memory_space<vmem>>) offsets(%dma_start3A_81 : memref<128xi32, #tpu.memory_space<vmem>>) semaphore(%run_scoped3A_78 : memref<!tpu.dma_semaphore, #tpu.memory_space<semaphore_mem>>)
        %dma_wait3A_85 = arith.constant 0 : i32
        %dma_wait3A_86 = tpu.memref_slice %arg6[%add3A_44, %dma_wait3A_85] : memref<40x128xi32, #tpu.memory_space<vmem>> -> memref<1x128xi32, #tpu.memory_space<vmem>>
        %dma_wait3A_87 = tpu.memref_squeeze %dma_wait3A_86 : memref<1x128xi32, #tpu.memory_space<vmem>> -> memref<128xi32, #tpu.memory_space<vmem>>
        %dma_wait3A_88 = arith.constant 0 : i32
        %dma_wait3A_89 = arith.constant 0 : i32
        %dma_wait3A_90 = tpu.memref_slice %arg2[%dma_wait3A_88, %dma_wait3A_89] : memref<10000x128xf32, #tpu.memory_space<hbm>> -> memref<10000x128xf32, #tpu.memory_space<hbm>>
        tpu.wait_indirect_dma semaphore(%run_scoped3A_78 : memref<!tpu.dma_semaphore, #tpu.memory_space<semaphore_mem>>) src(%dma_wait3A_90 : memref<10000x128xf32, #tpu.memory_space<hbm>>) dst(%arg8 : memref<128x128xf32, #tpu.memory_space<vmem>>)
        tpu.yield
      }) : () -> ()
      %add3A_52 = arith.constant 40 : i32
      %add3A_53 = arith.addi %add3A_52, %add3A_44 : i32
      %dma_start3A = arith.constant 0 : i32
      %dma_start3A_54 = tpu.memref_slice %arg7[%add3A_53, %dma_start3A] : memref<80x128xi32, #tpu.memory_space<vmem>> -> memref<1x128xi32, #tpu.memory_space<vmem>>
      %dma_start3A_55 = tpu.memref_squeeze %dma_start3A_54 : memref<1x128xi32, #tpu.memory_space<vmem>> -> memref<128xi32, #tpu.memory_space<vmem>>
      %dma_start3A_56 = arith.constant 0 : i32
      %dma_start3A_57 = arith.constant 0 : i32
      %dma_start3A_58 = tpu.memref_slice %arg12[%dma_start3A_56, %dma_start3A_57] : memref<10240x128xf32, #tpu.memory_space<vmem_shared>> -> memref<10240x128xf32, #tpu.memory_space<vmem_shared>>
      tpu.enqueue_indirect_dma source(%arg8 : memref<128x128xf32, #tpu.memory_space<vmem>>) target(%dma_start3A_58 : memref<10240x128xf32, #tpu.memory_space<vmem_shared>>) offsets(%dma_start3A_55 : memref<128xi32, #tpu.memory_space<vmem>>) semaphore(%arg10 : memref<!tpu.dma_semaphore, #tpu.memory_space<semaphore_mem>>) {add = true}
      %mul3A_59 = arith.constant 2 : i32
      %mul3A_60 = arith.muli %add3A_40, %mul3A_59 : i32
      %add3A_61 = arith.constant 1 : i32
      %add3A_62 = arith.addi %mul3A_60, %add3A_61 : i32
      %dma_wait3A_63 = arith.constant 0 : i32
      %dma_wait3A_64 = arith.constant 0 : i32
      %dma_wait3A_65 = tpu.memref_slice %arg6[%dma_wait3A_63, %dma_wait3A_64] : memref<40x128xi32, #tpu.memory_space<vmem>> -> memref<1x128xi32, #tpu.memory_space<vmem>>
      %dma_wait3A_66 = tpu.memref_squeeze %dma_wait3A_65 : memref<1x128xi32, #tpu.memory_space<vmem>> -> memref<128xi32, #tpu.memory_space<vmem>>
      %dma_wait3A_67 = arith.constant 0 : i32
      %dma_wait3A_68 = arith.constant 0 : i32
      %dma_wait3A_69 = tpu.memref_slice %arg2[%dma_wait3A_67, %dma_wait3A_68] : memref<10000x128xf32, #tpu.memory_space<hbm>> -> memref<10000x128xf32, #tpu.memory_space<hbm>>
      tpu.wait_indirect_dma semaphore(%arg11 : memref<!tpu.dma_semaphore, #tpu.memory_space<semaphore_mem>>) src(%dma_wait3A_69 : memref<10000x128xf32, #tpu.memory_space<hbm>>) dst(%arg9 : memref<128x128xf32, #tpu.memory_space<vmem>>)
      "tpu.region"() ({
        %run_scoped3A_78 = tpu.sem_alloc : memref<!tpu.dma_semaphore, #tpu.memory_space<semaphore_mem>>
        %dma_start3A_79 = arith.constant 0 : i32
        %dma_start3A_80 = tpu.memref_slice %arg6[%add3A_62, %dma_start3A_79] : memref<40x128xi32, #tpu.memory_space<vmem>> -> memref<1x128xi32, #tpu.memory_space<vmem>>
        %dma_start3A_81 = tpu.memref_squeeze %dma_start3A_80 : memref<1x128xi32, #tpu.memory_space<vmem>> -> memref<128xi32, #tpu.memory_space<vmem>>
        %dma_start3A_82 = arith.constant 0 : i32
        %dma_start3A_83 = arith.constant 0 : i32
        %dma_start3A_84 = tpu.memref_slice %arg2[%dma_start3A_82, %dma_start3A_83] : memref<10000x128xf32, #tpu.memory_space<hbm>> -> memref<10000x128xf32, #tpu.memory_space<hbm>>
        tpu.enqueue_indirect_dma source(%dma_start3A_84 : memref<10000x128xf32, #tpu.memory_space<hbm>>) target(%arg9 : memref<128x128xf32, #tpu.memory_space<vmem>>) offsets(%dma_start3A_81 : memref<128xi32, #tpu.memory_space<vmem>>) semaphore(%run_scoped3A_78 : memref<!tpu.dma_semaphore, #tpu.memory_space<semaphore_mem>>)
        %dma_wait3A_85 = arith.constant 0 : i32
        %dma_wait3A_86 = tpu.memref_slice %arg6[%add3A_62, %dma_wait3A_85] : memref<40x128xi32, #tpu.memory_space<vmem>> -> memref<1x128xi32, #tpu.memory_space<vmem>>
        %dma_wait3A_87 = tpu.memref_squeeze %dma_wait3A_86 : memref<1x128xi32, #tpu.memory_space<vmem>> -> memref<128xi32, #tpu.memory_space<vmem>>
        %dma_wait3A_88 = arith.constant 0 : i32
        %dma_wait3A_89 = arith.constant 0 : i32
        %dma_wait3A_90 = tpu.memref_slice %arg2[%dma_wait3A_88, %dma_wait3A_89] : memref<10000x128xf32, #tpu.memory_space<hbm>> -> memref<10000x128xf32, #tpu.memory_space<hbm>>
        tpu.wait_indirect_dma semaphore(%run_scoped3A_78 : memref<!tpu.dma_semaphore, #tpu.memory_space<semaphore_mem>>) src(%dma_wait3A_90 : memref<10000x128xf32, #tpu.memory_space<hbm>>) dst(%arg9 : memref<128x128xf32, #tpu.memory_space<vmem>>)
        tpu.yield
      }) : () -> ()
      %add3A_70 = arith.constant 40 : i32
      %add3A_71 = arith.addi %add3A_70, %add3A_62 : i32
      %dma_start3A_72 = arith.constant 0 : i32
      %dma_start3A_73 = tpu.memref_slice %arg7[%add3A_71, %dma_start3A_72] : memref<80x128xi32, #tpu.memory_space<vmem>> -> memref<1x128xi32, #tpu.memory_space<vmem>>
      %dma_start3A_74 = tpu.memref_squeeze %dma_start3A_73 : memref<1x128xi32, #tpu.memory_space<vmem>> -> memref<128xi32, #tpu.memory_space<vmem>>
      %dma_start3A_75 = arith.constant 0 : i32
      %dma_start3A_76 = arith.constant 0 : i32
      %dma_start3A_77 = tpu.memref_slice %arg12[%dma_start3A_75, %dma_start3A_76] : memref<10240x128xf32, #tpu.memory_space<vmem_shared>> -> memref<10240x128xf32, #tpu.memory_space<vmem_shared>>
      tpu.enqueue_indirect_dma source(%arg9 : memref<128x128xf32, #tpu.memory_space<vmem>>) target(%dma_start3A_77 : memref<10240x128xf32, #tpu.memory_space<vmem_shared>>) offsets(%dma_start3A_74 : memref<128xi32, #tpu.memory_space<vmem>>) semaphore(%arg11 : memref<!tpu.dma_semaphore, #tpu.memory_space<semaphore_mem>>) {add = true}
    }
    %scan3A_19 = arith.constant 20 : i32
    %dma_wait3A = arith.constant 0 : i32
    %dma_wait3A_20 = arith.constant 0 : i32
    %dma_wait3A_21 = tpu.memref_slice %arg6[%dma_wait3A, %dma_wait3A_20] : memref<40x128xi32, #tpu.memory_space<vmem>> -> memref<1x128xi32, #tpu.memory_space<vmem>>
    %dma_wait3A_22 = tpu.memref_squeeze %dma_wait3A_21 : memref<1x128xi32, #tpu.memory_space<vmem>> -> memref<128xi32, #tpu.memory_space<vmem>>
    %dma_wait3A_23 = arith.constant 0 : i32
    %dma_wait3A_24 = arith.constant 0 : i32
    %dma_wait3A_25 = tpu.memref_slice %arg2[%dma_wait3A_23, %dma_wait3A_24] : memref<10000x128xf32, #tpu.memory_space<hbm>> -> memref<10000x128xf32, #tpu.memory_space<hbm>>
    tpu.wait_indirect_dma semaphore(%arg10 : memref<!tpu.dma_semaphore, #tpu.memory_space<semaphore_mem>>) src(%dma_wait3A_25 : memref<10000x128xf32, #tpu.memory_space<hbm>>) dst(%arg8 : memref<128x128xf32, #tpu.memory_space<vmem>>)
    %dma_wait3A_26 = arith.constant 0 : i32
    %dma_wait3A_27 = arith.constant 0 : i32
    %dma_wait3A_28 = tpu.memref_slice %arg6[%dma_wait3A_26, %dma_wait3A_27] : memref<40x128xi32, #tpu.memory_space<vmem>> -> memref<1x128xi32, #tpu.memory_space<vmem>>
    %dma_wait3A_29 = tpu.memref_squeeze %dma_wait3A_28 : memref<1x128xi32, #tpu.memory_space<vmem>> -> memref<128xi32, #tpu.memory_space<vmem>>
    %dma_wait3A_30 = arith.constant 0 : i32
    %dma_wait3A_31 = arith.constant 0 : i32
    %dma_wait3A_32 = tpu.memref_slice %arg2[%dma_wait3A_30, %dma_wait3A_31] : memref<10000x128xf32, #tpu.memory_space<hbm>> -> memref<10000x128xf32, #tpu.memory_space<hbm>>
    tpu.wait_indirect_dma semaphore(%arg11 : memref<!tpu.dma_semaphore, #tpu.memory_space<semaphore_mem>>) src(%dma_wait3A_32 : memref<10000x128xf32, #tpu.memory_space<hbm>>) dst(%arg9 : memref<128x128xf32, #tpu.memory_space<vmem>>)
    %barrier3A_33 = arith.constant 0 : index
    tpu.barrier barrier_id(%barrier3A_33)
    %mul3A = arith.constant 640 : i32
    %mul3A_34 = arith.muli %arg1, %mul3A : i32
    %mul3A_35 = arith.constant 640 : i32
    %mul3A_36 = arith.muli %arg1, %mul3A_35 : i32
    "tpu.region"() ({
      %run_scoped3A_37 = tpu.sem_alloc : memref<!tpu.dma_semaphore, #tpu.memory_space<semaphore_mem>>
      %dma_start3A = arith.constant 0 : i32
      %dma_start3A_38 = tpu.memref_slice %arg5[%arg0, %mul3A_36, %dma_start3A] : memref<2x10240x128xf32, #tpu.memory_space<hbm>> -> memref<1x640x128xf32, #tpu.memory_space<hbm>>
      %dma_start3A_39 = tpu.memref_squeeze %dma_start3A_38 : memref<1x640x128xf32, #tpu.memory_space<hbm>> -> memref<640x128xf32, #tpu.memory_space<hbm>>
      %dma_start3A_40 = arith.constant 0 : i32
      %dma_start3A_41 = tpu.memref_slice %arg12[%mul3A_34, %dma_start3A_40] : memref<10240x128xf32, #tpu.memory_space<vmem_shared>> -> memref<640x128xf32, #tpu.memory_space<vmem_shared>>
      tpu.enqueue_dma source(%dma_start3A_41 : memref<640x128xf32, #tpu.memory_space<vmem_shared>>) target(%dma_start3A_39 : memref<640x128xf32, #tpu.memory_space<hbm>>) target_semaphore(%run_scoped3A_37 : memref<!tpu.dma_semaphore, #tpu.memory_space<semaphore_mem>>)
      %dma_wait3A_42 = arith.constant 0 : i32
      %dma_wait3A_43 = tpu.memref_slice %arg5[%arg0, %mul3A_36, %dma_wait3A_42] : memref<2x10240x128xf32, #tpu.memory_space<hbm>> -> memref<1x640x128xf32, #tpu.memory_space<hbm>>
      %dma_wait3A_44 = tpu.memref_squeeze %dma_wait3A_43 : memref<1x640x128xf32, #tpu.memory_space<hbm>> -> memref<640x128xf32, #tpu.memory_space<hbm>>
      %dma_wait3A_45 = arith.constant 0 : i32
      %dma_wait3A_46 = tpu.memref_slice %arg12[%mul3A_34, %dma_wait3A_45] : memref<10240x128xf32, #tpu.memory_space<vmem_shared>> -> memref<640x128xf32, #tpu.memory_space<vmem_shared>>
      tpu.wait_dma2 semaphore(%run_scoped3A_37 : memref<!tpu.dma_semaphore, #tpu.memory_space<semaphore_mem>>) src(%dma_wait3A_46 : memref<640x128xf32, #tpu.memory_space<vmem_shared>>) dst(%dma_wait3A_44 : memref<640x128xf32, #tpu.memory_space<hbm>>)
      tpu.yield
    }) : () -> ()
    return
  }
}

#map = affine_map<(d0, d1) -> (0, 0)>
#map1 = affine_map<(d0, d1) -> (0, 0, 0, 0, 0)>
#map2 = affine_map<(d0, d1) -> (0, 0, 0, 0)>
#map3 = affine_map<(d0, d1) -> (0, 0, 0)>
module attributes {stable_mosaic.version = 14 : i64} {
  func.func @_sc_scatter_body(%arg0: i32, %arg1: i32, %arg2: memref<10000x128xf32, #tpu.memory_space<hbm>>, %arg3: memref<2x16x2x40x128xi32, #tpu.memory_space<hbm>>, %arg4: memref<2x16x80x128xi32, #tpu.memory_space<hbm>>, %arg5: memref<2x10240x128xf32, #tpu.memory_space<hbm>>, %arg6: memref<40x128xi32, #tpu.memory_space<vmem>>, %arg7: memref<80x128xi32, #tpu.memory_space<vmem>>, %arg8: memref<128x128xf32, #tpu.memory_space<vmem>>, %arg9: memref<128x128xf32, #tpu.memory_space<vmem>>, %arg10: memref<!tpu.dma_semaphore, #tpu.memory_space<semaphore_mem>>, %arg11: memref<!tpu.dma_semaphore, #tpu.memory_space<semaphore_mem>>, %arg12: memref<10240x128xf32, #tpu.memory_space<vmem_shared>>) attributes {dimension_semantics = [#tpu.dimension_semantics<core_parallel>, #tpu.dimension_semantics<subcore_parallel>], iteration_bounds = array<i64: 2, 16>, scalar_prefetch = 0 : i64, scratch_operands = 7 : i64, tpu.core_type = #tpu.core_type<sc_vector_subcore>, window_params = [{transform_indices = #map}, {transform_indices = #map1}, {transform_indices = #map2}, {transform_indices = #map3}]} {
    %scan3A = arith.constant 0 : i32
    %scan3A_0 = arith.constant 128 : i32
    %scan3A_1 = arith.addi %scan3A, %scan3A_0 : i32
    %scan3A_2 = arith.constant 1 : i32
    scf.for %scan3A_37 = %scan3A to %scan3A_1 step %scan3A_2  : i32 {
      %mul3A_38 = arith.constant 1 : i32
      %mul3A_39 = arith.muli %scan3A_37, %mul3A_38 : i32
      %add3A = arith.constant 0 : i32
      %add3A_40 = arith.addi %add3A, %mul3A_39 : i32
      %broadcast_in_dim3A = arith.constant 0.000000e+00 : f32
      %broadcast_in_dim3A_41 = vector.broadcast %broadcast_in_dim3A : f32 to vector<16xf32>
      %swap3A = arith.index_cast %add3A_40 : i32 to index
      %swap3A_42 = arith.constant 0 : index
      %swap3A_43 = tpu.vector_load %arg8[%swap3A, %swap3A_42] {strides = array<i32>} : memref<128x128xf32, #tpu.memory_space<vmem>>, vector<1x16xf32>,
      %swap3A_44 = vector.shape_cast %swap3A_43 : vector<1x16xf32> to vector<16xf32>
      %swap3A_45 = vector.shape_cast %broadcast_in_dim3A_41 : vector<16xf32> to vector<1x16xf32>
      tpu.vector_store %arg8[%swap3A, %swap3A_42], %swap3A_45 {strides = array<i32>} : memref<128x128xf32, #tpu.memory_space<vmem>>, vector<1x16xf32>,
      %broadcast_in_dim3A_46 = arith.constant 0.000000e+00 : f32
      %broadcast_in_dim3A_47 = vector.broadcast %broadcast_in_dim3A_46 : f32 to vector<16xf32>
      %swap3A_48 = arith.index_cast %add3A_40 : i32 to index
      %swap3A_49 = arith.constant 16 : index
      %swap3A_50 = tpu.vector_load %arg8[%swap3A_48, %swap3A_49] {strides = array<i32>} : memref<128x128xf32, #tpu.memory_space<vmem>>, vector<1x16xf32>,
      %swap3A_51 = vector.shape_cast %swap3A_50 : vector<1x16xf32> to vector<16xf32>
      %swap3A_52 = vector.shape_cast %broadcast_in_dim3A_47 : vector<16xf32> to vector<1x16xf32>
      tpu.vector_store %arg8[%swap3A_48, %swap3A_49], %swap3A_52 {strides = array<i32>} : memref<128x128xf32, #tpu.memory_space<vmem>>, vector<1x16xf32>,
      %broadcast_in_dim3A_53 = arith.constant 0.000000e+00 : f32
      %broadcast_in_dim3A_54 = vector.broadcast %broadcast_in_dim3A_53 : f32 to vector<16xf32>
      %swap3A_55 = arith.index_cast %add3A_40 : i32 to index
      %swap3A_56 = arith.constant 32 : index
      %swap3A_57 = tpu.vector_load %arg8[%swap3A_55, %swap3A_56] {strides = array<i32>} : memref<128x128xf32, #tpu.memory_space<vmem>>, vector<1x16xf32>,
      %swap3A_58 = vector.shape_cast %swap3A_57 : vector<1x16xf32> to vector<16xf32>
      %swap3A_59 = vector.shape_cast %broadcast_in_dim3A_54 : vector<16xf32> to vector<1x16xf32>
      tpu.vector_store %arg8[%swap3A_55, %swap3A_56], %swap3A_59 {strides = array<i32>} : memref<128x128xf32, #tpu.memory_space<vmem>>, vector<1x16xf32>,
      %broadcast_in_dim3A_60 = arith.constant 0.000000e+00 : f32
      %broadcast_in_dim3A_61 = vector.broadcast %broadcast_in_dim3A_60 : f32 to vector<16xf32>
      %swap3A_62 = arith.index_cast %add3A_40 : i32 to index
      %swap3A_63 = arith.constant 48 : index
      %swap3A_64 = tpu.vector_load %arg8[%swap3A_62, %swap3A_63] {strides = array<i32>} : memref<128x128xf32, #tpu.memory_space<vmem>>, vector<1x16xf32>,
      %swap3A_65 = vector.shape_cast %swap3A_64 : vector<1x16xf32> to vector<16xf32>
      %swap3A_66 = vector.shape_cast %broadcast_in_dim3A_61 : vector<16xf32> to vector<1x16xf32>
      tpu.vector_store %arg8[%swap3A_62, %swap3A_63], %swap3A_66 {strides = array<i32>} : memref<128x128xf32, #tpu.memory_space<vmem>>, vector<1x16xf32>,
      %broadcast_in_dim3A_67 = arith.constant 0.000000e+00 : f32
      %broadcast_in_dim3A_68 = vector.broadcast %broadcast_in_dim3A_67 : f32 to vector<16xf32>
      %swap3A_69 = arith.index_cast %add3A_40 : i32 to index
      %swap3A_70 = arith.constant 64 : index
      %swap3A_71 = tpu.vector_load %arg8[%swap3A_69, %swap3A_70] {strides = array<i32>} : memref<128x128xf32, #tpu.memory_space<vmem>>, vector<1x16xf32>,
      %swap3A_72 = vector.shape_cast %swap3A_71 : vector<1x16xf32> to vector<16xf32>
      %swap3A_73 = vector.shape_cast %broadcast_in_dim3A_68 : vector<16xf32> to vector<1x16xf32>
      tpu.vector_store %arg8[%swap3A_69, %swap3A_70], %swap3A_73 {strides = array<i32>} : memref<128x128xf32, #tpu.memory_space<vmem>>, vector<1x16xf32>,
      %broadcast_in_dim3A_74 = arith.constant 0.000000e+00 : f32
      %broadcast_in_dim3A_75 = vector.broadcast %broadcast_in_dim3A_74 : f32 to vector<16xf32>
      %swap3A_76 = arith.index_cast %add3A_40 : i32 to index
      %swap3A_77 = arith.constant 80 : index
      %swap3A_78 = tpu.vector_load %arg8[%swap3A_76, %swap3A_77] {strides = array<i32>} : memref<128x128xf32, #tpu.memory_space<vmem>>, vector<1x16xf32>,
      %swap3A_79 = vector.shape_cast %swap3A_78 : vector<1x16xf32> to vector<16xf32>
      %swap3A_80 = vector.shape_cast %broadcast_in_dim3A_75 : vector<16xf32> to vector<1x16xf32>
      tpu.vector_store %arg8[%swap3A_76, %swap3A_77], %swap3A_80 {strides = array<i32>} : memref<128x128xf32, #tpu.memory_space<vmem>>, vector<1x16xf32>,
      %broadcast_in_dim3A_81 = arith.constant 0.000000e+00 : f32
      %broadcast_in_dim3A_82 = vector.broadcast %broadcast_in_dim3A_81 : f32 to vector<16xf32>
      %swap3A_83 = arith.index_cast %add3A_40 : i32 to index
      %swap3A_84 = arith.constant 96 : index
      %swap3A_85 = tpu.vector_load %arg8[%swap3A_83, %swap3A_84] {strides = array<i32>} : memref<128x128xf32, #tpu.memory_space<vmem>>, vector<1x16xf32>,
      %swap3A_86 = vector.shape_cast %swap3A_85 : vector<1x16xf32> to vector<16xf32>
      %swap3A_87 = vector.shape_cast %broadcast_in_dim3A_82 : vector<16xf32> to vector<1x16xf32>
      tpu.vector_store %arg8[%swap3A_83, %swap3A_84], %swap3A_87 {strides = array<i32>} : memref<128x128xf32, #tpu.memory_space<vmem>>, vector<1x16xf32>,
      %broadcast_in_dim3A_88 = arith.constant 0.000000e+00 : f32
      %broadcast_in_dim3A_89 = vector.broadcast %broadcast_in_dim3A_88 : f32 to vector<16xf32>
      %swap3A_90 = arith.index_cast %add3A_40 : i32 to index
      %swap3A_91 = arith.constant 112 : index
      %swap3A_92 = tpu.vector_load %arg8[%swap3A_90, %swap3A_91] {strides = array<i32>} : memref<128x128xf32, #tpu.memory_space<vmem>>, vector<1x16xf32>,
      %swap3A_93 = vector.shape_cast %swap3A_92 : vector<1x16xf32> to vector<16xf32>
      %swap3A_94 = vector.shape_cast %broadcast_in_dim3A_89 : vector<16xf32> to vector<1x16xf32>
      tpu.vector_store %arg8[%swap3A_90, %swap3A_91], %swap3A_94 {strides = array<i32>} : memref<128x128xf32, #tpu.memory_space<vmem>>, vector<1x16xf32>,
    }
    %scan3A_3 = arith.constant 128 : i32
    %scan3A_4 = arith.constant 0 : i32
    %scan3A_5 = arith.constant 5 : i32
    %scan3A_6 = arith.addi %scan3A_4, %scan3A_5 : i32
    %scan3A_7 = arith.constant 1 : i32
    scf.for %scan3A_37 = %scan3A_4 to %scan3A_6 step %scan3A_7  : i32 {
      %mul3A_38 = arith.constant 1 : i32
      %mul3A_39 = arith.muli %scan3A_37, %mul3A_38 : i32
      %add3A = arith.constant 0 : i32
      %add3A_40 = arith.addi %add3A, %mul3A_39 : i32
      %mul3A_41 = arith.constant 640 : i32
      %mul3A_42 = arith.muli %arg1, %mul3A_41 : i32
      %mul3A_43 = arith.constant 128 : i32
      %mul3A_44 = arith.muli %add3A_40, %mul3A_43 : i32
      %add3A_45 = arith.addi %mul3A_42, %mul3A_44 : i32
      "tpu.region"() ({
        %run_scoped3A_46 = tpu.sem_alloc : memref<!tpu.dma_semaphore, #tpu.memory_space<semaphore_mem>>
        %dma_start3A = arith.constant 0 : i32
        %dma_start3A_47 = tpu.memref_slice %arg12[%add3A_45, %dma_start3A] : memref<10240x128xf32, #tpu.memory_space<vmem_shared>> -> memref<128x128xf32, #tpu.memory_space<vmem_shared>>
        %dma_start3A_48 = arith.constant 0 : i32
        %dma_start3A_49 = tpu.memref_slice %arg12[%add3A_45, %dma_start3A_48] : memref<10240x128xf32, #tpu.memory_space<vmem_shared>> -> memref<128x128xf32, #tpu.memory_space<vmem_shared>>
        tpu.enqueue_dma source(%arg8 : memref<128x128xf32, #tpu.memory_space<vmem>>) target(%dma_start3A_49 : memref<128x128xf32, #tpu.memory_space<vmem_shared>>) target_semaphore(%run_scoped3A_46 : memref<!tpu.dma_semaphore, #tpu.memory_space<semaphore_mem>>)
        %dma_wait3A_50 = arith.constant 0 : i32
        %dma_wait3A_51 = tpu.memref_slice %arg12[%add3A_45, %dma_wait3A_50] : memref<10240x128xf32, #tpu.memory_space<vmem_shared>> -> memref<128x128xf32, #tpu.memory_space<vmem_shared>>
        %dma_wait3A_52 = arith.constant 0 : i32
        %dma_wait3A_53 = tpu.memref_slice %arg12[%add3A_45, %dma_wait3A_52] : memref<10240x128xf32, #tpu.memory_space<vmem_shared>> -> memref<128x128xf32, #tpu.memory_space<vmem_shared>>
        tpu.wait_dma2 semaphore(%run_scoped3A_46 : memref<!tpu.dma_semaphore, #tpu.memory_space<semaphore_mem>>) src(%arg8 : memref<128x128xf32, #tpu.memory_space<vmem>>) dst(%dma_wait3A_53 : memref<128x128xf32, #tpu.memory_space<vmem_shared>>)
        tpu.yield
      }) : () -> ()
    }
    %scan3A_8 = arith.constant 5 : i32
    %barrier3A = arith.constant 0 : index
    tpu.barrier barrier_id(%barrier3A)
    "tpu.region"() ({
      %run_scoped3A_37 = tpu.sem_alloc : memref<!tpu.dma_semaphore, #tpu.memory_space<semaphore_mem>>
      %dma_start3A = arith.constant 0 : i32
      %dma_start3A_38 = arith.constant 0 : i32
      %dma_start3A_39 = tpu.memref_slice %arg4[%arg0, %arg1, %dma_start3A, %dma_start3A_38] : memref<2x16x80x128xi32, #tpu.memory_space<hbm>> -> memref<1x1x80x128xi32, #tpu.memory_space<hbm>>
      %dma_start3A_40 = tpu.memref_squeeze %dma_start3A_39 : memref<1x1x80x128xi32, #tpu.memory_space<hbm>> -> memref<80x128xi32, #tpu.memory_space<hbm>>
      %dma_start3A_41 = arith.constant 0 : i32
      %dma_start3A_42 = arith.constant 0 : i32
      %dma_start3A_43 = tpu.memref_slice %arg4[%arg0, %arg1, %dma_start3A_41, %dma_start3A_42] : memref<2x16x80x128xi32, #tpu.memory_space<hbm>> -> memref<1x1x80x128xi32, #tpu.memory_space<hbm>>
      %dma_start3A_44 = tpu.memref_squeeze %dma_start3A_43 : memref<1x1x80x128xi32, #tpu.memory_space<hbm>> -> memref<80x128xi32, #tpu.memory_space<hbm>>
      tpu.enqueue_dma source(%dma_start3A_44 : memref<80x128xi32, #tpu.memory_space<hbm>>) target(%arg7 : memref<80x128xi32, #tpu.memory_space<vmem>>) target_semaphore(%run_scoped3A_37 : memref<!tpu.dma_semaphore, #tpu.memory_space<semaphore_mem>>)
      %dma_wait3A_45 = arith.constant 0 : i32
      %dma_wait3A_46 = arith.constant 0 : i32
      %dma_wait3A_47 = tpu.memref_slice %arg4[%arg0, %arg1, %dma_wait3A_45, %dma_wait3A_46] : memref<2x16x80x128xi32, #tpu.memory_space<hbm>> -> memref<1x1x80x128xi32, #tpu.memory_space<hbm>>
      %dma_wait3A_48 = tpu.memref_squeeze %dma_wait3A_47 : memref<1x1x80x128xi32, #tpu.memory_space<hbm>> -> memref<80x128xi32, #tpu.memory_space<hbm>>
      %dma_wait3A_49 = arith.constant 0 : i32
      %dma_wait3A_50 = arith.constant 0 : i32
      %dma_wait3A_51 = tpu.memref_slice %arg4[%arg0, %arg1, %dma_wait3A_49, %dma_wait3A_50] : memref<2x16x80x128xi32, #tpu.memory_space<hbm>> -> memref<1x1x80x128xi32, #tpu.memory_space<hbm>>
      %dma_wait3A_52 = tpu.memref_squeeze %dma_wait3A_51 : memref<1x1x80x128xi32, #tpu.memory_space<hbm>> -> memref<80x128xi32, #tpu.memory_space<hbm>>
      tpu.wait_dma2 semaphore(%run_scoped3A_37 : memref<!tpu.dma_semaphore, #tpu.memory_space<semaphore_mem>>) src(%dma_wait3A_52 : memref<80x128xi32, #tpu.memory_space<hbm>>) dst(%arg7 : memref<80x128xi32, #tpu.memory_space<vmem>>)
      tpu.yield
    }) : () -> ()
    %run_scoped3A = arith.constant 0 : i32
    "tpu.region"() ({
      %run_scoped3A_37 = tpu.sem_alloc : memref<!tpu.dma_semaphore, #tpu.memory_space<semaphore_mem>>
      %dma_start3A = arith.constant 0 : i32
      %dma_start3A_38 = arith.constant 0 : i32
      %dma_start3A_39 = tpu.memref_slice %arg3[%arg0, %arg1, %run_scoped3A, %dma_start3A, %dma_start3A_38] : memref<2x16x2x40x128xi32, #tpu.memory_space<hbm>> -> memref<1x1x1x40x128xi32, #tpu.memory_space<hbm>>
      %dma_start3A_40 = tpu.memref_squeeze %dma_start3A_39 : memref<1x1x1x40x128xi32, #tpu.memory_space<hbm>> -> memref<40x128xi32, #tpu.memory_space<hbm>>
      %dma_start3A_41 = arith.constant 0 : i32
      %dma_start3A_42 = arith.constant 0 : i32
      %dma_start3A_43 = tpu.memref_slice %arg3[%arg0, %arg1, %run_scoped3A, %dma_start3A_41, %dma_start3A_42] : memref<2x16x2x40x128xi32, #tpu.memory_space<hbm>> -> memref<1x1x1x40x128xi32, #tpu.memory_space<hbm>>
      %dma_start3A_44 = tpu.memref_squeeze %dma_start3A_43 : memref<1x1x1x40x128xi32, #tpu.memory_space<hbm>> -> memref<40x128xi32, #tpu.memory_space<hbm>>
      tpu.enqueue_dma source(%dma_start3A_44 : memref<40x128xi32, #tpu.memory_space<hbm>>) target(%arg6 : memref<40x128xi32, #tpu.memory_space<vmem>>) target_semaphore(%run_scoped3A_37 : memref<!tpu.dma_semaphore, #tpu.memory_space<semaphore_mem>>)
      %dma_wait3A_45 = arith.constant 0 : i32
      %dma_wait3A_46 = arith.constant 0 : i32
      %dma_wait3A_47 = tpu.memref_slice %arg3[%arg0, %arg1, %run_scoped3A, %dma_wait3A_45, %dma_wait3A_46] : memref<2x16x2x40x128xi32, #tpu.memory_space<hbm>> -> memref<1x1x1x40x128xi32, #tpu.memory_space<hbm>>
      %dma_wait3A_48 = tpu.memref_squeeze %dma_wait3A_47 : memref<1x1x1x40x128xi32, #tpu.memory_space<hbm>> -> memref<40x128xi32, #tpu.memory_space<hbm>>
      %dma_wait3A_49 = arith.constant 0 : i32
      %dma_wait3A_50 = arith.constant 0 : i32
      %dma_wait3A_51 = tpu.memref_slice %arg3[%arg0, %arg1, %run_scoped3A, %dma_wait3A_49, %dma_wait3A_50] : memref<2x16x2x40x128xi32, #tpu.memory_space<hbm>> -> memref<1x1x1x40x128xi32, #tpu.memory_space<hbm>>
      %dma_wait3A_52 = tpu.memref_squeeze %dma_wait3A_51 : memref<1x1x1x40x128xi32, #tpu.memory_space<hbm>> -> memref<40x128xi32, #tpu.memory_space<hbm>>
      tpu.wait_dma2 semaphore(%run_scoped3A_37 : memref<!tpu.dma_semaphore, #tpu.memory_space<semaphore_mem>>) src(%dma_wait3A_52 : memref<40x128xi32, #tpu.memory_space<hbm>>) dst(%arg6 : memref<40x128xi32, #tpu.memory_space<vmem>>)
      tpu.yield
    }) : () -> ()
    %scan3A_9 = arith.constant 0 : i32
    %scan3A_10 = arith.constant 20 : i32
    %scan3A_11 = arith.addi %scan3A_9, %scan3A_10 : i32
    %scan3A_12 = arith.constant 1 : i32
    scf.for %scan3A_37 = %scan3A_9 to %scan3A_11 step %scan3A_12  : i32 {
      %mul3A_38 = arith.constant 1 : i32
      %mul3A_39 = arith.muli %scan3A_37, %mul3A_38 : i32
      %add3A = arith.constant 0 : i32
      %add3A_40 = arith.addi %add3A, %mul3A_39 : i32
      %mul3A_41 = arith.constant 2 : i32
      %mul3A_42 = arith.muli %add3A_40, %mul3A_41 : i32
      %add3A_43 = arith.constant 0 : i32
      %add3A_44 = arith.addi %mul3A_42, %add3A_43 : i32
      %gt3A = arith.constant 0 : i32
      %gt3A_45 = arith.cmpi sgt, %add3A_40, %gt3A : i32
      %convert_element_type3A = arith.extui %gt3A_45 : i1 to i32
      %cond3A = arith.constant 0 : i32
      %cond3A_46 = arith.cmpi ne, %convert_element_type3A, %cond3A : i32
      scf.if %cond3A_46 {
        %dma_wait3A_71 = arith.constant 0 : i32
        %dma_wait3A_72 = arith.constant 0 : i32
        %dma_wait3A_73 = tpu.memref_slice %arg6[%dma_wait3A_71, %dma_wait3A_72] : memref<40x128xi32, #tpu.memory_space<vmem>> -> memref<1x128xi32, #tpu.memory_space<vmem>>
        %dma_wait3A_74 = tpu.memref_squeeze %dma_wait3A_73 : memref<1x128xi32, #tpu.memory_space<vmem>> -> memref<128xi32, #tpu.memory_space<vmem>>
        %dma_wait3A_75 = arith.constant 0 : i32
        %dma_wait3A_76 = arith.constant 0 : i32
        %dma_wait3A_77 = tpu.memref_slice %arg2[%dma_wait3A_75, %dma_wait3A_76] : memref<10000x128xf32, #tpu.memory_space<hbm>> -> memref<10000x128xf32, #tpu.memory_space<hbm>>
        tpu.wait_indirect_dma semaphore(%arg10 : memref<!tpu.dma_semaphore, #tpu.memory_space<semaphore_mem>>) src(%dma_wait3A_77 : memref<10000x128xf32, #tpu.memory_space<hbm>>) dst(%arg8 : memref<128x128xf32, #tpu.memory_space<vmem>>)
      } else {
      }
      "tpu.region"() ({
        %run_scoped3A_71 = tpu.sem_alloc : memref<!tpu.dma_semaphore, #tpu.memory_space<semaphore_mem>>
        %dma_start3A_72 = arith.constant 0 : i32
        %dma_start3A_73 = tpu.memref_slice %arg6[%add3A_44, %dma_start3A_72] : memref<40x128xi32, #tpu.memory_space<vmem>> -> memref<1x128xi32, #tpu.memory_space<vmem>>
        %dma_start3A_74 = tpu.memref_squeeze %dma_start3A_73 : memref<1x128xi32, #tpu.memory_space<vmem>> -> memref<128xi32, #tpu.memory_space<vmem>>
        %dma_start3A_75 = arith.constant 0 : i32
        %dma_start3A_76 = arith.constant 0 : i32
        %dma_start3A_77 = tpu.memref_slice %arg2[%dma_start3A_75, %dma_start3A_76] : memref<10000x128xf32, #tpu.memory_space<hbm>> -> memref<10000x128xf32, #tpu.memory_space<hbm>>
        tpu.enqueue_indirect_dma source(%dma_start3A_77 : memref<10000x128xf32, #tpu.memory_space<hbm>>) target(%arg8 : memref<128x128xf32, #tpu.memory_space<vmem>>) offsets(%dma_start3A_74 : memref<128xi32, #tpu.memory_space<vmem>>) semaphore(%run_scoped3A_71 : memref<!tpu.dma_semaphore, #tpu.memory_space<semaphore_mem>>)
        %dma_wait3A_78 = arith.constant 0 : i32
        %dma_wait3A_79 = tpu.memref_slice %arg6[%add3A_44, %dma_wait3A_78] : memref<40x128xi32, #tpu.memory_space<vmem>> -> memref<1x128xi32, #tpu.memory_space<vmem>>
        %dma_wait3A_80 = tpu.memref_squeeze %dma_wait3A_79 : memref<1x128xi32, #tpu.memory_space<vmem>> -> memref<128xi32, #tpu.memory_space<vmem>>
        %dma_wait3A_81 = arith.constant 0 : i32
        %dma_wait3A_82 = arith.constant 0 : i32
        %dma_wait3A_83 = tpu.memref_slice %arg2[%dma_wait3A_81, %dma_wait3A_82] : memref<10000x128xf32, #tpu.memory_space<hbm>> -> memref<10000x128xf32, #tpu.memory_space<hbm>>
        tpu.wait_indirect_dma semaphore(%run_scoped3A_71 : memref<!tpu.dma_semaphore, #tpu.memory_space<semaphore_mem>>) src(%dma_wait3A_83 : memref<10000x128xf32, #tpu.memory_space<hbm>>) dst(%arg8 : memref<128x128xf32, #tpu.memory_space<vmem>>)
        tpu.yield
      }) : () -> ()
      %add3A_47 = arith.constant 0 : i32
      %add3A_48 = arith.addi %add3A_47, %add3A_44 : i32
      %dma_start3A = arith.constant 0 : i32
      %dma_start3A_49 = tpu.memref_slice %arg7[%add3A_48, %dma_start3A] : memref<80x128xi32, #tpu.memory_space<vmem>> -> memref<1x128xi32, #tpu.memory_space<vmem>>
      %dma_start3A_50 = tpu.memref_squeeze %dma_start3A_49 : memref<1x128xi32, #tpu.memory_space<vmem>> -> memref<128xi32, #tpu.memory_space<vmem>>
      %dma_start3A_51 = arith.constant 0 : i32
      %dma_start3A_52 = arith.constant 0 : i32
      %dma_start3A_53 = tpu.memref_slice %arg12[%dma_start3A_51, %dma_start3A_52] : memref<10240x128xf32, #tpu.memory_space<vmem_shared>> -> memref<10240x128xf32, #tpu.memory_space<vmem_shared>>
      tpu.enqueue_indirect_dma source(%arg8 : memref<128x128xf32, #tpu.memory_space<vmem>>) target(%dma_start3A_53 : memref<10240x128xf32, #tpu.memory_space<vmem_shared>>) offsets(%dma_start3A_50 : memref<128xi32, #tpu.memory_space<vmem>>) semaphore(%arg10 : memref<!tpu.dma_semaphore, #tpu.memory_space<semaphore_mem>>) {add = true}
      %mul3A_54 = arith.constant 2 : i32
      %mul3A_55 = arith.muli %add3A_40, %mul3A_54 : i32
      %add3A_56 = arith.constant 1 : i32
      %add3A_57 = arith.addi %mul3A_55, %add3A_56 : i32
      %gt3A_58 = arith.constant 0 : i32
      %gt3A_59 = arith.cmpi sgt, %add3A_40, %gt3A_58 : i32
      %convert_element_type3A_60 = arith.extui %gt3A_59 : i1 to i32
      %cond3A_61 = arith.constant 0 : i32
      %cond3A_62 = arith.cmpi ne, %convert_element_type3A_60, %cond3A_61 : i32
      scf.if %cond3A_62 {
        %dma_wait3A_71 = arith.constant 0 : i32
        %dma_wait3A_72 = arith.constant 0 : i32
        %dma_wait3A_73 = tpu.memref_slice %arg6[%dma_wait3A_71, %dma_wait3A_72] : memref<40x128xi32, #tpu.memory_space<vmem>> -> memref<1x128xi32, #tpu.memory_space<vmem>>
        %dma_wait3A_74 = tpu.memref_squeeze %dma_wait3A_73 : memref<1x128xi32, #tpu.memory_space<vmem>> -> memref<128xi32, #tpu.memory_space<vmem>>
        %dma_wait3A_75 = arith.constant 0 : i32
        %dma_wait3A_76 = arith.constant 0 : i32
        %dma_wait3A_77 = tpu.memref_slice %arg2[%dma_wait3A_75, %dma_wait3A_76] : memref<10000x128xf32, #tpu.memory_space<hbm>> -> memref<10000x128xf32, #tpu.memory_space<hbm>>
        tpu.wait_indirect_dma semaphore(%arg11 : memref<!tpu.dma_semaphore, #tpu.memory_space<semaphore_mem>>) src(%dma_wait3A_77 : memref<10000x128xf32, #tpu.memory_space<hbm>>) dst(%arg9 : memref<128x128xf32, #tpu.memory_space<vmem>>)
      } else {
      }
      "tpu.region"() ({
        %run_scoped3A_71 = tpu.sem_alloc : memref<!tpu.dma_semaphore, #tpu.memory_space<semaphore_mem>>
        %dma_start3A_72 = arith.constant 0 : i32
        %dma_start3A_73 = tpu.memref_slice %arg6[%add3A_57, %dma_start3A_72] : memref<40x128xi32, #tpu.memory_space<vmem>> -> memref<1x128xi32, #tpu.memory_space<vmem>>
        %dma_start3A_74 = tpu.memref_squeeze %dma_start3A_73 : memref<1x128xi32, #tpu.memory_space<vmem>> -> memref<128xi32, #tpu.memory_space<vmem>>
        %dma_start3A_75 = arith.constant 0 : i32
        %dma_start3A_76 = arith.constant 0 : i32
        %dma_start3A_77 = tpu.memref_slice %arg2[%dma_start3A_75, %dma_start3A_76] : memref<10000x128xf32, #tpu.memory_space<hbm>> -> memref<10000x128xf32, #tpu.memory_space<hbm>>
        tpu.enqueue_indirect_dma source(%dma_start3A_77 : memref<10000x128xf32, #tpu.memory_space<hbm>>) target(%arg9 : memref<128x128xf32, #tpu.memory_space<vmem>>) offsets(%dma_start3A_74 : memref<128xi32, #tpu.memory_space<vmem>>) semaphore(%run_scoped3A_71 : memref<!tpu.dma_semaphore, #tpu.memory_space<semaphore_mem>>)
        %dma_wait3A_78 = arith.constant 0 : i32
        %dma_wait3A_79 = tpu.memref_slice %arg6[%add3A_57, %dma_wait3A_78] : memref<40x128xi32, #tpu.memory_space<vmem>> -> memref<1x128xi32, #tpu.memory_space<vmem>>
        %dma_wait3A_80 = tpu.memref_squeeze %dma_wait3A_79 : memref<1x128xi32, #tpu.memory_space<vmem>> -> memref<128xi32, #tpu.memory_space<vmem>>
        %dma_wait3A_81 = arith.constant 0 : i32
        %dma_wait3A_82 = arith.constant 0 : i32
        %dma_wait3A_83 = tpu.memref_slice %arg2[%dma_wait3A_81, %dma_wait3A_82] : memref<10000x128xf32, #tpu.memory_space<hbm>> -> memref<10000x128xf32, #tpu.memory_space<hbm>>
        tpu.wait_indirect_dma semaphore(%run_scoped3A_71 : memref<!tpu.dma_semaphore, #tpu.memory_space<semaphore_mem>>) src(%dma_wait3A_83 : memref<10000x128xf32, #tpu.memory_space<hbm>>) dst(%arg9 : memref<128x128xf32, #tpu.memory_space<vmem>>)
        tpu.yield
      }) : () -> ()
      %add3A_63 = arith.constant 0 : i32
      %add3A_64 = arith.addi %add3A_63, %add3A_57 : i32
      %dma_start3A_65 = arith.constant 0 : i32
      %dma_start3A_66 = tpu.memref_slice %arg7[%add3A_64, %dma_start3A_65] : memref<80x128xi32, #tpu.memory_space<vmem>> -> memref<1x128xi32, #tpu.memory_space<vmem>>
      %dma_start3A_67 = tpu.memref_squeeze %dma_start3A_66 : memref<1x128xi32, #tpu.memory_space<vmem>> -> memref<128xi32, #tpu.memory_space<vmem>>
      %dma_start3A_68 = arith.constant 0 : i32
      %dma_start3A_69 = arith.constant 0 : i32
      %dma_start3A_70 = tpu.memref_slice %arg12[%dma_start3A_68, %dma_start3A_69] : memref<10240x128xf32, #tpu.memory_space<vmem_shared>> -> memref<10240x128xf32, #tpu.memory_space<vmem_shared>>
      tpu.enqueue_indirect_dma source(%arg9 : memref<128x128xf32, #tpu.memory_space<vmem>>) target(%dma_start3A_70 : memref<10240x128xf32, #tpu.memory_space<vmem_shared>>) offsets(%dma_start3A_67 : memref<128xi32, #tpu.memory_space<vmem>>) semaphore(%arg11 : memref<!tpu.dma_semaphore, #tpu.memory_space<semaphore_mem>>) {add = true}
    }
    %scan3A_13 = arith.constant 20 : i32
    %run_scoped3A_14 = arith.constant 1 : i32
    "tpu.region"() ({
      %run_scoped3A_37 = tpu.sem_alloc : memref<!tpu.dma_semaphore, #tpu.memory_space<semaphore_mem>>
      %dma_start3A = arith.constant 0 : i32
      %dma_start3A_38 = arith.constant 0 : i32
      %dma_start3A_39 = tpu.memref_slice %arg3[%arg0, %arg1, %run_scoped3A_14, %dma_start3A, %dma_start3A_38] : memref<2x16x2x40x128xi32, #tpu.memory_space<hbm>> -> memref<1x1x1x40x128xi32, #tpu.memory_space<hbm>>
      %dma_start3A_40 = tpu.memref_squeeze %dma_start3A_39 : memref<1x1x1x40x128xi32, #tpu.memory_space<hbm>> -> memref<40x128xi32, #tpu.memory_space<hbm>>
      %dma_start3A_41 = arith.constant 0 : i32
      %dma_start3A_42 = arith.constant 0 : i32
      %dma_start3A_43 = tpu.memref_slice %arg3[%arg0, %arg1, %run_scoped3A_14, %dma_start3A_41, %dma_start3A_42] : memref<2x16x2x40x128xi32, #tpu.memory_space<hbm>> -> memref<1x1x1x40x128xi32, #tpu.memory_space<hbm>>
      %dma_start3A_44 = tpu.memref_squeeze %dma_start3A_43 : memref<1x1x1x40x128xi32, #tpu.memory_space<hbm>> -> memref<40x128xi32, #tpu.memory_space<hbm>>
      tpu.enqueue_dma source(%dma_start3A_44 : memref<40x128xi32, #tpu.memory_space<hbm>>) target(%arg6 : memref<40x128xi32, #tpu.memory_space<vmem>>) target_semaphore(%run_scoped3A_37 : memref<!tpu.dma_semaphore, #tpu.memory_space<semaphore_mem>>)
      %dma_wait3A_45 = arith.constant 0 : i32
      %dma_wait3A_46 = arith.constant 0 : i32
      %dma_wait3A_47 = tpu.memref_slice %arg3[%arg0, %arg1, %run_scoped3A_14, %dma_wait3A_45, %dma_wait3A_46] : memref<2x16x2x40x128xi32, #tpu.memory_space<hbm>> -> memref<1x1x1x40x128xi32, #tpu.memory_space<hbm>>
      %dma_wait3A_48 = tpu.memref_squeeze %dma_wait3A_47 : memref<1x1x1x40x128xi32, #tpu.memory_space<hbm>> -> memref<40x128xi32, #tpu.memory_space<hbm>>
      %dma_wait3A_49 = arith.constant 0 : i32
      %dma_wait3A_50 = arith.constant 0 : i32
      %dma_wait3A_51 = tpu.memref_slice %arg3[%arg0, %arg1, %run_scoped3A_14, %dma_wait3A_49, %dma_wait3A_50] : memref<2x16x2x40x128xi32, #tpu.memory_space<hbm>> -> memref<1x1x1x40x128xi32, #tpu.memory_space<hbm>>
      %dma_wait3A_52 = tpu.memref_squeeze %dma_wait3A_51 : memref<1x1x1x40x128xi32, #tpu.memory_space<hbm>> -> memref<40x128xi32, #tpu.memory_space<hbm>>
      tpu.wait_dma2 semaphore(%run_scoped3A_37 : memref<!tpu.dma_semaphore, #tpu.memory_space<semaphore_mem>>) src(%dma_wait3A_52 : memref<40x128xi32, #tpu.memory_space<hbm>>) dst(%arg6 : memref<40x128xi32, #tpu.memory_space<vmem>>)
      tpu.yield
    }) : () -> ()
    %scan3A_15 = arith.constant 0 : i32
    %scan3A_16 = arith.constant 20 : i32
    %scan3A_17 = arith.addi %scan3A_15, %scan3A_16 : i32
    %scan3A_18 = arith.constant 1 : i32
    scf.for %scan3A_37 = %scan3A_15 to %scan3A_17 step %scan3A_18  : i32 {
      %mul3A_38 = arith.constant 1 : i32
      %mul3A_39 = arith.muli %scan3A_37, %mul3A_38 : i32
      %add3A = arith.constant 0 : i32
      %add3A_40 = arith.addi %add3A, %mul3A_39 : i32
      %mul3A_41 = arith.constant 2 : i32
      %mul3A_42 = arith.muli %add3A_40, %mul3A_41 : i32
      %add3A_43 = arith.constant 0 : i32
      %add3A_44 = arith.addi %mul3A_42, %add3A_43 : i32
      %dma_wait3A_45 = arith.constant 0 : i32
      %dma_wait3A_46 = arith.constant 0 : i32
      %dma_wait3A_47 = tpu.memref_slice %arg6[%dma_wait3A_45, %dma_wait3A_46] : memref<40x128xi32, #tpu.memory_space<vmem>> -> memref<1x128xi32, #tpu.memory_space<vmem>>
      %dma_wait3A_48 = tpu.memref_squeeze %dma_wait3A_47 : memref<1x128xi32, #tpu.memory_space<vmem>> -> memref<128xi32, #tpu.memory_space<vmem>>
      %dma_wait3A_49 = arith.constant 0 : i32
      %dma_wait3A_50 = arith.constant 0 : i32
      %dma_wait3A_51 = tpu.memref_slice %arg2[%dma_wait3A_49, %dma_wait3A_50] : memref<10000x128xf32, #tpu.memory_space<hbm>> -> memref<10000x128xf32, #tpu.memory_space<hbm>>
      tpu.wait_indirect_dma semaphore(%arg10 : memref<!tpu.dma_semaphore, #tpu.memory_space<semaphore_mem>>) src(%dma_wait3A_51 : memref<10000x128xf32, #tpu.memory_space<hbm>>) dst(%arg8 : memref<128x128xf32, #tpu.memory_space<vmem>>)
      "tpu.region"() ({
        %run_scoped3A_78 = tpu.sem_alloc : memref<!tpu.dma_semaphore, #tpu.memory_space<semaphore_mem>>
        %dma_start3A_79 = arith.constant 0 : i32
        %dma_start3A_80 = tpu.memref_slice %arg6[%add3A_44, %dma_start3A_79] : memref<40x128xi32, #tpu.memory_space<vmem>> -> memref<1x128xi32, #tpu.memory_space<vmem>>
        %dma_start3A_81 = tpu.memref_squeeze %dma_start3A_80 : memref<1x128xi32, #tpu.memory_space<vmem>> -> memref<128xi32, #tpu.memory_space<vmem>>
        %dma_start3A_82 = arith.constant 0 : i32
        %dma_start3A_83 = arith.constant 0 : i32
        %dma_start3A_84 = tpu.memref_slice %arg2[%dma_start3A_82, %dma_start3A_83] : memref<10000x128xf32, #tpu.memory_space<hbm>> -> memref<10000x128xf32, #tpu.memory_space<hbm>>
        tpu.enqueue_indirect_dma source(%dma_start3A_84 : memref<10000x128xf32, #tpu.memory_space<hbm>>) target(%arg8 : memref<128x128xf32, #tpu.memory_space<vmem>>) offsets(%dma_start3A_81 : memref<128xi32, #tpu.memory_space<vmem>>) semaphore(%run_scoped3A_78 : memref<!tpu.dma_semaphore, #tpu.memory_space<semaphore_mem>>)
        %dma_wait3A_85 = arith.constant 0 : i32
        %dma_wait3A_86 = tpu.memref_slice %arg6[%add3A_44, %dma_wait3A_85] : memref<40x128xi32, #tpu.memory_space<vmem>> -> memref<1x128xi32, #tpu.memory_space<vmem>>
        %dma_wait3A_87 = tpu.memref_squeeze %dma_wait3A_86 : memref<1x128xi32, #tpu.memory_space<vmem>> -> memref<128xi32, #tpu.memory_space<vmem>>
        %dma_wait3A_88 = arith.constant 0 : i32
        %dma_wait3A_89 = arith.constant 0 : i32
        %dma_wait3A_90 = tpu.memref_slice %arg2[%dma_wait3A_88, %dma_wait3A_89] : memref<10000x128xf32, #tpu.memory_space<hbm>> -> memref<10000x128xf32, #tpu.memory_space<hbm>>
        tpu.wait_indirect_dma semaphore(%run_scoped3A_78 : memref<!tpu.dma_semaphore, #tpu.memory_space<semaphore_mem>>) src(%dma_wait3A_90 : memref<10000x128xf32, #tpu.memory_space<hbm>>) dst(%arg8 : memref<128x128xf32, #tpu.memory_space<vmem>>)
        tpu.yield
      }) : () -> ()
      %add3A_52 = arith.constant 40 : i32
      %add3A_53 = arith.addi %add3A_52, %add3A_44 : i32
      %dma_start3A = arith.constant 0 : i32
      %dma_start3A_54 = tpu.memref_slice %arg7[%add3A_53, %dma_start3A] : memref<80x128xi32, #tpu.memory_space<vmem>> -> memref<1x128xi32, #tpu.memory_space<vmem>>
      %dma_start3A_55 = tpu.memref_squeeze %dma_start3A_54 : memref<1x128xi32, #tpu.memory_space<vmem>> -> memref<128xi32, #tpu.memory_space<vmem>>
      %dma_start3A_56 = arith.constant 0 : i32
      %dma_start3A_57 = arith.constant 0 : i32
      %dma_start3A_58 = tpu.memref_slice %arg12[%dma_start3A_56, %dma_start3A_57] : memref<10240x128xf32, #tpu.memory_space<vmem_shared>> -> memref<10240x128xf32, #tpu.memory_space<vmem_shared>>
      tpu.enqueue_indirect_dma source(%arg8 : memref<128x128xf32, #tpu.memory_space<vmem>>) target(%dma_start3A_58 : memref<10240x128xf32, #tpu.memory_space<vmem_shared>>) offsets(%dma_start3A_55 : memref<128xi32, #tpu.memory_space<vmem>>) semaphore(%arg10 : memref<!tpu.dma_semaphore, #tpu.memory_space<semaphore_mem>>) {add = true}
      %mul3A_59 = arith.constant 2 : i32
      %mul3A_60 = arith.muli %add3A_40, %mul3A_59 : i32
      %add3A_61 = arith.constant 1 : i32
      %add3A_62 = arith.addi %mul3A_60, %add3A_61 : i32
      %dma_wait3A_63 = arith.constant 0 : i32
      %dma_wait3A_64 = arith.constant 0 : i32
      %dma_wait3A_65 = tpu.memref_slice %arg6[%dma_wait3A_63, %dma_wait3A_64] : memref<40x128xi32, #tpu.memory_space<vmem>> -> memref<1x128xi32, #tpu.memory_space<vmem>>
      %dma_wait3A_66 = tpu.memref_squeeze %dma_wait3A_65 : memref<1x128xi32, #tpu.memory_space<vmem>> -> memref<128xi32, #tpu.memory_space<vmem>>
      %dma_wait3A_67 = arith.constant 0 : i32
      %dma_wait3A_68 = arith.constant 0 : i32
      %dma_wait3A_69 = tpu.memref_slice %arg2[%dma_wait3A_67, %dma_wait3A_68] : memref<10000x128xf32, #tpu.memory_space<hbm>> -> memref<10000x128xf32, #tpu.memory_space<hbm>>
      tpu.wait_indirect_dma semaphore(%arg11 : memref<!tpu.dma_semaphore, #tpu.memory_space<semaphore_mem>>) src(%dma_wait3A_69 : memref<10000x128xf32, #tpu.memory_space<hbm>>) dst(%arg9 : memref<128x128xf32, #tpu.memory_space<vmem>>)
      "tpu.region"() ({
        %run_scoped3A_78 = tpu.sem_alloc : memref<!tpu.dma_semaphore, #tpu.memory_space<semaphore_mem>>
        %dma_start3A_79 = arith.constant 0 : i32
        %dma_start3A_80 = tpu.memref_slice %arg6[%add3A_62, %dma_start3A_79] : memref<40x128xi32, #tpu.memory_space<vmem>> -> memref<1x128xi32, #tpu.memory_space<vmem>>
        %dma_start3A_81 = tpu.memref_squeeze %dma_start3A_80 : memref<1x128xi32, #tpu.memory_space<vmem>> -> memref<128xi32, #tpu.memory_space<vmem>>
        %dma_start3A_82 = arith.constant 0 : i32
        %dma_start3A_83 = arith.constant 0 : i32
        %dma_start3A_84 = tpu.memref_slice %arg2[%dma_start3A_82, %dma_start3A_83] : memref<10000x128xf32, #tpu.memory_space<hbm>> -> memref<10000x128xf32, #tpu.memory_space<hbm>>
        tpu.enqueue_indirect_dma source(%dma_start3A_84 : memref<10000x128xf32, #tpu.memory_space<hbm>>) target(%arg9 : memref<128x128xf32, #tpu.memory_space<vmem>>) offsets(%dma_start3A_81 : memref<128xi32, #tpu.memory_space<vmem>>) semaphore(%run_scoped3A_78 : memref<!tpu.dma_semaphore, #tpu.memory_space<semaphore_mem>>)
        %dma_wait3A_85 = arith.constant 0 : i32
        %dma_wait3A_86 = tpu.memref_slice %arg6[%add3A_62, %dma_wait3A_85] : memref<40x128xi32, #tpu.memory_space<vmem>> -> memref<1x128xi32, #tpu.memory_space<vmem>>
        %dma_wait3A_87 = tpu.memref_squeeze %dma_wait3A_86 : memref<1x128xi32, #tpu.memory_space<vmem>> -> memref<128xi32, #tpu.memory_space<vmem>>
        %dma_wait3A_88 = arith.constant 0 : i32
        %dma_wait3A_89 = arith.constant 0 : i32
        %dma_wait3A_90 = tpu.memref_slice %arg2[%dma_wait3A_88, %dma_wait3A_89] : memref<10000x128xf32, #tpu.memory_space<hbm>> -> memref<10000x128xf32, #tpu.memory_space<hbm>>
        tpu.wait_indirect_dma semaphore(%run_scoped3A_78 : memref<!tpu.dma_semaphore, #tpu.memory_space<semaphore_mem>>) src(%dma_wait3A_90 : memref<10000x128xf32, #tpu.memory_space<hbm>>) dst(%arg9 : memref<128x128xf32, #tpu.memory_space<vmem>>)
        tpu.yield
      }) : () -> ()
      %add3A_70 = arith.constant 40 : i32
      %add3A_71 = arith.addi %add3A_70, %add3A_62 : i32
      %dma_start3A_72 = arith.constant 0 : i32
      %dma_start3A_73 = tpu.memref_slice %arg7[%add3A_71, %dma_start3A_72] : memref<80x128xi32, #tpu.memory_space<vmem>> -> memref<1x128xi32, #tpu.memory_space<vmem>>
      %dma_start3A_74 = tpu.memref_squeeze %dma_start3A_73 : memref<1x128xi32, #tpu.memory_space<vmem>> -> memref<128xi32, #tpu.memory_space<vmem>>
      %dma_start3A_75 = arith.constant 0 : i32
      %dma_start3A_76 = arith.constant 0 : i32
      %dma_start3A_77 = tpu.memref_slice %arg12[%dma_start3A_75, %dma_start3A_76] : memref<10240x128xf32, #tpu.memory_space<vmem_shared>> -> memref<10240x128xf32, #tpu.memory_space<vmem_shared>>
      tpu.enqueue_indirect_dma source(%arg9 : memref<128x128xf32, #tpu.memory_space<vmem>>) target(%dma_start3A_77 : memref<10240x128xf32, #tpu.memory_space<vmem_shared>>) offsets(%dma_start3A_74 : memref<128xi32, #tpu.memory_space<vmem>>) semaphore(%arg11 : memref<!tpu.dma_semaphore, #tpu.memory_space<semaphore_mem>>) {add = true}
    }
    %scan3A_19 = arith.constant 20 : i32
    %dma_wait3A = arith.constant 0 : i32
    %dma_wait3A_20 = arith.constant 0 : i32
    %dma_wait3A_21 = tpu.memref_slice %arg6[%dma_wait3A, %dma_wait3A_20] : memref<40x128xi32, #tpu.memory_space<vmem>> -> memref<1x128xi32, #tpu.memory_space<vmem>>
    %dma_wait3A_22 = tpu.memref_squeeze %dma_wait3A_21 : memref<1x128xi32, #tpu.memory_space<vmem>> -> memref<128xi32, #tpu.memory_space<vmem>>
    %dma_wait3A_23 = arith.constant 0 : i32
    %dma_wait3A_24 = arith.constant 0 : i32
    %dma_wait3A_25 = tpu.memref_slice %arg2[%dma_wait3A_23, %dma_wait3A_24] : memref<10000x128xf32, #tpu.memory_space<hbm>> -> memref<10000x128xf32, #tpu.memory_space<hbm>>
    tpu.wait_indirect_dma semaphore(%arg10 : memref<!tpu.dma_semaphore, #tpu.memory_space<semaphore_mem>>) src(%dma_wait3A_25 : memref<10000x128xf32, #tpu.memory_space<hbm>>) dst(%arg8 : memref<128x128xf32, #tpu.memory_space<vmem>>)
    %dma_wait3A_26 = arith.constant 0 : i32
    %dma_wait3A_27 = arith.constant 0 : i32
    %dma_wait3A_28 = tpu.memref_slice %arg6[%dma_wait3A_26, %dma_wait3A_27] : memref<40x128xi32, #tpu.memory_space<vmem>> -> memref<1x128xi32, #tpu.memory_space<vmem>>
    %dma_wait3A_29 = tpu.memref_squeeze %dma_wait3A_28 : memref<1x128xi32, #tpu.memory_space<vmem>> -> memref<128xi32, #tpu.memory_space<vmem>>
    %dma_wait3A_30 = arith.constant 0 : i32
    %dma_wait3A_31 = arith.constant 0 : i32
    %dma_wait3A_32 = tpu.memref_slice %arg2[%dma_wait3A_30, %dma_wait3A_31] : memref<10000x128xf32, #tpu.memory_space<hbm>> -> memref<10000x128xf32, #tpu.memory_space<hbm>>
    tpu.wait_indirect_dma semaphore(%arg11 : memref<!tpu.dma_semaphore, #tpu.memory_space<semaphore_mem>>) src(%dma_wait3A_32 : memref<10000x128xf32, #tpu.memory_space<hbm>>) dst(%arg9 : memref<128x128xf32, #tpu.memory_space<vmem>>)
    %barrier3A_33 = arith.constant 0 : index
    tpu.barrier barrier_id(%barrier3A_33)
    %mul3A = arith.constant 640 : i32
    %mul3A_34 = arith.muli %arg1, %mul3A : i32
    %mul3A_35 = arith.constant 640 : i32
    %mul3A_36 = arith.muli %arg1, %mul3A_35 : i32
    "tpu.region"() ({
      %run_scoped3A_37 = tpu.sem_alloc : memref<!tpu.dma_semaphore, #tpu.memory_space<semaphore_mem>>
      %dma_start3A = arith.constant 0 : i32
      %dma_start3A_38 = tpu.memref_slice %arg5[%arg0, %mul3A_36, %dma_start3A] : memref<2x10240x128xf32, #tpu.memory_space<hbm>> -> memref<1x640x128xf32, #tpu.memory_space<hbm>>
      %dma_start3A_39 = tpu.memref_squeeze %dma_start3A_38 : memref<1x640x128xf32, #tpu.memory_space<hbm>> -> memref<640x128xf32, #tpu.memory_space<hbm>>
      %dma_start3A_40 = arith.constant 0 : i32
      %dma_start3A_41 = tpu.memref_slice %arg12[%mul3A_34, %dma_start3A_40] : memref<10240x128xf32, #tpu.memory_space<vmem_shared>> -> memref<640x128xf32, #tpu.memory_space<vmem_shared>>
      tpu.enqueue_dma source(%dma_start3A_41 : memref<640x128xf32, #tpu.memory_space<vmem_shared>>) target(%dma_start3A_39 : memref<640x128xf32, #tpu.memory_space<hbm>>) target_semaphore(%run_scoped3A_37 : memref<!tpu.dma_semaphore, #tpu.memory_space<semaphore_mem>>)
      %dma_wait3A_42 = arith.constant 0 : i32
      %dma_wait3A_43 = tpu.memref_slice %arg5[%arg0, %mul3A_36, %dma_wait3A_42] : memref<2x10240x128xf32, #tpu.memory_space<hbm>> -> memref<1x640x128xf32, #tpu.memory_space<hbm>>
      %dma_wait3A_44 = tpu.memref_squeeze %dma_wait3A_43 : memref<1x640x128xf32, #tpu.memory_space<hbm>> -> memref<640x128xf32, #tpu.memory_space<hbm>>
      %dma_wait3A_45 = arith.constant 0 : i32
      %dma_wait3A_46 = tpu.memref_slice %arg12[%mul3A_34, %dma_wait3A_45] : memref<10240x128xf32, #tpu.memory_space<vmem_shared>> -> memref<640x128xf32, #tpu.memory_space<vmem_shared>>
      tpu.wait_dma2 semaphore(%run_scoped3A_37 : memref<!tpu.dma_semaphore, #tpu.memory_space<semaphore_mem>>) src(%dma_wait3A_46 : memref<640x128xf32, #tpu.memory_space<vmem_shared>>) dst(%dma_wait3A_44 : memref<640x128xf32, #tpu.memory_space<hbm>>)
      tpu.yield
    }) : () -> ()
    return
  }
}

module attributes {stable_mosaic.version = 14 : i64} {
  func.func @_tc_prep_body(%arg0: i32, %arg1: memref<2x1000x16xf32, #tpu.memory_space<vmem>>, %arg2: memref<1000x128xf32, #tpu.memory_space<vmem>>, %arg3: memref<128x128xf32, #tpu.memory_space<vmem>>, %arg4: memref<1000x128xf32, #tpu.memory_space<vmem>>, %arg5: memref<1000x128xf32, #tpu.memory_space<vmem>>) attributes {dimension_semantics = [#tpu.dimension_semantics<arbitrary>], iteration_bounds = array<i64: 10>, scalar_prefetch = 0 : i64, scratch_operands = 0 : i64, tpu.core_type = #tpu.core_type<tc>, window_params = [{transform_indices = @transform_0, window_bounds = array<i64: 2, 1000, 16>}, {transform_indices = @transform_1, window_bounds = array<i64: 1000, 128>}, {pipeline_mode = #tpu.pipeline_mode<synchronous>, transform_indices = @transform_2, window_bounds = array<i64: 128, 128>}, {transform_indices = @transform_3, window_bounds = array<i64: 1000, 128>}, {transform_indices = @transform_4, window_bounds = array<i64: 1000, 128>}]} {
    %get3A = arith.constant 0 : index
    %get3A_0 = arith.constant 0 : index
    %get3A_1 = arith.constant 0 : index
    %get3A_2 = vector.load %arg1[%get3A, %get3A_0, %get3A_1] : memref<2x1000x16xf32, #tpu.memory_space<vmem>>, vector<1x1000x1xf32>
    %get3A_3 = vector.shape_cast %get3A_2 : vector<1x1000x1xf32> to vector<1000x1xf32>
    %get3A_4 = arith.constant 1 : index
    %get3A_5 = arith.constant 0 : index
    %get3A_6 = arith.constant 0 : index
    %get3A_7 = vector.load %arg1[%get3A_4, %get3A_5, %get3A_6] : memref<2x1000x16xf32, #tpu.memory_space<vmem>>, vector<1x1000x1xf32>
    %get3A_8 = vector.shape_cast %get3A_7 : vector<1x1000x1xf32> to vector<1000x1xf32>
    %add3A = arith.addf %get3A_3, %get3A_8 : vector<1000x1xf32>
    %add3A_9 = arith.constant 1.000000e+00 : f32
    %add3A_10 = vector.broadcast %add3A_9 : f32 to vector<1000x1xf32>
    %add3A_11 = arith.addf %add3A, %add3A_10 : vector<1000x1xf32>
    %rsqrt3A = math.rsqrt %add3A_11 : vector<1000x1xf32>
    %broadcast_in_dim3A = vector.shape_cast %rsqrt3A : vector<1000x1xf32> to vector<1000x1xf32>
    %broadcast_in_dim3A_12 = vector.broadcast %broadcast_in_dim3A : vector<1000x1xf32> to vector<1000x128xf32>
    %swap3A = arith.constant 0 : index
    %swap3A_13 = arith.constant 0 : index
    %swap3A_14 = vector.load %arg4[%swap3A, %swap3A_13] : memref<1000x128xf32, #tpu.memory_space<vmem>>, vector<1000x128xf32>
    tpu.vector_store %arg4[%swap3A, %swap3A_13], %broadcast_in_dim3A_12 {strides = array<i32>} : memref<1000x128xf32, #tpu.memory_space<vmem>>, vector<1000x128xf32>,
    %get3A_15 = arith.constant 0 : index
    %get3A_16 = arith.constant 0 : index
    %get3A_17 = vector.load %arg2[%get3A_15, %get3A_16] : memref<1000x128xf32, #tpu.memory_space<vmem>>, vector<1000x128xf32>
    %get3A_18 = arith.constant 0 : index
    %get3A_19 = arith.constant 0 : index
    %get3A_20 = vector.load %arg3[%get3A_18, %get3A_19] : memref<128x128xf32, #tpu.memory_space<vmem>>, vector<128x128xf32>
    %dot_general3A = arith.constant dense<0.000000e+00> : vector<1000x128xf32>
    %dot_general3A_21 = tpu.matmul %get3A_17, %get3A_20, %dot_general3A {dimension_numbers = #tpu.dot_dimension_numbers<[1], [0], [0], [1], [0, 0, 1, 1], [], []>, precision = #tpu.contract_precision<fp32>, transpose_lhs_hint = false} : vector<1000x128xf32>, vector<128x128xf32>, vector<1000x128xf32> -> vector<1000x128xf32>
    %mul3A = arith.mulf %dot_general3A_21, %broadcast_in_dim3A_12 : vector<1000x128xf32>
    %swap3A_22 = arith.constant 0 : index
    %swap3A_23 = arith.constant 0 : index
    %swap3A_24 = vector.load %arg5[%swap3A_22, %swap3A_23] : memref<1000x128xf32, #tpu.memory_space<vmem>>, vector<1000x128xf32>
    tpu.vector_store %arg5[%swap3A_22, %swap3A_23], %mul3A {strides = array<i32>} : memref<1000x128xf32, #tpu.memory_space<vmem>>, vector<1000x128xf32>,
    return
  }
  func.func @transform_0(%arg0: i32) -> (i32, i32, i32) {
    %c0_i32 = arith.constant 0 : i32
    %c0_i32_0 = arith.constant 0 : i32
    %c0_i32_1 = arith.constant 0 : i32
    return %c0_i32, %arg0, %c0_i32_0 : i32, i32, i32
  }
  func.func @transform_1(%arg0: i32) -> (i32, i32) {
    %c0_i32 = arith.constant 0 : i32
    %c0_i32_0 = arith.constant 0 : i32
    return %arg0, %c0_i32 : i32, i32
  }
  func.func @transform_2(%arg0: i32) -> (i32, i32) {
    %c0_i32 = arith.constant 0 : i32
    %c0_i32_0 = arith.constant 0 : i32
    %c0_i32_1 = arith.constant 0 : i32
    return %c0_i32, %c0_i32_0 : i32, i32
  }
  func.func @transform_3(%arg0: i32) -> (i32, i32) {
    %c0_i32 = arith.constant 0 : i32
    %c0_i32_0 = arith.constant 0 : i32
    return %arg0, %c0_i32 : i32, i32
  }
  func.func @transform_4(%arg0: i32) -> (i32, i32) {
    %c0_i32 = arith.constant 0 : i32
    %c0_i32_0 = arith.constant 0 : i32
    return %arg0, %c0_i32 : i32, i32
  }
}

module attributes {stable_mosaic.version = 14 : i64} {
  func.func @_tc_mid_body(%arg0: i32, %arg1: memref<2x1000x128xf32, #tpu.memory_space<vmem>>, %arg2: memref<1000x128xf32, #tpu.memory_space<vmem>>, %arg3: memref<1000x128xf32, #tpu.memory_space<vmem>>, %arg4: memref<1x128xf32, #tpu.memory_space<vmem>>, %arg5: memref<128x128xf32, #tpu.memory_space<vmem>>, %arg6: memref<1000x128xf32, #tpu.memory_space<vmem>>) attributes {dimension_semantics = [#tpu.dimension_semantics<arbitrary>], iteration_bounds = array<i64: 10>, scalar_prefetch = 0 : i64, scratch_operands = 0 : i64, tpu.core_type = #tpu.core_type<tc>, window_params = [{transform_indices = @transform_0, window_bounds = array<i64: 2, 1000, 128>}, {transform_indices = @transform_1, window_bounds = array<i64: 1000, 128>}, {transform_indices = @transform_2, window_bounds = array<i64: 1000, 128>}, {pipeline_mode = #tpu.pipeline_mode<synchronous>, transform_indices = @transform_3, window_bounds = array<i64: 1, 128>}, {pipeline_mode = #tpu.pipeline_mode<synchronous>, transform_indices = @transform_4, window_bounds = array<i64: 128, 128>}, {transform_indices = @transform_5, window_bounds = array<i64: 1000, 128>}]} {
    %get3A = arith.constant 0 : index
    %get3A_0 = arith.constant 0 : index
    %get3A_1 = vector.load %arg3[%get3A, %get3A_0] : memref<1000x128xf32, #tpu.memory_space<vmem>>, vector<1000x128xf32>
    %get3A_2 = arith.constant 0 : index
    %get3A_3 = arith.constant 0 : index
    %get3A_4 = arith.constant 0 : index
    %get3A_5 = vector.load %arg1[%get3A_2, %get3A_3, %get3A_4] : memref<2x1000x128xf32, #tpu.memory_space<vmem>>, vector<1x1000x128xf32>
    %get3A_6 = vector.shape_cast %get3A_5 : vector<1x1000x128xf32> to vector<1000x128xf32>
    %get3A_7 = arith.constant 1 : index
    %get3A_8 = arith.constant 0 : index
    %get3A_9 = arith.constant 0 : index
    %get3A_10 = vector.load %arg1[%get3A_7, %get3A_8, %get3A_9] : memref<2x1000x128xf32, #tpu.memory_space<vmem>>, vector<1x1000x128xf32>
    %get3A_11 = vector.shape_cast %get3A_10 : vector<1x1000x128xf32> to vector<1000x128xf32>
    %add3A = arith.addf %get3A_6, %get3A_11 : vector<1000x128xf32>
    %get3A_12 = arith.constant 0 : index
    %get3A_13 = arith.constant 0 : index
    %get3A_14 = vector.load %arg2[%get3A_12, %get3A_13] : memref<1000x128xf32, #tpu.memory_space<vmem>>, vector<1000x128xf32>
    %add3A_15 = arith.addf %add3A, %get3A_14 : vector<1000x128xf32>
    %mul3A = arith.mulf %get3A_1, %add3A_15 : vector<1000x128xf32>
    %get3A_16 = arith.constant 0 : index
    %get3A_17 = arith.constant 0 : index
    %get3A_18 = vector.load %arg4[%get3A_16, %get3A_17] : memref<1x128xf32, #tpu.memory_space<vmem>>, vector<1x128xf32>
    %add3A_19 = vector.broadcast %get3A_18 : vector<1x128xf32> to vector<1000x128xf32>
    %add3A_20 = arith.addf %mul3A, %add3A_19 : vector<1000x128xf32>
    %max3A = arith.constant 0.000000e+00 : f32
    %max3A_21 = vector.broadcast %max3A : f32 to vector<1000x128xf32>
    %max3A_22 = arith.maximumf %add3A_20, %max3A_21 : vector<1000x128xf32>
    %get3A_23 = arith.constant 0 : index
    %get3A_24 = arith.constant 0 : index
    %get3A_25 = vector.load %arg5[%get3A_23, %get3A_24] : memref<128x128xf32, #tpu.memory_space<vmem>>, vector<128x128xf32>
    %dot_general3A = arith.constant dense<0.000000e+00> : vector<1000x128xf32>
    %dot_general3A_26 = tpu.matmul %max3A_22, %get3A_25, %dot_general3A {dimension_numbers = #tpu.dot_dimension_numbers<[1], [0], [0], [1], [0, 0, 1, 1], [], []>, precision = #tpu.contract_precision<fp32>, transpose_lhs_hint = false} : vector<1000x128xf32>, vector<128x128xf32>, vector<1000x128xf32> -> vector<1000x128xf32>
    %mul3A_27 = arith.mulf %dot_general3A_26, %get3A_1 : vector<1000x128xf32>
    %swap3A = arith.constant 0 : index
    %swap3A_28 = arith.constant 0 : index
    %swap3A_29 = vector.load %arg6[%swap3A, %swap3A_28] : memref<1000x128xf32, #tpu.memory_space<vmem>>, vector<1000x128xf32>
    tpu.vector_store %arg6[%swap3A, %swap3A_28], %mul3A_27 {strides = array<i32>} : memref<1000x128xf32, #tpu.memory_space<vmem>>, vector<1000x128xf32>,
    return
  }
  func.func @transform_0(%arg0: i32) -> (i32, i32, i32) {
    %c0_i32 = arith.constant 0 : i32
    %c0_i32_0 = arith.constant 0 : i32
    %c0_i32_1 = arith.constant 0 : i32
    return %c0_i32, %arg0, %c0_i32_0 : i32, i32, i32
  }
  func.func @transform_1(%arg0: i32) -> (i32, i32) {
    %c0_i32 = arith.constant 0 : i32
    %c0_i32_0 = arith.constant 0 : i32
    return %arg0, %c0_i32 : i32, i32
  }
  func.func @transform_2(%arg0: i32) -> (i32, i32) {
    %c0_i32 = arith.constant 0 : i32
    %c0_i32_0 = arith.constant 0 : i32
    return %arg0, %c0_i32 : i32, i32
  }
  func.func @transform_3(%arg0: i32) -> (i32, i32) {
    %c0_i32 = arith.constant 0 : i32
    %c0_i32_0 = arith.constant 0 : i32
    %c0_i32_1 = arith.constant 0 : i32
    return %c0_i32, %c0_i32_0 : i32, i32
  }
  func.func @transform_4(%arg0: i32) -> (i32, i32) {
    %c0_i32 = arith.constant 0 : i32
    %c0_i32_0 = arith.constant 0 : i32
    %c0_i32_1 = arith.constant 0 : i32
    return %c0_i32, %c0_i32_0 : i32, i32
  }
  func.func @transform_5(%arg0: i32) -> (i32, i32) {
    %c0_i32 = arith.constant 0 : i32
    %c0_i32_0 = arith.constant 0 : i32
    return %arg0, %c0_i32 : i32, i32
  }
}

module attributes {stable_mosaic.version = 14 : i64} {
  func.func @_tc_final_body(%arg0: i32, %arg1: memref<2x1000x128xf32, #tpu.memory_space<vmem>>, %arg2: memref<1000x128xf32, #tpu.memory_space<vmem>>, %arg3: memref<1000x128xf32, #tpu.memory_space<vmem>>, %arg4: memref<1x128xf32, #tpu.memory_space<vmem>>, %arg5: memref<1x1x1000xi32, #tpu.memory_space<vmem>>, %arg6: memref<64x128xf32, #tpu.memory_space<vmem>>, %arg7: memref<64x128xf32, #tpu.memory_space<vmem>>, %arg8: memref<64x128xf32, #tpu.memory_space<vmem>>) attributes {dimension_semantics = [#tpu.dimension_semantics<arbitrary>], iteration_bounds = array<i64: 10>, scalar_prefetch = 0 : i64, scratch_operands = 2 : i64, tpu.core_type = #tpu.core_type<tc>, window_params = [{transform_indices = @transform_0, window_bounds = array<i64: 2, 1000, 128>}, {transform_indices = @transform_1, window_bounds = array<i64: 1000, 128>}, {transform_indices = @transform_2, window_bounds = array<i64: 1000, 128>}, {pipeline_mode = #tpu.pipeline_mode<synchronous>, transform_indices = @transform_3, window_bounds = array<i64: 1, 128>}, {transform_indices = @transform_4, window_bounds = array<i64: 1, 1, 1000>}, {pipeline_mode = #tpu.pipeline_mode<synchronous>, transform_indices = @transform_5, window_bounds = array<i64: 64, 128>}]} {
    %get3A = arith.constant 0 : index
    %get3A_0 = arith.constant 0 : index
    %get3A_1 = vector.load %arg3[%get3A, %get3A_0] : memref<1000x128xf32, #tpu.memory_space<vmem>>, vector<1000x128xf32>
    %get3A_2 = arith.constant 0 : index
    %get3A_3 = arith.constant 0 : index
    %get3A_4 = arith.constant 0 : index
    %get3A_5 = vector.load %arg1[%get3A_2, %get3A_3, %get3A_4] : memref<2x1000x128xf32, #tpu.memory_space<vmem>>, vector<1x1000x128xf32>
    %get3A_6 = vector.shape_cast %get3A_5 : vector<1x1000x128xf32> to vector<1000x128xf32>
    %get3A_7 = arith.constant 1 : index
    %get3A_8 = arith.constant 0 : index
    %get3A_9 = arith.constant 0 : index
    %get3A_10 = vector.load %arg1[%get3A_7, %get3A_8, %get3A_9] : memref<2x1000x128xf32, #tpu.memory_space<vmem>>, vector<1x1000x128xf32>
    %get3A_11 = vector.shape_cast %get3A_10 : vector<1x1000x128xf32> to vector<1000x128xf32>
    %add3A = arith.addf %get3A_6, %get3A_11 : vector<1000x128xf32>
    %get3A_12 = arith.constant 0 : index
    %get3A_13 = arith.constant 0 : index
    %get3A_14 = vector.load %arg2[%get3A_12, %get3A_13] : memref<1000x128xf32, #tpu.memory_space<vmem>>, vector<1000x128xf32>
    %add3A_15 = arith.addf %add3A, %get3A_14 : vector<1000x128xf32>
    %mul3A = arith.mulf %get3A_1, %add3A_15 : vector<1000x128xf32>
    %get3A_16 = arith.constant 0 : index
    %get3A_17 = arith.constant 0 : index
    %get3A_18 = vector.load %arg4[%get3A_16, %get3A_17] : memref<1x128xf32, #tpu.memory_space<vmem>>, vector<1x128xf32>
    %add3A_19 = vector.broadcast %get3A_18 : vector<1x128xf32> to vector<1000x128xf32>
    %add3A_20 = arith.addf %mul3A, %add3A_19 : vector<1000x128xf32>
    %get3A_21 = arith.constant 0 : index
    %get3A_22 = arith.constant 0 : index
    %get3A_23 = arith.constant 0 : index
    %get3A_24 = vector.load %arg5[%get3A_21, %get3A_22, %get3A_23] : memref<1x1x1000xi32, #tpu.memory_space<vmem>>, vector<1x1x1000xi32>
    %get3A_25 = vector.shape_cast %get3A_24 : vector<1x1x1000xi32> to vector<1000xi32>
    %iota3A = tpu.iota {dimensions = array<i32: 0>} : vector<64x1000xi32>
    %broadcast_in_dim3A = vector.shape_cast %get3A_25 : vector<1000xi32> to vector<1x1000xi32>
    %eq3A = vector.broadcast %broadcast_in_dim3A : vector<1x1000xi32> to vector<64x1000xi32>
    %eq3A_26 = arith.cmpi eq, %iota3A, %eq3A : vector<64x1000xi32>
    %convert_element_type3A = arith.extui %eq3A_26 : vector<64x1000xi1> to vector<64x1000xi32>
    %convert_element_type3A_27 = arith.sitofp %convert_element_type3A : vector<64x1000xi32> to vector<64x1000xf32>
    %dot_general3A = arith.constant dense<0.000000e+00> : vector<64x128xf32>
    %dot_general3A_28 = tpu.matmul %convert_element_type3A_27, %add3A_20, %dot_general3A {dimension_numbers = #tpu.dot_dimension_numbers<[1], [0], [0], [1], [0, 0, 1, 1], [], []>, precision = #tpu.contract_precision<fp32>, transpose_lhs_hint = false} : vector<64x1000xf32>, vector<1000x128xf32>, vector<64x128xf32> -> vector<64x128xf32>
    %reduce_sum3A = arith.constant dense<0.000000e+00> : vector<64xf32>
    %reduce_sum3A_29 = vector.multi_reduction <add>, %convert_element_type3A_27, %reduce_sum3A [1] : vector<64x1000xf32> to vector<64xf32>
    %broadcast_in_dim3A_30 = vector.shape_cast %reduce_sum3A_29 : vector<64xf32> to vector<64x1xf32>
    %broadcast_in_dim3A_31 = vector.shape_cast %broadcast_in_dim3A_30 : vector<64x1xf32> to vector<64x1xf32>
    %broadcast_in_dim3A_32 = vector.broadcast %broadcast_in_dim3A_31 : vector<64x1xf32> to vector<64x128xf32>
    %eq3A_33 = arith.constant 0 : i32
    %eq3A_34 = arith.cmpi eq, %arg0, %eq3A_33 : i32
    %convert_element_type3A_35 = arith.extui %eq3A_34 : i1 to i32
    %cond3A = arith.constant 0 : i32
    %cond3A_36 = arith.cmpi ne, %convert_element_type3A_35, %cond3A : i32
    scf.if %cond3A_36 {
      %swap3A = arith.constant 0 : index
      %swap3A_46 = arith.constant 0 : index
      %swap3A_47 = vector.load %arg7[%swap3A, %swap3A_46] : memref<64x128xf32, #tpu.memory_space<vmem>>, vector<64x128xf32>
      tpu.vector_store %arg7[%swap3A, %swap3A_46], %dot_general3A_28 {strides = array<i32>} : memref<64x128xf32, #tpu.memory_space<vmem>>, vector<64x128xf32>,
      %swap3A_48 = arith.constant 0 : index
      %swap3A_49 = arith.constant 0 : index
      %swap3A_50 = vector.load %arg8[%swap3A_48, %swap3A_49] : memref<64x128xf32, #tpu.memory_space<vmem>>, vector<64x128xf32>
      tpu.vector_store %arg8[%swap3A_48, %swap3A_49], %broadcast_in_dim3A_32 {strides = array<i32>} : memref<64x128xf32, #tpu.memory_space<vmem>>, vector<64x128xf32>,
    } else {
    }
    %gt3A = arith.constant 0 : i32
    %gt3A_37 = arith.cmpi sgt, %arg0, %gt3A : i32
    %convert_element_type3A_38 = arith.extui %gt3A_37 : i1 to i32
    %cond3A_39 = arith.constant 0 : i32
    %cond3A_40 = arith.cmpi ne, %convert_element_type3A_38, %cond3A_39 : i32
    scf.if %cond3A_40 {
      %get3A_46 = arith.constant 0 : index
      %get3A_47 = arith.constant 0 : index
      %get3A_48 = vector.load %arg7[%get3A_46, %get3A_47] : memref<64x128xf32, #tpu.memory_space<vmem>>, vector<64x128xf32>
      %add3A_49 = arith.addf %get3A_48, %dot_general3A_28 : vector<64x128xf32>
      %swap3A = arith.constant 0 : index
      %swap3A_50 = arith.constant 0 : index
      %swap3A_51 = vector.load %arg7[%swap3A, %swap3A_50] : memref<64x128xf32, #tpu.memory_space<vmem>>, vector<64x128xf32>
      tpu.vector_store %arg7[%swap3A, %swap3A_50], %add3A_49 {strides = array<i32>} : memref<64x128xf32, #tpu.memory_space<vmem>>, vector<64x128xf32>,
      %get3A_52 = arith.constant 0 : index
      %get3A_53 = arith.constant 0 : index
      %get3A_54 = vector.load %arg8[%get3A_52, %get3A_53] : memref<64x128xf32, #tpu.memory_space<vmem>>, vector<64x128xf32>
      %add3A_55 = arith.addf %get3A_54, %broadcast_in_dim3A_32 : vector<64x128xf32>
      %swap3A_56 = arith.constant 0 : index
      %swap3A_57 = arith.constant 0 : index
      %swap3A_58 = vector.load %arg8[%swap3A_56, %swap3A_57] : memref<64x128xf32, #tpu.memory_space<vmem>>, vector<64x128xf32>
      tpu.vector_store %arg8[%swap3A_56, %swap3A_57], %add3A_55 {strides = array<i32>} : memref<64x128xf32, #tpu.memory_space<vmem>>, vector<64x128xf32>,
    } else {
    }
    %eq3A_41 = arith.constant 9 : i32
    %eq3A_42 = arith.cmpi eq, %arg0, %eq3A_41 : i32
    %convert_element_type3A_43 = arith.extui %eq3A_42 : i1 to i32
    %cond3A_44 = arith.constant 0 : i32
    %cond3A_45 = arith.cmpi ne, %convert_element_type3A_43, %cond3A_44 : i32
    scf.if %cond3A_45 {
      %get3A_46 = arith.constant 0 : index
      %get3A_47 = arith.constant 0 : index
      %get3A_48 = vector.load %arg7[%get3A_46, %get3A_47] : memref<64x128xf32, #tpu.memory_space<vmem>>, vector<64x128xf32>
      %get3A_49 = arith.constant 0 : index
      %get3A_50 = arith.constant 0 : index
      %get3A_51 = vector.load %arg8[%get3A_49, %get3A_50] : memref<64x128xf32, #tpu.memory_space<vmem>>, vector<64x128xf32>
      %max3A = arith.constant 1.000000e+00 : f32
      %max3A_52 = vector.broadcast %max3A : f32 to vector<64x128xf32>
      %max3A_53 = arith.maximumf %get3A_51, %max3A_52 : vector<64x128xf32>
      %div3A = arith.divf %get3A_48, %max3A_53 : vector<64x128xf32>
      %mul3A_54 = arith.mulf %div3A, %div3A : vector<64x128xf32>
      %reduce_sum3A_55 = arith.constant dense<0.000000e+00> : vector<64xf32>
      %reduce_sum3A_56 = vector.multi_reduction <add>, %mul3A_54, %reduce_sum3A_55 [1] : vector<64x128xf32> to vector<64xf32>
      %broadcast_in_dim3A_57 = vector.shape_cast %reduce_sum3A_56 : vector<64xf32> to vector<64x1xf32>
      %sqrt3A = math.sqrt %broadcast_in_dim3A_57 : vector<64x1xf32>
      %max3A_58 = arith.constant 9.99999996E-13 : f32
      %max3A_59 = vector.broadcast %max3A_58 : f32 to vector<64x1xf32>
      %max3A_60 = arith.maximumf %sqrt3A, %max3A_59 : vector<64x1xf32>
      %div3A_61 = arith.constant 1.000000e+00 : f32
      %div3A_62 = vector.broadcast %div3A_61 : f32 to vector<64x1xf32>
      %div3A_63 = arith.divf %div3A_62, %max3A_60 : vector<64x1xf32>
      %mul3A_64 = vector.broadcast %div3A_63 : vector<64x1xf32> to vector<64x128xf32>
      %mul3A_65 = arith.mulf %div3A, %mul3A_64 : vector<64x128xf32>
      %swap3A = arith.constant 0 : index
      %swap3A_66 = arith.constant 0 : index
      %swap3A_67 = vector.load %arg6[%swap3A, %swap3A_66] : memref<64x128xf32, #tpu.memory_space<vmem>>, vector<64x128xf32>
      tpu.vector_store %arg6[%swap3A, %swap3A_66], %mul3A_65 {strides = array<i32>} : memref<64x128xf32, #tpu.memory_space<vmem>>, vector<64x128xf32>,
    } else {
    }
    return
  }
  func.func @transform_0(%arg0: i32) -> (i32, i32, i32) {
    %c0_i32 = arith.constant 0 : i32
    %c0_i32_0 = arith.constant 0 : i32
    %c0_i32_1 = arith.constant 0 : i32
    return %c0_i32, %arg0, %c0_i32_0 : i32, i32, i32
  }
  func.func @transform_1(%arg0: i32) -> (i32, i32) {
    %c0_i32 = arith.constant 0 : i32
    %c0_i32_0 = arith.constant 0 : i32
    return %arg0, %c0_i32 : i32, i32
  }
  func.func @transform_2(%arg0: i32) -> (i32, i32) {
    %c0_i32 = arith.constant 0 : i32
    %c0_i32_0 = arith.constant 0 : i32
    return %arg0, %c0_i32 : i32, i32
  }
  func.func @transform_3(%arg0: i32) -> (i32, i32) {
    %c0_i32 = arith.constant 0 : i32
    %c0_i32_0 = arith.constant 0 : i32
    %c0_i32_1 = arith.constant 0 : i32
    return %c0_i32, %c0_i32_0 : i32, i32
  }
  func.func @transform_4(%arg0: i32) -> (i32, i32, i32) {
    %c0_i32 = arith.constant 0 : i32
    %c0_i32_0 = arith.constant 0 : i32
    %c0_i32_1 = arith.constant 0 : i32
    return %arg0, %c0_i32, %c0_i32_0 : i32, i32, i32
  }
  func.func @transform_5(%arg0: i32) -> (i32, i32) {
    %c0_i32 = arith.constant 0 : i32
    %c0_i32_0 = arith.constant 0 : i32
    %c0_i32_1 = arith.constant 0 : i32
    return %c0_i32, %c0_i32_0 : i32, i32
  }
}

</mosaic_0001>

<sc_bundles>
// kernel: kernel.12.cloned.1.call-start
scs
__scs_entry_jumppad:
0x0: {  	(pc) =	sbr.rel $0x88, $3  }
0x1: {  	(tag) =	ssettag $0x0;
	lr =	simm.s32 $0x1  }
0x2: {  	[smem:$0x3F96] =	sst lr;
	_ =	strace $0xD0000000  }
0x3: {  	_ = 	snop  }
0x4: {  	_ = 	snop  }
0x5: {  	_ = 	snop  }
0x6: {  	_ = 	snop  }
0x7: {  	_ = 	snop  }
__scs_overlays_trampoline_lowered:
0x8: {  	[smem:$0x3FA5] =	sst s0  }
0x9: {  	[smem:$0x3FA6] =	sst s1  }
0xa: {  	[smem:$0x3FA7] =	sst s2  }
0xb: {  	[smem:$0x3FA8] =	sst s3  }
0xc: {  	[smem:$0x3FA9] =	sst s4  }
0xd: {  	[smem:$0x3FAA] =	sst s5  }
0xe: {  	[smem:$0x3FAB] =	sst s6  }
0xf: {  	[smem:$0x3FAC] =	sst s7  }
0x10: {  	[smem:$0x3FAD] =	sst s8  }
0x11: {  	[smem:$0x3FAE] =	sst s9;
	s0 =	simm.s32 @!p0 $0x0  }
0x12: {  	s1 =	sld [smem:$0x3F94];
	s0 =	simm.s32 @p0 $0x1  }
0x13: {  	[smem:$0x3FAF] =	sst s0;
	s0 =	simm.s32 @!p1 $0x0  }
0x14: {  	s2 =	sld [smem:$0x3F93];
	s0 =	simm.s32 @p1 $0x1  }
0x15: {  	[smem:$0x3FB0] =	sst s0;
	s0 =	simm.s32 @!p2 $0x0  }
0x16: {  	s3 =	sld [smem:$0x3FDB];
	s0 =	simm.s32 @p2 $0x1  }
0x17: {  	s4 =	simm.s32 $0x1BF5;
	[smem:$0x3FB2] =	sst s0  }
0x18: {  	s0 =	sld [smem:$0x3F95];
	_ =	swait.ge [sflag:s4], $0x0  }
0x19: {  	s7 =	sld [smem:$0x3F96]  }
0x1a: {  	s8 =	sadd.s32 $0xFFFFE003, lr  }
0x1b: {  	s9 =	sadd.s32 $0xFFFFFEF7, lr;
	s5 =	simm.s32 $0xFFFFFFFF;
	p2 =	slt.u32 s8, $0xFFFFF086  }
0x1c: {  	p1 =	slt.u32 s9, $0xF7A;
	s5 =	simm.s32 @!p2 $0x0  }
0x1d: {  	s5 =	simm.s32 @p1 $0x1;
	p0 =	seq.s32 s7, s2  }
0x1e: {  	s7 =	smul.u32 @!p0 $0xF7A, s2;
	p2 =	seq.s32 @!p0 s5, $0x0  }
0x1f: {  	s9 =	smul.u32 $0xF7A, s1;
	s8 =	simm.s32 @!p0 $0x1BF5;
	p2 =	por !p2, p0  }
0x20: {  	[sflag:s8] =	ssyncset.s32 @!p0 $0xFFFFF086;
	s6 =	sadd.s32 @!p0 s3, s7;
	s7 =	simm.s32 @!p0 $0x108  }
0x21: {  	s3 =	sadd.s32 s3, s9;
	s6 =	sadd.s32 @!p0 $0x88, s6;
	s7 =	simm.s32 @p2 $0x1082  }
0x22: {  	[simem:s7], [sflag:s8] =	dma.local @!p0 [hbm:s6], $0xF7A  }
0x23: {  	s9 =	sor.u32 $0xD0000000, s2;
	s6 =	simm.s32 $0x108;
	_ =	swait.ge @!p0 [sflag:s8], $0x0  }
0x24: {  	s3 =	sadd.s32 $0x88, s3;
	s6 =	simm.s32 @!p1 $0x1082;
	[sflag:s4] =	ssyncset.s32 $0xFFFFF086  }
0x25: {  	[simem:s6], [sflag:s4] =	dma.local [hbm:s3], $0xF7A  }
0x26: {  	[smem:$0x3F96] =	sst s1;
	(tag) =	ssettag s2;
	_ =	strace s9  }
0x27: {  	s1 =	sld [smem:$0x3FA6]  }
0x28: {  	s2 =	sld [smem:$0x3FA7]  }
0x29: {  	s4 =	sld [smem:$0x3FA9]  }
0x2a: {  	p0 =	seq.s32 s5, $0x0;
	s5 =	sld [smem:$0x3FAA]  }
0x2b: {  	s6 =	sld [smem:$0x3FAB]  }
0x2c: {  	s7 =	sld [smem:$0x3FAC]  }
0x2d: {  	s3 =	simm.s32 $0x108;
	s8 =	sld [smem:$0x3FAD]  }
0x2e: {  	s3 =	simm.s32 @!p0 $0x1082;
	s9 =	sld [smem:$0x3FAE]  }
0x2f: {  	lr =	sadd.s32 s0, s3;
	s0 =	sld [smem:$0x3FA5]  }
0x30: {  	s3 =	sld [smem:$0x3FA8]  }
0x31: {  	[smem:$0x3FB1] =	sst s10  }
0x32: {  	s10 =	sld [smem:$0x3FAF];
	_ =	sdelay $0x3  }
0x33: {  	p0 =	seq.s32 s10, $0x1;
	s10 =	sld [smem:$0x3FB1];
	_ =	sdelay $0x3  }
0x34: {  	[smem:$0x3FB1] =	sst s10  }
0x35: {  	s10 =	sld [smem:$0x3FB0];
	_ =	sdelay $0x3  }
0x36: {  	p1 =	seq.s32 s10, $0x1;
	s10 =	sld [smem:$0x3FB1];
	_ =	sdelay $0x3  }
0x37: {  	[smem:$0x3FB1] =	sst s10  }
0x38: {  	s10 =	sld [smem:$0x3FB2]  }
0x39: {  	_ = 	snop;
	(pc) =	sbr.ind lr, $3  }
0x3a: {  	_ = 	snop  }
0x3b: {  	_ = 	snop  }
0x3c: {  	p2 =	seq.s32 s10, $0x1;
	s10 =	sld [smem:$0x3FB1]  }
0x3d: {  	_ =	shalt  }
0x3e: {  	_ =	shalt  }
0x3f: {  	_ =	shalt  }
0x40: {  	_ =	shalt  }
0x41: {  	_ =	shalt  }
0x42: {  	_ =	shalt  }
0x43: {  	_ =	shalt  }
0x44: {  	_ =	shalt  }
0x45: {  	_ =	shalt  }
0x46: {  	_ =	shalt  }
0x47: {  	_ =	shalt  }
0x48: {  	_ =	shalt  }
0x49: {  	_ =	shalt  }
0x4a: {  	_ =	shalt  }
0x4b: {  	_ =	shalt  }
0x4c: {  	_ =	shalt  }
0x4d: {  	_ =	shalt  }
0x4e: {  	_ =	shalt  }
0x4f: {  	_ =	shalt  }
0x50: {  	_ =	shalt  }
0x51: {  	_ =	shalt  }
0x52: {  	_ =	shalt  }
0x53: {  	_ =	shalt  }
0x54: {  	_ =	shalt  }
0x55: {  	_ =	shalt  }
0x56: {  	_ =	shalt  }
0x57: {  	_ =	shalt  }
0x58: {  	_ =	shalt  }
0x59: {  	_ =	shalt  }
0x5a: {  	_ =	shalt  }
0x5b: {  	_ =	shalt  }
0x5c: {  	_ =	shalt  }
0x5d: {  	_ =	shalt  }
0x5e: {  	_ =	shalt  }
0x5f: {  	_ =	shalt  }
0x60: {  	_ =	shalt  }
0x61: {  	_ =	shalt  }
0x62: {  	_ =	shalt  }
0x63: {  	_ =	shalt  }
0x64: {  	_ =	shalt  }
0x65: {  	_ =	shalt  }
0x66: {  	_ =	shalt  }
0x67: {  	_ =	shalt  }
0x68: {  	_ =	shalt  }
0x69: {  	_ =	shalt  }
0x6a: {  	_ =	shalt  }
0x6b: {  	_ =	shalt  }
0x6c: {  	_ =	shalt  }
0x6d: {  	_ =	shalt  }
0x6e: {  	_ =	shalt  }
0x6f: {  	_ =	shalt  }
0x70: {  	_ =	shalt  }
0x71: {  	_ =	shalt  }
0x72: {  	_ =	shalt  }
0x73: {  	_ =	shalt  }
0x74: {  	_ =	shalt  }
0x75: {  	_ =	shalt  }
0x76: {  	_ =	shalt  }
0x77: {  	_ =	shalt  }
0x78: {  	_ =	shalt  }
0x79: {  	_ =	shalt  }
0x7a: {  	_ =	shalt  }
0x7b: {  	_ =	shalt  }
0x7c: {  	_ =	shalt  }
0x7d: {  	_ =	shalt  }
0x7e: {  	_ =	shalt  }
0x7f: {  	_ =	shalt  }
0x80: {  	_ =	shalt  }
0x81: {  	_ =	shalt  }
0x82: {  	_ =	shalt  }
0x83: {  	_ =	shalt  }
0x84: {  	_ =	shalt  }
0x85: {  	_ =	shalt  }
0x86: {  	_ =	shalt  }
0x87: {  	_ =	shalt  }
.Lfunc_end0:
.L_simem_size_0:
called_computation_lowered:
.L_overlay_start_0:
0x88: {  	s2 =	sld [smem:$0x3FD9]  }
0x89: {  	s3 =	sld [smem:$0x3FFE];
	_ =	sdelay $0x1  }
0x8a: {  	s1 =	srdreg.scid  }
0x8b: {  	s0 =	sand.u32 $0x1, s1  }
0x8c: {  	s16 =	sshll.u32 s0, $0xA;
	s2 =	sadd.s32 s3, s2  }
0x8d: {  	s2 =	sadd.s32 s2, s16  }
0x8e: {  	[smem:$0x3FBD] =	sst s2  }
0x8f: {  	_ = 	snop  }
0x90: {  	(tm) =	ssettm $0x1  }
0x91: {  	s17 =	sld [smem:$0x3FFB];
	_ =	sdelay $0x3  }
0x92: {  	_ =	strace s17  }
0x93: {  	s2 =	sld [smem:$0x3FFC];
	_ =	sdelay $0x3  }
0x94: {  	_ =	strace s2  }
0x95: {  	s2 =	sld [smem:$0x3FFD];
	_ =	sdelay $0x3  }
0x96: {  	_ =	strace s2  }
0x97: {  	_ =	strace $0x8FFFFFFF  }
0x98: {  	s18 =	sld [smem:$0x3FDB];
	_ =	sdelay $0x1  }
0x99: {  	s19 =	simm.s32 $_scs_section_size  }
0x9a: {  	s4 =	simm.s32 $_size__tile_overlayer_lowered;
	s5 =	simm.s32 $_tile_overlayer_lowered  }
0x9b: {  	s22 =	simm.s32 $0x1BFF;
	s21 =	sshll.u32 s5, $0x1;
	s2 =	sadd.s32 s19, s18  }
0x9c: {  	s6 =	simm.s32 $0x0;
	s20 =	sshll.u32 s4, $0x1;
	s4 =	sadd.s32 s21, s2  }
0x9d: {  	[timem:s6], [sflag:s22] =	dma.local [hbm:s4], s20  }
0x9e: {  	_ =	swait.ge [sflag:s22], s20  }
0x9f: {  	s3 =	ssub.s32 $0x0, s20;
	[sflag:s22] =	ssyncset.done $0x0  }
0xa0: {  	[sflag:s22] =	ssyncadd.s32 s3;
	_ =	sdelay $0x1  }
0xa1: {  	s23 =	simm.s32 $0x1B8B  }
0xa2: {  	_ =	swait.ge [sflag:s23], $0x1  }
0xa3: {  	[sflag:s23] =	ssyncset.done $0x0  }
0xa4: {  	s25 =	simm.s32 $0x1B8E;
	s24 =	sld [smem:$0x3FFE];
	[sflag:s23] =	ssyncadd.s32 $0xFFFFFFFF  }
0xa5: {  	s26 =	simm.s32 $execute0_lowered;
	[smem:$0x3FD2] =	sst s25  }
0xa6: {  	s4 =	sshll.u32 s26, $0x1;
	_ =	strace $0x80000046;
	[dreg:$0x1] =	wrdreg $0xFFFFFFFF  }
0xa7: {  	s28 =	simm.s32 $_size_execute0_lowered;
	s2 =	sadd.s32 s2, s4;
	[dreg:$0x0] =	wrdreg $0x0  }
0xa8: {  	s4 =	sshll.u32 s28, $0x1;
	[dreg:$0x2] =	wrdreg s2  }
0xa9: {  	[dreg:$0x3] =	wrdreg s4  }
0xaa: {  	[dreg:$0x4] =	wrdreg $0xC0  }
0xab: {  	_ =	task [dreg:s6], $0x5FFFF  }
0xac: {  	[dreg:$0x1] =	wrdreg $0xFFFFFFFF  }
0xad: {  	[dreg:$0x0] =	wrdreg $0x60  }
0xae: {  	[dreg:$0x2] =	wrdreg s24  }
0xaf: {  	[dreg:$0x3] =	wrdreg $0xA8000  }
0xb0: {  	[dreg:$0x4] =	wrdreg $0x9  }
0xb1: {  	_ =	task.clear_ibuf [dreg:s6], $0x5FFFF;
	_ =	strace $0x90000046  }
0xb2: {  	s29 =	simm.s32 $0x9;
	_ =	strace $0x80000048  }
0xb3: {  	_ =	swait.ge [sflag:s29], $0x1  }
0xb4: {  	[sflag:s29] =	ssyncadd.s32 $0xFFFFFFFF  }
0xb5: {  	_ =	strace $0x90000048  }
0xb6: {  	_ =	sfence  }
0xb7: {  	s30 =	sld [smem:$0x0];
	_ =	sdelay $0x2  }
0xb8: {  	s31 =	sshll.u32 s1, $0xD;
	s1 =	sshrl.u32 s1, $0x2  }
0xb9: {  	s3 =	sand.u32 $0x4000, s31;
	s1 =	sadd.s32 s1, s30  }
0xba: {  	s0 =	sor.u32 s3, s0;
	s1 =	sshll.u32 s1, $0x11  }
0xbb: {  	s0 =	sor.u32 s1, s0  }
0xbc: {  	s0 =	sadd.s32 $0x8F2B, s0  }
0xbd: {  	[sflag:s0] =	ssyncadd.remote.s32 $0x1  }
0xbe: {  	_ =	sfence.sel $0xFFFF  }
0xbf: {  	[dreg:$0x0] =	wrdreg $0xFFFFFFFF;
	(pc) =	sbr.abs _section_cstart, $3  }
0xc0: {  	[dreg:$0x1] =	wrdreg $0xFFFFFFFF  }
0xc1: {  	_ =	task.clear_ibuf [dreg:s6], $0x2FFFF;
	_ =	strace $0x9FFFFFFF  }
0xc2: {  	(tm) =	ssettm $0x7FFFFFFF  }
0xc3: {  	_ =	shalt  }
tec
execute0_lowered:
.L_overlay_start_1:
0x0: {  	(tag) =	ssettag $0x1  }
0x1: {  	s4 =	rddreg [dreg:$0x0]  }
0x2: {  	s2 =	rddreg [dreg:$0x1];
	s1 =	srdreg.scid  }
0x3: {  	s0 =	rddreg [dreg:$0x2];
	s3 =	simm.s32 $0x0;
	s12 =	simm.s32 $0x1  }
0x4: {  	s13 =	simm.s32 $0x6800;
	s14 =	simm.s32 $0x80;
	s15 =	simm.s32 $0x2800  }
0x5: {  	s18 =	simm.s32 $0x0;
	s5 =	sand.u32 $0x1, s1;
	s1 =	stileid.u32  }
0x6: {  	[smem:$0x7FF] =	sst s3;
	s6 =	smul.u32 $0x140000, s5;
	s7 =	sshll.u32 s5, $0x4  }
0x7: {  	s8 =	smul.u32 $0x14000, s1;
	_ =	strace $0x80000047;
	s5 =	ssub.s32 $0x2, s5  }
0x8: {  	s29 =	smul.u32 $0x50000, s1;
	s16 =	sshll.u32 s1, $0x6;
	s7 =	sor.u32 s1, s7  }
0x9: {  	s30 =	sshrl.u32 s5, $0x1;
	s16 =	sor.u32 $0x1C01, s16;
	s7 =	smul.u32 $0x500, s7  }
0xa: {  	s6 =	sadd.s32 s8, s6;
	s9 =	ssub.s32 s5, s30;
	s31 =	sshrl.u32 s29, $0x2  }
0xb: {  	s6 =	sshrl.u32 s6, $0x3;
	s5 =	sadd.s32 s31, s2;
	s7 =	sadd.s32 s7, s4  }
0xc: {  	s6 =	sadd.s32 s6, s4;
	s8 =	sadd.s32 $0x4000, s5;
	s10 =	sadd.s32 $0xC000, s5  }
0xd: {  	s11 =	sadd.s32 $0x10000, s5;
	s17 =	sshrl.u32 s5, $0x3;
	s4 =	sadd.s32 $0x4200, s7  }
0xe: {  	v0 =	vimm.f32 $1.000000000e+00;
	v1 =	vimm.f32 $0.0e+00;
	s6 =	sadd.s32 $0x18200, s6;
	s7 =	smax.u32 s9, $0x1;
	s9 =	sadd.s32 $0x8000, s5  }
.LBB2_1:
0xf: {  	[tilespmem:s3], [sflag:$0x1] =	stream.linear.gather [hbm4b:s4+s3], $0x2800, $0x38;
	[tilespmem:$0xD000] =	vst v63  }
0x10: {  	_ =	swait.ge [sflag:s12], $0x2800  }
0x11: {  	[sflag:s12] =	ssyncset.done $0x0  }
0x12: {  	s19 =	simm.s32 $0x200;
	s20 =	simm.s32 $0x0;
	[sflag:s12] =	ssyncadd.s32 $0xFFFFD800  }
.LBB2_2:
0x13: {  	p0 =	sne.s32 s19, $0xFE00;
	[tilespmem:s20+$0x2800] =	vst v0;
	s21 =	smov.u32 s19;
	s19 =	sadd.s32 $0x200, s19  }
.Ltmp0:
0x14: {  	[tilespmem:s20+$0x6800] =	vst v1;
	(pc) =	sbr.rel @p0 .LBB2_2-.Ltmp0, $2  }
0x15: {  	_ =	sdelay $0x2  }
0x16: {  	s20 =	sshra.s32 s21, $0x2  }
0x17: {  	[tilespmem:s20+$0x2800] =	vst v0  }
0x18: {  	[tilespmem:s20+$0x6800] =	vst v1  }
0x19: {  	[spmem:s5] =	stream.linear.scatter [tilespmem:s13], [sflag:$0x1], $0x4000, $0x38;
	[tilespmem:$0xD000] =	vst v63  }
0x1a: {  	_ =	swait.ge [sflag:s12], $0x4000  }
0x1b: {  	[sflag:s12] =	ssyncset.done $0x0  }
0x1c: {  	[sflag:s12] =	ssyncadd.s32 $0xFFFFC000  }
0x1d: {  	[spmem:s8] =	stream.linear.scatter [tilespmem:s13], [sflag:$0x1], $0x4000, $0x38;
	[tilespmem:$0xD000] =	vst v63  }
0x1e: {  	_ =	swait.ge [sflag:s12], $0x4000  }
0x1f: {  	[sflag:s12] =	ssyncset.done $0x0  }
0x20: {  	[sflag:s12] =	ssyncadd.s32 $0xFFFFC000  }
0x21: {  	[spmem:s9] =	stream.linear.scatter [tilespmem:s13], [sflag:$0x1], $0x4000, $0x38;
	[tilespmem:$0xD000] =	vst v63  }
0x22: {  	_ =	swait.ge [sflag:s12], $0x4000  }
0x23: {  	[sflag:s12] =	ssyncset.done $0x0  }
0x24: {  	[sflag:s12] =	ssyncadd.s32 $0xFFFFC000  }
0x25: {  	[spmem:s10] =	stream.linear.scatter [tilespmem:s13], [sflag:$0x1], $0x4000, $0x38;
	[tilespmem:$0xD000] =	vst v63  }
0x26: {  	_ =	swait.ge [sflag:s12], $0x4000  }
0x27: {  	[sflag:s12] =	ssyncset.done $0x0  }
0x28: {  	[sflag:s12] =	ssyncadd.s32 $0xFFFFC000  }
0x29: {  	[spmem:s11] =	stream.linear.scatter [tilespmem:s13], [sflag:$0x1], $0x4000, $0x38;
	[tilespmem:$0xD000] =	vst v63  }
0x2a: {  	_ =	swait.ge [sflag:s12], $0x4000  }
0x2b: {  	[sflag:s12] =	ssyncset.done $0x0  }
0x2c: {  	[sflag:s12] =	ssyncadd.s32 $0xFFFFC000  }
0x2d: {  	s19 =	simm.s32 $0x0;
	[bflag:$0x0] =	sbarrier.arrive $0xFFFF  }
0x2e: {  	[spmem:s2] =	stream.indirect.scatter.add.f32 [tilespmem:s15], [sflag:$0x1], $0x10, s19, s14, $0xb8;
	[tilespmem:$0xD000] =	vst v63  }
0x2f: {  	_ =	swait.ge [sflag:s12], $0x800  }
0x30: {  	s19 =	simm.s32 $0x200;
	[sflag:s12] =	ssyncset.done $0x0  }
.LBB2_4:
0x31: {  	s20 =	sshra.s32 s19, $0x2;
	[sflag:s12] =	ssyncadd.s32 $0xFFFFF800;
	p0 =	sne.s32 s19, $0x9E00  }
0x32: {  	[spmem:s2] =	stream.indirect.scatter.add.f32 [tilespmem:s15], [sflag:$0x1], $0x10, s20, s14, $0xb8;
	[tilespmem:$0xD000] =	vst v63  }
.Ltmp1:
0x33: {  	_ = 	snop;
	(pc) =	sbr.rel @p0 .LBB2_4-.Ltmp1, $4  }
0x34: {  	_ = 	snop  }
0x35: {  	s19 =	sadd.s32 $0x200, s19  }
0x36: {  	_ =	swait.ge [sflag:s12], $0x800  }
0x37: {  	[sflag:s12] =	ssyncset.done $0x0  }
0x38: {  	s18 =	sadd.s32 $0x1, s18  }
0x39: {  	[sflag:s12] =	ssyncadd.s32 $0xFFFFF800;
	p0 =	sne.s32 s18, s7  }
.Ltmp2:
0x3a: {  	[bflag:$0x0] =	sbarrier.arrive $0xFFFF;
	(pc) =	sbr.rel @p0 .LBB2_1-.Ltmp2, $4  }
0x3b: {  	[hbm:s6], [sflag:s16] =	dma.local [spmem:s17], $0x2800  }
0x3c: {  	_ =	swait.ge [sflag:s12], $0x2800  }
0x3d: {  	[sflag:s12] =	ssyncset.done $0x0  }
0x3e: {  	[sflag:s12] =	ssyncadd.s32 $0xFFFFD800  }
0x3f: {  	_ =	sfence.sel $0x180000  }
0x40: {  	[bflag:$0x0] =	sbarrier.arrive $0xFFFF  }
0x41: {  	p0 =	sne.s32 s1, $0x0;
	_ =	strace $0x90000047  }
0x42: {  	s0 =	sadd.s32 @!p0 $0x100000, s0;
	[bflag:$0x2] =	sbarrier.arrive $0xFFFF  }
0x43: {  	[sflag:s0] =	ssyncadd.tile.s32 @!p0 $0x1;
	_ =	shalt  }
.Lfunc_end2:
_tile_overlayer_lowered:
.L_overlay_start_2:
0x44: {  	(tag) =	ssettag $0x2  }
0x45: {  	s0 =	rddreg [dreg:$0x0];
	s2 =	stileid.u32  }
0x46: {  	s1 =	rddreg [dreg:$0x1];
	p0 =	sne.s32 s2, $0x0  }
0x47: {  	s3 =	rddreg [dreg:$0x2];
	[bflag:$0x3] =	sbarrier.arrive $0xFFFF;
	s2 =	simm.s32 @!p0 $0x1C01  }
0x48: {  	[timem:s3], [sflag:s2] =	dma.local @!p0 [hbm:s0], s1  }
0x49: {  	s0 =	simm.s32 @!p0 $0x1  }
0x4a: {  	_ =	swait.ge @!p0 [sflag:s0], s1  }
0x4b: {  	s1 =	ssub.s32 @!p0 $0x0, s1;
	[sflag:s0] =	ssyncset.done @!p0 $0x0  }
0x4c: {  	[sflag:s0] =	ssyncadd.s32 @!p0 s1  }
0x4d: {  	[bflag:$0x3] =	sbarrier.arrive $0xFFFF  }
0x4e: {  	_ =	shalt  }

// kernel: kernel.15.cloned.1.call-start
scs
__scs_entry_jumppad:
0x0: {  	(pc) =	sbr.rel $0x88, $3  }
0x1: {  	(tag) =	ssettag $0x0;
	lr =	simm.s32 $0x1  }
0x2: {  	[smem:$0x3F96] =	sst lr;
	_ =	strace $0xD0000000  }
0x3: {  	_ = 	snop  }
0x4: {  	_ = 	snop  }
0x5: {  	_ = 	snop  }
0x6: {  	_ = 	snop  }
0x7: {  	_ = 	snop  }
__scs_overlays_trampoline_lowered:
0x8: {  	[smem:$0x3FA5] =	sst s0  }
0x9: {  	[smem:$0x3FA6] =	sst s1  }
0xa: {  	[smem:$0x3FA7] =	sst s2  }
0xb: {  	[smem:$0x3FA8] =	sst s3  }
0xc: {  	[smem:$0x3FA9] =	sst s4  }
0xd: {  	[smem:$0x3FAA] =	sst s5  }
0xe: {  	[smem:$0x3FAB] =	sst s6  }
0xf: {  	[smem:$0x3FAC] =	sst s7  }
0x10: {  	[smem:$0x3FAD] =	sst s8  }
0x11: {  	[smem:$0x3FAE] =	sst s9;
	s0 =	simm.s32 @!p0 $0x0  }
0x12: {  	s1 =	sld [smem:$0x3F94];
	s0 =	simm.s32 @p0 $0x1  }
0x13: {  	[smem:$0x3FAF] =	sst s0;
	s0 =	simm.s32 @!p1 $0x0  }
0x14: {  	s2 =	sld [smem:$0x3F93];
	s0 =	simm.s32 @p1 $0x1  }
0x15: {  	[smem:$0x3FB0] =	sst s0;
	s0 =	simm.s32 @!p2 $0x0  }
0x16: {  	s3 =	sld [smem:$0x3FDB];
	s0 =	simm.s32 @p2 $0x1  }
0x17: {  	s4 =	simm.s32 $0x1BF5;
	[smem:$0x3FB2] =	sst s0  }
0x18: {  	s0 =	sld [smem:$0x3F95];
	_ =	swait.ge [sflag:s4], $0x0  }
0x19: {  	s7 =	sld [smem:$0x3F96]  }
0x1a: {  	s8 =	sadd.s32 $0xFFFFE003, lr  }
0x1b: {  	s9 =	sadd.s32 $0xFFFFFEF7, lr;
	s5 =	simm.s32 $0xFFFFFFFF;
	p2 =	slt.u32 s8, $0xFFFFF086  }
0x1c: {  	p1 =	slt.u32 s9, $0xF7A;
	s5 =	simm.s32 @!p2 $0x0  }
0x1d: {  	s5 =	simm.s32 @p1 $0x1;
	p0 =	seq.s32 s7, s2  }
0x1e: {  	s7 =	smul.u32 @!p0 $0xF7A, s2;
	p2 =	seq.s32 @!p0 s5, $0x0  }
0x1f: {  	s9 =	smul.u32 $0xF7A, s1;
	s8 =	simm.s32 @!p0 $0x1BF5;
	p2 =	por !p2, p0  }
0x20: {  	[sflag:s8] =	ssyncset.s32 @!p0 $0xFFFFF086;
	s6 =	sadd.s32 @!p0 s3, s7;
	s7 =	simm.s32 @!p0 $0x108  }
0x21: {  	s3 =	sadd.s32 s3, s9;
	s6 =	sadd.s32 @!p0 $0x88, s6;
	s7 =	simm.s32 @p2 $0x1082  }
0x22: {  	[simem:s7], [sflag:s8] =	dma.local @!p0 [hbm:s6], $0xF7A  }
0x23: {  	s9 =	sor.u32 $0xD0000000, s2;
	s6 =	simm.s32 $0x108;
	_ =	swait.ge @!p0 [sflag:s8], $0x0  }
0x24: {  	s3 =	sadd.s32 $0x88, s3;
	s6 =	simm.s32 @!p1 $0x1082;
	[sflag:s4] =	ssyncset.s32 $0xFFFFF086  }
0x25: {  	[simem:s6], [sflag:s4] =	dma.local [hbm:s3], $0xF7A  }
0x26: {  	[smem:$0x3F96] =	sst s1;
	(tag) =	ssettag s2;
	_ =	strace s9  }
0x27: {  	s1 =	sld [smem:$0x3FA6]  }
0x28: {  	s2 =	sld [smem:$0x3FA7]  }
0x29: {  	s4 =	sld [smem:$0x3FA9]  }
0x2a: {  	p0 =	seq.s32 s5, $0x0;
	s5 =	sld [smem:$0x3FAA]  }
0x2b: {  	s6 =	sld [smem:$0x3FAB]  }
0x2c: {  	s7 =	sld [smem:$0x3FAC]  }
0x2d: {  	s3 =	simm.s32 $0x108;
	s8 =	sld [smem:$0x3FAD]  }
0x2e: {  	s3 =	simm.s32 @!p0 $0x1082;
	s9 =	sld [smem:$0x3FAE]  }
0x2f: {  	lr =	sadd.s32 s0, s3;
	s0 =	sld [smem:$0x3FA5]  }
0x30: {  	s3 =	sld [smem:$0x3FA8]  }
0x31: {  	[smem:$0x3FB1] =	sst s10  }
0x32: {  	s10 =	sld [smem:$0x3FAF];
	_ =	sdelay $0x3  }
0x33: {  	p0 =	seq.s32 s10, $0x1;
	s10 =	sld [smem:$0x3FB1];
	_ =	sdelay $0x3  }
0x34: {  	[smem:$0x3FB1] =	sst s10  }
0x35: {  	s10 =	sld [smem:$0x3FB0];
	_ =	sdelay $0x3  }
0x36: {  	p1 =	seq.s32 s10, $0x1;
	s10 =	sld [smem:$0x3FB1];
	_ =	sdelay $0x3  }
0x37: {  	[smem:$0x3FB1] =	sst s10  }
0x38: {  	s10 =	sld [smem:$0x3FB2]  }
0x39: {  	_ = 	snop;
	(pc) =	sbr.ind lr, $3  }
0x3a: {  	_ = 	snop  }
0x3b: {  	_ = 	snop  }
0x3c: {  	p2 =	seq.s32 s10, $0x1;
	s10 =	sld [smem:$0x3FB1]  }
0x3d: {  	_ =	shalt  }
0x3e: {  	_ =	shalt  }
0x3f: {  	_ =	shalt  }
0x40: {  	_ =	shalt  }
0x41: {  	_ =	shalt  }
0x42: {  	_ =	shalt  }
0x43: {  	_ =	shalt  }
0x44: {  	_ =	shalt  }
0x45: {  	_ =	shalt  }
0x46: {  	_ =	shalt  }
0x47: {  	_ =	shalt  }
0x48: {  	_ =	shalt  }
0x49: {  	_ =	shalt  }
0x4a: {  	_ =	shalt  }
0x4b: {  	_ =	shalt  }
0x4c: {  	_ =	shalt  }
0x4d: {  	_ =	shalt  }
0x4e: {  	_ =	shalt  }
0x4f: {  	_ =	shalt  }
0x50: {  	_ =	shalt  }
0x51: {  	_ =	shalt  }
0x52: {  	_ =	shalt  }
0x53: {  	_ =	shalt  }
0x54: {  	_ =	shalt  }
0x55: {  	_ =	shalt  }
0x56: {  	_ =	shalt  }
0x57: {  	_ =	shalt  }
0x58: {  	_ =	shalt  }
0x59: {  	_ =	shalt  }
0x5a: {  	_ =	shalt  }
0x5b: {  	_ =	shalt  }
0x5c: {  	_ =	shalt  }
0x5d: {  	_ =	shalt  }
0x5e: {  	_ =	shalt  }
0x5f: {  	_ =	shalt  }
0x60: {  	_ =	shalt  }
0x61: {  	_ =	shalt  }
0x62: {  	_ =	shalt  }
0x63: {  	_ =	shalt  }
0x64: {  	_ =	shalt  }
0x65: {  	_ =	shalt  }
0x66: {  	_ =	shalt  }
0x67: {  	_ =	shalt  }
0x68: {  	_ =	shalt  }
0x69: {  	_ =	shalt  }
0x6a: {  	_ =	shalt  }
0x6b: {  	_ =	shalt  }
0x6c: {  	_ =	shalt  }
0x6d: {  	_ =	shalt  }
0x6e: {  	_ =	shalt  }
0x6f: {  	_ =	shalt  }
0x70: {  	_ =	shalt  }
0x71: {  	_ =	shalt  }
0x72: {  	_ =	shalt  }
0x73: {  	_ =	shalt  }
0x74: {  	_ =	shalt  }
0x75: {  	_ =	shalt  }
0x76: {  	_ =	shalt  }
0x77: {  	_ =	shalt  }
0x78: {  	_ =	shalt  }
0x79: {  	_ =	shalt  }
0x7a: {  	_ =	shalt  }
0x7b: {  	_ =	shalt  }
0x7c: {  	_ =	shalt  }
0x7d: {  	_ =	shalt  }
0x7e: {  	_ =	shalt  }
0x7f: {  	_ =	shalt  }
0x80: {  	_ =	shalt  }
0x81: {  	_ =	shalt  }
0x82: {  	_ =	shalt  }
0x83: {  	_ =	shalt  }
0x84: {  	_ =	shalt  }
0x85: {  	_ =	shalt  }
0x86: {  	_ =	shalt  }
0x87: {  	_ =	shalt  }
.Lfunc_end0:
.L_simem_size_0:
called_computation.1_lowered:
.L_overlay_start_0:
0x88: {  	s2 =	sld [smem:$0x3FD9]  }
0x89: {  	s3 =	sld [smem:$0x3FFE];
	_ =	sdelay $0x1  }
0x8a: {  	s1 =	srdreg.scid  }
0x8b: {  	s0 =	sand.u32 $0x1, s1  }
0x8c: {  	s16 =	sshll.u32 s0, $0xA;
	s2 =	sadd.s32 s3, s2  }
0x8d: {  	s2 =	sadd.s32 s2, s16  }
0x8e: {  	[smem:$0x3FBD] =	sst s2  }
0x8f: {  	_ = 	snop  }
0x90: {  	(tm) =	ssettm $0x1  }
0x91: {  	s17 =	sld [smem:$0x3FFB];
	_ =	sdelay $0x3  }
0x92: {  	_ =	strace s17  }
0x93: {  	s2 =	sld [smem:$0x3FFC];
	_ =	sdelay $0x3  }
0x94: {  	_ =	strace s2  }
0x95: {  	s2 =	sld [smem:$0x3FFD];
	_ =	sdelay $0x3  }
0x96: {  	_ =	strace s2  }
0x97: {  	_ =	strace $0x8FFFFFFF  }
0x98: {  	s18 =	sld [smem:$0x3FDB];
	_ =	sdelay $0x1  }
0x99: {  	s19 =	simm.s32 $_scs_section_size  }
0x9a: {  	s4 =	simm.s32 $_size__tile_overlayer_lowered;
	s5 =	simm.s32 $_tile_overlayer_lowered  }
0x9b: {  	s22 =	simm.s32 $0x1BFF;
	s21 =	sshll.u32 s5, $0x1;
	s2 =	sadd.s32 s19, s18  }
0x9c: {  	s6 =	simm.s32 $0x0;
	s20 =	sshll.u32 s4, $0x1;
	s4 =	sadd.s32 s21, s2  }
0x9d: {  	[timem:s6], [sflag:s22] =	dma.local [hbm:s4], s20  }
0x9e: {  	_ =	swait.ge [sflag:s22], s20  }
0x9f: {  	s3 =	ssub.s32 $0x0, s20;
	[sflag:s22] =	ssyncset.done $0x0  }
0xa0: {  	[sflag:s22] =	ssyncadd.s32 s3;
	_ =	sdelay $0x1  }
0xa1: {  	s23 =	simm.s32 $0x1B8B  }
0xa2: {  	_ =	swait.ge [sflag:s23], $0x1  }
0xa3: {  	[sflag:s23] =	ssyncset.done $0x0  }
0xa4: {  	s25 =	simm.s32 $0x1B8E;
	s24 =	sld [smem:$0x3FFE];
	[sflag:s23] =	ssyncadd.s32 $0xFFFFFFFF  }
0xa5: {  	s26 =	simm.s32 $execute0_lowered;
	[smem:$0x3FD2] =	sst s25  }
0xa6: {  	s4 =	sshll.u32 s26, $0x1;
	_ =	strace $0x80000049;
	[dreg:$0x1] =	wrdreg $0xFFFFFFFF  }
0xa7: {  	s28 =	simm.s32 $_size_execute0_lowered;
	s2 =	sadd.s32 s2, s4;
	[dreg:$0x0] =	wrdreg $0x0  }
0xa8: {  	s4 =	sshll.u32 s28, $0x1;
	[dreg:$0x2] =	wrdreg s2  }
0xa9: {  	[dreg:$0x3] =	wrdreg s4  }
0xaa: {  	[dreg:$0x4] =	wrdreg $0xC0  }
0xab: {  	_ =	task [dreg:s6], $0x5FFFF  }
0xac: {  	[dreg:$0x1] =	wrdreg $0xFFFFFFFF  }
0xad: {  	[dreg:$0x0] =	wrdreg $0x60  }
0xae: {  	[dreg:$0x2] =	wrdreg s24  }
0xaf: {  	[dreg:$0x3] =	wrdreg $0xBC000  }
0xb0: {  	[dreg:$0x4] =	wrdreg $0x9  }
0xb1: {  	_ =	task.clear_ibuf [dreg:s6], $0x5FFFF;
	_ =	strace $0x90000049  }
0xb2: {  	s29 =	simm.s32 $0x9;
	_ =	strace $0x8000004B  }
0xb3: {  	_ =	swait.ge [sflag:s29], $0x1  }
0xb4: {  	[sflag:s29] =	ssyncadd.s32 $0xFFFFFFFF  }
0xb5: {  	_ =	strace $0x9000004B  }
0xb6: {  	_ =	sfence  }
0xb7: {  	s30 =	sld [smem:$0x0];
	_ =	sdelay $0x2  }
0xb8: {  	s31 =	sshll.u32 s1, $0xD;
	s1 =	sshrl.u32 s1, $0x2  }
0xb9: {  	s3 =	sand.u32 $0x4000, s31;
	s1 =	sadd.s32 s1, s30  }
0xba: {  	s0 =	sor.u32 s3, s0;
	s1 =	sshll.u32 s1, $0x11  }
0xbb: {  	s0 =	sor.u32 s1, s0  }
0xbc: {  	s0 =	sadd.s32 $0x8F2B, s0  }
0xbd: {  	[sflag:s0] =	ssyncadd.remote.s32 $0x1  }
0xbe: {  	_ =	sfence.sel $0xFFFF  }
0xbf: {  	[dreg:$0x0] =	wrdreg $0xFFFFFFFF;
	(pc) =	sbr.abs _section_cstart, $3  }
0xc0: {  	[dreg:$0x1] =	wrdreg $0xFFFFFFFF  }
0xc1: {  	_ =	task.clear_ibuf [dreg:s6], $0x2FFFF;
	_ =	strace $0x9FFFFFFF  }
0xc2: {  	(tm) =	ssettm $0x7FFFFFFF  }
0xc3: {  	_ =	shalt  }
tec
execute0_lowered:
.L_overlay_start_1:
0x0: {  	(tag) =	ssettag $0x1  }
0x1: {  	s5 =	rddreg [dreg:$0x0];
	s0 =	srdreg.scid  }
0x2: {  	s2 =	rddreg [dreg:$0x1];
	s1 =	stileid.u32;
	s3 =	simm.s32 $0x0  }
0x3: {  	s15 =	simm.s32 $0x3C00;
	s16 =	simm.s32 $0x3;
	s17 =	simm.s32 $0x1400  }
0x4: {  	s18 =	simm.s32 $0x80;
	s19 =	simm.s32 $0x7C00;
	s7 =	smul.u32 $0x2800, s1  }
0x5: {  	s20 =	simm.s32 $0x1480;
	s21 =	simm.s32 $0x1;
	s9 =	smul.u32 $0x14000, s1  }
0x6: {  	s22 =	simm.s32 $0x2;
	s6 =	sand.u32 $0x1, s0;
	s10 =	smul.u32 $0x50000, s1  }
0x7: {  	s23 =	simm.s32 $0x0;
	s0 =	rddreg [dreg:$0x2];
	s4 =	smul.u32 $0x28000, s6  }
0x8: {  	[smem:$0x7FF] =	sst s3;
	s8 =	smul.u32 $0x140000, s6;
	s6 =	ssub.s32 $0x2, s6  }
0x9: {  	_ =	strace $0x8000004A;
	s29 =	sshrl.u32 s6, $0x1;
	s7 =	sadd.s32 s7, s4  }
0xa: {  	s30 =	sshrl.u32 s10, $0x2;
	s28 =	sadd.s32 s9, s8;
	s7 =	sshrl.u32 s7, $0x3  }
0xb: {  	s12 =	ssub.s32 s6, s29;
	s11 =	sadd.s32 s7, s5;
	s7 =	sshrl.u32 s28, $0x3  }
0xc: {  	s4 =	sadd.s32 $0x18200, s5;
	s10 =	smax.u32 s12, $0x1;
	s31 =	sadd.s32 s7, s5  }
0xd: {  	s5 =	sadd.s32 s30, s2;
	s6 =	sadd.s32 $0x4200, s11;
	s7 =	sadd.s32 $0xE200, s11  }
0xe: {  	s8 =	sadd.s32 $0xE480, s11;
	s9 =	sadd.s32 $0x3F400, s31;
	s11 =	sadd.s32 $0x4000, s5  }
0xf: {  	v0 =	vimm.f32 $0.0e+00;
	s12 =	sadd.s32 $0x8000, s5;
	s13 =	sadd.s32 $0xC000, s5;
	s14 =	sadd.s32 $0x10000, s5  }
.LBB2_1:
0x10: {  	s24 =	simm.s32 $0x0;
	s25 =	simm.s32 $0x200  }
.LBB2_2:
0x11: {  	p0 =	sne.s32 s25, $0xFE00;
	[tilespmem:s24+$0x3C70] =	vst v0  }
0x12: {  	[tilespmem:s24+$0x3C00] =	vst v0  }
0x13: {  	[tilespmem:s24+$0x3C10] =	vst v0  }
.Ltmp0:
0x14: {  	[tilespmem:s24+$0x3C20] =	vst v0;
	(pc) =	sbr.rel @p0 .LBB2_2-.Ltmp0, $4  }
0x15: {  	[tilespmem:s24+$0x3C30] =	vst v0  }
0x16: {  	[tilespmem:s24+$0x3C40] =	vst v0  }
0x17: {  	[tilespmem:s24+$0x3C50] =	vst v0  }
0x18: {  	[tilespmem:s24+$0x3C60] =	vst v0;
	s24 =	sshra.s32 s25, $0x2;
	s25 =	sadd.s32 $0x200, s25  }
0x19: {  	[tilespmem:s24+$0x3C70] =	vst v0  }
0x1a: {  	[tilespmem:s24+$0x3C00] =	vst v0  }
0x1b: {  	[tilespmem:s24+$0x3C10] =	vst v0  }
0x1c: {  	[tilespmem:s24+$0x3C20] =	vst v0  }
0x1d: {  	[tilespmem:s24+$0x3C30] =	vst v0  }
0x1e: {  	[tilespmem:s24+$0x3C40] =	vst v0  }
0x1f: {  	[tilespmem:s24+$0x3C50] =	vst v0  }
0x20: {  	[tilespmem:s24+$0x3C60] =	vst v0  }
0x21: {  	[spmem:s5] =	stream.linear.scatter [tilespmem:s15], [sflag:$0x3], $0x4000, $0x38;
	[tilespmem:$0x1FC00] =	vst v63  }
0x22: {  	_ =	swait.ge [sflag:s16], $0x4000  }
0x23: {  	[sflag:s16] =	ssyncset.done $0x0  }
0x24: {  	[sflag:s16] =	ssyncadd.s32 $0xFFFFC000  }
0x25: {  	[spmem:s11] =	stream.linear.scatter [tilespmem:s15], [sflag:$0x3], $0x4000, $0x38;
	[tilespmem:$0x1FC00] =	vst v63  }
0x26: {  	_ =	swait.ge [sflag:s16], $0x4000  }
0x27: {  	[sflag:s16] =	ssyncset.done $0x0  }
0x28: {  	[sflag:s16] =	ssyncadd.s32 $0xFFFFC000  }
0x29: {  	[spmem:s12] =	stream.linear.scatter [tilespmem:s15], [sflag:$0x3], $0x4000, $0x38;
	[tilespmem:$0x1FC00] =	vst v63  }
0x2a: {  	_ =	swait.ge [sflag:s16], $0x4000  }
0x2b: {  	[sflag:s16] =	ssyncset.done $0x0  }
0x2c: {  	[sflag:s16] =	ssyncadd.s32 $0xFFFFC000  }
0x2d: {  	[spmem:s13] =	stream.linear.scatter [tilespmem:s15], [sflag:$0x3], $0x4000, $0x38;
	[tilespmem:$0x1FC00] =	vst v63  }
0x2e: {  	_ =	swait.ge [sflag:s16], $0x4000  }
0x2f: {  	[sflag:s16] =	ssyncset.done $0x0  }
0x30: {  	[sflag:s16] =	ssyncadd.s32 $0xFFFFC000  }
0x31: {  	[spmem:s14] =	stream.linear.scatter [tilespmem:s15], [sflag:$0x3], $0x4000, $0x38;
	[tilespmem:$0x1FC00] =	vst v63  }
0x32: {  	_ =	swait.ge [sflag:s16], $0x4000  }
0x33: {  	[sflag:s16] =	ssyncset.done $0x0  }
0x34: {  	[sflag:s16] =	ssyncadd.s32 $0xFFFFC000  }
0x35: {  	[bflag:$0x0] =	sbarrier.arrive $0xFFFF  }
0x36: {  	[tilespmem:s17], [sflag:$0x3] =	stream.linear.gather [hbm4b:s6+s3], $0x2800, $0x38;
	[tilespmem:$0x1FC00] =	vst v63  }
0x37: {  	_ =	swait.ge [sflag:s16], $0x2800  }
0x38: {  	[sflag:s16] =	ssyncset.done $0x0  }
0x39: {  	[sflag:s16] =	ssyncadd.s32 $0xFFFFD800  }
0x3a: {  	[tilespmem:s3], [sflag:$0x3] =	stream.linear.gather [hbm4b:s7+s3], $0x1400, $0x38;
	[tilespmem:$0x1FC00] =	vst v63  }
0x3b: {  	_ =	swait.ge [sflag:s16], $0x1400  }
0x3c: {  	[sflag:s16] =	ssyncset.done $0x0  }
0x3d: {  	[sflag:s16] =	ssyncadd.s32 $0xFFFFEC00  }
0x3e: {  	[tilespmem:s15], [sflag:$0x3] =	stream.indirect.gather [hbm4b:s4+s18], $0x80, s3, s18, $0xb8;
	[tilespmem:$0x1FC00] =	vst v63  }
0x3f: {  	_ =	swait.ge [sflag:s16], $0x4000  }
0x40: {  	[sflag:s16] =	ssyncset.done $0x0  }
0x41: {  	[sflag:s16] =	ssyncadd.s32 $0xFFFFC000  }
0x42: {  	[spmem:s2] =	stream.indirect.scatter.add.f32 [tilespmem:s15], [sflag:$0x1], $0x80, s17, s18, $0xb8;
	[tilespmem:$0x1FC00] =	vst v63  }
0x43: {  	_ = 	snop  }
0x44: {  	[tilespmem:s19], [sflag:$0x3] =	stream.indirect.gather [hbm4b:s4+s18], $0x80, s18, s18, $0xb8;
	[tilespmem:$0x1FC00] =	vst v63  }
0x45: {  	_ =	swait.ge [sflag:s16], $0x4000  }
0x46: {  	[sflag:s16] =	ssyncset.done $0x0  }
0x47: {  	[sflag:s16] =	ssyncadd.s32 $0xFFFFC000  }
0x48: {  	[spmem:s2] =	stream.indirect.scatter.add.f32 [tilespmem:s19], [sflag:$0x2], $0x80, s20, s18, $0xb8;
	[tilespmem:$0x1FC00] =	vst v63  }
0x49: {  	_ =	swait.ge [sflag:s21], $0x4000  }
0x4a: {  	[sflag:s21] =	ssyncset.done $0x0  }
0x4b: {  	s29 =	simm.s32 $0x100;
	[sflag:s21] =	ssyncadd.s32 $0xFFFFC000  }
0x4c: {  	[tilespmem:s15], [sflag:$0x3] =	stream.indirect.gather [hbm4b:s4+s18], $0x80, s29, s18, $0xb8;
	[tilespmem:$0x1FC00] =	vst v63  }
0x4d: {  	_ =	swait.ge [sflag:s16], $0x4000  }
0x4e: {  	[sflag:s16] =	ssyncset.done $0x0  }
0x4f: {  	s30 =	simm.s32 $0x1500;
	[sflag:s16] =	ssyncadd.s32 $0xFFFFC000  }
0x50: {  	[spmem:s2] =	stream.indirect.scatter.add.f32 [tilespmem:s15], [sflag:$0x1], $0x80, s30, s18, $0xb8;
	[tilespmem:$0x1FC00] =	vst v63  }
0x51: {  	_ =	swait.ge [sflag:s22], $0x4000  }
0x52: {  	[sflag:s22] =	ssyncset.done $0x0  }
0x53: {  	s31 =	simm.s32 $0x180;
	[sflag:s22] =	ssyncadd.s32 $0xFFFFC000  }
0x54: {  	[tilespmem:s19], [sflag:$0x3] =	stream.indirect.gather [hbm4b:s4+s18], $0x80, s31, s18, $0xb8;
	[tilespmem:$0x1FC00] =	vst v63  }
0x55: {  	_ =	swait.ge [sflag:s16], $0x4000  }
0x56: {  	[sflag:s16] =	ssyncset.done $0x0  }
0x57: {  	s24 =	simm.s32 $0xFFFFB800;
	s25 =	simm.s32 $0x1580;
	[sflag:s16] =	ssyncadd.s32 $0xFFFFC000  }
.LBB2_4:
0x58: {  	[spmem:s2] =	stream.indirect.scatter.add.f32 [tilespmem:s19], [sflag:$0x2], $0x80, s25, s18, $0xb8;
	[tilespmem:$0x1FC00] =	vst v63  }
0x59: {  	s25 =	smov.u32 s24  }
0x5a: {  	p0 =	sne.s32 s24, $0xFFFFFC00;
	s24 =	sadd.s32 $0x400, s24;
	_ =	swait.ge [sflag:s21], $0x4000  }
0x5b: {  	s25 =	sshra.s32 s25, $0x2;
	[sflag:s21] =	ssyncset.done $0x0  }
0x5c: {  	s26 =	sadd.s32 $0x1400, s25;
	[sflag:s21] =	ssyncadd.s32 $0xFFFFC000  }
0x5d: {  	[tilespmem:s15], [sflag:$0x3] =	stream.indirect.gather [hbm4b:s4+s18], $0x80, s26, s18, $0xb8;
	[tilespmem:$0x1FC00] =	vst v63  }
0x5e: {  	_ =	swait.ge [sflag:s16], $0x4000  }
0x5f: {  	[sflag:s16] =	ssyncset.done $0x0  }
0x60: {  	s26 =	sadd.s32 $0x2800, s25;
	[sflag:s16] =	ssyncadd.s32 $0xFFFFC000  }
0x61: {  	[spmem:s2] =	stream.indirect.scatter.add.f32 [tilespmem:s15], [sflag:$0x1], $0x80, s26, s18, $0xb8;
	[tilespmem:$0x1FC00] =	vst v63  }
0x62: {  	_ =	swait.ge [sflag:s22], $0x4000  }
0x63: {  	[sflag:s22] =	ssyncset.done $0x0  }
.Ltmp1:
0x64: {  	s26 =	sadd.s32 $0x1480, s25;
	[sflag:s22] =	ssyncadd.s32 $0xFFFFC000;
	(pc) =	sbr.rel @p0 .LBB2_4-.Ltmp1, $4  }
0x65: {  	[tilespmem:s19], [sflag:$0x3] =	stream.indirect.gather [hbm4b:s4+s18], $0x80, s26, s18, $0xb8;
	[tilespmem:$0x1FC00] =	vst v63  }
0x66: {  	_ =	swait.ge [sflag:s16], $0x4000  }
0x67: {  	[sflag:s16] =	ssyncset.done $0x0  }
0x68: {  	s25 =	sadd.s32 $0x2880, s25;
	[sflag:s16] =	ssyncadd.s32 $0xFFFFC000  }
0x69: {  	[spmem:s2] =	stream.indirect.scatter.add.f32 [tilespmem:s19], [sflag:$0x2], $0x80, s25, s18, $0xb8;
	[tilespmem:$0x1FC00] =	vst v63  }
0x6a: {  	s24 =	simm.s32 $0x0  }
0x6b: {  	[tilespmem:s24], [sflag:$0x3] =	stream.linear.gather [hbm4b:s8+s24], $0x1400, $0x38;
	[tilespmem:$0x1FC00] =	vst v63  }
0x6c: {  	_ =	swait.ge [sflag:s16], $0x1400  }
0x6d: {  	[sflag:s16] =	ssyncset.done $0x0  }
0x6e: {  	[sflag:s16] =	ssyncadd.s32 $0xFFFFEC00  }
0x6f: {  	_ =	swait.ge [sflag:s21], $0x4000  }
0x70: {  	[sflag:s21] =	ssyncset.done $0x0  }
0x71: {  	s29 =	simm.s32 $0x0;
	[sflag:s21] =	ssyncadd.s32 $0xFFFFC000  }
0x72: {  	[tilespmem:s15], [sflag:$0x3] =	stream.indirect.gather [hbm4b:s4+s18], $0x80, s29, s18, $0xb8;
	[tilespmem:$0x1FC00] =	vst v63  }
0x73: {  	_ =	swait.ge [sflag:s16], $0x4000  }
0x74: {  	[sflag:s16] =	ssyncset.done $0x0  }
0x75: {  	s30 =	simm.s32 $0x2800;
	[sflag:s16] =	ssyncadd.s32 $0xFFFFC000  }
0x76: {  	[spmem:s2] =	stream.indirect.scatter.add.f32 [tilespmem:s15], [sflag:$0x1], $0x80, s30, s18, $0xb8;
	[tilespmem:$0x1FC00] =	vst v63  }
0x77: {  	_ =	swait.ge [sflag:s22], $0x4000  }
0x78: {  	[sflag:s22] =	ssyncset.done $0x0  }
0x79: {  	s31 =	simm.s32 $0x80;
	[sflag:s22] =	ssyncadd.s32 $0xFFFFC000  }
0x7a: {  	[tilespmem:s19], [sflag:$0x3] =	stream.indirect.gather [hbm4b:s4+s18], $0x80, s31, s18, $0xb8;
	[tilespmem:$0x1FC00] =	vst v63  }
0x7b: {  	_ =	swait.ge [sflag:s16], $0x4000  }
0x7c: {  	[sflag:s16] =	ssyncset.done $0x0  }
0x7d: {  	s25 =	simm.s32 $0x2880;
	s24 =	simm.s32 $0x400;
	[sflag:s16] =	ssyncadd.s32 $0xFFFFC000  }
.LBB2_6:
0x7e: {  	[spmem:s2] =	stream.indirect.scatter.add.f32 [tilespmem:s19], [sflag:$0x2], $0x80, s25, s18, $0xb8;
	[tilespmem:$0x1FC00] =	vst v63  }
0x7f: {  	s25 =	smov.u32 s24  }
0x80: {  	p0 =	sne.s32 s24, $0x4C00;
	s24 =	sadd.s32 $0x400, s24;
	_ =	swait.ge [sflag:s21], $0x4000  }
0x81: {  	[sflag:s21] =	ssyncset.done $0x0  }
0x82: {  	s25 =	sshra.s32 s25, $0x2;
	[sflag:s21] =	ssyncadd.s32 $0xFFFFC000  }
0x83: {  	[tilespmem:s15], [sflag:$0x3] =	stream.indirect.gather [hbm4b:s4+s18], $0x80, s25, s18, $0xb8;
	[tilespmem:$0x1FC00] =	vst v63  }
0x84: {  	_ =	swait.ge [sflag:s16], $0x4000  }
0x85: {  	[sflag:s16] =	ssyncset.done $0x0  }
0x86: {  	s26 =	sadd.s32 $0x2800, s25;
	[sflag:s16] =	ssyncadd.s32 $0xFFFFC000  }
0x87: {  	[spmem:s2] =	stream.indirect.scatter.add.f32 [tilespmem:s15], [sflag:$0x1], $0x80, s26, s18, $0xb8;
	[tilespmem:$0x1FC00] =	vst v63  }
0x88: {  	_ =	swait.ge [sflag:s22], $0x4000  }
0x89: {  	[sflag:s22] =	ssyncset.done $0x0  }
.Ltmp2:
0x8a: {  	s26 =	sadd.s32 $0x80, s25;
	[sflag:s22] =	ssyncadd.s32 $0xFFFFC000;
	(pc) =	sbr.rel @p0 .LBB2_6-.Ltmp2, $4  }
0x8b: {  	[tilespmem:s19], [sflag:$0x3] =	stream.indirect.gather [hbm4b:s4+s18], $0x80, s26, s18, $0xb8;
	[tilespmem:$0x1FC00] =	vst v63  }
0x8c: {  	_ =	swait.ge [sflag:s16], $0x4000  }
0x8d: {  	[sflag:s16] =	ssyncset.done $0x0  }
0x8e: {  	s25 =	sadd.s32 $0x2880, s25;
	[sflag:s16] =	ssyncadd.s32 $0xFFFFC000  }
0x8f: {  	[spmem:s2] =	stream.indirect.scatter.add.f32 [tilespmem:s19], [sflag:$0x2], $0x80, s25, s18, $0xb8;
	[tilespmem:$0x1FC00] =	vst v63  }
0x90: {  	_ =	swait.ge [sflag:s21], $0x4000  }
0x91: {  	[sflag:s21] =	ssyncset.done $0x0  }
0x92: {  	[sflag:s21] =	ssyncadd.s32 $0xFFFFC000  }
0x93: {  	_ =	swait.ge [sflag:s22], $0x4000  }
0x94: {  	s24 =	sshll.u32 s1, $0x6;
	s23 =	sadd.s32 $0x1, s23;
	[sflag:s22] =	ssyncset.done $0x0  }
0x95: {  	s31 =	sshrl.u32 s5, $0x3;
	p0 =	sne.s32 s23, s10;
	[sflag:s22] =	ssyncadd.s32 $0xFFFFC000  }
.Ltmp3:
0x96: {  	s24 =	sor.u32 $0x1C03, s24;
	[bflag:$0x0] =	sbarrier.arrive $0xFFFF;
	(pc) =	sbr.rel @p0 .LBB2_1-.Ltmp3, $4  }
0x97: {  	[hbm:s9], [sflag:s24] =	dma.local [spmem:s31], $0x2800  }
0x98: {  	_ =	swait.ge [sflag:s16], $0x2800  }
0x99: {  	[sflag:s16] =	ssyncset.done $0x0  }
0x9a: {  	[sflag:s16] =	ssyncadd.s32 $0xFFFFD800  }
0x9b: {  	_ =	sfence.sel $0x180000  }
0x9c: {  	[bflag:$0x0] =	sbarrier.arrive $0xFFFF  }
0x9d: {  	p0 =	sne.s32 s1, $0x0;
	_ =	strace $0x9000004A  }
0x9e: {  	s0 =	sadd.s32 @!p0 $0x100000, s0;
	[bflag:$0x2] =	sbarrier.arrive $0xFFFF  }
0x9f: {  	[sflag:s0] =	ssyncadd.tile.s32 @!p0 $0x1;
	_ =	shalt  }
.Lfunc_end2:
_tile_overlayer_lowered:
.L_overlay_start_2:
0xa0: {  	(tag) =	ssettag $0x2  }
0xa1: {  	s0 =	rddreg [dreg:$0x0];
	s2 =	stileid.u32  }
0xa2: {  	s1 =	rddreg [dreg:$0x1];
	p0 =	sne.s32 s2, $0x0  }
0xa3: {  	s3 =	rddreg [dreg:$0x2];
	[bflag:$0x3] =	sbarrier.arrive $0xFFFF;
	s2 =	simm.s32 @!p0 $0x1C03  }
0xa4: {  	[timem:s3], [sflag:s2] =	dma.local @!p0 [hbm:s0], s1  }
0xa5: {  	s0 =	simm.s32 @!p0 $0x3  }
0xa6: {  	_ =	swait.ge @!p0 [sflag:s0], s1  }
0xa7: {  	s1 =	ssub.s32 @!p0 $0x0, s1;
	[sflag:s0] =	ssyncset.done @!p0 $0x0  }
0xa8: {  	[sflag:s0] =	ssyncadd.s32 @!p0 s1  }
0xa9: {  	[bflag:$0x3] =	sbarrier.arrive $0xFFFF  }
0xaa: {  	_ =	shalt  }

// kernel: kernel.18.cloned.1.call-start
scs
__scs_entry_jumppad:
0x0: {  	(pc) =	sbr.rel $0x88, $3  }
0x1: {  	(tag) =	ssettag $0x0;
	lr =	simm.s32 $0x1  }
0x2: {  	[smem:$0x3F96] =	sst lr;
	_ =	strace $0xD0000000  }
0x3: {  	_ = 	snop  }
0x4: {  	_ = 	snop  }
0x5: {  	_ = 	snop  }
0x6: {  	_ = 	snop  }
0x7: {  	_ = 	snop  }
__scs_overlays_trampoline_lowered:
0x8: {  	[smem:$0x3FA5] =	sst s0  }
0x9: {  	[smem:$0x3FA6] =	sst s1  }
0xa: {  	[smem:$0x3FA7] =	sst s2  }
0xb: {  	[smem:$0x3FA8] =	sst s3  }
0xc: {  	[smem:$0x3FA9] =	sst s4  }
0xd: {  	[smem:$0x3FAA] =	sst s5  }
0xe: {  	[smem:$0x3FAB] =	sst s6  }
0xf: {  	[smem:$0x3FAC] =	sst s7  }
0x10: {  	[smem:$0x3FAD] =	sst s8  }
0x11: {  	[smem:$0x3FAE] =	sst s9;
	s0 =	simm.s32 @!p0 $0x0  }
0x12: {  	s1 =	sld [smem:$0x3F94];
	s0 =	simm.s32 @p0 $0x1  }
0x13: {  	[smem:$0x3FAF] =	sst s0;
	s0 =	simm.s32 @!p1 $0x0  }
0x14: {  	s2 =	sld [smem:$0x3F93];
	s0 =	simm.s32 @p1 $0x1  }
0x15: {  	[smem:$0x3FB0] =	sst s0;
	s0 =	simm.s32 @!p2 $0x0  }
0x16: {  	s3 =	sld [smem:$0x3FDB];
	s0 =	simm.s32 @p2 $0x1  }
0x17: {  	s4 =	simm.s32 $0x1BF5;
	[smem:$0x3FB2] =	sst s0  }
0x18: {  	s0 =	sld [smem:$0x3F95];
	_ =	swait.ge [sflag:s4], $0x0  }
0x19: {  	s7 =	sld [smem:$0x3F96]  }
0x1a: {  	s8 =	sadd.s32 $0xFFFFE003, lr  }
0x1b: {  	s9 =	sadd.s32 $0xFFFFFEF7, lr;
	s5 =	simm.s32 $0xFFFFFFFF;
	p2 =	slt.u32 s8, $0xFFFFF086  }
0x1c: {  	p1 =	slt.u32 s9, $0xF7A;
	s5 =	simm.s32 @!p2 $0x0  }
0x1d: {  	s5 =	simm.s32 @p1 $0x1;
	p0 =	seq.s32 s7, s2  }
0x1e: {  	s7 =	smul.u32 @!p0 $0xF7A, s2;
	p2 =	seq.s32 @!p0 s5, $0x0  }
0x1f: {  	s9 =	smul.u32 $0xF7A, s1;
	s8 =	simm.s32 @!p0 $0x1BF5;
	p2 =	por !p2, p0  }
0x20: {  	[sflag:s8] =	ssyncset.s32 @!p0 $0xFFFFF086;
	s6 =	sadd.s32 @!p0 s3, s7;
	s7 =	simm.s32 @!p0 $0x108  }
0x21: {  	s3 =	sadd.s32 s3, s9;
	s6 =	sadd.s32 @!p0 $0x88, s6;
	s7 =	simm.s32 @p2 $0x1082  }
0x22: {  	[simem:s7], [sflag:s8] =	dma.local @!p0 [hbm:s6], $0xF7A  }
0x23: {  	s9 =	sor.u32 $0xD0000000, s2;
	s6 =	simm.s32 $0x108;
	_ =	swait.ge @!p0 [sflag:s8], $0x0  }
0x24: {  	s3 =	sadd.s32 $0x88, s3;
	s6 =	simm.s32 @!p1 $0x1082;
	[sflag:s4] =	ssyncset.s32 $0xFFFFF086  }
0x25: {  	[simem:s6], [sflag:s4] =	dma.local [hbm:s3], $0xF7A  }
0x26: {  	[smem:$0x3F96] =	sst s1;
	(tag) =	ssettag s2;
	_ =	strace s9  }
0x27: {  	s1 =	sld [smem:$0x3FA6]  }
0x28: {  	s2 =	sld [smem:$0x3FA7]  }
0x29: {  	s4 =	sld [smem:$0x3FA9]  }
0x2a: {  	p0 =	seq.s32 s5, $0x0;
	s5 =	sld [smem:$0x3FAA]  }
0x2b: {  	s6 =	sld [smem:$0x3FAB]  }
0x2c: {  	s7 =	sld [smem:$0x3FAC]  }
0x2d: {  	s3 =	simm.s32 $0x108;
	s8 =	sld [smem:$0x3FAD]  }
0x2e: {  	s3 =	simm.s32 @!p0 $0x1082;
	s9 =	sld [smem:$0x3FAE]  }
0x2f: {  	lr =	sadd.s32 s0, s3;
	s0 =	sld [smem:$0x3FA5]  }
0x30: {  	s3 =	sld [smem:$0x3FA8]  }
0x31: {  	[smem:$0x3FB1] =	sst s10  }
0x32: {  	s10 =	sld [smem:$0x3FAF];
	_ =	sdelay $0x3  }
0x33: {  	p0 =	seq.s32 s10, $0x1;
	s10 =	sld [smem:$0x3FB1];
	_ =	sdelay $0x3  }
0x34: {  	[smem:$0x3FB1] =	sst s10  }
0x35: {  	s10 =	sld [smem:$0x3FB0];
	_ =	sdelay $0x3  }
0x36: {  	p1 =	seq.s32 s10, $0x1;
	s10 =	sld [smem:$0x3FB1];
	_ =	sdelay $0x3  }
0x37: {  	[smem:$0x3FB1] =	sst s10  }
0x38: {  	s10 =	sld [smem:$0x3FB2]  }
0x39: {  	_ = 	snop;
	(pc) =	sbr.ind lr, $3  }
0x3a: {  	_ = 	snop  }
0x3b: {  	_ = 	snop  }
0x3c: {  	p2 =	seq.s32 s10, $0x1;
	s10 =	sld [smem:$0x3FB1]  }
0x3d: {  	_ =	shalt  }
0x3e: {  	_ =	shalt  }
0x3f: {  	_ =	shalt  }
0x40: {  	_ =	shalt  }
0x41: {  	_ =	shalt  }
0x42: {  	_ =	shalt  }
0x43: {  	_ =	shalt  }
0x44: {  	_ =	shalt  }
0x45: {  	_ =	shalt  }
0x46: {  	_ =	shalt  }
0x47: {  	_ =	shalt  }
0x48: {  	_ =	shalt  }
0x49: {  	_ =	shalt  }
0x4a: {  	_ =	shalt  }
0x4b: {  	_ =	shalt  }
0x4c: {  	_ =	shalt  }
0x4d: {  	_ =	shalt  }
0x4e: {  	_ =	shalt  }
0x4f: {  	_ =	shalt  }
0x50: {  	_ =	shalt  }
0x51: {  	_ =	shalt  }
0x52: {  	_ =	shalt  }
0x53: {  	_ =	shalt  }
0x54: {  	_ =	shalt  }
0x55: {  	_ =	shalt  }
0x56: {  	_ =	shalt  }
0x57: {  	_ =	shalt  }
0x58: {  	_ =	shalt  }
0x59: {  	_ =	shalt  }
0x5a: {  	_ =	shalt  }
0x5b: {  	_ =	shalt  }
0x5c: {  	_ =	shalt  }
0x5d: {  	_ =	shalt  }
0x5e: {  	_ =	shalt  }
0x5f: {  	_ =	shalt  }
0x60: {  	_ =	shalt  }
0x61: {  	_ =	shalt  }
0x62: {  	_ =	shalt  }
0x63: {  	_ =	shalt  }
0x64: {  	_ =	shalt  }
0x65: {  	_ =	shalt  }
0x66: {  	_ =	shalt  }
0x67: {  	_ =	shalt  }
0x68: {  	_ =	shalt  }
0x69: {  	_ =	shalt  }
0x6a: {  	_ =	shalt  }
0x6b: {  	_ =	shalt  }
0x6c: {  	_ =	shalt  }
0x6d: {  	_ =	shalt  }
0x6e: {  	_ =	shalt  }
0x6f: {  	_ =	shalt  }
0x70: {  	_ =	shalt  }
0x71: {  	_ =	shalt  }
0x72: {  	_ =	shalt  }
0x73: {  	_ =	shalt  }
0x74: {  	_ =	shalt  }
0x75: {  	_ =	shalt  }
0x76: {  	_ =	shalt  }
0x77: {  	_ =	shalt  }
0x78: {  	_ =	shalt  }
0x79: {  	_ =	shalt  }
0x7a: {  	_ =	shalt  }
0x7b: {  	_ =	shalt  }
0x7c: {  	_ =	shalt  }
0x7d: {  	_ =	shalt  }
0x7e: {  	_ =	shalt  }
0x7f: {  	_ =	shalt  }
0x80: {  	_ =	shalt  }
0x81: {  	_ =	shalt  }
0x82: {  	_ =	shalt  }
0x83: {  	_ =	shalt  }
0x84: {  	_ =	shalt  }
0x85: {  	_ =	shalt  }
0x86: {  	_ =	shalt  }
0x87: {  	_ =	shalt  }
.Lfunc_end0:
.L_simem_size_0:
called_computation.2_lowered:
.L_overlay_start_0:
0x88: {  	s2 =	sld [smem:$0x3FD9]  }
0x89: {  	s3 =	sld [smem:$0x3FFE];
	_ =	sdelay $0x1  }
0x8a: {  	s1 =	srdreg.scid  }
0x8b: {  	s0 =	sand.u32 $0x1, s1  }
0x8c: {  	s16 =	sshll.u32 s0, $0xA;
	s2 =	sadd.s32 s3, s2  }
0x8d: {  	s2 =	sadd.s32 s2, s16  }
0x8e: {  	[smem:$0x3FBD] =	sst s2  }
0x8f: {  	_ = 	snop  }
0x90: {  	(tm) =	ssettm $0x1  }
0x91: {  	s17 =	sld [smem:$0x3FFB];
	_ =	sdelay $0x3  }
0x92: {  	_ =	strace s17  }
0x93: {  	s2 =	sld [smem:$0x3FFC];
	_ =	sdelay $0x3  }
0x94: {  	_ =	strace s2  }
0x95: {  	s2 =	sld [smem:$0x3FFD];
	_ =	sdelay $0x3  }
0x96: {  	_ =	strace s2  }
0x97: {  	_ =	strace $0x8FFFFFFF  }
0x98: {  	s18 =	sld [smem:$0x3FDB];
	_ =	sdelay $0x1  }
0x99: {  	s19 =	simm.s32 $_scs_section_size  }
0x9a: {  	s4 =	simm.s32 $_size__tile_overlayer_lowered;
	s5 =	simm.s32 $_tile_overlayer_lowered  }
0x9b: {  	s22 =	simm.s32 $0x1BFF;
	s21 =	sshll.u32 s5, $0x1;
	s2 =	sadd.s32 s19, s18  }
0x9c: {  	s6 =	simm.s32 $0x0;
	s20 =	sshll.u32 s4, $0x1;
	s4 =	sadd.s32 s21, s2  }
0x9d: {  	[timem:s6], [sflag:s22] =	dma.local [hbm:s4], s20  }
0x9e: {  	_ =	swait.ge [sflag:s22], s20  }
0x9f: {  	s3 =	ssub.s32 $0x0, s20;
	[sflag:s22] =	ssyncset.done $0x0  }
0xa0: {  	[sflag:s22] =	ssyncadd.s32 s3;
	_ =	sdelay $0x1  }
0xa1: {  	s23 =	simm.s32 $0x1B8B  }
0xa2: {  	_ =	swait.ge [sflag:s23], $0x1  }
0xa3: {  	[sflag:s23] =	ssyncset.done $0x0  }
0xa4: {  	s25 =	simm.s32 $0x1B8E;
	s24 =	sld [smem:$0x3FFE];
	[sflag:s23] =	ssyncadd.s32 $0xFFFFFFFF  }
0xa5: {  	s26 =	simm.s32 $execute0_lowered;
	[smem:$0x3FD2] =	sst s25  }
0xa6: {  	s4 =	sshll.u32 s26, $0x1;
	_ =	strace $0x8000004C;
	[dreg:$0x1] =	wrdreg $0xFFFFFFFF  }
0xa7: {  	s28 =	simm.s32 $_size_execute0_lowered;
	s2 =	sadd.s32 s2, s4;
	[dreg:$0x0] =	wrdreg $0x0  }
0xa8: {  	s4 =	sshll.u32 s28, $0x1;
	[dreg:$0x2] =	wrdreg s2  }
0xa9: {  	[dreg:$0x3] =	wrdreg s4  }
0xaa: {  	[dreg:$0x4] =	wrdreg $0xC0  }
0xab: {  	_ =	task [dreg:s6], $0x5FFFF  }
0xac: {  	[dreg:$0x1] =	wrdreg $0xFFFFFFFF  }
0xad: {  	[dreg:$0x0] =	wrdreg $0x60  }
0xae: {  	[dreg:$0x2] =	wrdreg s24  }
0xaf: {  	[dreg:$0x3] =	wrdreg $0xBC000  }
0xb0: {  	[dreg:$0x4] =	wrdreg $0x9  }
0xb1: {  	_ =	task.clear_ibuf [dreg:s6], $0x5FFFF;
	_ =	strace $0x9000004C  }
0xb2: {  	s29 =	simm.s32 $0x9;
	_ =	strace $0x8000004E  }
0xb3: {  	_ =	swait.ge [sflag:s29], $0x1  }
0xb4: {  	[sflag:s29] =	ssyncadd.s32 $0xFFFFFFFF  }
0xb5: {  	_ =	strace $0x9000004E  }
0xb6: {  	_ =	sfence  }
0xb7: {  	s30 =	sld [smem:$0x0];
	_ =	sdelay $0x2  }
0xb8: {  	s31 =	sshll.u32 s1, $0xD;
	s1 =	sshrl.u32 s1, $0x2  }
0xb9: {  	s3 =	sand.u32 $0x4000, s31;
	s1 =	sadd.s32 s1, s30  }
0xba: {  	s0 =	sor.u32 s3, s0;
	s1 =	sshll.u32 s1, $0x11  }
0xbb: {  	s0 =	sor.u32 s1, s0  }
0xbc: {  	s0 =	sadd.s32 $0x8F2B, s0  }
0xbd: {  	[sflag:s0] =	ssyncadd.remote.s32 $0x1  }
0xbe: {  	_ =	sfence.sel $0xFFFF  }
0xbf: {  	[dreg:$0x0] =	wrdreg $0xFFFFFFFF;
	(pc) =	sbr.abs _section_cstart, $3  }
0xc0: {  	[dreg:$0x1] =	wrdreg $0xFFFFFFFF  }
0xc1: {  	_ =	task.clear_ibuf [dreg:s6], $0x2FFFF;
	_ =	strace $0x9FFFFFFF  }
0xc2: {  	(tm) =	ssettm $0x7FFFFFFF  }
0xc3: {  	_ =	shalt  }
tec
execute0_lowered:
.L_overlay_start_1:
0x0: {  	(tag) =	ssettag $0x1  }
0x1: {  	s5 =	rddreg [dreg:$0x0];
	s0 =	srdreg.scid  }
0x2: {  	s2 =	rddreg [dreg:$0x1];
	s1 =	stileid.u32;
	s3 =	simm.s32 $0x0  }
0x3: {  	s15 =	simm.s32 $0x3C00;
	s16 =	simm.s32 $0x3;
	s17 =	simm.s32 $0x1400  }
0x4: {  	s18 =	simm.s32 $0x80;
	s19 =	simm.s32 $0x7C00;
	s7 =	smul.u32 $0x2800, s1  }
0x5: {  	s20 =	simm.s32 $0x1480;
	s21 =	simm.s32 $0x1;
	s9 =	smul.u32 $0x14000, s1  }
0x6: {  	s22 =	simm.s32 $0x2;
	s6 =	sand.u32 $0x1, s0;
	s10 =	smul.u32 $0x50000, s1  }
0x7: {  	s23 =	simm.s32 $0x0;
	s0 =	rddreg [dreg:$0x2];
	s4 =	smul.u32 $0x28000, s6  }
0x8: {  	[smem:$0x7FF] =	sst s3;
	s8 =	smul.u32 $0x140000, s6;
	s6 =	ssub.s32 $0x2, s6  }
0x9: {  	_ =	strace $0x8000004D;
	s29 =	sshrl.u32 s6, $0x1;
	s7 =	sadd.s32 s7, s4  }
0xa: {  	s30 =	sshrl.u32 s10, $0x2;
	s28 =	sadd.s32 s9, s8;
	s7 =	sshrl.u32 s7, $0x3  }
0xb: {  	s12 =	ssub.s32 s6, s29;
	s11 =	sadd.s32 s7, s5;
	s7 =	sshrl.u32 s28, $0x3  }
0xc: {  	s4 =	sadd.s32 $0x18200, s5;
	s10 =	smax.u32 s12, $0x1;
	s31 =	sadd.s32 s7, s5  }
0xd: {  	s5 =	sadd.s32 s30, s2;
	s6 =	sadd.s32 $0x4200, s11;
	s7 =	sadd.s32 $0xE200, s11  }
0xe: {  	s8 =	sadd.s32 $0xE480, s11;
	s9 =	sadd.s32 $0x3F400, s31;
	s11 =	sadd.s32 $0x4000, s5  }
0xf: {  	v0 =	vimm.f32 $0.0e+00;
	s12 =	sadd.s32 $0x8000, s5;
	s13 =	sadd.s32 $0xC000, s5;
	s14 =	sadd.s32 $0x10000, s5  }
.LBB2_1:
0x10: {  	s24 =	simm.s32 $0x0;
	s25 =	simm.s32 $0x200  }
.LBB2_2:
0x11: {  	p0 =	sne.s32 s25, $0xFE00;
	[tilespmem:s24+$0x3C70] =	vst v0  }
0x12: {  	[tilespmem:s24+$0x3C00] =	vst v0  }
0x13: {  	[tilespmem:s24+$0x3C10] =	vst v0  }
.Ltmp0:
0x14: {  	[tilespmem:s24+$0x3C20] =	vst v0;
	(pc) =	sbr.rel @p0 .LBB2_2-.Ltmp0, $4  }
0x15: {  	[tilespmem:s24+$0x3C30] =	vst v0  }
0x16: {  	[tilespmem:s24+$0x3C40] =	vst v0  }
0x17: {  	[tilespmem:s24+$0x3C50] =	vst v0  }
0x18: {  	[tilespmem:s24+$0x3C60] =	vst v0;
	s24 =	sshra.s32 s25, $0x2;
	s25 =	sadd.s32 $0x200, s25  }
0x19: {  	[tilespmem:s24+$0x3C70] =	vst v0  }
0x1a: {  	[tilespmem:s24+$0x3C00] =	vst v0  }
0x1b: {  	[tilespmem:s24+$0x3C10] =	vst v0  }
0x1c: {  	[tilespmem:s24+$0x3C20] =	vst v0  }
0x1d: {  	[tilespmem:s24+$0x3C30] =	vst v0  }
0x1e: {  	[tilespmem:s24+$0x3C40] =	vst v0  }
0x1f: {  	[tilespmem:s24+$0x3C50] =	vst v0  }
0x20: {  	[tilespmem:s24+$0x3C60] =	vst v0  }
0x21: {  	[spmem:s5] =	stream.linear.scatter [tilespmem:s15], [sflag:$0x3], $0x4000, $0x38;
	[tilespmem:$0x1FC00] =	vst v63  }
0x22: {  	_ =	swait.ge [sflag:s16], $0x4000  }
0x23: {  	[sflag:s16] =	ssyncset.done $0x0  }
0x24: {  	[sflag:s16] =	ssyncadd.s32 $0xFFFFC000  }
0x25: {  	[spmem:s11] =	stream.linear.scatter [tilespmem:s15], [sflag:$0x3], $0x4000, $0x38;
	[tilespmem:$0x1FC00] =	vst v63  }
0x26: {  	_ =	swait.ge [sflag:s16], $0x4000  }
0x27: {  	[sflag:s16] =	ssyncset.done $0x0  }
0x28: {  	[sflag:s16] =	ssyncadd.s32 $0xFFFFC000  }
0x29: {  	[spmem:s12] =	stream.linear.scatter [tilespmem:s15], [sflag:$0x3], $0x4000, $0x38;
	[tilespmem:$0x1FC00] =	vst v63  }
0x2a: {  	_ =	swait.ge [sflag:s16], $0x4000  }
0x2b: {  	[sflag:s16] =	ssyncset.done $0x0  }
0x2c: {  	[sflag:s16] =	ssyncadd.s32 $0xFFFFC000  }
0x2d: {  	[spmem:s13] =	stream.linear.scatter [tilespmem:s15], [sflag:$0x3], $0x4000, $0x38;
	[tilespmem:$0x1FC00] =	vst v63  }
0x2e: {  	_ =	swait.ge [sflag:s16], $0x4000  }
0x2f: {  	[sflag:s16] =	ssyncset.done $0x0  }
0x30: {  	[sflag:s16] =	ssyncadd.s32 $0xFFFFC000  }
0x31: {  	[spmem:s14] =	stream.linear.scatter [tilespmem:s15], [sflag:$0x3], $0x4000, $0x38;
	[tilespmem:$0x1FC00] =	vst v63  }
0x32: {  	_ =	swait.ge [sflag:s16], $0x4000  }
0x33: {  	[sflag:s16] =	ssyncset.done $0x0  }
0x34: {  	[sflag:s16] =	ssyncadd.s32 $0xFFFFC000  }
0x35: {  	[bflag:$0x0] =	sbarrier.arrive $0xFFFF  }
0x36: {  	[tilespmem:s17], [sflag:$0x3] =	stream.linear.gather [hbm4b:s6+s3], $0x2800, $0x38;
	[tilespmem:$0x1FC00] =	vst v63  }
0x37: {  	_ =	swait.ge [sflag:s16], $0x2800  }
0x38: {  	[sflag:s16] =	ssyncset.done $0x0  }
0x39: {  	[sflag:s16] =	ssyncadd.s32 $0xFFFFD800  }
0x3a: {  	[tilespmem:s3], [sflag:$0x3] =	stream.linear.gather [hbm4b:s7+s3], $0x1400, $0x38;
	[tilespmem:$0x1FC00] =	vst v63  }
0x3b: {  	_ =	swait.ge [sflag:s16], $0x1400  }
0x3c: {  	[sflag:s16] =	ssyncset.done $0x0  }
0x3d: {  	[sflag:s16] =	ssyncadd.s32 $0xFFFFEC00  }
0x3e: {  	[tilespmem:s15], [sflag:$0x3] =	stream.indirect.gather [hbm4b:s4+s18], $0x80, s3, s18, $0xb8;
	[tilespmem:$0x1FC00] =	vst v63  }
0x3f: {  	_ =	swait.ge [sflag:s16], $0x4000  }
0x40: {  	[sflag:s16] =	ssyncset.done $0x0  }
0x41: {  	[sflag:s16] =	ssyncadd.s32 $0xFFFFC000  }
0x42: {  	[spmem:s2] =	stream.indirect.scatter.add.f32 [tilespmem:s15], [sflag:$0x1], $0x80, s17, s18, $0xb8;
	[tilespmem:$0x1FC00] =	vst v63  }
0x43: {  	_ = 	snop  }
0x44: {  	[tilespmem:s19], [sflag:$0x3] =	stream.indirect.gather [hbm4b:s4+s18], $0x80, s18, s18, $0xb8;
	[tilespmem:$0x1FC00] =	vst v63  }
0x45: {  	_ =	swait.ge [sflag:s16], $0x4000  }
0x46: {  	[sflag:s16] =	ssyncset.done $0x0  }
0x47: {  	[sflag:s16] =	ssyncadd.s32 $0xFFFFC000  }
0x48: {  	[spmem:s2] =	stream.indirect.scatter.add.f32 [tilespmem:s19], [sflag:$0x2], $0x80, s20, s18, $0xb8;
	[tilespmem:$0x1FC00] =	vst v63  }
0x49: {  	_ =	swait.ge [sflag:s21], $0x4000  }
0x4a: {  	[sflag:s21] =	ssyncset.done $0x0  }
0x4b: {  	s29 =	simm.s32 $0x100;
	[sflag:s21] =	ssyncadd.s32 $0xFFFFC000  }
0x4c: {  	[tilespmem:s15], [sflag:$0x3] =	stream.indirect.gather [hbm4b:s4+s18], $0x80, s29, s18, $0xb8;
	[tilespmem:$0x1FC00] =	vst v63  }
0x4d: {  	_ =	swait.ge [sflag:s16], $0x4000  }
0x4e: {  	[sflag:s16] =	ssyncset.done $0x0  }
0x4f: {  	s30 =	simm.s32 $0x1500;
	[sflag:s16] =	ssyncadd.s32 $0xFFFFC000  }
0x50: {  	[spmem:s2] =	stream.indirect.scatter.add.f32 [tilespmem:s15], [sflag:$0x1], $0x80, s30, s18, $0xb8;
	[tilespmem:$0x1FC00] =	vst v63  }
0x51: {  	_ =	swait.ge [sflag:s22], $0x4000  }
0x52: {  	[sflag:s22] =	ssyncset.done $0x0  }
0x53: {  	s31 =	simm.s32 $0x180;
	[sflag:s22] =	ssyncadd.s32 $0xFFFFC000  }
0x54: {  	[tilespmem:s19], [sflag:$0x3] =	stream.indirect.gather [hbm4b:s4+s18], $0x80, s31, s18, $0xb8;
	[tilespmem:$0x1FC00] =	vst v63  }
0x55: {  	_ =	swait.ge [sflag:s16], $0x4000  }
0x56: {  	[sflag:s16] =	ssyncset.done $0x0  }
0x57: {  	s24 =	simm.s32 $0xFFFFB800;
	s25 =	simm.s32 $0x1580;
	[sflag:s16] =	ssyncadd.s32 $0xFFFFC000  }
.LBB2_4:
0x58: {  	[spmem:s2] =	stream.indirect.scatter.add.f32 [tilespmem:s19], [sflag:$0x2], $0x80, s25, s18, $0xb8;
	[tilespmem:$0x1FC00] =	vst v63  }
0x59: {  	s25 =	smov.u32 s24  }
0x5a: {  	p0 =	sne.s32 s24, $0xFFFFFC00;
	s24 =	sadd.s32 $0x400, s24;
	_ =	swait.ge [sflag:s21], $0x4000  }
0x5b: {  	s25 =	sshra.s32 s25, $0x2;
	[sflag:s21] =	ssyncset.done $0x0  }
0x5c: {  	s26 =	sadd.s32 $0x1400, s25;
	[sflag:s21] =	ssyncadd.s32 $0xFFFFC000  }
0x5d: {  	[tilespmem:s15], [sflag:$0x3] =	stream.indirect.gather [hbm4b:s4+s18], $0x80, s26, s18, $0xb8;
	[tilespmem:$0x1FC00] =	vst v63  }
0x5e: {  	_ =	swait.ge [sflag:s16], $0x4000  }
0x5f: {  	[sflag:s16] =	ssyncset.done $0x0  }
0x60: {  	s26 =	sadd.s32 $0x2800, s25;
	[sflag:s16] =	ssyncadd.s32 $0xFFFFC000  }
0x61: {  	[spmem:s2] =	stream.indirect.scatter.add.f32 [tilespmem:s15], [sflag:$0x1], $0x80, s26, s18, $0xb8;
	[tilespmem:$0x1FC00] =	vst v63  }
0x62: {  	_ =	swait.ge [sflag:s22], $0x4000  }
0x63: {  	[sflag:s22] =	ssyncset.done $0x0  }
.Ltmp1:
0x64: {  	s26 =	sadd.s32 $0x1480, s25;
	[sflag:s22] =	ssyncadd.s32 $0xFFFFC000;
	(pc) =	sbr.rel @p0 .LBB2_4-.Ltmp1, $4  }
0x65: {  	[tilespmem:s19], [sflag:$0x3] =	stream.indirect.gather [hbm4b:s4+s18], $0x80, s26, s18, $0xb8;
	[tilespmem:$0x1FC00] =	vst v63  }
0x66: {  	_ =	swait.ge [sflag:s16], $0x4000  }
0x67: {  	[sflag:s16] =	ssyncset.done $0x0  }
0x68: {  	s25 =	sadd.s32 $0x2880, s25;
	[sflag:s16] =	ssyncadd.s32 $0xFFFFC000  }
0x69: {  	[spmem:s2] =	stream.indirect.scatter.add.f32 [tilespmem:s19], [sflag:$0x2], $0x80, s25, s18, $0xb8;
	[tilespmem:$0x1FC00] =	vst v63  }
0x6a: {  	s24 =	simm.s32 $0x0  }
0x6b: {  	[tilespmem:s24], [sflag:$0x3] =	stream.linear.gather [hbm4b:s8+s24], $0x1400, $0x38;
	[tilespmem:$0x1FC00] =	vst v63  }
0x6c: {  	_ =	swait.ge [sflag:s16], $0x1400  }
0x6d: {  	[sflag:s16] =	ssyncset.done $0x0  }
0x6e: {  	[sflag:s16] =	ssyncadd.s32 $0xFFFFEC00  }
0x6f: {  	_ =	swait.ge [sflag:s21], $0x4000  }
0x70: {  	[sflag:s21] =	ssyncset.done $0x0  }
0x71: {  	s29 =	simm.s32 $0x0;
	[sflag:s21] =	ssyncadd.s32 $0xFFFFC000  }
0x72: {  	[tilespmem:s15], [sflag:$0x3] =	stream.indirect.gather [hbm4b:s4+s18], $0x80, s29, s18, $0xb8;
	[tilespmem:$0x1FC00] =	vst v63  }
0x73: {  	_ =	swait.ge [sflag:s16], $0x4000  }
0x74: {  	[sflag:s16] =	ssyncset.done $0x0  }
0x75: {  	s30 =	simm.s32 $0x2800;
	[sflag:s16] =	ssyncadd.s32 $0xFFFFC000  }
0x76: {  	[spmem:s2] =	stream.indirect.scatter.add.f32 [tilespmem:s15], [sflag:$0x1], $0x80, s30, s18, $0xb8;
	[tilespmem:$0x1FC00] =	vst v63  }
0x77: {  	_ =	swait.ge [sflag:s22], $0x4000  }
0x78: {  	[sflag:s22] =	ssyncset.done $0x0  }
0x79: {  	s31 =	simm.s32 $0x80;
	[sflag:s22] =	ssyncadd.s32 $0xFFFFC000  }
0x7a: {  	[tilespmem:s19], [sflag:$0x3] =	stream.indirect.gather [hbm4b:s4+s18], $0x80, s31, s18, $0xb8;
	[tilespmem:$0x1FC00] =	vst v63  }
0x7b: {  	_ =	swait.ge [sflag:s16], $0x4000  }
0x7c: {  	[sflag:s16] =	ssyncset.done $0x0  }
0x7d: {  	s25 =	simm.s32 $0x2880;
	s24 =	simm.s32 $0x400;
	[sflag:s16] =	ssyncadd.s32 $0xFFFFC000  }
.LBB2_6:
0x7e: {  	[spmem:s2] =	stream.indirect.scatter.add.f32 [tilespmem:s19], [sflag:$0x2], $0x80, s25, s18, $0xb8;
	[tilespmem:$0x1FC00] =	vst v63  }
0x7f: {  	s25 =	smov.u32 s24  }
0x80: {  	p0 =	sne.s32 s24, $0x4C00;
	s24 =	sadd.s32 $0x400, s24;
	_ =	swait.ge [sflag:s21], $0x4000  }
0x81: {  	[sflag:s21] =	ssyncset.done $0x0  }
0x82: {  	s25 =	sshra.s32 s25, $0x2;
	[sflag:s21] =	ssyncadd.s32 $0xFFFFC000  }
0x83: {  	[tilespmem:s15], [sflag:$0x3] =	stream.indirect.gather [hbm4b:s4+s18], $0x80, s25, s18, $0xb8;
	[tilespmem:$0x1FC00] =	vst v63  }
0x84: {  	_ =	swait.ge [sflag:s16], $0x4000  }
0x85: {  	[sflag:s16] =	ssyncset.done $0x0  }
0x86: {  	s26 =	sadd.s32 $0x2800, s25;
	[sflag:s16] =	ssyncadd.s32 $0xFFFFC000  }
0x87: {  	[spmem:s2] =	stream.indirect.scatter.add.f32 [tilespmem:s15], [sflag:$0x1], $0x80, s26, s18, $0xb8;
	[tilespmem:$0x1FC00] =	vst v63  }
0x88: {  	_ =	swait.ge [sflag:s22], $0x4000  }
0x89: {  	[sflag:s22] =	ssyncset.done $0x0  }
.Ltmp2:
0x8a: {  	s26 =	sadd.s32 $0x80, s25;
	[sflag:s22] =	ssyncadd.s32 $0xFFFFC000;
	(pc) =	sbr.rel @p0 .LBB2_6-.Ltmp2, $4  }
0x8b: {  	[tilespmem:s19], [sflag:$0x3] =	stream.indirect.gather [hbm4b:s4+s18], $0x80, s26, s18, $0xb8;
	[tilespmem:$0x1FC00] =	vst v63  }
0x8c: {  	_ =	swait.ge [sflag:s16], $0x4000  }
0x8d: {  	[sflag:s16] =	ssyncset.done $0x0  }
0x8e: {  	s25 =	sadd.s32 $0x2880, s25;
	[sflag:s16] =	ssyncadd.s32 $0xFFFFC000  }
0x8f: {  	[spmem:s2] =	stream.indirect.scatter.add.f32 [tilespmem:s19], [sflag:$0x2], $0x80, s25, s18, $0xb8;
	[tilespmem:$0x1FC00] =	vst v63  }
0x90: {  	_ =	swait.ge [sflag:s21], $0x4000  }
0x91: {  	[sflag:s21] =	ssyncset.done $0x0  }
0x92: {  	[sflag:s21] =	ssyncadd.s32 $0xFFFFC000  }
0x93: {  	_ =	swait.ge [sflag:s22], $0x4000  }
0x94: {  	s24 =	sshll.u32 s1, $0x6;
	s23 =	sadd.s32 $0x1, s23;
	[sflag:s22] =	ssyncset.done $0x0  }
0x95: {  	s31 =	sshrl.u32 s5, $0x3;
	p0 =	sne.s32 s23, s10;
	[sflag:s22] =	ssyncadd.s32 $0xFFFFC000  }
.Ltmp3:
0x96: {  	s24 =	sor.u32 $0x1C03, s24;
	[bflag:$0x0] =	sbarrier.arrive $0xFFFF;
	(pc) =	sbr.rel @p0 .LBB2_1-.Ltmp3, $4  }
0x97: {  	[hbm:s9], [sflag:s24] =	dma.local [spmem:s31], $0x2800  }
0x98: {  	_ =	swait.ge [sflag:s16], $0x2800  }
0x99: {  	[sflag:s16] =	ssyncset.done $0x0  }
0x9a: {  	[sflag:s16] =	ssyncadd.s32 $0xFFFFD800  }
0x9b: {  	_ =	sfence.sel $0x180000  }
0x9c: {  	[bflag:$0x0] =	sbarrier.arrive $0xFFFF  }
0x9d: {  	p0 =	sne.s32 s1, $0x0;
	_ =	strace $0x9000004D  }
0x9e: {  	s0 =	sadd.s32 @!p0 $0x100000, s0;
	[bflag:$0x2] =	sbarrier.arrive $0xFFFF  }
0x9f: {  	[sflag:s0] =	ssyncadd.tile.s32 @!p0 $0x1;
	_ =	shalt  }
.Lfunc_end2:
_tile_overlayer_lowered:
.L_overlay_start_2:
0xa0: {  	(tag) =	ssettag $0x2  }
0xa1: {  	s0 =	rddreg [dreg:$0x0];
	s2 =	stileid.u32  }
0xa2: {  	s1 =	rddreg [dreg:$0x1];
	p0 =	sne.s32 s2, $0x0  }
0xa3: {  	s3 =	rddreg [dreg:$0x2];
	[bflag:$0x3] =	sbarrier.arrive $0xFFFF;
	s2 =	simm.s32 @!p0 $0x1C03  }
0xa4: {  	[timem:s3], [sflag:s2] =	dma.local @!p0 [hbm:s0], s1  }
0xa5: {  	s0 =	simm.s32 @!p0 $0x3  }
0xa6: {  	_ =	swait.ge @!p0 [sflag:s0], s1  }
0xa7: {  	s1 =	ssub.s32 @!p0 $0x0, s1;
	[sflag:s0] =	ssyncset.done @!p0 $0x0  }
0xa8: {  	[sflag:s0] =	ssyncadd.s32 @!p0 s1  }
0xa9: {  	[bflag:$0x3] =	sbarrier.arrive $0xFFFF  }
0xaa: {  	_ =	shalt  }

// kernel: kernel.21.cloned.1.call-start
scs
__scs_entry_jumppad:
0x0: {  	(pc) =	sbr.rel $0x88, $3  }
0x1: {  	(tag) =	ssettag $0x0;
	lr =	simm.s32 $0x1  }
0x2: {  	[smem:$0x3F96] =	sst lr;
	_ =	strace $0xD0000000  }
0x3: {  	_ = 	snop  }
0x4: {  	_ = 	snop  }
0x5: {  	_ = 	snop  }
0x6: {  	_ = 	snop  }
0x7: {  	_ = 	snop  }
__scs_overlays_trampoline_lowered:
0x8: {  	[smem:$0x3FA5] =	sst s0  }
0x9: {  	[smem:$0x3FA6] =	sst s1  }
0xa: {  	[smem:$0x3FA7] =	sst s2  }
0xb: {  	[smem:$0x3FA8] =	sst s3  }
0xc: {  	[smem:$0x3FA9] =	sst s4  }
0xd: {  	[smem:$0x3FAA] =	sst s5  }
0xe: {  	[smem:$0x3FAB] =	sst s6  }
0xf: {  	[smem:$0x3FAC] =	sst s7  }
0x10: {  	[smem:$0x3FAD] =	sst s8  }
0x11: {  	[smem:$0x3FAE] =	sst s9;
	s0 =	simm.s32 @!p0 $0x0  }
0x12: {  	s1 =	sld [smem:$0x3F94];
	s0 =	simm.s32 @p0 $0x1  }
0x13: {  	[smem:$0x3FAF] =	sst s0;
	s0 =	simm.s32 @!p1 $0x0  }
0x14: {  	s2 =	sld [smem:$0x3F93];
	s0 =	simm.s32 @p1 $0x1  }
0x15: {  	[smem:$0x3FB0] =	sst s0;
	s0 =	simm.s32 @!p2 $0x0  }
0x16: {  	s3 =	sld [smem:$0x3FDB];
	s0 =	simm.s32 @p2 $0x1  }
0x17: {  	s4 =	simm.s32 $0x1BF5;
	[smem:$0x3FB2] =	sst s0  }
0x18: {  	s0 =	sld [smem:$0x3F95];
	_ =	swait.ge [sflag:s4], $0x0  }
0x19: {  	s7 =	sld [smem:$0x3F96]  }
0x1a: {  	s8 =	sadd.s32 $0xFFFFE003, lr  }
0x1b: {  	s9 =	sadd.s32 $0xFFFFFEF7, lr;
	s5 =	simm.s32 $0xFFFFFFFF;
	p2 =	slt.u32 s8, $0xFFFFF086  }
0x1c: {  	p1 =	slt.u32 s9, $0xF7A;
	s5 =	simm.s32 @!p2 $0x0  }
0x1d: {  	s5 =	simm.s32 @p1 $0x1;
	p0 =	seq.s32 s7, s2  }
0x1e: {  	s7 =	smul.u32 @!p0 $0xF7A, s2;
	p2 =	seq.s32 @!p0 s5, $0x0  }
0x1f: {  	s9 =	smul.u32 $0xF7A, s1;
	s8 =	simm.s32 @!p0 $0x1BF5;
	p2 =	por !p2, p0  }
0x20: {  	[sflag:s8] =	ssyncset.s32 @!p0 $0xFFFFF086;
	s6 =	sadd.s32 @!p0 s3, s7;
	s7 =	simm.s32 @!p0 $0x108  }
0x21: {  	s3 =	sadd.s32 s3, s9;
	s6 =	sadd.s32 @!p0 $0x88, s6;
	s7 =	simm.s32 @p2 $0x1082  }
0x22: {  	[simem:s7], [sflag:s8] =	dma.local @!p0 [hbm:s6], $0xF7A  }
0x23: {  	s9 =	sor.u32 $0xD0000000, s2;
	s6 =	simm.s32 $0x108;
	_ =	swait.ge @!p0 [sflag:s8], $0x0  }
0x24: {  	s3 =	sadd.s32 $0x88, s3;
	s6 =	simm.s32 @!p1 $0x1082;
	[sflag:s4] =	ssyncset.s32 $0xFFFFF086  }
0x25: {  	[simem:s6], [sflag:s4] =	dma.local [hbm:s3], $0xF7A  }
0x26: {  	[smem:$0x3F96] =	sst s1;
	(tag) =	ssettag s2;
	_ =	strace s9  }
0x27: {  	s1 =	sld [smem:$0x3FA6]  }
0x28: {  	s2 =	sld [smem:$0x3FA7]  }
0x29: {  	s4 =	sld [smem:$0x3FA9]  }
0x2a: {  	p0 =	seq.s32 s5, $0x0;
	s5 =	sld [smem:$0x3FAA]  }
0x2b: {  	s6 =	sld [smem:$0x3FAB]  }
0x2c: {  	s7 =	sld [smem:$0x3FAC]  }
0x2d: {  	s3 =	simm.s32 $0x108;
	s8 =	sld [smem:$0x3FAD]  }
0x2e: {  	s3 =	simm.s32 @!p0 $0x1082;
	s9 =	sld [smem:$0x3FAE]  }
0x2f: {  	lr =	sadd.s32 s0, s3;
	s0 =	sld [smem:$0x3FA5]  }
0x30: {  	s3 =	sld [smem:$0x3FA8]  }
0x31: {  	[smem:$0x3FB1] =	sst s10  }
0x32: {  	s10 =	sld [smem:$0x3FAF];
	_ =	sdelay $0x3  }
0x33: {  	p0 =	seq.s32 s10, $0x1;
	s10 =	sld [smem:$0x3FB1];
	_ =	sdelay $0x3  }
0x34: {  	[smem:$0x3FB1] =	sst s10  }
0x35: {  	s10 =	sld [smem:$0x3FB0];
	_ =	sdelay $0x3  }
0x36: {  	p1 =	seq.s32 s10, $0x1;
	s10 =	sld [smem:$0x3FB1];
	_ =	sdelay $0x3  }
0x37: {  	[smem:$0x3FB1] =	sst s10  }
0x38: {  	s10 =	sld [smem:$0x3FB2]  }
0x39: {  	_ = 	snop;
	(pc) =	sbr.ind lr, $3  }
0x3a: {  	_ = 	snop  }
0x3b: {  	_ = 	snop  }
0x3c: {  	p2 =	seq.s32 s10, $0x1;
	s10 =	sld [smem:$0x3FB1]  }
0x3d: {  	_ =	shalt  }
0x3e: {  	_ =	shalt  }
0x3f: {  	_ =	shalt  }
0x40: {  	_ =	shalt  }
0x41: {  	_ =	shalt  }
0x42: {  	_ =	shalt  }
0x43: {  	_ =	shalt  }
0x44: {  	_ =	shalt  }
0x45: {  	_ =	shalt  }
0x46: {  	_ =	shalt  }
0x47: {  	_ =	shalt  }
0x48: {  	_ =	shalt  }
0x49: {  	_ =	shalt  }
0x4a: {  	_ =	shalt  }
0x4b: {  	_ =	shalt  }
0x4c: {  	_ =	shalt  }
0x4d: {  	_ =	shalt  }
0x4e: {  	_ =	shalt  }
0x4f: {  	_ =	shalt  }
0x50: {  	_ =	shalt  }
0x51: {  	_ =	shalt  }
0x52: {  	_ =	shalt  }
0x53: {  	_ =	shalt  }
0x54: {  	_ =	shalt  }
0x55: {  	_ =	shalt  }
0x56: {  	_ =	shalt  }
0x57: {  	_ =	shalt  }
0x58: {  	_ =	shalt  }
0x59: {  	_ =	shalt  }
0x5a: {  	_ =	shalt  }
0x5b: {  	_ =	shalt  }
0x5c: {  	_ =	shalt  }
0x5d: {  	_ =	shalt  }
0x5e: {  	_ =	shalt  }
0x5f: {  	_ =	shalt  }
0x60: {  	_ =	shalt  }
0x61: {  	_ =	shalt  }
0x62: {  	_ =	shalt  }
0x63: {  	_ =	shalt  }
0x64: {  	_ =	shalt  }
0x65: {  	_ =	shalt  }
0x66: {  	_ =	shalt  }
0x67: {  	_ =	shalt  }
0x68: {  	_ =	shalt  }
0x69: {  	_ =	shalt  }
0x6a: {  	_ =	shalt  }
0x6b: {  	_ =	shalt  }
0x6c: {  	_ =	shalt  }
0x6d: {  	_ =	shalt  }
0x6e: {  	_ =	shalt  }
0x6f: {  	_ =	shalt  }
0x70: {  	_ =	shalt  }
0x71: {  	_ =	shalt  }
0x72: {  	_ =	shalt  }
0x73: {  	_ =	shalt  }
0x74: {  	_ =	shalt  }
0x75: {  	_ =	shalt  }
0x76: {  	_ =	shalt  }
0x77: {  	_ =	shalt  }
0x78: {  	_ =	shalt  }
0x79: {  	_ =	shalt  }
0x7a: {  	_ =	shalt  }
0x7b: {  	_ =	shalt  }
0x7c: {  	_ =	shalt  }
0x7d: {  	_ =	shalt  }
0x7e: {  	_ =	shalt  }
0x7f: {  	_ =	shalt  }
0x80: {  	_ =	shalt  }
0x81: {  	_ =	shalt  }
0x82: {  	_ =	shalt  }
0x83: {  	_ =	shalt  }
0x84: {  	_ =	shalt  }
0x85: {  	_ =	shalt  }
0x86: {  	_ =	shalt  }
0x87: {  	_ =	shalt  }
.Lfunc_end0:
.L_simem_size_0:
called_computation.3_lowered:
.L_overlay_start_0:
0x88: {  	s2 =	sld [smem:$0x3FD9]  }
0x89: {  	s3 =	sld [smem:$0x3FFE];
	_ =	sdelay $0x1  }
0x8a: {  	s1 =	srdreg.scid  }
0x8b: {  	s0 =	sand.u32 $0x1, s1  }
0x8c: {  	s16 =	sshll.u32 s0, $0xA;
	s2 =	sadd.s32 s3, s2  }
0x8d: {  	s2 =	sadd.s32 s2, s16  }
0x8e: {  	[smem:$0x3FBD] =	sst s2  }
0x8f: {  	_ = 	snop  }
0x90: {  	(tm) =	ssettm $0x1  }
0x91: {  	s17 =	sld [smem:$0x3FFB];
	_ =	sdelay $0x3  }
0x92: {  	_ =	strace s17  }
0x93: {  	s2 =	sld [smem:$0x3FFC];
	_ =	sdelay $0x3  }
0x94: {  	_ =	strace s2  }
0x95: {  	s2 =	sld [smem:$0x3FFD];
	_ =	sdelay $0x3  }
0x96: {  	_ =	strace s2  }
0x97: {  	_ =	strace $0x8FFFFFFF  }
0x98: {  	s18 =	sld [smem:$0x3FDB];
	_ =	sdelay $0x1  }
0x99: {  	s19 =	simm.s32 $_scs_section_size  }
0x9a: {  	s4 =	simm.s32 $_size__tile_overlayer_lowered;
	s5 =	simm.s32 $_tile_overlayer_lowered  }
0x9b: {  	s22 =	simm.s32 $0x1BFF;
	s21 =	sshll.u32 s5, $0x1;
	s2 =	sadd.s32 s19, s18  }
0x9c: {  	s6 =	simm.s32 $0x0;
	s20 =	sshll.u32 s4, $0x1;
	s4 =	sadd.s32 s21, s2  }
0x9d: {  	[timem:s6], [sflag:s22] =	dma.local [hbm:s4], s20  }
0x9e: {  	_ =	swait.ge [sflag:s22], s20  }
0x9f: {  	s3 =	ssub.s32 $0x0, s20;
	[sflag:s22] =	ssyncset.done $0x0  }
0xa0: {  	[sflag:s22] =	ssyncadd.s32 s3;
	_ =	sdelay $0x1  }
0xa1: {  	s23 =	simm.s32 $0x1B8B  }
0xa2: {  	_ =	swait.ge [sflag:s23], $0x1  }
0xa3: {  	[sflag:s23] =	ssyncset.done $0x0  }
0xa4: {  	s25 =	simm.s32 $0x1B8E;
	s24 =	sld [smem:$0x3FFE];
	[sflag:s23] =	ssyncadd.s32 $0xFFFFFFFF  }
0xa5: {  	s26 =	simm.s32 $execute0_lowered;
	[smem:$0x3FD2] =	sst s25  }
0xa6: {  	s4 =	sshll.u32 s26, $0x1;
	_ =	strace $0x8000004F;
	[dreg:$0x1] =	wrdreg $0xFFFFFFFF  }
0xa7: {  	s28 =	simm.s32 $_size_execute0_lowered;
	s2 =	sadd.s32 s2, s4;
	[dreg:$0x0] =	wrdreg $0x0  }
0xa8: {  	s4 =	sshll.u32 s28, $0x1;
	[dreg:$0x2] =	wrdreg s2  }
0xa9: {  	[dreg:$0x3] =	wrdreg s4  }
0xaa: {  	[dreg:$0x4] =	wrdreg $0xC0  }
0xab: {  	_ =	task [dreg:s6], $0x5FFFF  }
0xac: {  	[dreg:$0x1] =	wrdreg $0xFFFFFFFF  }
0xad: {  	[dreg:$0x0] =	wrdreg $0x60  }
0xae: {  	[dreg:$0x2] =	wrdreg s24  }
0xaf: {  	[dreg:$0x3] =	wrdreg $0xBC000  }
0xb0: {  	[dreg:$0x4] =	wrdreg $0x9  }
0xb1: {  	_ =	task.clear_ibuf [dreg:s6], $0x5FFFF;
	_ =	strace $0x9000004F  }
0xb2: {  	s29 =	simm.s32 $0x9;
	_ =	strace $0x80000051  }
0xb3: {  	_ =	swait.ge [sflag:s29], $0x1  }
0xb4: {  	[sflag:s29] =	ssyncadd.s32 $0xFFFFFFFF  }
0xb5: {  	_ =	strace $0x90000051  }
0xb6: {  	_ =	sfence  }
0xb7: {  	s30 =	sld [smem:$0x0];
	_ =	sdelay $0x2  }
0xb8: {  	s31 =	sshll.u32 s1, $0xD;
	s1 =	sshrl.u32 s1, $0x2  }
0xb9: {  	s3 =	sand.u32 $0x4000, s31;
	s1 =	sadd.s32 s1, s30  }
0xba: {  	s0 =	sor.u32 s3, s0;
	s1 =	sshll.u32 s1, $0x11  }
0xbb: {  	s0 =	sor.u32 s1, s0  }
0xbc: {  	s0 =	sadd.s32 $0x8F2B, s0  }
0xbd: {  	[sflag:s0] =	ssyncadd.remote.s32 $0x1  }
0xbe: {  	_ =	sfence.sel $0xFFFF  }
0xbf: {  	[dreg:$0x0] =	wrdreg $0xFFFFFFFF;
	(pc) =	sbr.abs _section_cstart, $3  }
0xc0: {  	[dreg:$0x1] =	wrdreg $0xFFFFFFFF  }
0xc1: {  	_ =	task.clear_ibuf [dreg:s6], $0x2FFFF;
	_ =	strace $0x9FFFFFFF  }
0xc2: {  	(tm) =	ssettm $0x7FFFFFFF  }
0xc3: {  	_ =	shalt  }
tec
execute0_lowered:
.L_overlay_start_1:
0x0: {  	(tag) =	ssettag $0x1  }
0x1: {  	s5 =	rddreg [dreg:$0x0];
	s0 =	srdreg.scid  }
0x2: {  	s2 =	rddreg [dreg:$0x1];
	s1 =	stileid.u32;
	s3 =	simm.s32 $0x0  }
0x3: {  	s15 =	simm.s32 $0x3C00;
	s16 =	simm.s32 $0x3;
	s17 =	simm.s32 $0x1400  }
0x4: {  	s18 =	simm.s32 $0x80;
	s19 =	simm.s32 $0x7C00;
	s7 =	smul.u32 $0x2800, s1  }
0x5: {  	s20 =	simm.s32 $0x1480;
	s21 =	simm.s32 $0x1;
	s9 =	smul.u32 $0x14000, s1  }
0x6: {  	s22 =	simm.s32 $0x2;
	s6 =	sand.u32 $0x1, s0;
	s10 =	smul.u32 $0x50000, s1  }
0x7: {  	s23 =	simm.s32 $0x0;
	s0 =	rddreg [dreg:$0x2];
	s4 =	smul.u32 $0x28000, s6  }
0x8: {  	[smem:$0x7FF] =	sst s3;
	s8 =	smul.u32 $0x140000, s6;
	s6 =	ssub.s32 $0x2, s6  }
0x9: {  	_ =	strace $0x80000050;
	s29 =	sshrl.u32 s6, $0x1;
	s7 =	sadd.s32 s7, s4  }
0xa: {  	s30 =	sshrl.u32 s10, $0x2;
	s28 =	sadd.s32 s9, s8;
	s7 =	sshrl.u32 s7, $0x3  }
0xb: {  	s12 =	ssub.s32 s6, s29;
	s11 =	sadd.s32 s7, s5;
	s7 =	sshrl.u32 s28, $0x3  }
0xc: {  	s4 =	sadd.s32 $0x18200, s5;
	s10 =	smax.u32 s12, $0x1;
	s31 =	sadd.s32 s7, s5  }
0xd: {  	s5 =	sadd.s32 s30, s2;
	s6 =	sadd.s32 $0x4200, s11;
	s7 =	sadd.s32 $0xE200, s11  }
0xe: {  	s8 =	sadd.s32 $0xE480, s11;
	s9 =	sadd.s32 $0x3F400, s31;
	s11 =	sadd.s32 $0x4000, s5  }
0xf: {  	v0 =	vimm.f32 $0.0e+00;
	s12 =	sadd.s32 $0x8000, s5;
	s13 =	sadd.s32 $0xC000, s5;
	s14 =	sadd.s32 $0x10000, s5  }
.LBB2_1:
0x10: {  	s24 =	simm.s32 $0x0;
	s25 =	simm.s32 $0x200  }
.LBB2_2:
0x11: {  	p0 =	sne.s32 s25, $0xFE00;
	[tilespmem:s24+$0x3C70] =	vst v0  }
0x12: {  	[tilespmem:s24+$0x3C00] =	vst v0  }
0x13: {  	[tilespmem:s24+$0x3C10] =	vst v0  }
.Ltmp0:
0x14: {  	[tilespmem:s24+$0x3C20] =	vst v0;
	(pc) =	sbr.rel @p0 .LBB2_2-.Ltmp0, $4  }
0x15: {  	[tilespmem:s24+$0x3C30] =	vst v0  }
0x16: {  	[tilespmem:s24+$0x3C40] =	vst v0  }
0x17: {  	[tilespmem:s24+$0x3C50] =	vst v0  }
0x18: {  	[tilespmem:s24+$0x3C60] =	vst v0;
	s24 =	sshra.s32 s25, $0x2;
	s25 =	sadd.s32 $0x200, s25  }
0x19: {  	[tilespmem:s24+$0x3C70] =	vst v0  }
0x1a: {  	[tilespmem:s24+$0x3C00] =	vst v0  }
0x1b: {  	[tilespmem:s24+$0x3C10] =	vst v0  }
0x1c: {  	[tilespmem:s24+$0x3C20] =	vst v0  }
0x1d: {  	[tilespmem:s24+$0x3C30] =	vst v0  }
0x1e: {  	[tilespmem:s24+$0x3C40] =	vst v0  }
0x1f: {  	[tilespmem:s24+$0x3C50] =	vst v0  }
0x20: {  	[tilespmem:s24+$0x3C60] =	vst v0  }
0x21: {  	[spmem:s5] =	stream.linear.scatter [tilespmem:s15], [sflag:$0x3], $0x4000, $0x38;
	[tilespmem:$0x1FC00] =	vst v63  }
0x22: {  	_ =	swait.ge [sflag:s16], $0x4000  }
0x23: {  	[sflag:s16] =	ssyncset.done $0x0  }
0x24: {  	[sflag:s16] =	ssyncadd.s32 $0xFFFFC000  }
0x25: {  	[spmem:s11] =	stream.linear.scatter [tilespmem:s15], [sflag:$0x3], $0x4000, $0x38;
	[tilespmem:$0x1FC00] =	vst v63  }
0x26: {  	_ =	swait.ge [sflag:s16], $0x4000  }
0x27: {  	[sflag:s16] =	ssyncset.done $0x0  }
0x28: {  	[sflag:s16] =	ssyncadd.s32 $0xFFFFC000  }
0x29: {  	[spmem:s12] =	stream.linear.scatter [tilespmem:s15], [sflag:$0x3], $0x4000, $0x38;
	[tilespmem:$0x1FC00] =	vst v63  }
0x2a: {  	_ =	swait.ge [sflag:s16], $0x4000  }
0x2b: {  	[sflag:s16] =	ssyncset.done $0x0  }
0x2c: {  	[sflag:s16] =	ssyncadd.s32 $0xFFFFC000  }
0x2d: {  	[spmem:s13] =	stream.linear.scatter [tilespmem:s15], [sflag:$0x3], $0x4000, $0x38;
	[tilespmem:$0x1FC00] =	vst v63  }
0x2e: {  	_ =	swait.ge [sflag:s16], $0x4000  }
0x2f: {  	[sflag:s16] =	ssyncset.done $0x0  }
0x30: {  	[sflag:s16] =	ssyncadd.s32 $0xFFFFC000  }
0x31: {  	[spmem:s14] =	stream.linear.scatter [tilespmem:s15], [sflag:$0x3], $0x4000, $0x38;
	[tilespmem:$0x1FC00] =	vst v63  }
0x32: {  	_ =	swait.ge [sflag:s16], $0x4000  }
0x33: {  	[sflag:s16] =	ssyncset.done $0x0  }
0x34: {  	[sflag:s16] =	ssyncadd.s32 $0xFFFFC000  }
0x35: {  	[bflag:$0x0] =	sbarrier.arrive $0xFFFF  }
0x36: {  	[tilespmem:s17], [sflag:$0x3] =	stream.linear.gather [hbm4b:s6+s3], $0x2800, $0x38;
	[tilespmem:$0x1FC00] =	vst v63  }
0x37: {  	_ =	swait.ge [sflag:s16], $0x2800  }
0x38: {  	[sflag:s16] =	ssyncset.done $0x0  }
0x39: {  	[sflag:s16] =	ssyncadd.s32 $0xFFFFD800  }
0x3a: {  	[tilespmem:s3], [sflag:$0x3] =	stream.linear.gather [hbm4b:s7+s3], $0x1400, $0x38;
	[tilespmem:$0x1FC00] =	vst v63  }
0x3b: {  	_ =	swait.ge [sflag:s16], $0x1400  }
0x3c: {  	[sflag:s16] =	ssyncset.done $0x0  }
0x3d: {  	[sflag:s16] =	ssyncadd.s32 $0xFFFFEC00  }
0x3e: {  	[tilespmem:s15], [sflag:$0x3] =	stream.indirect.gather [hbm4b:s4+s18], $0x80, s3, s18, $0xb8;
	[tilespmem:$0x1FC00] =	vst v63  }
0x3f: {  	_ =	swait.ge [sflag:s16], $0x4000  }
0x40: {  	[sflag:s16] =	ssyncset.done $0x0  }
0x41: {  	[sflag:s16] =	ssyncadd.s32 $0xFFFFC000  }
0x42: {  	[spmem:s2] =	stream.indirect.scatter.add.f32 [tilespmem:s15], [sflag:$0x1], $0x80, s17, s18, $0xb8;
	[tilespmem:$0x1FC00] =	vst v63  }
0x43: {  	_ = 	snop  }
0x44: {  	[tilespmem:s19], [sflag:$0x3] =	stream.indirect.gather [hbm4b:s4+s18], $0x80, s18, s18, $0xb8;
	[tilespmem:$0x1FC00] =	vst v63  }
0x45: {  	_ =	swait.ge [sflag:s16], $0x4000  }
0x46: {  	[sflag:s16] =	ssyncset.done $0x0  }
0x47: {  	[sflag:s16] =	ssyncadd.s32 $0xFFFFC000  }
0x48: {  	[spmem:s2] =	stream.indirect.scatter.add.f32 [tilespmem:s19], [sflag:$0x2], $0x80, s20, s18, $0xb8;
	[tilespmem:$0x1FC00] =	vst v63  }
0x49: {  	_ =	swait.ge [sflag:s21], $0x4000  }
0x4a: {  	[sflag:s21] =	ssyncset.done $0x0  }
0x4b: {  	s29 =	simm.s32 $0x100;
	[sflag:s21] =	ssyncadd.s32 $0xFFFFC000  }
0x4c: {  	[tilespmem:s15], [sflag:$0x3] =	stream.indirect.gather [hbm4b:s4+s18], $0x80, s29, s18, $0xb8;
	[tilespmem:$0x1FC00] =	vst v63  }
0x4d: {  	_ =	swait.ge [sflag:s16], $0x4000  }
0x4e: {  	[sflag:s16] =	ssyncset.done $0x0  }
0x4f: {  	s30 =	simm.s32 $0x1500;
	[sflag:s16] =	ssyncadd.s32 $0xFFFFC000  }
0x50: {  	[spmem:s2] =	stream.indirect.scatter.add.f32 [tilespmem:s15], [sflag:$0x1], $0x80, s30, s18, $0xb8;
	[tilespmem:$0x1FC00] =	vst v63  }
0x51: {  	_ =	swait.ge [sflag:s22], $0x4000  }
0x52: {  	[sflag:s22] =	ssyncset.done $0x0  }
0x53: {  	s31 =	simm.s32 $0x180;
	[sflag:s22] =	ssyncadd.s32 $0xFFFFC000  }
0x54: {  	[tilespmem:s19], [sflag:$0x3] =	stream.indirect.gather [hbm4b:s4+s18], $0x80, s31, s18, $0xb8;
	[tilespmem:$0x1FC00] =	vst v63  }
0x55: {  	_ =	swait.ge [sflag:s16], $0x4000  }
0x56: {  	[sflag:s16] =	ssyncset.done $0x0  }
0x57: {  	s24 =	simm.s32 $0xFFFFB800;
	s25 =	simm.s32 $0x1580;
	[sflag:s16] =	ssyncadd.s32 $0xFFFFC000  }
.LBB2_4:
0x58: {  	[spmem:s2] =	stream.indirect.scatter.add.f32 [tilespmem:s19], [sflag:$0x2], $0x80, s25, s18, $0xb8;
	[tilespmem:$0x1FC00] =	vst v63  }
0x59: {  	s25 =	smov.u32 s24  }
0x5a: {  	p0 =	sne.s32 s24, $0xFFFFFC00;
	s24 =	sadd.s32 $0x400, s24;
	_ =	swait.ge [sflag:s21], $0x4000  }
0x5b: {  	s25 =	sshra.s32 s25, $0x2;
	[sflag:s21] =	ssyncset.done $0x0  }
0x5c: {  	s26 =	sadd.s32 $0x1400, s25;
	[sflag:s21] =	ssyncadd.s32 $0xFFFFC000  }
0x5d: {  	[tilespmem:s15], [sflag:$0x3] =	stream.indirect.gather [hbm4b:s4+s18], $0x80, s26, s18, $0xb8;
	[tilespmem:$0x1FC00] =	vst v63  }
0x5e: {  	_ =	swait.ge [sflag:s16], $0x4000  }
0x5f: {  	[sflag:s16] =	ssyncset.done $0x0  }
0x60: {  	s26 =	sadd.s32 $0x2800, s25;
	[sflag:s16] =	ssyncadd.s32 $0xFFFFC000  }
0x61: {  	[spmem:s2] =	stream.indirect.scatter.add.f32 [tilespmem:s15], [sflag:$0x1], $0x80, s26, s18, $0xb8;
	[tilespmem:$0x1FC00] =	vst v63  }
0x62: {  	_ =	swait.ge [sflag:s22], $0x4000  }
0x63: {  	[sflag:s22] =	ssyncset.done $0x0  }
.Ltmp1:
0x64: {  	s26 =	sadd.s32 $0x1480, s25;
	[sflag:s22] =	ssyncadd.s32 $0xFFFFC000;
	(pc) =	sbr.rel @p0 .LBB2_4-.Ltmp1, $4  }
0x65: {  	[tilespmem:s19], [sflag:$0x3] =	stream.indirect.gather [hbm4b:s4+s18], $0x80, s26, s18, $0xb8;
	[tilespmem:$0x1FC00] =	vst v63  }
0x66: {  	_ =	swait.ge [sflag:s16], $0x4000  }
0x67: {  	[sflag:s16] =	ssyncset.done $0x0  }
0x68: {  	s25 =	sadd.s32 $0x2880, s25;
	[sflag:s16] =	ssyncadd.s32 $0xFFFFC000  }
0x69: {  	[spmem:s2] =	stream.indirect.scatter.add.f32 [tilespmem:s19], [sflag:$0x2], $0x80, s25, s18, $0xb8;
	[tilespmem:$0x1FC00] =	vst v63  }
0x6a: {  	s24 =	simm.s32 $0x0  }
0x6b: {  	[tilespmem:s24], [sflag:$0x3] =	stream.linear.gather [hbm4b:s8+s24], $0x1400, $0x38;
	[tilespmem:$0x1FC00] =	vst v63  }
0x6c: {  	_ =	swait.ge [sflag:s16], $0x1400  }
0x6d: {  	[sflag:s16] =	ssyncset.done $0x0  }
0x6e: {  	[sflag:s16] =	ssyncadd.s32 $0xFFFFEC00  }
0x6f: {  	_ =	swait.ge [sflag:s21], $0x4000  }
0x70: {  	[sflag:s21] =	ssyncset.done $0x0  }
0x71: {  	s29 =	simm.s32 $0x0;
	[sflag:s21] =	ssyncadd.s32 $0xFFFFC000  }
0x72: {  	[tilespmem:s15], [sflag:$0x3] =	stream.indirect.gather [hbm4b:s4+s18], $0x80, s29, s18, $0xb8;
	[tilespmem:$0x1FC00] =	vst v63  }
0x73: {  	_ =	swait.ge [sflag:s16], $0x4000  }
0x74: {  	[sflag:s16] =	ssyncset.done $0x0  }
0x75: {  	s30 =	simm.s32 $0x2800;
	[sflag:s16] =	ssyncadd.s32 $0xFFFFC000  }
0x76: {  	[spmem:s2] =	stream.indirect.scatter.add.f32 [tilespmem:s15], [sflag:$0x1], $0x80, s30, s18, $0xb8;
	[tilespmem:$0x1FC00] =	vst v63  }
0x77: {  	_ =	swait.ge [sflag:s22], $0x4000  }
0x78: {  	[sflag:s22] =	ssyncset.done $0x0  }
0x79: {  	s31 =	simm.s32 $0x80;
	[sflag:s22] =	ssyncadd.s32 $0xFFFFC000  }
0x7a: {  	[tilespmem:s19], [sflag:$0x3] =	stream.indirect.gather [hbm4b:s4+s18], $0x80, s31, s18, $0xb8;
	[tilespmem:$0x1FC00] =	vst v63  }
0x7b: {  	_ =	swait.ge [sflag:s16], $0x4000  }
0x7c: {  	[sflag:s16] =	ssyncset.done $0x0  }
0x7d: {  	s25 =	simm.s32 $0x2880;
	s24 =	simm.s32 $0x400;
	[sflag:s16] =	ssyncadd.s32 $0xFFFFC000  }
.LBB2_6:
0x7e: {  	[spmem:s2] =	stream.indirect.scatter.add.f32 [tilespmem:s19], [sflag:$0x2], $0x80, s25, s18, $0xb8;
	[tilespmem:$0x1FC00] =	vst v63  }
0x7f: {  	s25 =	smov.u32 s24  }
0x80: {  	p0 =	sne.s32 s24, $0x4C00;
	s24 =	sadd.s32 $0x400, s24;
	_ =	swait.ge [sflag:s21], $0x4000  }
0x81: {  	[sflag:s21] =	ssyncset.done $0x0  }
0x82: {  	s25 =	sshra.s32 s25, $0x2;
	[sflag:s21] =	ssyncadd.s32 $0xFFFFC000  }
0x83: {  	[tilespmem:s15], [sflag:$0x3] =	stream.indirect.gather [hbm4b:s4+s18], $0x80, s25, s18, $0xb8;
	[tilespmem:$0x1FC00] =	vst v63  }
0x84: {  	_ =	swait.ge [sflag:s16], $0x4000  }
0x85: {  	[sflag:s16] =	ssyncset.done $0x0  }
0x86: {  	s26 =	sadd.s32 $0x2800, s25;
	[sflag:s16] =	ssyncadd.s32 $0xFFFFC000  }
0x87: {  	[spmem:s2] =	stream.indirect.scatter.add.f32 [tilespmem:s15], [sflag:$0x1], $0x80, s26, s18, $0xb8;
	[tilespmem:$0x1FC00] =	vst v63  }
0x88: {  	_ =	swait.ge [sflag:s22], $0x4000  }
0x89: {  	[sflag:s22] =	ssyncset.done $0x0  }
.Ltmp2:
0x8a: {  	s26 =	sadd.s32 $0x80, s25;
	[sflag:s22] =	ssyncadd.s32 $0xFFFFC000;
	(pc) =	sbr.rel @p0 .LBB2_6-.Ltmp2, $4  }
0x8b: {  	[tilespmem:s19], [sflag:$0x3] =	stream.indirect.gather [hbm4b:s4+s18], $0x80, s26, s18, $0xb8;
	[tilespmem:$0x1FC00] =	vst v63  }
0x8c: {  	_ =	swait.ge [sflag:s16], $0x4000  }
0x8d: {  	[sflag:s16] =	ssyncset.done $0x0  }
0x8e: {  	s25 =	sadd.s32 $0x2880, s25;
	[sflag:s16] =	ssyncadd.s32 $0xFFFFC000  }
0x8f: {  	[spmem:s2] =	stream.indirect.scatter.add.f32 [tilespmem:s19], [sflag:$0x2], $0x80, s25, s18, $0xb8;
	[tilespmem:$0x1FC00] =	vst v63  }
0x90: {  	_ =	swait.ge [sflag:s21], $0x4000  }
0x91: {  	[sflag:s21] =	ssyncset.done $0x0  }
0x92: {  	[sflag:s21] =	ssyncadd.s32 $0xFFFFC000  }
0x93: {  	_ =	swait.ge [sflag:s22], $0x4000  }
0x94: {  	s24 =	sshll.u32 s1, $0x6;
	s23 =	sadd.s32 $0x1, s23;
	[sflag:s22] =	ssyncset.done $0x0  }
0x95: {  	s31 =	sshrl.u32 s5, $0x3;
	p0 =	sne.s32 s23, s10;
	[sflag:s22] =	ssyncadd.s32 $0xFFFFC000  }
.Ltmp3:
0x96: {  	s24 =	sor.u32 $0x1C03, s24;
	[bflag:$0x0] =	sbarrier.arrive $0xFFFF;
	(pc) =	sbr.rel @p0 .LBB2_1-.Ltmp3, $4  }
0x97: {  	[hbm:s9], [sflag:s24] =	dma.local [spmem:s31], $0x2800  }
0x98: {  	_ =	swait.ge [sflag:s16], $0x2800  }
0x99: {  	[sflag:s16] =	ssyncset.done $0x0  }
0x9a: {  	[sflag:s16] =	ssyncadd.s32 $0xFFFFD800  }
0x9b: {  	_ =	sfence.sel $0x180000  }
0x9c: {  	[bflag:$0x0] =	sbarrier.arrive $0xFFFF  }
0x9d: {  	p0 =	sne.s32 s1, $0x0;
	_ =	strace $0x90000050  }
0x9e: {  	s0 =	sadd.s32 @!p0 $0x100000, s0;
	[bflag:$0x2] =	sbarrier.arrive $0xFFFF  }
0x9f: {  	[sflag:s0] =	ssyncadd.tile.s32 @!p0 $0x1;
	_ =	shalt  }
.Lfunc_end2:
_tile_overlayer_lowered:
.L_overlay_start_2:
0xa0: {  	(tag) =	ssettag $0x2  }
0xa1: {  	s0 =	rddreg [dreg:$0x0];
	s2 =	stileid.u32  }
0xa2: {  	s1 =	rddreg [dreg:$0x1];
	p0 =	sne.s32 s2, $0x0  }
0xa3: {  	s3 =	rddreg [dreg:$0x2];
	[bflag:$0x3] =	sbarrier.arrive $0xFFFF;
	s2 =	simm.s32 @!p0 $0x1C03  }
0xa4: {  	[timem:s3], [sflag:s2] =	dma.local @!p0 [hbm:s0], s1  }
0xa5: {  	s0 =	simm.s32 @!p0 $0x3  }
0xa6: {  	_ =	swait.ge @!p0 [sflag:s0], s1  }
0xa7: {  	s1 =	ssub.s32 @!p0 $0x0, s1;
	[sflag:s0] =	ssyncset.done @!p0 $0x0  }
0xa8: {  	[sflag:s0] =	ssyncadd.s32 @!p0 s1  }
0xa9: {  	[bflag:$0x3] =	sbarrier.arrive $0xFFFF  }
0xaa: {  	_ =	shalt  }

// kernel: kernel.24.cloned.1.call-start
scs
__scs_entry_jumppad:
0x0: {  	(pc) =	sbr.rel $0x88, $3  }
0x1: {  	(tag) =	ssettag $0x0;
	lr =	simm.s32 $0x1  }
0x2: {  	[smem:$0x3F96] =	sst lr;
	_ =	strace $0xD0000000  }
0x3: {  	_ = 	snop  }
0x4: {  	_ = 	snop  }
0x5: {  	_ = 	snop  }
0x6: {  	_ = 	snop  }
0x7: {  	_ = 	snop  }
__scs_overlays_trampoline_lowered:
0x8: {  	[smem:$0x3FA5] =	sst s0  }
0x9: {  	[smem:$0x3FA6] =	sst s1  }
0xa: {  	[smem:$0x3FA7] =	sst s2  }
0xb: {  	[smem:$0x3FA8] =	sst s3  }
0xc: {  	[smem:$0x3FA9] =	sst s4  }
0xd: {  	[smem:$0x3FAA] =	sst s5  }
0xe: {  	[smem:$0x3FAB] =	sst s6  }
0xf: {  	[smem:$0x3FAC] =	sst s7  }
0x10: {  	[smem:$0x3FAD] =	sst s8  }
0x11: {  	[smem:$0x3FAE] =	sst s9;
	s0 =	simm.s32 @!p0 $0x0  }
0x12: {  	s1 =	sld [smem:$0x3F94];
	s0 =	simm.s32 @p0 $0x1  }
0x13: {  	[smem:$0x3FAF] =	sst s0;
	s0 =	simm.s32 @!p1 $0x0  }
0x14: {  	s2 =	sld [smem:$0x3F93];
	s0 =	simm.s32 @p1 $0x1  }
0x15: {  	[smem:$0x3FB0] =	sst s0;
	s0 =	simm.s32 @!p2 $0x0  }
0x16: {  	s3 =	sld [smem:$0x3FDB];
	s0 =	simm.s32 @p2 $0x1  }
0x17: {  	s4 =	simm.s32 $0x1BF5;
	[smem:$0x3FB2] =	sst s0  }
0x18: {  	s0 =	sld [smem:$0x3F95];
	_ =	swait.ge [sflag:s4], $0x0  }
0x19: {  	s7 =	sld [smem:$0x3F96]  }
0x1a: {  	s8 =	sadd.s32 $0xFFFFE003, lr  }
0x1b: {  	s9 =	sadd.s32 $0xFFFFFEF7, lr;
	s5 =	simm.s32 $0xFFFFFFFF;
	p2 =	slt.u32 s8, $0xFFFFF086  }
0x1c: {  	p1 =	slt.u32 s9, $0xF7A;
	s5 =	simm.s32 @!p2 $0x0  }
0x1d: {  	s5 =	simm.s32 @p1 $0x1;
	p0 =	seq.s32 s7, s2  }
0x1e: {  	s7 =	smul.u32 @!p0 $0xF7A, s2;
	p2 =	seq.s32 @!p0 s5, $0x0  }
0x1f: {  	s9 =	smul.u32 $0xF7A, s1;
	s8 =	simm.s32 @!p0 $0x1BF5;
	p2 =	por !p2, p0  }
0x20: {  	[sflag:s8] =	ssyncset.s32 @!p0 $0xFFFFF086;
	s6 =	sadd.s32 @!p0 s3, s7;
	s7 =	simm.s32 @!p0 $0x108  }
0x21: {  	s3 =	sadd.s32 s3, s9;
	s6 =	sadd.s32 @!p0 $0x88, s6;
	s7 =	simm.s32 @p2 $0x1082  }
0x22: {  	[simem:s7], [sflag:s8] =	dma.local @!p0 [hbm:s6], $0xF7A  }
0x23: {  	s9 =	sor.u32 $0xD0000000, s2;
	s6 =	simm.s32 $0x108;
	_ =	swait.ge @!p0 [sflag:s8], $0x0  }
0x24: {  	s3 =	sadd.s32 $0x88, s3;
	s6 =	simm.s32 @!p1 $0x1082;
	[sflag:s4] =	ssyncset.s32 $0xFFFFF086  }
0x25: {  	[simem:s6], [sflag:s4] =	dma.local [hbm:s3], $0xF7A  }
0x26: {  	[smem:$0x3F96] =	sst s1;
	(tag) =	ssettag s2;
	_ =	strace s9  }
0x27: {  	s1 =	sld [smem:$0x3FA6]  }
0x28: {  	s2 =	sld [smem:$0x3FA7]  }
0x29: {  	s4 =	sld [smem:$0x3FA9]  }
0x2a: {  	p0 =	seq.s32 s5, $0x0;
	s5 =	sld [smem:$0x3FAA]  }
0x2b: {  	s6 =	sld [smem:$0x3FAB]  }
0x2c: {  	s7 =	sld [smem:$0x3FAC]  }
0x2d: {  	s3 =	simm.s32 $0x108;
	s8 =	sld [smem:$0x3FAD]  }
0x2e: {  	s3 =	simm.s32 @!p0 $0x1082;
	s9 =	sld [smem:$0x3FAE]  }
0x2f: {  	lr =	sadd.s32 s0, s3;
	s0 =	sld [smem:$0x3FA5]  }
0x30: {  	s3 =	sld [smem:$0x3FA8]  }
0x31: {  	[smem:$0x3FB1] =	sst s10  }
0x32: {  	s10 =	sld [smem:$0x3FAF];
	_ =	sdelay $0x3  }
0x33: {  	p0 =	seq.s32 s10, $0x1;
	s10 =	sld [smem:$0x3FB1];
	_ =	sdelay $0x3  }
0x34: {  	[smem:$0x3FB1] =	sst s10  }
0x35: {  	s10 =	sld [smem:$0x3FB0];
	_ =	sdelay $0x3  }
0x36: {  	p1 =	seq.s32 s10, $0x1;
	s10 =	sld [smem:$0x3FB1];
	_ =	sdelay $0x3  }
0x37: {  	[smem:$0x3FB1] =	sst s10  }
0x38: {  	s10 =	sld [smem:$0x3FB2]  }
0x39: {  	_ = 	snop;
	(pc) =	sbr.ind lr, $3  }
0x3a: {  	_ = 	snop  }
0x3b: {  	_ = 	snop  }
0x3c: {  	p2 =	seq.s32 s10, $0x1;
	s10 =	sld [smem:$0x3FB1]  }
0x3d: {  	_ =	shalt  }
0x3e: {  	_ =	shalt  }
0x3f: {  	_ =	shalt  }
0x40: {  	_ =	shalt  }
0x41: {  	_ =	shalt  }
0x42: {  	_ =	shalt  }
0x43: {  	_ =	shalt  }
0x44: {  	_ =	shalt  }
0x45: {  	_ =	shalt  }
0x46: {  	_ =	shalt  }
0x47: {  	_ =	shalt  }
0x48: {  	_ =	shalt  }
0x49: {  	_ =	shalt  }
0x4a: {  	_ =	shalt  }
0x4b: {  	_ =	shalt  }
0x4c: {  	_ =	shalt  }
0x4d: {  	_ =	shalt  }
0x4e: {  	_ =	shalt  }
0x4f: {  	_ =	shalt  }
0x50: {  	_ =	shalt  }
0x51: {  	_ =	shalt  }
0x52: {  	_ =	shalt  }
0x53: {  	_ =	shalt  }
0x54: {  	_ =	shalt  }
0x55: {  	_ =	shalt  }
0x56: {  	_ =	shalt  }
0x57: {  	_ =	shalt  }
0x58: {  	_ =	shalt  }
0x59: {  	_ =	shalt  }
0x5a: {  	_ =	shalt  }
0x5b: {  	_ =	shalt  }
0x5c: {  	_ =	shalt  }
0x5d: {  	_ =	shalt  }
0x5e: {  	_ =	shalt  }
0x5f: {  	_ =	shalt  }
0x60: {  	_ =	shalt  }
0x61: {  	_ =	shalt  }
0x62: {  	_ =	shalt  }
0x63: {  	_ =	shalt  }
0x64: {  	_ =	shalt  }
0x65: {  	_ =	shalt  }
0x66: {  	_ =	shalt  }
0x67: {  	_ =	shalt  }
0x68: {  	_ =	shalt  }
0x69: {  	_ =	shalt  }
0x6a: {  	_ =	shalt  }
0x6b: {  	_ =	shalt  }
0x6c: {  	_ =	shalt  }
0x6d: {  	_ =	shalt  }
0x6e: {  	_ =	shalt  }
0x6f: {  	_ =	shalt  }
0x70: {  	_ =	shalt  }
0x71: {  	_ =	shalt  }
0x72: {  	_ =	shalt  }
0x73: {  	_ =	shalt  }
0x74: {  	_ =	shalt  }
0x75: {  	_ =	shalt  }
0x76: {  	_ =	shalt  }
0x77: {  	_ =	shalt  }
0x78: {  	_ =	shalt  }
0x79: {  	_ =	shalt  }
0x7a: {  	_ =	shalt  }
0x7b: {  	_ =	shalt  }
0x7c: {  	_ =	shalt  }
0x7d: {  	_ =	shalt  }
0x7e: {  	_ =	shalt  }
0x7f: {  	_ =	shalt  }
0x80: {  	_ =	shalt  }
0x81: {  	_ =	shalt  }
0x82: {  	_ =	shalt  }
0x83: {  	_ =	shalt  }
0x84: {  	_ =	shalt  }
0x85: {  	_ =	shalt  }
0x86: {  	_ =	shalt  }
0x87: {  	_ =	shalt  }
.Lfunc_end0:
.L_simem_size_0:
called_computation.4_lowered:
.L_overlay_start_0:
0x88: {  	s2 =	sld [smem:$0x3FD9]  }
0x89: {  	s3 =	sld [smem:$0x3FFE];
	_ =	sdelay $0x1  }
0x8a: {  	s1 =	srdreg.scid  }
0x8b: {  	s0 =	sand.u32 $0x1, s1  }
0x8c: {  	s16 =	sshll.u32 s0, $0xA;
	s2 =	sadd.s32 s3, s2  }
0x8d: {  	s2 =	sadd.s32 s2, s16  }
0x8e: {  	[smem:$0x3FBD] =	sst s2  }
0x8f: {  	_ = 	snop  }
0x90: {  	(tm) =	ssettm $0x1  }
0x91: {  	s17 =	sld [smem:$0x3FFB];
	_ =	sdelay $0x3  }
0x92: {  	_ =	strace s17  }
0x93: {  	s2 =	sld [smem:$0x3FFC];
	_ =	sdelay $0x3  }
0x94: {  	_ =	strace s2  }
0x95: {  	s2 =	sld [smem:$0x3FFD];
	_ =	sdelay $0x3  }
0x96: {  	_ =	strace s2  }
0x97: {  	_ =	strace $0x8FFFFFFF  }
0x98: {  	s18 =	sld [smem:$0x3FDB];
	_ =	sdelay $0x1  }
0x99: {  	s19 =	simm.s32 $_scs_section_size  }
0x9a: {  	s4 =	simm.s32 $_size__tile_overlayer_lowered;
	s5 =	simm.s32 $_tile_overlayer_lowered  }
0x9b: {  	s22 =	simm.s32 $0x1BFF;
	s21 =	sshll.u32 s5, $0x1;
	s2 =	sadd.s32 s19, s18  }
0x9c: {  	s6 =	simm.s32 $0x0;
	s20 =	sshll.u32 s4, $0x1;
	s4 =	sadd.s32 s21, s2  }
0x9d: {  	[timem:s6], [sflag:s22] =	dma.local [hbm:s4], s20  }
0x9e: {  	_ =	swait.ge [sflag:s22], s20  }
0x9f: {  	s3 =	ssub.s32 $0x0, s20;
	[sflag:s22] =	ssyncset.done $0x0  }
0xa0: {  	[sflag:s22] =	ssyncadd.s32 s3;
	_ =	sdelay $0x1  }
0xa1: {  	s23 =	simm.s32 $0x1B8B  }
0xa2: {  	_ =	swait.ge [sflag:s23], $0x1  }
0xa3: {  	[sflag:s23] =	ssyncset.done $0x0  }
0xa4: {  	s25 =	simm.s32 $0x1B8E;
	s24 =	sld [smem:$0x3FFE];
	[sflag:s23] =	ssyncadd.s32 $0xFFFFFFFF  }
0xa5: {  	s26 =	simm.s32 $execute0_lowered;
	[smem:$0x3FD2] =	sst s25  }
0xa6: {  	s4 =	sshll.u32 s26, $0x1;
	_ =	strace $0x80000052;
	[dreg:$0x1] =	wrdreg $0xFFFFFFFF  }
0xa7: {  	s28 =	simm.s32 $_size_execute0_lowered;
	s2 =	sadd.s32 s2, s4;
	[dreg:$0x0] =	wrdreg $0x0  }
0xa8: {  	s4 =	sshll.u32 s28, $0x1;
	[dreg:$0x2] =	wrdreg s2  }
0xa9: {  	[dreg:$0x3] =	wrdreg s4  }
0xaa: {  	[dreg:$0x4] =	wrdreg $0xC0  }
0xab: {  	_ =	task [dreg:s6], $0x5FFFF  }
0xac: {  	[dreg:$0x1] =	wrdreg $0xFFFFFFFF  }
0xad: {  	[dreg:$0x0] =	wrdreg $0x60  }
0xae: {  	[dreg:$0x2] =	wrdreg s24  }
0xaf: {  	[dreg:$0x3] =	wrdreg $0xBC000  }
0xb0: {  	[dreg:$0x4] =	wrdreg $0x9  }
0xb1: {  	_ =	task.clear_ibuf [dreg:s6], $0x5FFFF;
	_ =	strace $0x90000052  }
0xb2: {  	s29 =	simm.s32 $0x9;
	_ =	strace $0x80000054  }
0xb3: {  	_ =	swait.ge [sflag:s29], $0x1  }
0xb4: {  	[sflag:s29] =	ssyncadd.s32 $0xFFFFFFFF  }
0xb5: {  	_ =	strace $0x90000054  }
0xb6: {  	_ =	sfence  }
0xb7: {  	s30 =	sld [smem:$0x0];
	_ =	sdelay $0x2  }
0xb8: {  	s31 =	sshll.u32 s1, $0xD;
	s1 =	sshrl.u32 s1, $0x2  }
0xb9: {  	s3 =	sand.u32 $0x4000, s31;
	s1 =	sadd.s32 s1, s30  }
0xba: {  	s0 =	sor.u32 s3, s0;
	s1 =	sshll.u32 s1, $0x11  }
0xbb: {  	s0 =	sor.u32 s1, s0  }
0xbc: {  	s0 =	sadd.s32 $0x8F2B, s0  }
0xbd: {  	[sflag:s0] =	ssyncadd.remote.s32 $0x1  }
0xbe: {  	_ =	sfence.sel $0xFFFF  }
0xbf: {  	[dreg:$0x0] =	wrdreg $0xFFFFFFFF;
	(pc) =	sbr.abs _section_cstart, $3  }
0xc0: {  	[dreg:$0x1] =	wrdreg $0xFFFFFFFF  }
0xc1: {  	_ =	task.clear_ibuf [dreg:s6], $0x2FFFF;
	_ =	strace $0x9FFFFFFF  }
0xc2: {  	(tm) =	ssettm $0x7FFFFFFF  }
0xc3: {  	_ =	shalt  }
tec
execute0_lowered:
.L_overlay_start_1:
0x0: {  	(tag) =	ssettag $0x1  }
0x1: {  	s5 =	rddreg [dreg:$0x0];
	s0 =	srdreg.scid  }
0x2: {  	s2 =	rddreg [dreg:$0x1];
	s1 =	stileid.u32;
	s3 =	simm.s32 $0x0  }
0x3: {  	s15 =	simm.s32 $0x3C00;
	s16 =	simm.s32 $0x3;
	s17 =	simm.s32 $0x1400  }
0x4: {  	s18 =	simm.s32 $0x80;
	s19 =	simm.s32 $0x7C00;
	s7 =	smul.u32 $0x2800, s1  }
0x5: {  	s20 =	simm.s32 $0x1480;
	s21 =	simm.s32 $0x1;
	s9 =	smul.u32 $0x14000, s1  }
0x6: {  	s22 =	simm.s32 $0x2;
	s6 =	sand.u32 $0x1, s0;
	s10 =	smul.u32 $0x50000, s1  }
0x7: {  	s23 =	simm.s32 $0x0;
	s0 =	rddreg [dreg:$0x2];
	s4 =	smul.u32 $0x28000, s6  }
0x8: {  	[smem:$0x7FF] =	sst s3;
	s8 =	smul.u32 $0x140000, s6;
	s6 =	ssub.s32 $0x2, s6  }
0x9: {  	_ =	strace $0x80000053;
	s29 =	sshrl.u32 s6, $0x1;
	s7 =	sadd.s32 s7, s4  }
0xa: {  	s30 =	sshrl.u32 s10, $0x2;
	s28 =	sadd.s32 s9, s8;
	s7 =	sshrl.u32 s7, $0x3  }
0xb: {  	s12 =	ssub.s32 s6, s29;
	s11 =	sadd.s32 s7, s5;
	s7 =	sshrl.u32 s28, $0x3  }
0xc: {  	s4 =	sadd.s32 $0x18200, s5;
	s10 =	smax.u32 s12, $0x1;
	s31 =	sadd.s32 s7, s5  }
0xd: {  	s5 =	sadd.s32 s30, s2;
	s6 =	sadd.s32 $0x4200, s11;
	s7 =	sadd.s32 $0xE200, s11  }
0xe: {  	s8 =	sadd.s32 $0xE480, s11;
	s9 =	sadd.s32 $0x3F400, s31;
	s11 =	sadd.s32 $0x4000, s5  }
0xf: {  	v0 =	vimm.f32 $0.0e+00;
	s12 =	sadd.s32 $0x8000, s5;
	s13 =	sadd.s32 $0xC000, s5;
	s14 =	sadd.s32 $0x10000, s5  }
.LBB2_1:
0x10: {  	s24 =	simm.s32 $0x0;
	s25 =	simm.s32 $0x200  }
.LBB2_2:
0x11: {  	p0 =	sne.s32 s25, $0xFE00;
	[tilespmem:s24+$0x3C70] =	vst v0  }
0x12: {  	[tilespmem:s24+$0x3C00] =	vst v0  }
0x13: {  	[tilespmem:s24+$0x3C10] =	vst v0  }
.Ltmp0:
0x14: {  	[tilespmem:s24+$0x3C20] =	vst v0;
	(pc) =	sbr.rel @p0 .LBB2_2-.Ltmp0, $4  }
0x15: {  	[tilespmem:s24+$0x3C30] =	vst v0  }
0x16: {  	[tilespmem:s24+$0x3C40] =	vst v0  }
0x17: {  	[tilespmem:s24+$0x3C50] =	vst v0  }
0x18: {  	[tilespmem:s24+$0x3C60] =	vst v0;
	s24 =	sshra.s32 s25, $0x2;
	s25 =	sadd.s32 $0x200, s25  }
0x19: {  	[tilespmem:s24+$0x3C70] =	vst v0  }
0x1a: {  	[tilespmem:s24+$0x3C00] =	vst v0  }
0x1b: {  	[tilespmem:s24+$0x3C10] =	vst v0  }
0x1c: {  	[tilespmem:s24+$0x3C20] =	vst v0  }
0x1d: {  	[tilespmem:s24+$0x3C30] =	vst v0  }
0x1e: {  	[tilespmem:s24+$0x3C40] =	vst v0  }
0x1f: {  	[tilespmem:s24+$0x3C50] =	vst v0  }
0x20: {  	[tilespmem:s24+$0x3C60] =	vst v0  }
0x21: {  	[spmem:s5] =	stream.linear.scatter [tilespmem:s15], [sflag:$0x3], $0x4000, $0x38;
	[tilespmem:$0x1FC00] =	vst v63  }
0x22: {  	_ =	swait.ge [sflag:s16], $0x4000  }
0x23: {  	[sflag:s16] =	ssyncset.done $0x0  }
0x24: {  	[sflag:s16] =	ssyncadd.s32 $0xFFFFC000  }
0x25: {  	[spmem:s11] =	stream.linear.scatter [tilespmem:s15], [sflag:$0x3], $0x4000, $0x38;
	[tilespmem:$0x1FC00] =	vst v63  }
0x26: {  	_ =	swait.ge [sflag:s16], $0x4000  }
0x27: {  	[sflag:s16] =	ssyncset.done $0x0  }
0x28: {  	[sflag:s16] =	ssyncadd.s32 $0xFFFFC000  }
0x29: {  	[spmem:s12] =	stream.linear.scatter [tilespmem:s15], [sflag:$0x3], $0x4000, $0x38;
	[tilespmem:$0x1FC00] =	vst v63  }
0x2a: {  	_ =	swait.ge [sflag:s16], $0x4000  }
0x2b: {  	[sflag:s16] =	ssyncset.done $0x0  }
0x2c: {  	[sflag:s16] =	ssyncadd.s32 $0xFFFFC000  }
0x2d: {  	[spmem:s13] =	stream.linear.scatter [tilespmem:s15], [sflag:$0x3], $0x4000, $0x38;
	[tilespmem:$0x1FC00] =	vst v63  }
0x2e: {  	_ =	swait.ge [sflag:s16], $0x4000  }
0x2f: {  	[sflag:s16] =	ssyncset.done $0x0  }
0x30: {  	[sflag:s16] =	ssyncadd.s32 $0xFFFFC000  }
0x31: {  	[spmem:s14] =	stream.linear.scatter [tilespmem:s15], [sflag:$0x3], $0x4000, $0x38;
	[tilespmem:$0x1FC00] =	vst v63  }
0x32: {  	_ =	swait.ge [sflag:s16], $0x4000  }
0x33: {  	[sflag:s16] =	ssyncset.done $0x0  }
0x34: {  	[sflag:s16] =	ssyncadd.s32 $0xFFFFC000  }
0x35: {  	[bflag:$0x0] =	sbarrier.arrive $0xFFFF  }
0x36: {  	[tilespmem:s17], [sflag:$0x3] =	stream.linear.gather [hbm4b:s6+s3], $0x2800, $0x38;
	[tilespmem:$0x1FC00] =	vst v63  }
0x37: {  	_ =	swait.ge [sflag:s16], $0x2800  }
0x38: {  	[sflag:s16] =	ssyncset.done $0x0  }
0x39: {  	[sflag:s16] =	ssyncadd.s32 $0xFFFFD800  }
0x3a: {  	[tilespmem:s3], [sflag:$0x3] =	stream.linear.gather [hbm4b:s7+s3], $0x1400, $0x38;
	[tilespmem:$0x1FC00] =	vst v63  }
0x3b: {  	_ =	swait.ge [sflag:s16], $0x1400  }
0x3c: {  	[sflag:s16] =	ssyncset.done $0x0  }
0x3d: {  	[sflag:s16] =	ssyncadd.s32 $0xFFFFEC00  }
0x3e: {  	[tilespmem:s15], [sflag:$0x3] =	stream.indirect.gather [hbm4b:s4+s18], $0x80, s3, s18, $0xb8;
	[tilespmem:$0x1FC00] =	vst v63  }
0x3f: {  	_ =	swait.ge [sflag:s16], $0x4000  }
0x40: {  	[sflag:s16] =	ssyncset.done $0x0  }
0x41: {  	[sflag:s16] =	ssyncadd.s32 $0xFFFFC000  }
0x42: {  	[spmem:s2] =	stream.indirect.scatter.add.f32 [tilespmem:s15], [sflag:$0x1], $0x80, s17, s18, $0xb8;
	[tilespmem:$0x1FC00] =	vst v63  }
0x43: {  	_ = 	snop  }
0x44: {  	[tilespmem:s19], [sflag:$0x3] =	stream.indirect.gather [hbm4b:s4+s18], $0x80, s18, s18, $0xb8;
	[tilespmem:$0x1FC00] =	vst v63  }
0x45: {  	_ =	swait.ge [sflag:s16], $0x4000  }
0x46: {  	[sflag:s16] =	ssyncset.done $0x0  }
0x47: {  	[sflag:s16] =	ssyncadd.s32 $0xFFFFC000  }
0x48: {  	[spmem:s2] =	stream.indirect.scatter.add.f32 [tilespmem:s19], [sflag:$0x2], $0x80, s20, s18, $0xb8;
	[tilespmem:$0x1FC00] =	vst v63  }
0x49: {  	_ =	swait.ge [sflag:s21], $0x4000  }
0x4a: {  	[sflag:s21] =	ssyncset.done $0x0  }
0x4b: {  	s29 =	simm.s32 $0x100;
	[sflag:s21] =	ssyncadd.s32 $0xFFFFC000  }
0x4c: {  	[tilespmem:s15], [sflag:$0x3] =	stream.indirect.gather [hbm4b:s4+s18], $0x80, s29, s18, $0xb8;
	[tilespmem:$0x1FC00] =	vst v63  }
0x4d: {  	_ =	swait.ge [sflag:s16], $0x4000  }
0x4e: {  	[sflag:s16] =	ssyncset.done $0x0  }
0x4f: {  	s30 =	simm.s32 $0x1500;
	[sflag:s16] =	ssyncadd.s32 $0xFFFFC000  }
0x50: {  	[spmem:s2] =	stream.indirect.scatter.add.f32 [tilespmem:s15], [sflag:$0x1], $0x80, s30, s18, $0xb8;
	[tilespmem:$0x1FC00] =	vst v63  }
0x51: {  	_ =	swait.ge [sflag:s22], $0x4000  }
0x52: {  	[sflag:s22] =	ssyncset.done $0x0  }
0x53: {  	s31 =	simm.s32 $0x180;
	[sflag:s22] =	ssyncadd.s32 $0xFFFFC000  }
0x54: {  	[tilespmem:s19], [sflag:$0x3] =	stream.indirect.gather [hbm4b:s4+s18], $0x80, s31, s18, $0xb8;
	[tilespmem:$0x1FC00] =	vst v63  }
0x55: {  	_ =	swait.ge [sflag:s16], $0x4000  }
0x56: {  	[sflag:s16] =	ssyncset.done $0x0  }
0x57: {  	s24 =	simm.s32 $0xFFFFB800;
	s25 =	simm.s32 $0x1580;
	[sflag:s16] =	ssyncadd.s32 $0xFFFFC000  }
.LBB2_4:
0x58: {  	[spmem:s2] =	stream.indirect.scatter.add.f32 [tilespmem:s19], [sflag:$0x2], $0x80, s25, s18, $0xb8;
	[tilespmem:$0x1FC00] =	vst v63  }
0x59: {  	s25 =	smov.u32 s24  }
0x5a: {  	p0 =	sne.s32 s24, $0xFFFFFC00;
	s24 =	sadd.s32 $0x400, s24;
	_ =	swait.ge [sflag:s21], $0x4000  }
0x5b: {  	s25 =	sshra.s32 s25, $0x2;
	[sflag:s21] =	ssyncset.done $0x0  }
0x5c: {  	s26 =	sadd.s32 $0x1400, s25;
	[sflag:s21] =	ssyncadd.s32 $0xFFFFC000  }
0x5d: {  	[tilespmem:s15], [sflag:$0x3] =	stream.indirect.gather [hbm4b:s4+s18], $0x80, s26, s18, $0xb8;
	[tilespmem:$0x1FC00] =	vst v63  }
0x5e: {  	_ =	swait.ge [sflag:s16], $0x4000  }
0x5f: {  	[sflag:s16] =	ssyncset.done $0x0  }
0x60: {  	s26 =	sadd.s32 $0x2800, s25;
	[sflag:s16] =	ssyncadd.s32 $0xFFFFC000  }
0x61: {  	[spmem:s2] =	stream.indirect.scatter.add.f32 [tilespmem:s15], [sflag:$0x1], $0x80, s26, s18, $0xb8;
	[tilespmem:$0x1FC00] =	vst v63  }
0x62: {  	_ =	swait.ge [sflag:s22], $0x4000  }
0x63: {  	[sflag:s22] =	ssyncset.done $0x0  }
.Ltmp1:
0x64: {  	s26 =	sadd.s32 $0x1480, s25;
	[sflag:s22] =	ssyncadd.s32 $0xFFFFC000;
	(pc) =	sbr.rel @p0 .LBB2_4-.Ltmp1, $4  }
0x65: {  	[tilespmem:s19], [sflag:$0x3] =	stream.indirect.gather [hbm4b:s4+s18], $0x80, s26, s18, $0xb8;
	[tilespmem:$0x1FC00] =	vst v63  }
0x66: {  	_ =	swait.ge [sflag:s16], $0x4000  }
0x67: {  	[sflag:s16] =	ssyncset.done $0x0  }
0x68: {  	s25 =	sadd.s32 $0x2880, s25;
	[sflag:s16] =	ssyncadd.s32 $0xFFFFC000  }
0x69: {  	[spmem:s2] =	stream.indirect.scatter.add.f32 [tilespmem:s19], [sflag:$0x2], $0x80, s25, s18, $0xb8;
	[tilespmem:$0x1FC00] =	vst v63  }
0x6a: {  	s24 =	simm.s32 $0x0  }
0x6b: {  	[tilespmem:s24], [sflag:$0x3] =	stream.linear.gather [hbm4b:s8+s24], $0x1400, $0x38;
	[tilespmem:$0x1FC00] =	vst v63  }
0x6c: {  	_ =	swait.ge [sflag:s16], $0x1400  }
0x6d: {  	[sflag:s16] =	ssyncset.done $0x0  }
0x6e: {  	[sflag:s16] =	ssyncadd.s32 $0xFFFFEC00  }
0x6f: {  	_ =	swait.ge [sflag:s21], $0x4000  }
0x70: {  	[sflag:s21] =	ssyncset.done $0x0  }
0x71: {  	s29 =	simm.s32 $0x0;
	[sflag:s21] =	ssyncadd.s32 $0xFFFFC000  }
0x72: {  	[tilespmem:s15], [sflag:$0x3] =	stream.indirect.gather [hbm4b:s4+s18], $0x80, s29, s18, $0xb8;
	[tilespmem:$0x1FC00] =	vst v63  }
0x73: {  	_ =	swait.ge [sflag:s16], $0x4000  }
0x74: {  	[sflag:s16] =	ssyncset.done $0x0  }
0x75: {  	s30 =	simm.s32 $0x2800;
	[sflag:s16] =	ssyncadd.s32 $0xFFFFC000  }
0x76: {  	[spmem:s2] =	stream.indirect.scatter.add.f32 [tilespmem:s15], [sflag:$0x1], $0x80, s30, s18, $0xb8;
	[tilespmem:$0x1FC00] =	vst v63  }
0x77: {  	_ =	swait.ge [sflag:s22], $0x4000  }
0x78: {  	[sflag:s22] =	ssyncset.done $0x0  }
0x79: {  	s31 =	simm.s32 $0x80;
	[sflag:s22] =	ssyncadd.s32 $0xFFFFC000  }
0x7a: {  	[tilespmem:s19], [sflag:$0x3] =	stream.indirect.gather [hbm4b:s4+s18], $0x80, s31, s18, $0xb8;
	[tilespmem:$0x1FC00] =	vst v63  }
0x7b: {  	_ =	swait.ge [sflag:s16], $0x4000  }
0x7c: {  	[sflag:s16] =	ssyncset.done $0x0  }
0x7d: {  	s25 =	simm.s32 $0x2880;
	s24 =	simm.s32 $0x400;
	[sflag:s16] =	ssyncadd.s32 $0xFFFFC000  }
.LBB2_6:
0x7e: {  	[spmem:s2] =	stream.indirect.scatter.add.f32 [tilespmem:s19], [sflag:$0x2], $0x80, s25, s18, $0xb8;
	[tilespmem:$0x1FC00] =	vst v63  }
0x7f: {  	s25 =	smov.u32 s24  }
0x80: {  	p0 =	sne.s32 s24, $0x4C00;
	s24 =	sadd.s32 $0x400, s24;
	_ =	swait.ge [sflag:s21], $0x4000  }
0x81: {  	[sflag:s21] =	ssyncset.done $0x0  }
0x82: {  	s25 =	sshra.s32 s25, $0x2;
	[sflag:s21] =	ssyncadd.s32 $0xFFFFC000  }
0x83: {  	[tilespmem:s15], [sflag:$0x3] =	stream.indirect.gather [hbm4b:s4+s18], $0x80, s25, s18, $0xb8;
	[tilespmem:$0x1FC00] =	vst v63  }
0x84: {  	_ =	swait.ge [sflag:s16], $0x4000  }
0x85: {  	[sflag:s16] =	ssyncset.done $0x0  }
0x86: {  	s26 =	sadd.s32 $0x2800, s25;
	[sflag:s16] =	ssyncadd.s32 $0xFFFFC000  }
0x87: {  	[spmem:s2] =	stream.indirect.scatter.add.f32 [tilespmem:s15], [sflag:$0x1], $0x80, s26, s18, $0xb8;
	[tilespmem:$0x1FC00] =	vst v63  }
0x88: {  	_ =	swait.ge [sflag:s22], $0x4000  }
0x89: {  	[sflag:s22] =	ssyncset.done $0x0  }
.Ltmp2:
0x8a: {  	s26 =	sadd.s32 $0x80, s25;
	[sflag:s22] =	ssyncadd.s32 $0xFFFFC000;
	(pc) =	sbr.rel @p0 .LBB2_6-.Ltmp2, $4  }
0x8b: {  	[tilespmem:s19], [sflag:$0x3] =	stream.indirect.gather [hbm4b:s4+s18], $0x80, s26, s18, $0xb8;
	[tilespmem:$0x1FC00] =	vst v63  }
0x8c: {  	_ =	swait.ge [sflag:s16], $0x4000  }
0x8d: {  	[sflag:s16] =	ssyncset.done $0x0  }
0x8e: {  	s25 =	sadd.s32 $0x2880, s25;
	[sflag:s16] =	ssyncadd.s32 $0xFFFFC000  }
0x8f: {  	[spmem:s2] =	stream.indirect.scatter.add.f32 [tilespmem:s19], [sflag:$0x2], $0x80, s25, s18, $0xb8;
	[tilespmem:$0x1FC00] =	vst v63  }
0x90: {  	_ =	swait.ge [sflag:s21], $0x4000  }
0x91: {  	[sflag:s21] =	ssyncset.done $0x0  }
0x92: {  	[sflag:s21] =	ssyncadd.s32 $0xFFFFC000  }
0x93: {  	_ =	swait.ge [sflag:s22], $0x4000  }
0x94: {  	s24 =	sshll.u32 s1, $0x6;
	s23 =	sadd.s32 $0x1, s23;
	[sflag:s22] =	ssyncset.done $0x0  }
0x95: {  	s31 =	sshrl.u32 s5, $0x3;
	p0 =	sne.s32 s23, s10;
	[sflag:s22] =	ssyncadd.s32 $0xFFFFC000  }
.Ltmp3:
0x96: {  	s24 =	sor.u32 $0x1C03, s24;
	[bflag:$0x0] =	sbarrier.arrive $0xFFFF;
	(pc) =	sbr.rel @p0 .LBB2_1-.Ltmp3, $4  }
0x97: {  	[hbm:s9], [sflag:s24] =	dma.local [spmem:s31], $0x2800  }
0x98: {  	_ =	swait.ge [sflag:s16], $0x2800  }
0x99: {  	[sflag:s16] =	ssyncset.done $0x0  }
0x9a: {  	[sflag:s16] =	ssyncadd.s32 $0xFFFFD800  }
0x9b: {  	_ =	sfence.sel $0x180000  }
0x9c: {  	[bflag:$0x0] =	sbarrier.arrive $0xFFFF  }
0x9d: {  	p0 =	sne.s32 s1, $0x0;
	_ =	strace $0x90000053  }
0x9e: {  	s0 =	sadd.s32 @!p0 $0x100000, s0;
	[bflag:$0x2] =	sbarrier.arrive $0xFFFF  }
0x9f: {  	[sflag:s0] =	ssyncadd.tile.s32 @!p0 $0x1;
	_ =	shalt  }
.Lfunc_end2:
_tile_overlayer_lowered:
.L_overlay_start_2:
0xa0: {  	(tag) =	ssettag $0x2  }
0xa1: {  	s0 =	rddreg [dreg:$0x0];
	s2 =	stileid.u32  }
0xa2: {  	s1 =	rddreg [dreg:$0x1];
	p0 =	sne.s32 s2, $0x0  }
0xa3: {  	s3 =	rddreg [dreg:$0x2];
	[bflag:$0x3] =	sbarrier.arrive $0xFFFF;
	s2 =	simm.s32 @!p0 $0x1C03  }
0xa4: {  	[timem:s3], [sflag:s2] =	dma.local @!p0 [hbm:s0], s1  }
0xa5: {  	s0 =	simm.s32 @!p0 $0x3  }
0xa6: {  	_ =	swait.ge @!p0 [sflag:s0], s1  }
0xa7: {  	s1 =	ssub.s32 @!p0 $0x0, s1;
	[sflag:s0] =	ssyncset.done @!p0 $0x0  }
0xa8: {  	[sflag:s0] =	ssyncadd.s32 @!p0 s1  }
0xa9: {  	[bflag:$0x3] =	sbarrier.arrive $0xFFFF  }
0xaa: {  	_ =	shalt  }

</sc_bundles>
